<compile_context>
chip_gen: v7x
topology: tpu7x:2x2x1
jax: 0.10.2.dev20260603
libtpu: 0.0.44.dev20260713+nightly
codegen_flags: <defaults>
</compile_context>

<pallas_src>
import jax
import jax.numpy as jnp
from jax import lax
from jax.experimental import pallas as pl
from jax.experimental.pallas import tpu as pltpu
from jax.experimental.pallas import tpu_sc as plsc

B = 16384
D = 64
W = 2 * D
V = 1000000
NC, NS, L = 2, 16, 16
NW = NC * NS
BPW = B // NW
CHUNK = 128
NCHUNK = BPW // CHUNK
TP = L + 1


def _sc_body(cust_hbm, arti_hbm, artj_hbm, wb_hbm,
             out_i_hbm, out_j_hbm,
             idx_c, idx_i, idx_j,
             c0, c1, a0, a1, b0, b1,
             dots_i, dots_j, ti, tj, sem0, sem1, sem2, sem3):
    wid = lax.axis_index("s") * NC + lax.axis_index("c")
    base = wid * BPW
    row4 = wid * NCHUNK

    pltpu.sync_copy(cust_hbm.at[pl.ds(row4, NCHUNK)], idx_c)
    pltpu.sync_copy(arti_hbm.at[pl.ds(row4, NCHUNK)], idx_i)
    pltpu.sync_copy(artj_hbm.at[pl.ds(row4, NCHUNK)], idx_j)

    cbufs, abufs, bbufs = (c0, c1), (a0, a1), (b0, b1)
    sems = (sem0, sem1, sem2, sem3)

    def fire(k):
        return (
            pltpu.async_copy(wb_hbm.at[idx_c.at[k]], cbufs[k % 2], sems[k]),
            pltpu.async_copy(wb_hbm.at[idx_i.at[k]], abufs[k % 2], sems[k]),
            pltpu.async_copy(wb_hbm.at[idx_j.at[k]], bbufs[k % 2], sems[k]),
        )

    scat_base = lax.iota(jnp.int32, L) * TP
    inflight = {0: fire(0), 1: fire(1)}

    for k in range(NCHUNK):
        for c in inflight.pop(k):
            c.wait()
        c_rows, ai_rows, aj_rows = cbufs[k % 2], abufs[k % 2], bbufs[k % 2]

        def block_body(blk, _):
            r0 = blk * L
            for r_local in range(L):
                r = r0 + r_local
                sl0 = pl.ds(0, L)
                sa0 = pl.ds(D, L)
                cv = c_rows[r, sl0]
                s_i = cv * ai_rows[r, sa0]
                s_j = cv * aj_rows[r, sa0]
                for seg in range(1, D // L):
                    slc = pl.ds(seg * L, L)
                    sla = pl.ds(D + seg * L, L)
                    cv = c_rows[r, slc]
                    s_i = s_i + cv * ai_rows[r, sla]
                    s_j = s_j + cv * aj_rows[r, sla]
                idx = scat_base + r_local
                plsc.store_scatter(ti, [idx], s_i)
                plsc.store_scatter(tj, [idx], s_j)
            acc_i = ti[pl.ds(0, L)]
            acc_j = tj[pl.ds(0, L)]
            for l in range(1, L):
                acc_i = acc_i + ti[pl.ds(l * TP, L)]
                acc_j = acc_j + tj[pl.ds(l * TP, L)]
            out_sl = pl.ds(k * CHUNK + r0, L)
            dots_i[out_sl] = 1.0 / (1.0 + jnp.exp(-acc_i))
            dots_j[out_sl] = 1.0 / (1.0 + jnp.exp(-acc_j))
            return 0

        lax.fori_loop(0, CHUNK // L, block_body, 0)
        if k + 2 < NCHUNK:
            inflight[k + 2] = fire(k + 2)

    out = pl.ds(base, BPW)
    pltpu.sync_copy(dots_i, out_i_hbm.at[out])
    pltpu.sync_copy(dots_j, out_j_hbm.at[out])


@jax.jit
def _sc_call(customer, article_i, article_j, wboth):
    mesh = plsc.VectorSubcoreMesh(core_axis_name="c", subcore_axis_name="s")
    f = pl.kernel(
        _sc_body,
        out_type=(
            jax.ShapeDtypeStruct((B,), jnp.float32),
            jax.ShapeDtypeStruct((B,), jnp.float32),
        ),
        mesh=mesh,
        compiler_params=pltpu.CompilerParams(needs_layout_passes=False),
        scratch_types=[
            pltpu.VMEM((NCHUNK, CHUNK), jnp.int32),
            pltpu.VMEM((NCHUNK, CHUNK), jnp.int32),
            pltpu.VMEM((NCHUNK, CHUNK), jnp.int32),
            pltpu.VMEM((CHUNK, W), jnp.float32),
            pltpu.VMEM((CHUNK, W), jnp.float32),
            pltpu.VMEM((CHUNK, W), jnp.float32),
            pltpu.VMEM((CHUNK, W), jnp.float32),
            pltpu.VMEM((CHUNK, W), jnp.float32),
            pltpu.VMEM((CHUNK, W), jnp.float32),
            pltpu.VMEM((BPW,), jnp.float32),
            pltpu.VMEM((BPW,), jnp.float32),
            pltpu.VMEM((L * TP,), jnp.float32),
            pltpu.VMEM((L * TP,), jnp.float32),
            pltpu.SemaphoreType.DMA,
            pltpu.SemaphoreType.DMA,
            pltpu.SemaphoreType.DMA,
            pltpu.SemaphoreType.DMA,
        ],
    )
    return f(customer, article_i, article_j, wboth)


def kernel(customer, article_i, article_j, W_customer, W_article):
    cust2d = customer.reshape(B // CHUNK, CHUNK)
    arti2d = article_i.reshape(B // CHUNK, CHUNK)
    artj2d = article_j.reshape(B // CHUNK, CHUNK)
    wboth = (jnp.pad(W_customer, ((0, 0), (0, D)))
             + jnp.pad(W_article, ((0, 0), (D, 0))))
    return _sc_call(cust2d, arti2d, artj2d, wboth)

# --- scband reference (transcript-rebuilt; emitter-appended) ---
"""Pipeline reference for scband-nnmodel-8753143349760 (READ-ONLY COPY).

The authoritative reference and input builder live on the scoring server;
editing this copy changes nothing except your own understanding.
"""

import jax, jax.numpy as jnp
import numpy as np

B = 16384
CUSTOMER_COUNT = 1000000
ARTICLE_COUNT = 1000000
FACTOR_NUM = 64


def setup_inputs(seed: int = 0) -> dict:
    key = jax.random.key(seed)
    k1, k2, k3, k4, k5 = jax.random.split(key, 5)
    customer = jax.random.randint(k1, (B,), 0, CUSTOMER_COUNT, dtype=jnp.int32)
    article_i = jax.random.randint(k2, (B,), 0, ARTICLE_COUNT, dtype=jnp.int32)
    article_j = jax.random.randint(k3, (B,), 0, ARTICLE_COUNT, dtype=jnp.int32)
    W_customer = 0.01 * jax.random.normal(k4, (CUSTOMER_COUNT, FACTOR_NUM), dtype=jnp.float32)
    W_article = 0.01 * jax.random.normal(k5, (ARTICLE_COUNT, FACTOR_NUM), dtype=jnp.float32)
    return {
        "customer": customer,
        "article_i": article_i,
        "article_j": article_j,
        "W_customer": W_customer,
        "W_article": W_article,
    }


def reference(customer, article_i, article_j, W_customer, W_article):
    # embedding lookups (gather)
    c = jnp.take(W_customer, customer, axis=0)
    ai = jnp.take(W_article, article_i, axis=0)
    aj = jnp.take(W_article, article_j, axis=0)
    prediction_i = jnp.sum(c * ai, axis=1)
    prediction_j = jnp.sum(c * aj, axis=1)
    return (jax.nn.sigmoid(prediction_i), jax.nn.sigmoid(prediction_j))

if __name__ == "__main__":
    import jax
    _d = setup_inputs()
    print(jax.jit(kernel)(*tuple(_d.values())))

</pallas_src>

<mosaic_0001>
#map = affine_map<(d0, d1) -> (0, 0)>
#map1 = affine_map<(d0, d1) -> (0)>
module attributes {stable_mosaic.version = 14 : i64} {
  func.func @_sc_body(%arg0: i32, %arg1: i32, %arg2: memref<128x128xi32, #tpu.memory_space<hbm>>, %arg3: memref<128x128xi32, #tpu.memory_space<hbm>>, %arg4: memref<128x128xi32, #tpu.memory_space<hbm>>, %arg5: memref<1000000x128xf32, #tpu.memory_space<hbm>>, %arg6: memref<16384xf32, #tpu.memory_space<hbm>>, %arg7: memref<16384xf32, #tpu.memory_space<hbm>>, %arg8: memref<4x128xi32, #tpu.memory_space<vmem>>, %arg9: memref<4x128xi32, #tpu.memory_space<vmem>>, %arg10: memref<4x128xi32, #tpu.memory_space<vmem>>, %arg11: memref<128x128xf32, #tpu.memory_space<vmem>>, %arg12: memref<128x128xf32, #tpu.memory_space<vmem>>, %arg13: memref<128x128xf32, #tpu.memory_space<vmem>>, %arg14: memref<128x128xf32, #tpu.memory_space<vmem>>, %arg15: memref<128x128xf32, #tpu.memory_space<vmem>>, %arg16: memref<128x128xf32, #tpu.memory_space<vmem>>, %arg17: memref<512xf32, #tpu.memory_space<vmem>>, %arg18: memref<512xf32, #tpu.memory_space<vmem>>, %arg19: memref<272xf32, #tpu.memory_space<vmem>>, %arg20: memref<272xf32, #tpu.memory_space<vmem>>, %arg21: memref<!tpu.dma_semaphore, #tpu.memory_space<semaphore_mem>>, %arg22: memref<!tpu.dma_semaphore, #tpu.memory_space<semaphore_mem>>, %arg23: memref<!tpu.dma_semaphore, #tpu.memory_space<semaphore_mem>>, %arg24: memref<!tpu.dma_semaphore, #tpu.memory_space<semaphore_mem>>) attributes {dimension_semantics = [#tpu.dimension_semantics<core_parallel>, #tpu.dimension_semantics<subcore_parallel>], iteration_bounds = array<i64: 2, 16>, scalar_prefetch = 0 : i64, scratch_operands = 17 : i64, tpu.core_type = #tpu.core_type<sc_vector_subcore>, window_params = [{transform_indices = #map}, {transform_indices = #map}, {transform_indices = #map}, {transform_indices = #map}, {transform_indices = #map1}, {transform_indices = #map1}]} {
    %mul3A = arith.constant 2 : i32
    %mul3A_0 = arith.muli %arg1, %mul3A : i32
    %add3A = arith.addi %mul3A_0, %arg0 : i32
    %mul3A_1 = arith.constant 512 : i32
    %mul3A_2 = arith.muli %add3A, %mul3A_1 : i32
    %mul3A_3 = arith.constant 4 : i32
    %mul3A_4 = arith.muli %add3A, %mul3A_3 : i32
    "tpu.region"() ({
      %run_scoped3A = tpu.sem_alloc : memref<!tpu.dma_semaphore, #tpu.memory_space<semaphore_mem>>
      %dma_start3A_201 = arith.constant 0 : i32
      %dma_start3A_202 = tpu.memref_slice %arg2[%mul3A_4, %dma_start3A_201] : memref<128x128xi32, #tpu.memory_space<hbm>> -> memref<4x128xi32, #tpu.memory_space<hbm>>
      %dma_start3A_203 = arith.constant 0 : i32
      %dma_start3A_204 = tpu.memref_slice %arg2[%mul3A_4, %dma_start3A_203] : memref<128x128xi32, #tpu.memory_space<hbm>> -> memref<4x128xi32, #tpu.memory_space<hbm>>
      tpu.enqueue_dma source(%dma_start3A_204 : memref<4x128xi32, #tpu.memory_space<hbm>>) target(%arg8 : memref<4x128xi32, #tpu.memory_space<vmem>>) target_semaphore(%run_scoped3A : memref<!tpu.dma_semaphore, #tpu.memory_space<semaphore_mem>>)
      %dma_wait3A_205 = arith.constant 0 : i32
      %dma_wait3A_206 = tpu.memref_slice %arg2[%mul3A_4, %dma_wait3A_205] : memref<128x128xi32, #tpu.memory_space<hbm>> -> memref<4x128xi32, #tpu.memory_space<hbm>>
      %dma_wait3A_207 = arith.constant 0 : i32
      %dma_wait3A_208 = tpu.memref_slice %arg2[%mul3A_4, %dma_wait3A_207] : memref<128x128xi32, #tpu.memory_space<hbm>> -> memref<4x128xi32, #tpu.memory_space<hbm>>
      tpu.wait_dma2 semaphore(%run_scoped3A : memref<!tpu.dma_semaphore, #tpu.memory_space<semaphore_mem>>) src(%dma_wait3A_208 : memref<4x128xi32, #tpu.memory_space<hbm>>) dst(%arg8 : memref<4x128xi32, #tpu.memory_space<vmem>>)
      tpu.yield
    }) : () -> ()
    "tpu.region"() ({
      %run_scoped3A = tpu.sem_alloc : memref<!tpu.dma_semaphore, #tpu.memory_space<semaphore_mem>>
      %dma_start3A_201 = arith.constant 0 : i32
      %dma_start3A_202 = tpu.memref_slice %arg3[%mul3A_4, %dma_start3A_201] : memref<128x128xi32, #tpu.memory_space<hbm>> -> memref<4x128xi32, #tpu.memory_space<hbm>>
      %dma_start3A_203 = arith.constant 0 : i32
      %dma_start3A_204 = tpu.memref_slice %arg3[%mul3A_4, %dma_start3A_203] : memref<128x128xi32, #tpu.memory_space<hbm>> -> memref<4x128xi32, #tpu.memory_space<hbm>>
      tpu.enqueue_dma source(%dma_start3A_204 : memref<4x128xi32, #tpu.memory_space<hbm>>) target(%arg9 : memref<4x128xi32, #tpu.memory_space<vmem>>) target_semaphore(%run_scoped3A : memref<!tpu.dma_semaphore, #tpu.memory_space<semaphore_mem>>)
      %dma_wait3A_205 = arith.constant 0 : i32
      %dma_wait3A_206 = tpu.memref_slice %arg3[%mul3A_4, %dma_wait3A_205] : memref<128x128xi32, #tpu.memory_space<hbm>> -> memref<4x128xi32, #tpu.memory_space<hbm>>
      %dma_wait3A_207 = arith.constant 0 : i32
      %dma_wait3A_208 = tpu.memref_slice %arg3[%mul3A_4, %dma_wait3A_207] : memref<128x128xi32, #tpu.memory_space<hbm>> -> memref<4x128xi32, #tpu.memory_space<hbm>>
      tpu.wait_dma2 semaphore(%run_scoped3A : memref<!tpu.dma_semaphore, #tpu.memory_space<semaphore_mem>>) src(%dma_wait3A_208 : memref<4x128xi32, #tpu.memory_space<hbm>>) dst(%arg9 : memref<4x128xi32, #tpu.memory_space<vmem>>)
      tpu.yield
    }) : () -> ()
    "tpu.region"() ({
      %run_scoped3A = tpu.sem_alloc : memref<!tpu.dma_semaphore, #tpu.memory_space<semaphore_mem>>
      %dma_start3A_201 = arith.constant 0 : i32
      %dma_start3A_202 = tpu.memref_slice %arg4[%mul3A_4, %dma_start3A_201] : memref<128x128xi32, #tpu.memory_space<hbm>> -> memref<4x128xi32, #tpu.memory_space<hbm>>
      %dma_start3A_203 = arith.constant 0 : i32
      %dma_start3A_204 = tpu.memref_slice %arg4[%mul3A_4, %dma_start3A_203] : memref<128x128xi32, #tpu.memory_space<hbm>> -> memref<4x128xi32, #tpu.memory_space<hbm>>
      tpu.enqueue_dma source(%dma_start3A_204 : memref<4x128xi32, #tpu.memory_space<hbm>>) target(%arg10 : memref<4x128xi32, #tpu.memory_space<vmem>>) target_semaphore(%run_scoped3A : memref<!tpu.dma_semaphore, #tpu.memory_space<semaphore_mem>>)
      %dma_wait3A_205 = arith.constant 0 : i32
      %dma_wait3A_206 = tpu.memref_slice %arg4[%mul3A_4, %dma_wait3A_205] : memref<128x128xi32, #tpu.memory_space<hbm>> -> memref<4x128xi32, #tpu.memory_space<hbm>>
      %dma_wait3A_207 = arith.constant 0 : i32
      %dma_wait3A_208 = tpu.memref_slice %arg4[%mul3A_4, %dma_wait3A_207] : memref<128x128xi32, #tpu.memory_space<hbm>> -> memref<4x128xi32, #tpu.memory_space<hbm>>
      tpu.wait_dma2 semaphore(%run_scoped3A : memref<!tpu.dma_semaphore, #tpu.memory_space<semaphore_mem>>) src(%dma_wait3A_208 : memref<4x128xi32, #tpu.memory_space<hbm>>) dst(%arg10 : memref<4x128xi32, #tpu.memory_space<vmem>>)
      tpu.yield
    }) : () -> ()
    %iota3A = tpu.iota {dimensions = array<i32: 0>} : vector<16xi32>
    %mul3A_5 = arith.constant 17 : i32
    %mul3A_6 = vector.broadcast %mul3A_5 : i32 to vector<16xi32>
    %mul3A_7 = arith.muli %iota3A, %mul3A_6 : vector<16xi32>
    %dma_start3A = arith.constant 0 : i32
    %dma_start3A_8 = arith.constant 0 : i32
    %dma_start3A_9 = tpu.memref_slice %arg8[%dma_start3A, %dma_start3A_8] : memref<4x128xi32, #tpu.memory_space<vmem>> -> memref<1x128xi32, #tpu.memory_space<vmem>>
    %dma_start3A_10 = tpu.memref_squeeze %dma_start3A_9 : memref<1x128xi32, #tpu.memory_space<vmem>> -> memref<128xi32, #tpu.memory_space<vmem>>
    %dma_start3A_11 = arith.constant 0 : i32
    %dma_start3A_12 = arith.constant 0 : i32
    %dma_start3A_13 = tpu.memref_slice %arg5[%dma_start3A_11, %dma_start3A_12] : memref<1000000x128xf32, #tpu.memory_space<hbm>> -> memref<1000000x128xf32, #tpu.memory_space<hbm>>
    tpu.enqueue_indirect_dma source(%dma_start3A_13 : memref<1000000x128xf32, #tpu.memory_space<hbm>>) target(%arg11 : memref<128x128xf32, #tpu.memory_space<vmem>>) offsets(%dma_start3A_10 : memref<128xi32, #tpu.memory_space<vmem>>) semaphore(%arg21 : memref<!tpu.dma_semaphore, #tpu.memory_space<semaphore_mem>>)
    %dma_start3A_14 = arith.constant 0 : i32
    %dma_start3A_15 = arith.constant 0 : i32
    %dma_start3A_16 = tpu.memref_slice %arg9[%dma_start3A_14, %dma_start3A_15] : memref<4x128xi32, #tpu.memory_space<vmem>> -> memref<1x128xi32, #tpu.memory_space<vmem>>
    %dma_start3A_17 = tpu.memref_squeeze %dma_start3A_16 : memref<1x128xi32, #tpu.memory_space<vmem>> -> memref<128xi32, #tpu.memory_space<vmem>>
    %dma_start3A_18 = arith.constant 0 : i32
    %dma_start3A_19 = arith.constant 0 : i32
    %dma_start3A_20 = tpu.memref_slice %arg5[%dma_start3A_18, %dma_start3A_19] : memref<1000000x128xf32, #tpu.memory_space<hbm>> -> memref<1000000x128xf32, #tpu.memory_space<hbm>>
    tpu.enqueue_indirect_dma source(%dma_start3A_20 : memref<1000000x128xf32, #tpu.memory_space<hbm>>) target(%arg13 : memref<128x128xf32, #tpu.memory_space<vmem>>) offsets(%dma_start3A_17 : memref<128xi32, #tpu.memory_space<vmem>>) semaphore(%arg21 : memref<!tpu.dma_semaphore, #tpu.memory_space<semaphore_mem>>)
    %dma_start3A_21 = arith.constant 0 : i32
    %dma_start3A_22 = arith.constant 0 : i32
    %dma_start3A_23 = tpu.memref_slice %arg10[%dma_start3A_21, %dma_start3A_22] : memref<4x128xi32, #tpu.memory_space<vmem>> -> memref<1x128xi32, #tpu.memory_space<vmem>>
    %dma_start3A_24 = tpu.memref_squeeze %dma_start3A_23 : memref<1x128xi32, #tpu.memory_space<vmem>> -> memref<128xi32, #tpu.memory_space<vmem>>
    %dma_start3A_25 = arith.constant 0 : i32
    %dma_start3A_26 = arith.constant 0 : i32
    %dma_start3A_27 = tpu.memref_slice %arg5[%dma_start3A_25, %dma_start3A_26] : memref<1000000x128xf32, #tpu.memory_space<hbm>> -> memref<1000000x128xf32, #tpu.memory_space<hbm>>
    tpu.enqueue_indirect_dma source(%dma_start3A_27 : memref<1000000x128xf32, #tpu.memory_space<hbm>>) target(%arg15 : memref<128x128xf32, #tpu.memory_space<vmem>>) offsets(%dma_start3A_24 : memref<128xi32, #tpu.memory_space<vmem>>) semaphore(%arg21 : memref<!tpu.dma_semaphore, #tpu.memory_space<semaphore_mem>>)
    %dma_start3A_28 = arith.constant 1 : i32
    %dma_start3A_29 = arith.constant 0 : i32
    %dma_start3A_30 = tpu.memref_slice %arg8[%dma_start3A_28, %dma_start3A_29] : memref<4x128xi32, #tpu.memory_space<vmem>> -> memref<1x128xi32, #tpu.memory_space<vmem>>
    %dma_start3A_31 = tpu.memref_squeeze %dma_start3A_30 : memref<1x128xi32, #tpu.memory_space<vmem>> -> memref<128xi32, #tpu.memory_space<vmem>>
    %dma_start3A_32 = arith.constant 0 : i32
    %dma_start3A_33 = arith.constant 0 : i32
    %dma_start3A_34 = tpu.memref_slice %arg5[%dma_start3A_32, %dma_start3A_33] : memref<1000000x128xf32, #tpu.memory_space<hbm>> -> memref<1000000x128xf32, #tpu.memory_space<hbm>>
    tpu.enqueue_indirect_dma source(%dma_start3A_34 : memref<1000000x128xf32, #tpu.memory_space<hbm>>) target(%arg12 : memref<128x128xf32, #tpu.memory_space<vmem>>) offsets(%dma_start3A_31 : memref<128xi32, #tpu.memory_space<vmem>>) semaphore(%arg22 : memref<!tpu.dma_semaphore, #tpu.memory_space<semaphore_mem>>)
    %dma_start3A_35 = arith.constant 1 : i32
    %dma_start3A_36 = arith.constant 0 : i32
    %dma_start3A_37 = tpu.memref_slice %arg9[%dma_start3A_35, %dma_start3A_36] : memref<4x128xi32, #tpu.memory_space<vmem>> -> memref<1x128xi32, #tpu.memory_space<vmem>>
    %dma_start3A_38 = tpu.memref_squeeze %dma_start3A_37 : memref<1x128xi32, #tpu.memory_space<vmem>> -> memref<128xi32, #tpu.memory_space<vmem>>
    %dma_start3A_39 = arith.constant 0 : i32
    %dma_start3A_40 = arith.constant 0 : i32
    %dma_start3A_41 = tpu.memref_slice %arg5[%dma_start3A_39, %dma_start3A_40] : memref<1000000x128xf32, #tpu.memory_space<hbm>> -> memref<1000000x128xf32, #tpu.memory_space<hbm>>
    tpu.enqueue_indirect_dma source(%dma_start3A_41 : memref<1000000x128xf32, #tpu.memory_space<hbm>>) target(%arg14 : memref<128x128xf32, #tpu.memory_space<vmem>>) offsets(%dma_start3A_38 : memref<128xi32, #tpu.memory_space<vmem>>) semaphore(%arg22 : memref<!tpu.dma_semaphore, #tpu.memory_space<semaphore_mem>>)
    %dma_start3A_42 = arith.constant 1 : i32
    %dma_start3A_43 = arith.constant 0 : i32
    %dma_start3A_44 = tpu.memref_slice %arg10[%dma_start3A_42, %dma_start3A_43] : memref<4x128xi32, #tpu.memory_space<vmem>> -> memref<1x128xi32, #tpu.memory_space<vmem>>
    %dma_start3A_45 = tpu.memref_squeeze %dma_start3A_44 : memref<1x128xi32, #tpu.memory_space<vmem>> -> memref<128xi32, #tpu.memory_space<vmem>>
    %dma_start3A_46 = arith.constant 0 : i32
    %dma_start3A_47 = arith.constant 0 : i32
    %dma_start3A_48 = tpu.memref_slice %arg5[%dma_start3A_46, %dma_start3A_47] : memref<1000000x128xf32, #tpu.memory_space<hbm>> -> memref<1000000x128xf32, #tpu.memory_space<hbm>>
    tpu.enqueue_indirect_dma source(%dma_start3A_48 : memref<1000000x128xf32, #tpu.memory_space<hbm>>) target(%arg16 : memref<128x128xf32, #tpu.memory_space<vmem>>) offsets(%dma_start3A_45 : memref<128xi32, #tpu.memory_space<vmem>>) semaphore(%arg22 : memref<!tpu.dma_semaphore, #tpu.memory_space<semaphore_mem>>)
    %dma_wait3A = arith.constant 0 : i32
    %dma_wait3A_49 = arith.constant 0 : i32
    %dma_wait3A_50 = tpu.memref_slice %arg8[%dma_wait3A, %dma_wait3A_49] : memref<4x128xi32, #tpu.memory_space<vmem>> -> memref<1x128xi32, #tpu.memory_space<vmem>>
    %dma_wait3A_51 = tpu.memref_squeeze %dma_wait3A_50 : memref<1x128xi32, #tpu.memory_space<vmem>> -> memref<128xi32, #tpu.memory_space<vmem>>
    %dma_wait3A_52 = arith.constant 0 : i32
    %dma_wait3A_53 = arith.constant 0 : i32
    %dma_wait3A_54 = tpu.memref_slice %arg5[%dma_wait3A_52, %dma_wait3A_53] : memref<1000000x128xf32, #tpu.memory_space<hbm>> -> memref<1000000x128xf32, #tpu.memory_space<hbm>>
    tpu.wait_indirect_dma semaphore(%arg21 : memref<!tpu.dma_semaphore, #tpu.memory_space<semaphore_mem>>) src(%dma_wait3A_54 : memref<1000000x128xf32, #tpu.memory_space<hbm>>) dst(%arg11 : memref<128x128xf32, #tpu.memory_space<vmem>>)
    %dma_wait3A_55 = arith.constant 0 : i32
    %dma_wait3A_56 = arith.constant 0 : i32
    %dma_wait3A_57 = tpu.memref_slice %arg9[%dma_wait3A_55, %dma_wait3A_56] : memref<4x128xi32, #tpu.memory_space<vmem>> -> memref<1x128xi32, #tpu.memory_space<vmem>>
    %dma_wait3A_58 = tpu.memref_squeeze %dma_wait3A_57 : memref<1x128xi32, #tpu.memory_space<vmem>> -> memref<128xi32, #tpu.memory_space<vmem>>
    %dma_wait3A_59 = arith.constant 0 : i32
    %dma_wait3A_60 = arith.constant 0 : i32
    %dma_wait3A_61 = tpu.memref_slice %arg5[%dma_wait3A_59, %dma_wait3A_60] : memref<1000000x128xf32, #tpu.memory_space<hbm>> -> memref<1000000x128xf32, #tpu.memory_space<hbm>>
    tpu.wait_indirect_dma semaphore(%arg21 : memref<!tpu.dma_semaphore, #tpu.memory_space<semaphore_mem>>) src(%dma_wait3A_61 : memref<1000000x128xf32, #tpu.memory_space<hbm>>) dst(%arg13 : memref<128x128xf32, #tpu.memory_space<vmem>>)
    %dma_wait3A_62 = arith.constant 0 : i32
    %dma_wait3A_63 = arith.constant 0 : i32
    %dma_wait3A_64 = tpu.memref_slice %arg10[%dma_wait3A_62, %dma_wait3A_63] : memref<4x128xi32, #tpu.memory_space<vmem>> -> memref<1x128xi32, #tpu.memory_space<vmem>>
    %dma_wait3A_65 = tpu.memref_squeeze %dma_wait3A_64 : memref<1x128xi32, #tpu.memory_space<vmem>> -> memref<128xi32, #tpu.memory_space<vmem>>
    %dma_wait3A_66 = arith.constant 0 : i32
    %dma_wait3A_67 = arith.constant 0 : i32
    %dma_wait3A_68 = tpu.memref_slice %arg5[%dma_wait3A_66, %dma_wait3A_67] : memref<1000000x128xf32, #tpu.memory_space<hbm>> -> memref<1000000x128xf32, #tpu.memory_space<hbm>>
    tpu.wait_indirect_dma semaphore(%arg21 : memref<!tpu.dma_semaphore, #tpu.memory_space<semaphore_mem>>) src(%dma_wait3A_68 : memref<1000000x128xf32, #tpu.memory_space<hbm>>) dst(%arg15 : memref<128x128xf32, #tpu.memory_space<vmem>>)
    %scan3A = arith.constant 0 : i32
    %scan3A_69 = arith.constant 0 : i32
    %scan3A_70 = arith.constant 8 : i32
    %scan3A_71 = arith.addi %scan3A_69, %scan3A_70 : i32
    %scan3A_72 = arith.constant 1 : i32
    %scan3A_73 = scf.for %scan3A_201 = %scan3A_69 to %scan3A_71 step %scan3A_72 iter_args(%scan3A_202 = %scan3A) -> (i32)  : i32 {
      %mul3A_203 = arith.constant 16 : i32
      %mul3A_204 = arith.muli %scan3A_201, %mul3A_203 : i32
      %add3A_205 = arith.constant 0 : i32
      %add3A_206 = arith.addi %mul3A_204, %add3A_205 : i32
      %get3A = arith.index_cast %add3A_206 : i32 to index
      %get3A_207 = arith.constant 0 : index
      %get3A_208 = tpu.vector_load %arg11[%get3A, %get3A_207] {strides = array<i32>} : memref<128x128xf32, #tpu.memory_space<vmem>>, vector<16xf32>,
      %get3A_209 = arith.index_cast %add3A_206 : i32 to index
      %get3A_210 = arith.constant 64 : index
      %get3A_211 = tpu.vector_load %arg13[%get3A_209, %get3A_210] {strides = array<i32>} : memref<128x128xf32, #tpu.memory_space<vmem>>, vector<16xf32>,
      %mul3A_212 = arith.mulf %get3A_208, %get3A_211 : vector<16xf32>
      %get3A_213 = arith.index_cast %add3A_206 : i32 to index
      %get3A_214 = arith.constant 64 : index
      %get3A_215 = tpu.vector_load %arg15[%get3A_213, %get3A_214] {strides = array<i32>} : memref<128x128xf32, #tpu.memory_space<vmem>>, vector<16xf32>,
      %mul3A_216 = arith.mulf %get3A_208, %get3A_215 : vector<16xf32>
      %get3A_217 = arith.index_cast %add3A_206 : i32 to index
      %get3A_218 = arith.constant 16 : index
      %get3A_219 = tpu.vector_load %arg11[%get3A_217, %get3A_218] {strides = array<i32>} : memref<128x128xf32, #tpu.memory_space<vmem>>, vector<16xf32>,
      %get3A_220 = arith.index_cast %add3A_206 : i32 to index
      %get3A_221 = arith.constant 80 : index
      %get3A_222 = tpu.vector_load %arg13[%get3A_220, %get3A_221] {strides = array<i32>} : memref<128x128xf32, #tpu.memory_space<vmem>>, vector<16xf32>,
      %mul3A_223 = arith.mulf %get3A_219, %get3A_222 : vector<16xf32>
      %add3A_224 = arith.addf %mul3A_212, %mul3A_223 : vector<16xf32>
      %get3A_225 = arith.index_cast %add3A_206 : i32 to index
      %get3A_226 = arith.constant 80 : index
      %get3A_227 = tpu.vector_load %arg15[%get3A_225, %get3A_226] {strides = array<i32>} : memref<128x128xf32, #tpu.memory_space<vmem>>, vector<16xf32>,
      %mul3A_228 = arith.mulf %get3A_219, %get3A_227 : vector<16xf32>
      %add3A_229 = arith.addf %mul3A_216, %mul3A_228 : vector<16xf32>
      %get3A_230 = arith.index_cast %add3A_206 : i32 to index
      %get3A_231 = arith.constant 32 : index
      %get3A_232 = tpu.vector_load %arg11[%get3A_230, %get3A_231] {strides = array<i32>} : memref<128x128xf32, #tpu.memory_space<vmem>>, vector<16xf32>,
      %get3A_233 = arith.index_cast %add3A_206 : i32 to index
      %get3A_234 = arith.constant 96 : index
      %get3A_235 = tpu.vector_load %arg13[%get3A_233, %get3A_234] {strides = array<i32>} : memref<128x128xf32, #tpu.memory_space<vmem>>, vector<16xf32>,
      %mul3A_236 = arith.mulf %get3A_232, %get3A_235 : vector<16xf32>
      %add3A_237 = arith.addf %add3A_224, %mul3A_236 : vector<16xf32>
      %get3A_238 = arith.index_cast %add3A_206 : i32 to index
      %get3A_239 = arith.constant 96 : index
      %get3A_240 = tpu.vector_load %arg15[%get3A_238, %get3A_239] {strides = array<i32>} : memref<128x128xf32, #tpu.memory_space<vmem>>, vector<16xf32>,
      %mul3A_241 = arith.mulf %get3A_232, %get3A_240 : vector<16xf32>
      %add3A_242 = arith.addf %add3A_229, %mul3A_241 : vector<16xf32>
      %get3A_243 = arith.index_cast %add3A_206 : i32 to index
      %get3A_244 = arith.constant 48 : index
      %get3A_245 = tpu.vector_load %arg11[%get3A_243, %get3A_244] {strides = array<i32>} : memref<128x128xf32, #tpu.memory_space<vmem>>, vector<16xf32>,
      %get3A_246 = arith.index_cast %add3A_206 : i32 to index
      %get3A_247 = arith.constant 112 : index
      %get3A_248 = tpu.vector_load %arg13[%get3A_246, %get3A_247] {strides = array<i32>} : memref<128x128xf32, #tpu.memory_space<vmem>>, vector<16xf32>,
      %mul3A_249 = arith.mulf %get3A_245, %get3A_248 : vector<16xf32>
      %add3A_250 = arith.addf %add3A_237, %mul3A_249 : vector<16xf32>
      %get3A_251 = arith.index_cast %add3A_206 : i32 to index
      %get3A_252 = arith.constant 112 : index
      %get3A_253 = tpu.vector_load %arg15[%get3A_251, %get3A_252] {strides = array<i32>} : memref<128x128xf32, #tpu.memory_space<vmem>>, vector<16xf32>,
      %mul3A_254 = arith.mulf %get3A_245, %get3A_253 : vector<16xf32>
      %add3A_255 = arith.addf %add3A_242, %mul3A_254 : vector<16xf32>
      %add3A_256 = arith.constant 0 : i32
      %add3A_257 = vector.broadcast %add3A_256 : i32 to vector<16xi32>
      %add3A_258 = arith.addi %mul3A_7, %add3A_257 : vector<16xi32>
      tpu.vector_store_idx %arg19[%add3A_258], %add3A_250 : memref<272xf32, #tpu.memory_space<vmem>>[vector<16xi32>], vector<16xf32>,
      tpu.vector_store_idx %arg20[%add3A_258], %add3A_255 : memref<272xf32, #tpu.memory_space<vmem>>[vector<16xi32>], vector<16xf32>,
      %add3A_259 = arith.constant 1 : i32
      %add3A_260 = arith.addi %mul3A_204, %add3A_259 : i32
      %get3A_261 = arith.index_cast %add3A_260 : i32 to index
      %get3A_262 = arith.constant 0 : index
      %get3A_263 = tpu.vector_load %arg11[%get3A_261, %get3A_262] {strides = array<i32>} : memref<128x128xf32, #tpu.memory_space<vmem>>, vector<16xf32>,
      %get3A_264 = arith.index_cast %add3A_260 : i32 to index
      %get3A_265 = arith.constant 64 : index
      %get3A_266 = tpu.vector_load %arg13[%get3A_264, %get3A_265] {strides = array<i32>} : memref<128x128xf32, #tpu.memory_space<vmem>>, vector<16xf32>,
      %mul3A_267 = arith.mulf %get3A_263, %get3A_266 : vector<16xf32>
      %get3A_268 = arith.index_cast %add3A_260 : i32 to index
      %get3A_269 = arith.constant 64 : index
      %get3A_270 = tpu.vector_load %arg15[%get3A_268, %get3A_269] {strides = array<i32>} : memref<128x128xf32, #tpu.memory_space<vmem>>, vector<16xf32>,
      %mul3A_271 = arith.mulf %get3A_263, %get3A_270 : vector<16xf32>
      %get3A_272 = arith.index_cast %add3A_260 : i32 to index
      %get3A_273 = arith.constant 16 : index
      %get3A_274 = tpu.vector_load %arg11[%get3A_272, %get3A_273] {strides = array<i32>} : memref<128x128xf32, #tpu.memory_space<vmem>>, vector<16xf32>,
      %get3A_275 = arith.index_cast %add3A_260 : i32 to index
      %get3A_276 = arith.constant 80 : index
      %get3A_277 = tpu.vector_load %arg13[%get3A_275, %get3A_276] {strides = array<i32>} : memref<128x128xf32, #tpu.memory_space<vmem>>, vector<16xf32>,
      %mul3A_278 = arith.mulf %get3A_274, %get3A_277 : vector<16xf32>
      %add3A_279 = arith.addf %mul3A_267, %mul3A_278 : vector<16xf32>
      %get3A_280 = arith.index_cast %add3A_260 : i32 to index
      %get3A_281 = arith.constant 80 : index
      %get3A_282 = tpu.vector_load %arg15[%get3A_280, %get3A_281] {strides = array<i32>} : memref<128x128xf32, #tpu.memory_space<vmem>>, vector<16xf32>,
      %mul3A_283 = arith.mulf %get3A_274, %get3A_282 : vector<16xf32>
      %add3A_284 = arith.addf %mul3A_271, %mul3A_283 : vector<16xf32>
      %get3A_285 = arith.index_cast %add3A_260 : i32 to index
      %get3A_286 = arith.constant 32 : index
      %get3A_287 = tpu.vector_load %arg11[%get3A_285, %get3A_286] {strides = array<i32>} : memref<128x128xf32, #tpu.memory_space<vmem>>, vector<16xf32>,
      %get3A_288 = arith.index_cast %add3A_260 : i32 to index
      %get3A_289 = arith.constant 96 : index
      %get3A_290 = tpu.vector_load %arg13[%get3A_288, %get3A_289] {strides = array<i32>} : memref<128x128xf32, #tpu.memory_space<vmem>>, vector<16xf32>,
      %mul3A_291 = arith.mulf %get3A_287, %get3A_290 : vector<16xf32>
      %add3A_292 = arith.addf %add3A_279, %mul3A_291 : vector<16xf32>
      %get3A_293 = arith.index_cast %add3A_260 : i32 to index
      %get3A_294 = arith.constant 96 : index
      %get3A_295 = tpu.vector_load %arg15[%get3A_293, %get3A_294] {strides = array<i32>} : memref<128x128xf32, #tpu.memory_space<vmem>>, vector<16xf32>,
      %mul3A_296 = arith.mulf %get3A_287, %get3A_295 : vector<16xf32>
      %add3A_297 = arith.addf %add3A_284, %mul3A_296 : vector<16xf32>
      %get3A_298 = arith.index_cast %add3A_260 : i32 to index
      %get3A_299 = arith.constant 48 : index
      %get3A_300 = tpu.vector_load %arg11[%get3A_298, %get3A_299] {strides = array<i32>} : memref<128x128xf32, #tpu.memory_space<vmem>>, vector<16xf32>,
      %get3A_301 = arith.index_cast %add3A_260 : i32 to index
      %get3A_302 = arith.constant 112 : index
      %get3A_303 = tpu.vector_load %arg13[%get3A_301, %get3A_302] {strides = array<i32>} : memref<128x128xf32, #tpu.memory_space<vmem>>, vector<16xf32>,
      %mul3A_304 = arith.mulf %get3A_300, %get3A_303 : vector<16xf32>
      %add3A_305 = arith.addf %add3A_292, %mul3A_304 : vector<16xf32>
      %get3A_306 = arith.index_cast %add3A_260 : i32 to index
      %get3A_307 = arith.constant 112 : index
      %get3A_308 = tpu.vector_load %arg15[%get3A_306, %get3A_307] {strides = array<i32>} : memref<128x128xf32, #tpu.memory_space<vmem>>, vector<16xf32>,
      %mul3A_309 = arith.mulf %get3A_300, %get3A_308 : vector<16xf32>
      %add3A_310 = arith.addf %add3A_297, %mul3A_309 : vector<16xf32>
      %add3A_311 = arith.constant 1 : i32
      %add3A_312 = vector.broadcast %add3A_311 : i32 to vector<16xi32>
      %add3A_313 = arith.addi %mul3A_7, %add3A_312 : vector<16xi32>
      tpu.vector_store_idx %arg19[%add3A_313], %add3A_305 : memref<272xf32, #tpu.memory_space<vmem>>[vector<16xi32>], vector<16xf32>,
      tpu.vector_store_idx %arg20[%add3A_313], %add3A_310 : memref<272xf32, #tpu.memory_space<vmem>>[vector<16xi32>], vector<16xf32>,
      %add3A_314 = arith.constant 2 : i32
      %add3A_315 = arith.addi %mul3A_204, %add3A_314 : i32
      %get3A_316 = arith.index_cast %add3A_315 : i32 to index
      %get3A_317 = arith.constant 0 : index
      %get3A_318 = tpu.vector_load %arg11[%get3A_316, %get3A_317] {strides = array<i32>} : memref<128x128xf32, #tpu.memory_space<vmem>>, vector<16xf32>,
      %get3A_319 = arith.index_cast %add3A_315 : i32 to index
      %get3A_320 = arith.constant 64 : index
      %get3A_321 = tpu.vector_load %arg13[%get3A_319, %get3A_320] {strides = array<i32>} : memref<128x128xf32, #tpu.memory_space<vmem>>, vector<16xf32>,
      %mul3A_322 = arith.mulf %get3A_318, %get3A_321 : vector<16xf32>
      %get3A_323 = arith.index_cast %add3A_315 : i32 to index
      %get3A_324 = arith.constant 64 : index
      %get3A_325 = tpu.vector_load %arg15[%get3A_323, %get3A_324] {strides = array<i32>} : memref<128x128xf32, #tpu.memory_space<vmem>>, vector<16xf32>,
      %mul3A_326 = arith.mulf %get3A_318, %get3A_325 : vector<16xf32>
      %get3A_327 = arith.index_cast %add3A_315 : i32 to index
      %get3A_328 = arith.constant 16 : index
      %get3A_329 = tpu.vector_load %arg11[%get3A_327, %get3A_328] {strides = array<i32>} : memref<128x128xf32, #tpu.memory_space<vmem>>, vector<16xf32>,
      %get3A_330 = arith.index_cast %add3A_315 : i32 to index
      %get3A_331 = arith.constant 80 : index
      %get3A_332 = tpu.vector_load %arg13[%get3A_330, %get3A_331] {strides = array<i32>} : memref<128x128xf32, #tpu.memory_space<vmem>>, vector<16xf32>,
      %mul3A_333 = arith.mulf %get3A_329, %get3A_332 : vector<16xf32>
      %add3A_334 = arith.addf %mul3A_322, %mul3A_333 : vector<16xf32>
      %get3A_335 = arith.index_cast %add3A_315 : i32 to index
      %get3A_336 = arith.constant 80 : index
      %get3A_337 = tpu.vector_load %arg15[%get3A_335, %get3A_336] {strides = array<i32>} : memref<128x128xf32, #tpu.memory_space<vmem>>, vector<16xf32>,
      %mul3A_338 = arith.mulf %get3A_329, %get3A_337 : vector<16xf32>
      %add3A_339 = arith.addf %mul3A_326, %mul3A_338 : vector<16xf32>
      %get3A_340 = arith.index_cast %add3A_315 : i32 to index
      %get3A_341 = arith.constant 32 : index
      %get3A_342 = tpu.vector_load %arg11[%get3A_340, %get3A_341] {strides = array<i32>} : memref<128x128xf32, #tpu.memory_space<vmem>>, vector<16xf32>,
      %get3A_343 = arith.index_cast %add3A_315 : i32 to index
      %get3A_344 = arith.constant 96 : index
      %get3A_345 = tpu.vector_load %arg13[%get3A_343, %get3A_344] {strides = array<i32>} : memref<128x128xf32, #tpu.memory_space<vmem>>, vector<16xf32>,
      %mul3A_346 = arith.mulf %get3A_342, %get3A_345 : vector<16xf32>
      %add3A_347 = arith.addf %add3A_334, %mul3A_346 : vector<16xf32>
      %get3A_348 = arith.index_cast %add3A_315 : i32 to index
      %get3A_349 = arith.constant 96 : index
      %get3A_350 = tpu.vector_load %arg15[%get3A_348, %get3A_349] {strides = array<i32>} : memref<128x128xf32, #tpu.memory_space<vmem>>, vector<16xf32>,
      %mul3A_351 = arith.mulf %get3A_342, %get3A_350 : vector<16xf32>
      %add3A_352 = arith.addf %add3A_339, %mul3A_351 : vector<16xf32>
      %get3A_353 = arith.index_cast %add3A_315 : i32 to index
      %get3A_354 = arith.constant 48 : index
      %get3A_355 = tpu.vector_load %arg11[%get3A_353, %get3A_354] {strides = array<i32>} : memref<128x128xf32, #tpu.memory_space<vmem>>, vector<16xf32>,
      %get3A_356 = arith.index_cast %add3A_315 : i32 to index
      %get3A_357 = arith.constant 112 : index
      %get3A_358 = tpu.vector_load %arg13[%get3A_356, %get3A_357] {strides = array<i32>} : memref<128x128xf32, #tpu.memory_space<vmem>>, vector<16xf32>,
      %mul3A_359 = arith.mulf %get3A_355, %get3A_358 : vector<16xf32>
      %add3A_360 = arith.addf %add3A_347, %mul3A_359 : vector<16xf32>
      %get3A_361 = arith.index_cast %add3A_315 : i32 to index
      %get3A_362 = arith.constant 112 : index
      %get3A_363 = tpu.vector_load %arg15[%get3A_361, %get3A_362] {strides = array<i32>} : memref<128x128xf32, #tpu.memory_space<vmem>>, vector<16xf32>,
      %mul3A_364 = arith.mulf %get3A_355, %get3A_363 : vector<16xf32>
      %add3A_365 = arith.addf %add3A_352, %mul3A_364 : vector<16xf32>
      %add3A_366 = arith.constant 2 : i32
      %add3A_367 = vector.broadcast %add3A_366 : i32 to vector<16xi32>
      %add3A_368 = arith.addi %mul3A_7, %add3A_367 : vector<16xi32>
      tpu.vector_store_idx %arg19[%add3A_368], %add3A_360 : memref<272xf32, #tpu.memory_space<vmem>>[vector<16xi32>], vector<16xf32>,
      tpu.vector_store_idx %arg20[%add3A_368], %add3A_365 : memref<272xf32, #tpu.memory_space<vmem>>[vector<16xi32>], vector<16xf32>,
      %add3A_369 = arith.constant 3 : i32
      %add3A_370 = arith.addi %mul3A_204, %add3A_369 : i32
      %get3A_371 = arith.index_cast %add3A_370 : i32 to index
      %get3A_372 = arith.constant 0 : index
      %get3A_373 = tpu.vector_load %arg11[%get3A_371, %get3A_372] {strides = array<i32>} : memref<128x128xf32, #tpu.memory_space<vmem>>, vector<16xf32>,
      %get3A_374 = arith.index_cast %add3A_370 : i32 to index
      %get3A_375 = arith.constant 64 : index
      %get3A_376 = tpu.vector_load %arg13[%get3A_374, %get3A_375] {strides = array<i32>} : memref<128x128xf32, #tpu.memory_space<vmem>>, vector<16xf32>,
      %mul3A_377 = arith.mulf %get3A_373, %get3A_376 : vector<16xf32>
      %get3A_378 = arith.index_cast %add3A_370 : i32 to index
      %get3A_379 = arith.constant 64 : index
      %get3A_380 = tpu.vector_load %arg15[%get3A_378, %get3A_379] {strides = array<i32>} : memref<128x128xf32, #tpu.memory_space<vmem>>, vector<16xf32>,
      %mul3A_381 = arith.mulf %get3A_373, %get3A_380 : vector<16xf32>
      %get3A_382 = arith.index_cast %add3A_370 : i32 to index
      %get3A_383 = arith.constant 16 : index
      %get3A_384 = tpu.vector_load %arg11[%get3A_382, %get3A_383] {strides = array<i32>} : memref<128x128xf32, #tpu.memory_space<vmem>>, vector<16xf32>,
      %get3A_385 = arith.index_cast %add3A_370 : i32 to index
      %get3A_386 = arith.constant 80 : index
      %get3A_387 = tpu.vector_load %arg13[%get3A_385, %get3A_386] {strides = array<i32>} : memref<128x128xf32, #tpu.memory_space<vmem>>, vector<16xf32>,
      %mul3A_388 = arith.mulf %get3A_384, %get3A_387 : vector<16xf32>
      %add3A_389 = arith.addf %mul3A_377, %mul3A_388 : vector<16xf32>
      %get3A_390 = arith.index_cast %add3A_370 : i32 to index
      %get3A_391 = arith.constant 80 : index
      %get3A_392 = tpu.vector_load %arg15[%get3A_390, %get3A_391] {strides = array<i32>} : memref<128x128xf32, #tpu.memory_space<vmem>>, vector<16xf32>,
      %mul3A_393 = arith.mulf %get3A_384, %get3A_392 : vector<16xf32>
      %add3A_394 = arith.addf %mul3A_381, %mul3A_393 : vector<16xf32>
      %get3A_395 = arith.index_cast %add3A_370 : i32 to index
      %get3A_396 = arith.constant 32 : index
      %get3A_397 = tpu.vector_load %arg11[%get3A_395, %get3A_396] {strides = array<i32>} : memref<128x128xf32, #tpu.memory_space<vmem>>, vector<16xf32>,
      %get3A_398 = arith.index_cast %add3A_370 : i32 to index
      %get3A_399 = arith.constant 96 : index
      %get3A_400 = tpu.vector_load %arg13[%get3A_398, %get3A_399] {strides = array<i32>} : memref<128x128xf32, #tpu.memory_space<vmem>>, vector<16xf32>,
      %mul3A_401 = arith.mulf %get3A_397, %get3A_400 : vector<16xf32>
      %add3A_402 = arith.addf %add3A_389, %mul3A_401 : vector<16xf32>
      %get3A_403 = arith.index_cast %add3A_370 : i32 to index
      %get3A_404 = arith.constant 96 : index
      %get3A_405 = tpu.vector_load %arg15[%get3A_403, %get3A_404] {strides = array<i32>} : memref<128x128xf32, #tpu.memory_space<vmem>>, vector<16xf32>,
      %mul3A_406 = arith.mulf %get3A_397, %get3A_405 : vector<16xf32>
      %add3A_407 = arith.addf %add3A_394, %mul3A_406 : vector<16xf32>
      %get3A_408 = arith.index_cast %add3A_370 : i32 to index
      %get3A_409 = arith.constant 48 : index
      %get3A_410 = tpu.vector_load %arg11[%get3A_408, %get3A_409] {strides = array<i32>} : memref<128x128xf32, #tpu.memory_space<vmem>>, vector<16xf32>,
      %get3A_411 = arith.index_cast %add3A_370 : i32 to index
      %get3A_412 = arith.constant 112 : index
      %get3A_413 = tpu.vector_load %arg13[%get3A_411, %get3A_412] {strides = array<i32>} : memref<128x128xf32, #tpu.memory_space<vmem>>, vector<16xf32>,
      %mul3A_414 = arith.mulf %get3A_410, %get3A_413 : vector<16xf32>
      %add3A_415 = arith.addf %add3A_402, %mul3A_414 : vector<16xf32>
      %get3A_416 = arith.index_cast %add3A_370 : i32 to index
      %get3A_417 = arith.constant 112 : index
      %get3A_418 = tpu.vector_load %arg15[%get3A_416, %get3A_417] {strides = array<i32>} : memref<128x128xf32, #tpu.memory_space<vmem>>, vector<16xf32>,
      %mul3A_419 = arith.mulf %get3A_410, %get3A_418 : vector<16xf32>
      %add3A_420 = arith.addf %add3A_407, %mul3A_419 : vector<16xf32>
      %add3A_421 = arith.constant 3 : i32
      %add3A_422 = vector.broadcast %add3A_421 : i32 to vector<16xi32>
      %add3A_423 = arith.addi %mul3A_7, %add3A_422 : vector<16xi32>
      tpu.vector_store_idx %arg19[%add3A_423], %add3A_415 : memref<272xf32, #tpu.memory_space<vmem>>[vector<16xi32>], vector<16xf32>,
      tpu.vector_store_idx %arg20[%add3A_423], %add3A_420 : memref<272xf32, #tpu.memory_space<vmem>>[vector<16xi32>], vector<16xf32>,
      %add3A_424 = arith.constant 4 : i32
      %add3A_425 = arith.addi %mul3A_204, %add3A_424 : i32
      %get3A_426 = arith.index_cast %add3A_425 : i32 to index
      %get3A_427 = arith.constant 0 : index
      %get3A_428 = tpu.vector_load %arg11[%get3A_426, %get3A_427] {strides = array<i32>} : memref<128x128xf32, #tpu.memory_space<vmem>>, vector<16xf32>,
      %get3A_429 = arith.index_cast %add3A_425 : i32 to index
      %get3A_430 = arith.constant 64 : index
      %get3A_431 = tpu.vector_load %arg13[%get3A_429, %get3A_430] {strides = array<i32>} : memref<128x128xf32, #tpu.memory_space<vmem>>, vector<16xf32>,
      %mul3A_432 = arith.mulf %get3A_428, %get3A_431 : vector<16xf32>
      %get3A_433 = arith.index_cast %add3A_425 : i32 to index
      %get3A_434 = arith.constant 64 : index
      %get3A_435 = tpu.vector_load %arg15[%get3A_433, %get3A_434] {strides = array<i32>} : memref<128x128xf32, #tpu.memory_space<vmem>>, vector<16xf32>,
      %mul3A_436 = arith.mulf %get3A_428, %get3A_435 : vector<16xf32>
      %get3A_437 = arith.index_cast %add3A_425 : i32 to index
      %get3A_438 = arith.constant 16 : index
      %get3A_439 = tpu.vector_load %arg11[%get3A_437, %get3A_438] {strides = array<i32>} : memref<128x128xf32, #tpu.memory_space<vmem>>, vector<16xf32>,
      %get3A_440 = arith.index_cast %add3A_425 : i32 to index
      %get3A_441 = arith.constant 80 : index
      %get3A_442 = tpu.vector_load %arg13[%get3A_440, %get3A_441] {strides = array<i32>} : memref<128x128xf32, #tpu.memory_space<vmem>>, vector<16xf32>,
      %mul3A_443 = arith.mulf %get3A_439, %get3A_442 : vector<16xf32>
      %add3A_444 = arith.addf %mul3A_432, %mul3A_443 : vector<16xf32>
      %get3A_445 = arith.index_cast %add3A_425 : i32 to index
      %get3A_446 = arith.constant 80 : index
      %get3A_447 = tpu.vector_load %arg15[%get3A_445, %get3A_446] {strides = array<i32>} : memref<128x128xf32, #tpu.memory_space<vmem>>, vector<16xf32>,
      %mul3A_448 = arith.mulf %get3A_439, %get3A_447 : vector<16xf32>
      %add3A_449 = arith.addf %mul3A_436, %mul3A_448 : vector<16xf32>
      %get3A_450 = arith.index_cast %add3A_425 : i32 to index
      %get3A_451 = arith.constant 32 : index
      %get3A_452 = tpu.vector_load %arg11[%get3A_450, %get3A_451] {strides = array<i32>} : memref<128x128xf32, #tpu.memory_space<vmem>>, vector<16xf32>,
      %get3A_453 = arith.index_cast %add3A_425 : i32 to index
      %get3A_454 = arith.constant 96 : index
      %get3A_455 = tpu.vector_load %arg13[%get3A_453, %get3A_454] {strides = array<i32>} : memref<128x128xf32, #tpu.memory_space<vmem>>, vector<16xf32>,
      %mul3A_456 = arith.mulf %get3A_452, %get3A_455 : vector<16xf32>
      %add3A_457 = arith.addf %add3A_444, %mul3A_456 : vector<16xf32>
      %get3A_458 = arith.index_cast %add3A_425 : i32 to index
      %get3A_459 = arith.constant 96 : index
      %get3A_460 = tpu.vector_load %arg15[%get3A_458, %get3A_459] {strides = array<i32>} : memref<128x128xf32, #tpu.memory_space<vmem>>, vector<16xf32>,
      %mul3A_461 = arith.mulf %get3A_452, %get3A_460 : vector<16xf32>
      %add3A_462 = arith.addf %add3A_449, %mul3A_461 : vector<16xf32>
      %get3A_463 = arith.index_cast %add3A_425 : i32 to index
      %get3A_464 = arith.constant 48 : index
      %get3A_465 = tpu.vector_load %arg11[%get3A_463, %get3A_464] {strides = array<i32>} : memref<128x128xf32, #tpu.memory_space<vmem>>, vector<16xf32>,
      %get3A_466 = arith.index_cast %add3A_425 : i32 to index
      %get3A_467 = arith.constant 112 : index
      %get3A_468 = tpu.vector_load %arg13[%get3A_466, %get3A_467] {strides = array<i32>} : memref<128x128xf32, #tpu.memory_space<vmem>>, vector<16xf32>,
      %mul3A_469 = arith.mulf %get3A_465, %get3A_468 : vector<16xf32>
      %add3A_470 = arith.addf %add3A_457, %mul3A_469 : vector<16xf32>
      %get3A_471 = arith.index_cast %add3A_425 : i32 to index
      %get3A_472 = arith.constant 112 : index
      %get3A_473 = tpu.vector_load %arg15[%get3A_471, %get3A_472] {strides = array<i32>} : memref<128x128xf32, #tpu.memory_space<vmem>>, vector<16xf32>,
      %mul3A_474 = arith.mulf %get3A_465, %get3A_473 : vector<16xf32>
      %add3A_475 = arith.addf %add3A_462, %mul3A_474 : vector<16xf32>
      %add3A_476 = arith.constant 4 : i32
      %add3A_477 = vector.broadcast %add3A_476 : i32 to vector<16xi32>
      %add3A_478 = arith.addi %mul3A_7, %add3A_477 : vector<16xi32>
      tpu.vector_store_idx %arg19[%add3A_478], %add3A_470 : memref<272xf32, #tpu.memory_space<vmem>>[vector<16xi32>], vector<16xf32>,
      tpu.vector_store_idx %arg20[%add3A_478], %add3A_475 : memref<272xf32, #tpu.memory_space<vmem>>[vector<16xi32>], vector<16xf32>,
      %add3A_479 = arith.constant 5 : i32
      %add3A_480 = arith.addi %mul3A_204, %add3A_479 : i32
      %get3A_481 = arith.index_cast %add3A_480 : i32 to index
      %get3A_482 = arith.constant 0 : index
      %get3A_483 = tpu.vector_load %arg11[%get3A_481, %get3A_482] {strides = array<i32>} : memref<128x128xf32, #tpu.memory_space<vmem>>, vector<16xf32>,
      %get3A_484 = arith.index_cast %add3A_480 : i32 to index
      %get3A_485 = arith.constant 64 : index
      %get3A_486 = tpu.vector_load %arg13[%get3A_484, %get3A_485] {strides = array<i32>} : memref<128x128xf32, #tpu.memory_space<vmem>>, vector<16xf32>,
      %mul3A_487 = arith.mulf %get3A_483, %get3A_486 : vector<16xf32>
      %get3A_488 = arith.index_cast %add3A_480 : i32 to index
      %get3A_489 = arith.constant 64 : index
      %get3A_490 = tpu.vector_load %arg15[%get3A_488, %get3A_489] {strides = array<i32>} : memref<128x128xf32, #tpu.memory_space<vmem>>, vector<16xf32>,
      %mul3A_491 = arith.mulf %get3A_483, %get3A_490 : vector<16xf32>
      %get3A_492 = arith.index_cast %add3A_480 : i32 to index
      %get3A_493 = arith.constant 16 : index
      %get3A_494 = tpu.vector_load %arg11[%get3A_492, %get3A_493] {strides = array<i32>} : memref<128x128xf32, #tpu.memory_space<vmem>>, vector<16xf32>,
      %get3A_495 = arith.index_cast %add3A_480 : i32 to index
      %get3A_496 = arith.constant 80 : index
      %get3A_497 = tpu.vector_load %arg13[%get3A_495, %get3A_496] {strides = array<i32>} : memref<128x128xf32, #tpu.memory_space<vmem>>, vector<16xf32>,
      %mul3A_498 = arith.mulf %get3A_494, %get3A_497 : vector<16xf32>
      %add3A_499 = arith.addf %mul3A_487, %mul3A_498 : vector<16xf32>
      %get3A_500 = arith.index_cast %add3A_480 : i32 to index
      %get3A_501 = arith.constant 80 : index
      %get3A_502 = tpu.vector_load %arg15[%get3A_500, %get3A_501] {strides = array<i32>} : memref<128x128xf32, #tpu.memory_space<vmem>>, vector<16xf32>,
      %mul3A_503 = arith.mulf %get3A_494, %get3A_502 : vector<16xf32>
      %add3A_504 = arith.addf %mul3A_491, %mul3A_503 : vector<16xf32>
      %get3A_505 = arith.index_cast %add3A_480 : i32 to index
      %get3A_506 = arith.constant 32 : index
      %get3A_507 = tpu.vector_load %arg11[%get3A_505, %get3A_506] {strides = array<i32>} : memref<128x128xf32, #tpu.memory_space<vmem>>, vector<16xf32>,
      %get3A_508 = arith.index_cast %add3A_480 : i32 to index
      %get3A_509 = arith.constant 96 : index
      %get3A_510 = tpu.vector_load %arg13[%get3A_508, %get3A_509] {strides = array<i32>} : memref<128x128xf32, #tpu.memory_space<vmem>>, vector<16xf32>,
      %mul3A_511 = arith.mulf %get3A_507, %get3A_510 : vector<16xf32>
      %add3A_512 = arith.addf %add3A_499, %mul3A_511 : vector<16xf32>
      %get3A_513 = arith.index_cast %add3A_480 : i32 to index
      %get3A_514 = arith.constant 96 : index
      %get3A_515 = tpu.vector_load %arg15[%get3A_513, %get3A_514] {strides = array<i32>} : memref<128x128xf32, #tpu.memory_space<vmem>>, vector<16xf32>,
      %mul3A_516 = arith.mulf %get3A_507, %get3A_515 : vector<16xf32>
      %add3A_517 = arith.addf %add3A_504, %mul3A_516 : vector<16xf32>
      %get3A_518 = arith.index_cast %add3A_480 : i32 to index
      %get3A_519 = arith.constant 48 : index
      %get3A_520 = tpu.vector_load %arg11[%get3A_518, %get3A_519] {strides = array<i32>} : memref<128x128xf32, #tpu.memory_space<vmem>>, vector<16xf32>,
      %get3A_521 = arith.index_cast %add3A_480 : i32 to index
      %get3A_522 = arith.constant 112 : index
      %get3A_523 = tpu.vector_load %arg13[%get3A_521, %get3A_522] {strides = array<i32>} : memref<128x128xf32, #tpu.memory_space<vmem>>, vector<16xf32>,
      %mul3A_524 = arith.mulf %get3A_520, %get3A_523 : vector<16xf32>
      %add3A_525 = arith.addf %add3A_512, %mul3A_524 : vector<16xf32>
      %get3A_526 = arith.index_cast %add3A_480 : i32 to index
      %get3A_527 = arith.constant 112 : index
      %get3A_528 = tpu.vector_load %arg15[%get3A_526, %get3A_527] {strides = array<i32>} : memref<128x128xf32, #tpu.memory_space<vmem>>, vector<16xf32>,
      %mul3A_529 = arith.mulf %get3A_520, %get3A_528 : vector<16xf32>
      %add3A_530 = arith.addf %add3A_517, %mul3A_529 : vector<16xf32>
      %add3A_531 = arith.constant 5 : i32
      %add3A_532 = vector.broadcast %add3A_531 : i32 to vector<16xi32>
      %add3A_533 = arith.addi %mul3A_7, %add3A_532 : vector<16xi32>
      tpu.vector_store_idx %arg19[%add3A_533], %add3A_525 : memref<272xf32, #tpu.memory_space<vmem>>[vector<16xi32>], vector<16xf32>,
      tpu.vector_store_idx %arg20[%add3A_533], %add3A_530 : memref<272xf32, #tpu.memory_space<vmem>>[vector<16xi32>], vector<16xf32>,
      %add3A_534 = arith.constant 6 : i32
      %add3A_535 = arith.addi %mul3A_204, %add3A_534 : i32
      %get3A_536 = arith.index_cast %add3A_535 : i32 to index
      %get3A_537 = arith.constant 0 : index
      %get3A_538 = tpu.vector_load %arg11[%get3A_536, %get3A_537] {strides = array<i32>} : memref<128x128xf32, #tpu.memory_space<vmem>>, vector<16xf32>,
      %get3A_539 = arith.index_cast %add3A_535 : i32 to index
      %get3A_540 = arith.constant 64 : index
      %get3A_541 = tpu.vector_load %arg13[%get3A_539, %get3A_540] {strides = array<i32>} : memref<128x128xf32, #tpu.memory_space<vmem>>, vector<16xf32>,
      %mul3A_542 = arith.mulf %get3A_538, %get3A_541 : vector<16xf32>
      %get3A_543 = arith.index_cast %add3A_535 : i32 to index
      %get3A_544 = arith.constant 64 : index
      %get3A_545 = tpu.vector_load %arg15[%get3A_543, %get3A_544] {strides = array<i32>} : memref<128x128xf32, #tpu.memory_space<vmem>>, vector<16xf32>,
      %mul3A_546 = arith.mulf %get3A_538, %get3A_545 : vector<16xf32>
      %get3A_547 = arith.index_cast %add3A_535 : i32 to index
      %get3A_548 = arith.constant 16 : index
      %get3A_549 = tpu.vector_load %arg11[%get3A_547, %get3A_548] {strides = array<i32>} : memref<128x128xf32, #tpu.memory_space<vmem>>, vector<16xf32>,
      %get3A_550 = arith.index_cast %add3A_535 : i32 to index
      %get3A_551 = arith.constant 80 : index
      %get3A_552 = tpu.vector_load %arg13[%get3A_550, %get3A_551] {strides = array<i32>} : memref<128x128xf32, #tpu.memory_space<vmem>>, vector<16xf32>,
      %mul3A_553 = arith.mulf %get3A_549, %get3A_552 : vector<16xf32>
      %add3A_554 = arith.addf %mul3A_542, %mul3A_553 : vector<16xf32>
      %get3A_555 = arith.index_cast %add3A_535 : i32 to index
      %get3A_556 = arith.constant 80 : index
      %get3A_557 = tpu.vector_load %arg15[%get3A_555, %get3A_556] {strides = array<i32>} : memref<128x128xf32, #tpu.memory_space<vmem>>, vector<16xf32>,
      %mul3A_558 = arith.mulf %get3A_549, %get3A_557 : vector<16xf32>
      %add3A_559 = arith.addf %mul3A_546, %mul3A_558 : vector<16xf32>
      %get3A_560 = arith.index_cast %add3A_535 : i32 to index
      %get3A_561 = arith.constant 32 : index
      %get3A_562 = tpu.vector_load %arg11[%get3A_560, %get3A_561] {strides = array<i32>} : memref<128x128xf32, #tpu.memory_space<vmem>>, vector<16xf32>,
      %get3A_563 = arith.index_cast %add3A_535 : i32 to index
      %get3A_564 = arith.constant 96 : index
      %get3A_565 = tpu.vector_load %arg13[%get3A_563, %get3A_564] {strides = array<i32>} : memref<128x128xf32, #tpu.memory_space<vmem>>, vector<16xf32>,
      %mul3A_566 = arith.mulf %get3A_562, %get3A_565 : vector<16xf32>
      %add3A_567 = arith.addf %add3A_554, %mul3A_566 : vector<16xf32>
      %get3A_568 = arith.index_cast %add3A_535 : i32 to index
      %get3A_569 = arith.constant 96 : index
      %get3A_570 = tpu.vector_load %arg15[%get3A_568, %get3A_569] {strides = array<i32>} : memref<128x128xf32, #tpu.memory_space<vmem>>, vector<16xf32>,
      %mul3A_571 = arith.mulf %get3A_562, %get3A_570 : vector<16xf32>
      %add3A_572 = arith.addf %add3A_559, %mul3A_571 : vector<16xf32>
      %get3A_573 = arith.index_cast %add3A_535 : i32 to index
      %get3A_574 = arith.constant 48 : index
      %get3A_575 = tpu.vector_load %arg11[%get3A_573, %get3A_574] {strides = array<i32>} : memref<128x128xf32, #tpu.memory_space<vmem>>, vector<16xf32>,
      %get3A_576 = arith.index_cast %add3A_535 : i32 to index
      %get3A_577 = arith.constant 112 : index
      %get3A_578 = tpu.vector_load %arg13[%get3A_576, %get3A_577] {strides = array<i32>} : memref<128x128xf32, #tpu.memory_space<vmem>>, vector<16xf32>,
      %mul3A_579 = arith.mulf %get3A_575, %get3A_578 : vector<16xf32>
      %add3A_580 = arith.addf %add3A_567, %mul3A_579 : vector<16xf32>
      %get3A_581 = arith.index_cast %add3A_535 : i32 to index
      %get3A_582 = arith.constant 112 : index
      %get3A_583 = tpu.vector_load %arg15[%get3A_581, %get3A_582] {strides = array<i32>} : memref<128x128xf32, #tpu.memory_space<vmem>>, vector<16xf32>,
      %mul3A_584 = arith.mulf %get3A_575, %get3A_583 : vector<16xf32>
      %add3A_585 = arith.addf %add3A_572, %mul3A_584 : vector<16xf32>
      %add3A_586 = arith.constant 6 : i32
      %add3A_587 = vector.broadcast %add3A_586 : i32 to vector<16xi32>
      %add3A_588 = arith.addi %mul3A_7, %add3A_587 : vector<16xi32>
      tpu.vector_store_idx %arg19[%add3A_588], %add3A_580 : memref<272xf32, #tpu.memory_space<vmem>>[vector<16xi32>], vector<16xf32>,
      tpu.vector_store_idx %arg20[%add3A_588], %add3A_585 : memref<272xf32, #tpu.memory_space<vmem>>[vector<16xi32>], vector<16xf32>,
      %add3A_589 = arith.constant 7 : i32
      %add3A_590 = arith.addi %mul3A_204, %add3A_589 : i32
      %get3A_591 = arith.index_cast %add3A_590 : i32 to index
      %get3A_592 = arith.constant 0 : index
      %get3A_593 = tpu.vector_load %arg11[%get3A_591, %get3A_592] {strides = array<i32>} : memref<128x128xf32, #tpu.memory_space<vmem>>, vector<16xf32>,
      %get3A_594 = arith.index_cast %add3A_590 : i32 to index
      %get3A_595 = arith.constant 64 : index
      %get3A_596 = tpu.vector_load %arg13[%get3A_594, %get3A_595] {strides = array<i32>} : memref<128x128xf32, #tpu.memory_space<vmem>>, vector<16xf32>,
      %mul3A_597 = arith.mulf %get3A_593, %get3A_596 : vector<16xf32>
      %get3A_598 = arith.index_cast %add3A_590 : i32 to index
      %get3A_599 = arith.constant 64 : index
      %get3A_600 = tpu.vector_load %arg15[%get3A_598, %get3A_599] {strides = array<i32>} : memref<128x128xf32, #tpu.memory_space<vmem>>, vector<16xf32>,
      %mul3A_601 = arith.mulf %get3A_593, %get3A_600 : vector<16xf32>
      %get3A_602 = arith.index_cast %add3A_590 : i32 to index
      %get3A_603 = arith.constant 16 : index
      %get3A_604 = tpu.vector_load %arg11[%get3A_602, %get3A_603] {strides = array<i32>} : memref<128x128xf32, #tpu.memory_space<vmem>>, vector<16xf32>,
      %get3A_605 = arith.index_cast %add3A_590 : i32 to index
      %get3A_606 = arith.constant 80 : index
      %get3A_607 = tpu.vector_load %arg13[%get3A_605, %get3A_606] {strides = array<i32>} : memref<128x128xf32, #tpu.memory_space<vmem>>, vector<16xf32>,
      %mul3A_608 = arith.mulf %get3A_604, %get3A_607 : vector<16xf32>
      %add3A_609 = arith.addf %mul3A_597, %mul3A_608 : vector<16xf32>
      %get3A_610 = arith.index_cast %add3A_590 : i32 to index
      %get3A_611 = arith.constant 80 : index
      %get3A_612 = tpu.vector_load %arg15[%get3A_610, %get3A_611] {strides = array<i32>} : memref<128x128xf32, #tpu.memory_space<vmem>>, vector<16xf32>,
      %mul3A_613 = arith.mulf %get3A_604, %get3A_612 : vector<16xf32>
      %add3A_614 = arith.addf %mul3A_601, %mul3A_613 : vector<16xf32>
      %get3A_615 = arith.index_cast %add3A_590 : i32 to index
      %get3A_616 = arith.constant 32 : index
      %get3A_617 = tpu.vector_load %arg11[%get3A_615, %get3A_616] {strides = array<i32>} : memref<128x128xf32, #tpu.memory_space<vmem>>, vector<16xf32>,
      %get3A_618 = arith.index_cast %add3A_590 : i32 to index
      %get3A_619 = arith.constant 96 : index
      %get3A_620 = tpu.vector_load %arg13[%get3A_618, %get3A_619] {strides = array<i32>} : memref<128x128xf32, #tpu.memory_space<vmem>>, vector<16xf32>,
      %mul3A_621 = arith.mulf %get3A_617, %get3A_620 : vector<16xf32>
      %add3A_622 = arith.addf %add3A_609, %mul3A_621 : vector<16xf32>
      %get3A_623 = arith.index_cast %add3A_590 : i32 to index
      %get3A_624 = arith.constant 96 : index
      %get3A_625 = tpu.vector_load %arg15[%get3A_623, %get3A_624] {strides = array<i32>} : memref<128x128xf32, #tpu.memory_space<vmem>>, vector<16xf32>,
      %mul3A_626 = arith.mulf %get3A_617, %get3A_625 : vector<16xf32>
      %add3A_627 = arith.addf %add3A_614, %mul3A_626 : vector<16xf32>
      %get3A_628 = arith.index_cast %add3A_590 : i32 to index
      %get3A_629 = arith.constant 48 : index
      %get3A_630 = tpu.vector_load %arg11[%get3A_628, %get3A_629] {strides = array<i32>} : memref<128x128xf32, #tpu.memory_space<vmem>>, vector<16xf32>,
      %get3A_631 = arith.index_cast %add3A_590 : i32 to index
      %get3A_632 = arith.constant 112 : index
      %get3A_633 = tpu.vector_load %arg13[%get3A_631, %get3A_632] {strides = array<i32>} : memref<128x128xf32, #tpu.memory_space<vmem>>, vector<16xf32>,
      %mul3A_634 = arith.mulf %get3A_630, %get3A_633 : vector<16xf32>
      %add3A_635 = arith.addf %add3A_622, %mul3A_634 : vector<16xf32>
      %get3A_636 = arith.index_cast %add3A_590 : i32 to index
      %get3A_637 = arith.constant 112 : index
      %get3A_638 = tpu.vector_load %arg15[%get3A_636, %get3A_637] {strides = array<i32>} : memref<128x128xf32, #tpu.memory_space<vmem>>, vector<16xf32>,
      %mul3A_639 = arith.mulf %get3A_630, %get3A_638 : vector<16xf32>
      %add3A_640 = arith.addf %add3A_627, %mul3A_639 : vector<16xf32>
      %add3A_641 = arith.constant 7 : i32
      %add3A_642 = vector.broadcast %add3A_641 : i32 to vector<16xi32>
      %add3A_643 = arith.addi %mul3A_7, %add3A_642 : vector<16xi32>
      tpu.vector_store_idx %arg19[%add3A_643], %add3A_635 : memref<272xf32, #tpu.memory_space<vmem>>[vector<16xi32>], vector<16xf32>,
      tpu.vector_store_idx %arg20[%add3A_643], %add3A_640 : memref<272xf32, #tpu.memory_space<vmem>>[vector<16xi32>], vector<16xf32>,
      %add3A_644 = arith.constant 8 : i32
      %add3A_645 = arith.addi %mul3A_204, %add3A_644 : i32
      %get3A_646 = arith.index_cast %add3A_645 : i32 to index
      %get3A_647 = arith.constant 0 : index
      %get3A_648 = tpu.vector_load %arg11[%get3A_646, %get3A_647] {strides = array<i32>} : memref<128x128xf32, #tpu.memory_space<vmem>>, vector<16xf32>,
      %get3A_649 = arith.index_cast %add3A_645 : i32 to index
      %get3A_650 = arith.constant 64 : index
      %get3A_651 = tpu.vector_load %arg13[%get3A_649, %get3A_650] {strides = array<i32>} : memref<128x128xf32, #tpu.memory_space<vmem>>, vector<16xf32>,
      %mul3A_652 = arith.mulf %get3A_648, %get3A_651 : vector<16xf32>
      %get3A_653 = arith.index_cast %add3A_645 : i32 to index
      %get3A_654 = arith.constant 64 : index
      %get3A_655 = tpu.vector_load %arg15[%get3A_653, %get3A_654] {strides = array<i32>} : memref<128x128xf32, #tpu.memory_space<vmem>>, vector<16xf32>,
      %mul3A_656 = arith.mulf %get3A_648, %get3A_655 : vector<16xf32>
      %get3A_657 = arith.index_cast %add3A_645 : i32 to index
      %get3A_658 = arith.constant 16 : index
      %get3A_659 = tpu.vector_load %arg11[%get3A_657, %get3A_658] {strides = array<i32>} : memref<128x128xf32, #tpu.memory_space<vmem>>, vector<16xf32>,
      %get3A_660 = arith.index_cast %add3A_645 : i32 to index
      %get3A_661 = arith.constant 80 : index
      %get3A_662 = tpu.vector_load %arg13[%get3A_660, %get3A_661] {strides = array<i32>} : memref<128x128xf32, #tpu.memory_space<vmem>>, vector<16xf32>,
      %mul3A_663 = arith.mulf %get3A_659, %get3A_662 : vector<16xf32>
      %add3A_664 = arith.addf %mul3A_652, %mul3A_663 : vector<16xf32>
      %get3A_665 = arith.index_cast %add3A_645 : i32 to index
      %get3A_666 = arith.constant 80 : index
      %get3A_667 = tpu.vector_load %arg15[%get3A_665, %get3A_666] {strides = array<i32>} : memref<128x128xf32, #tpu.memory_space<vmem>>, vector<16xf32>,
      %mul3A_668 = arith.mulf %get3A_659, %get3A_667 : vector<16xf32>
      %add3A_669 = arith.addf %mul3A_656, %mul3A_668 : vector<16xf32>
      %get3A_670 = arith.index_cast %add3A_645 : i32 to index
      %get3A_671 = arith.constant 32 : index
      %get3A_672 = tpu.vector_load %arg11[%get3A_670, %get3A_671] {strides = array<i32>} : memref<128x128xf32, #tpu.memory_space<vmem>>, vector<16xf32>,
      %get3A_673 = arith.index_cast %add3A_645 : i32 to index
      %get3A_674 = arith.constant 96 : index
      %get3A_675 = tpu.vector_load %arg13[%get3A_673, %get3A_674] {strides = array<i32>} : memref<128x128xf32, #tpu.memory_space<vmem>>, vector<16xf32>,
      %mul3A_676 = arith.mulf %get3A_672, %get3A_675 : vector<16xf32>
      %add3A_677 = arith.addf %add3A_664, %mul3A_676 : vector<16xf32>
      %get3A_678 = arith.index_cast %add3A_645 : i32 to index
      %get3A_679 = arith.constant 96 : index
      %get3A_680 = tpu.vector_load %arg15[%get3A_678, %get3A_679] {strides = array<i32>} : memref<128x128xf32, #tpu.memory_space<vmem>>, vector<16xf32>,
      %mul3A_681 = arith.mulf %get3A_672, %get3A_680 : vector<16xf32>
      %add3A_682 = arith.addf %add3A_669, %mul3A_681 : vector<16xf32>
      %get3A_683 = arith.index_cast %add3A_645 : i32 to index
      %get3A_684 = arith.constant 48 : index
      %get3A_685 = tpu.vector_load %arg11[%get3A_683, %get3A_684] {strides = array<i32>} : memref<128x128xf32, #tpu.memory_space<vmem>>, vector<16xf32>,
      %get3A_686 = arith.index_cast %add3A_645 : i32 to index
      %get3A_687 = arith.constant 112 : index
      %get3A_688 = tpu.vector_load %arg13[%get3A_686, %get3A_687] {strides = array<i32>} : memref<128x128xf32, #tpu.memory_space<vmem>>, vector<16xf32>,
      %mul3A_689 = arith.mulf %get3A_685, %get3A_688 : vector<16xf32>
      %add3A_690 = arith.addf %add3A_677, %mul3A_689 : vector<16xf32>
      %get3A_691 = arith.index_cast %add3A_645 : i32 to index
      %get3A_692 = arith.constant 112 : index
      %get3A_693 = tpu.vector_load %arg15[%get3A_691, %get3A_692] {strides = array<i32>} : memref<128x128xf32, #tpu.memory_space<vmem>>, vector<16xf32>,
      %mul3A_694 = arith.mulf %get3A_685, %get3A_693 : vector<16xf32>
      %add3A_695 = arith.addf %add3A_682, %mul3A_694 : vector<16xf32>
      %add3A_696 = arith.constant 8 : i32
      %add3A_697 = vector.broadcast %add3A_696 : i32 to vector<16xi32>
      %add3A_698 = arith.addi %mul3A_7, %add3A_697 : vector<16xi32>
      tpu.vector_store_idx %arg19[%add3A_698], %add3A_690 : memref<272xf32, #tpu.memory_space<vmem>>[vector<16xi32>], vector<16xf32>,
      tpu.vector_store_idx %arg20[%add3A_698], %add3A_695 : memref<272xf32, #tpu.memory_space<vmem>>[vector<16xi32>], vector<16xf32>,
      %add3A_699 = arith.constant 9 : i32
      %add3A_700 = arith.addi %mul3A_204, %add3A_699 : i32
      %get3A_701 = arith.index_cast %add3A_700 : i32 to index
      %get3A_702 = arith.constant 0 : index
      %get3A_703 = tpu.vector_load %arg11[%get3A_701, %get3A_702] {strides = array<i32>} : memref<128x128xf32, #tpu.memory_space<vmem>>, vector<16xf32>,
      %get3A_704 = arith.index_cast %add3A_700 : i32 to index
      %get3A_705 = arith.constant 64 : index
      %get3A_706 = tpu.vector_load %arg13[%get3A_704, %get3A_705] {strides = array<i32>} : memref<128x128xf32, #tpu.memory_space<vmem>>, vector<16xf32>,
      %mul3A_707 = arith.mulf %get3A_703, %get3A_706 : vector<16xf32>
      %get3A_708 = arith.index_cast %add3A_700 : i32 to index
      %get3A_709 = arith.constant 64 : index
      %get3A_710 = tpu.vector_load %arg15[%get3A_708, %get3A_709] {strides = array<i32>} : memref<128x128xf32, #tpu.memory_space<vmem>>, vector<16xf32>,
      %mul3A_711 = arith.mulf %get3A_703, %get3A_710 : vector<16xf32>
      %get3A_712 = arith.index_cast %add3A_700 : i32 to index
      %get3A_713 = arith.constant 16 : index
      %get3A_714 = tpu.vector_load %arg11[%get3A_712, %get3A_713] {strides = array<i32>} : memref<128x128xf32, #tpu.memory_space<vmem>>, vector<16xf32>,
      %get3A_715 = arith.index_cast %add3A_700 : i32 to index
      %get3A_716 = arith.constant 80 : index
      %get3A_717 = tpu.vector_load %arg13[%get3A_715, %get3A_716] {strides = array<i32>} : memref<128x128xf32, #tpu.memory_space<vmem>>, vector<16xf32>,
      %mul3A_718 = arith.mulf %get3A_714, %get3A_717 : vector<16xf32>
      %add3A_719 = arith.addf %mul3A_707, %mul3A_718 : vector<16xf32>
      %get3A_720 = arith.index_cast %add3A_700 : i32 to index
      %get3A_721 = arith.constant 80 : index
      %get3A_722 = tpu.vector_load %arg15[%get3A_720, %get3A_721] {strides = array<i32>} : memref<128x128xf32, #tpu.memory_space<vmem>>, vector<16xf32>,
      %mul3A_723 = arith.mulf %get3A_714, %get3A_722 : vector<16xf32>
      %add3A_724 = arith.addf %mul3A_711, %mul3A_723 : vector<16xf32>
      %get3A_725 = arith.index_cast %add3A_700 : i32 to index
      %get3A_726 = arith.constant 32 : index
      %get3A_727 = tpu.vector_load %arg11[%get3A_725, %get3A_726] {strides = array<i32>} : memref<128x128xf32, #tpu.memory_space<vmem>>, vector<16xf32>,
      %get3A_728 = arith.index_cast %add3A_700 : i32 to index
      %get3A_729 = arith.constant 96 : index
      %get3A_730 = tpu.vector_load %arg13[%get3A_728, %get3A_729] {strides = array<i32>} : memref<128x128xf32, #tpu.memory_space<vmem>>, vector<16xf32>,
      %mul3A_731 = arith.mulf %get3A_727, %get3A_730 : vector<16xf32>
      %add3A_732 = arith.addf %add3A_719, %mul3A_731 : vector<16xf32>
      %get3A_733 = arith.index_cast %add3A_700 : i32 to index
      %get3A_734 = arith.constant 96 : index
      %get3A_735 = tpu.vector_load %arg15[%get3A_733, %get3A_734] {strides = array<i32>} : memref<128x128xf32, #tpu.memory_space<vmem>>, vector<16xf32>,
      %mul3A_736 = arith.mulf %get3A_727, %get3A_735 : vector<16xf32>
      %add3A_737 = arith.addf %add3A_724, %mul3A_736 : vector<16xf32>
      %get3A_738 = arith.index_cast %add3A_700 : i32 to index
      %get3A_739 = arith.constant 48 : index
      %get3A_740 = tpu.vector_load %arg11[%get3A_738, %get3A_739] {strides = array<i32>} : memref<128x128xf32, #tpu.memory_space<vmem>>, vector<16xf32>,
      %get3A_741 = arith.index_cast %add3A_700 : i32 to index
      %get3A_742 = arith.constant 112 : index
      %get3A_743 = tpu.vector_load %arg13[%get3A_741, %get3A_742] {strides = array<i32>} : memref<128x128xf32, #tpu.memory_space<vmem>>, vector<16xf32>,
      %mul3A_744 = arith.mulf %get3A_740, %get3A_743 : vector<16xf32>
      %add3A_745 = arith.addf %add3A_732, %mul3A_744 : vector<16xf32>
      %get3A_746 = arith.index_cast %add3A_700 : i32 to index
      %get3A_747 = arith.constant 112 : index
      %get3A_748 = tpu.vector_load %arg15[%get3A_746, %get3A_747] {strides = array<i32>} : memref<128x128xf32, #tpu.memory_space<vmem>>, vector<16xf32>,
      %mul3A_749 = arith.mulf %get3A_740, %get3A_748 : vector<16xf32>
      %add3A_750 = arith.addf %add3A_737, %mul3A_749 : vector<16xf32>
      %add3A_751 = arith.constant 9 : i32
      %add3A_752 = vector.broadcast %add3A_751 : i32 to vector<16xi32>
      %add3A_753 = arith.addi %mul3A_7, %add3A_752 : vector<16xi32>
      tpu.vector_store_idx %arg19[%add3A_753], %add3A_745 : memref<272xf32, #tpu.memory_space<vmem>>[vector<16xi32>], vector<16xf32>,
      tpu.vector_store_idx %arg20[%add3A_753], %add3A_750 : memref<272xf32, #tpu.memory_space<vmem>>[vector<16xi32>], vector<16xf32>,
      %add3A_754 = arith.constant 10 : i32
      %add3A_755 = arith.addi %mul3A_204, %add3A_754 : i32
      %get3A_756 = arith.index_cast %add3A_755 : i32 to index
      %get3A_757 = arith.constant 0 : index
      %get3A_758 = tpu.vector_load %arg11[%get3A_756, %get3A_757] {strides = array<i32>} : memref<128x128xf32, #tpu.memory_space<vmem>>, vector<16xf32>,
      %get3A_759 = arith.index_cast %add3A_755 : i32 to index
      %get3A_760 = arith.constant 64 : index
      %get3A_761 = tpu.vector_load %arg13[%get3A_759, %get3A_760] {strides = array<i32>} : memref<128x128xf32, #tpu.memory_space<vmem>>, vector<16xf32>,
      %mul3A_762 = arith.mulf %get3A_758, %get3A_761 : vector<16xf32>
      %get3A_763 = arith.index_cast %add3A_755 : i32 to index
      %get3A_764 = arith.constant 64 : index
      %get3A_765 = tpu.vector_load %arg15[%get3A_763, %get3A_764] {strides = array<i32>} : memref<128x128xf32, #tpu.memory_space<vmem>>, vector<16xf32>,
      %mul3A_766 = arith.mulf %get3A_758, %get3A_765 : vector<16xf32>
      %get3A_767 = arith.index_cast %add3A_755 : i32 to index
      %get3A_768 = arith.constant 16 : index
      %get3A_769 = tpu.vector_load %arg11[%get3A_767, %get3A_768] {strides = array<i32>} : memref<128x128xf32, #tpu.memory_space<vmem>>, vector<16xf32>,
      %get3A_770 = arith.index_cast %add3A_755 : i32 to index
      %get3A_771 = arith.constant 80 : index
      %get3A_772 = tpu.vector_load %arg13[%get3A_770, %get3A_771] {strides = array<i32>} : memref<128x128xf32, #tpu.memory_space<vmem>>, vector<16xf32>,
      %mul3A_773 = arith.mulf %get3A_769, %get3A_772 : vector<16xf32>
      %add3A_774 = arith.addf %mul3A_762, %mul3A_773 : vector<16xf32>
      %get3A_775 = arith.index_cast %add3A_755 : i32 to index
      %get3A_776 = arith.constant 80 : index
      %get3A_777 = tpu.vector_load %arg15[%get3A_775, %get3A_776] {strides = array<i32>} : memref<128x128xf32, #tpu.memory_space<vmem>>, vector<16xf32>,
      %mul3A_778 = arith.mulf %get3A_769, %get3A_777 : vector<16xf32>
      %add3A_779 = arith.addf %mul3A_766, %mul3A_778 : vector<16xf32>
      %get3A_780 = arith.index_cast %add3A_755 : i32 to index
      %get3A_781 = arith.constant 32 : index
      %get3A_782 = tpu.vector_load %arg11[%get3A_780, %get3A_781] {strides = array<i32>} : memref<128x128xf32, #tpu.memory_space<vmem>>, vector<16xf32>,
      %get3A_783 = arith.index_cast %add3A_755 : i32 to index
      %get3A_784 = arith.constant 96 : index
      %get3A_785 = tpu.vector_load %arg13[%get3A_783, %get3A_784] {strides = array<i32>} : memref<128x128xf32, #tpu.memory_space<vmem>>, vector<16xf32>,
      %mul3A_786 = arith.mulf %get3A_782, %get3A_785 : vector<16xf32>
      %add3A_787 = arith.addf %add3A_774, %mul3A_786 : vector<16xf32>
      %get3A_788 = arith.index_cast %add3A_755 : i32 to index
      %get3A_789 = arith.constant 96 : index
      %get3A_790 = tpu.vector_load %arg15[%get3A_788, %get3A_789] {strides = array<i32>} : memref<128x128xf32, #tpu.memory_space<vmem>>, vector<16xf32>,
      %mul3A_791 = arith.mulf %get3A_782, %get3A_790 : vector<16xf32>
      %add3A_792 = arith.addf %add3A_779, %mul3A_791 : vector<16xf32>
      %get3A_793 = arith.index_cast %add3A_755 : i32 to index
      %get3A_794 = arith.constant 48 : index
      %get3A_795 = tpu.vector_load %arg11[%get3A_793, %get3A_794] {strides = array<i32>} : memref<128x128xf32, #tpu.memory_space<vmem>>, vector<16xf32>,
      %get3A_796 = arith.index_cast %add3A_755 : i32 to index
      %get3A_797 = arith.constant 112 : index
      %get3A_798 = tpu.vector_load %arg13[%get3A_796, %get3A_797] {strides = array<i32>} : memref<128x128xf32, #tpu.memory_space<vmem>>, vector<16xf32>,
      %mul3A_799 = arith.mulf %get3A_795, %get3A_798 : vector<16xf32>
      %add3A_800 = arith.addf %add3A_787, %mul3A_799 : vector<16xf32>
      %get3A_801 = arith.index_cast %add3A_755 : i32 to index
      %get3A_802 = arith.constant 112 : index
      %get3A_803 = tpu.vector_load %arg15[%get3A_801, %get3A_802] {strides = array<i32>} : memref<128x128xf32, #tpu.memory_space<vmem>>, vector<16xf32>,
      %mul3A_804 = arith.mulf %get3A_795, %get3A_803 : vector<16xf32>
      %add3A_805 = arith.addf %add3A_792, %mul3A_804 : vector<16xf32>
      %add3A_806 = arith.constant 10 : i32
      %add3A_807 = vector.broadcast %add3A_806 : i32 to vector<16xi32>
      %add3A_808 = arith.addi %mul3A_7, %add3A_807 : vector<16xi32>
      tpu.vector_store_idx %arg19[%add3A_808], %add3A_800 : memref<272xf32, #tpu.memory_space<vmem>>[vector<16xi32>], vector<16xf32>,
      tpu.vector_store_idx %arg20[%add3A_808], %add3A_805 : memref<272xf32, #tpu.memory_space<vmem>>[vector<16xi32>], vector<16xf32>,
      %add3A_809 = arith.constant 11 : i32
      %add3A_810 = arith.addi %mul3A_204, %add3A_809 : i32
      %get3A_811 = arith.index_cast %add3A_810 : i32 to index
      %get3A_812 = arith.constant 0 : index
      %get3A_813 = tpu.vector_load %arg11[%get3A_811, %get3A_812] {strides = array<i32>} : memref<128x128xf32, #tpu.memory_space<vmem>>, vector<16xf32>,
      %get3A_814 = arith.index_cast %add3A_810 : i32 to index
      %get3A_815 = arith.constant 64 : index
      %get3A_816 = tpu.vector_load %arg13[%get3A_814, %get3A_815] {strides = array<i32>} : memref<128x128xf32, #tpu.memory_space<vmem>>, vector<16xf32>,
      %mul3A_817 = arith.mulf %get3A_813, %get3A_816 : vector<16xf32>
      %get3A_818 = arith.index_cast %add3A_810 : i32 to index
      %get3A_819 = arith.constant 64 : index
      %get3A_820 = tpu.vector_load %arg15[%get3A_818, %get3A_819] {strides = array<i32>} : memref<128x128xf32, #tpu.memory_space<vmem>>, vector<16xf32>,
      %mul3A_821 = arith.mulf %get3A_813, %get3A_820 : vector<16xf32>
      %get3A_822 = arith.index_cast %add3A_810 : i32 to index
      %get3A_823 = arith.constant 16 : index
      %get3A_824 = tpu.vector_load %arg11[%get3A_822, %get3A_823] {strides = array<i32>} : memref<128x128xf32, #tpu.memory_space<vmem>>, vector<16xf32>,
      %get3A_825 = arith.index_cast %add3A_810 : i32 to index
      %get3A_826 = arith.constant 80 : index
      %get3A_827 = tpu.vector_load %arg13[%get3A_825, %get3A_826] {strides = array<i32>} : memref<128x128xf32, #tpu.memory_space<vmem>>, vector<16xf32>,
      %mul3A_828 = arith.mulf %get3A_824, %get3A_827 : vector<16xf32>
      %add3A_829 = arith.addf %mul3A_817, %mul3A_828 : vector<16xf32>
      %get3A_830 = arith.index_cast %add3A_810 : i32 to index
      %get3A_831 = arith.constant 80 : index
      %get3A_832 = tpu.vector_load %arg15[%get3A_830, %get3A_831] {strides = array<i32>} : memref<128x128xf32, #tpu.memory_space<vmem>>, vector<16xf32>,
      %mul3A_833 = arith.mulf %get3A_824, %get3A_832 : vector<16xf32>
      %add3A_834 = arith.addf %mul3A_821, %mul3A_833 : vector<16xf32>
      %get3A_835 = arith.index_cast %add3A_810 : i32 to index
      %get3A_836 = arith.constant 32 : index
      %get3A_837 = tpu.vector_load %arg11[%get3A_835, %get3A_836] {strides = array<i32>} : memref<128x128xf32, #tpu.memory_space<vmem>>, vector<16xf32>,
      %get3A_838 = arith.index_cast %add3A_810 : i32 to index
      %get3A_839 = arith.constant 96 : index
      %get3A_840 = tpu.vector_load %arg13[%get3A_838, %get3A_839] {strides = array<i32>} : memref<128x128xf32, #tpu.memory_space<vmem>>, vector<16xf32>,
      %mul3A_841 = arith.mulf %get3A_837, %get3A_840 : vector<16xf32>
      %add3A_842 = arith.addf %add3A_829, %mul3A_841 : vector<16xf32>
      %get3A_843 = arith.index_cast %add3A_810 : i32 to index
      %get3A_844 = arith.constant 96 : index
      %get3A_845 = tpu.vector_load %arg15[%get3A_843, %get3A_844] {strides = array<i32>} : memref<128x128xf32, #tpu.memory_space<vmem>>, vector<16xf32>,
      %mul3A_846 = arith.mulf %get3A_837, %get3A_845 : vector<16xf32>
      %add3A_847 = arith.addf %add3A_834, %mul3A_846 : vector<16xf32>
      %get3A_848 = arith.index_cast %add3A_810 : i32 to index
      %get3A_849 = arith.constant 48 : index
      %get3A_850 = tpu.vector_load %arg11[%get3A_848, %get3A_849] {strides = array<i32>} : memref<128x128xf32, #tpu.memory_space<vmem>>, vector<16xf32>,
      %get3A_851 = arith.index_cast %add3A_810 : i32 to index
      %get3A_852 = arith.constant 112 : index
      %get3A_853 = tpu.vector_load %arg13[%get3A_851, %get3A_852] {strides = array<i32>} : memref<128x128xf32, #tpu.memory_space<vmem>>, vector<16xf32>,
      %mul3A_854 = arith.mulf %get3A_850, %get3A_853 : vector<16xf32>
      %add3A_855 = arith.addf %add3A_842, %mul3A_854 : vector<16xf32>
      %get3A_856 = arith.index_cast %add3A_810 : i32 to index
      %get3A_857 = arith.constant 112 : index
      %get3A_858 = tpu.vector_load %arg15[%get3A_856, %get3A_857] {strides = array<i32>} : memref<128x128xf32, #tpu.memory_space<vmem>>, vector<16xf32>,
      %mul3A_859 = arith.mulf %get3A_850, %get3A_858 : vector<16xf32>
      %add3A_860 = arith.addf %add3A_847, %mul3A_859 : vector<16xf32>
      %add3A_861 = arith.constant 11 : i32
      %add3A_862 = vector.broadcast %add3A_861 : i32 to vector<16xi32>
      %add3A_863 = arith.addi %mul3A_7, %add3A_862 : vector<16xi32>
      tpu.vector_store_idx %arg19[%add3A_863], %add3A_855 : memref<272xf32, #tpu.memory_space<vmem>>[vector<16xi32>], vector<16xf32>,
      tpu.vector_store_idx %arg20[%add3A_863], %add3A_860 : memref<272xf32, #tpu.memory_space<vmem>>[vector<16xi32>], vector<16xf32>,
      %add3A_864 = arith.constant 12 : i32
      %add3A_865 = arith.addi %mul3A_204, %add3A_864 : i32
      %get3A_866 = arith.index_cast %add3A_865 : i32 to index
      %get3A_867 = arith.constant 0 : index
      %get3A_868 = tpu.vector_load %arg11[%get3A_866, %get3A_867] {strides = array<i32>} : memref<128x128xf32, #tpu.memory_space<vmem>>, vector<16xf32>,
      %get3A_869 = arith.index_cast %add3A_865 : i32 to index
      %get3A_870 = arith.constant 64 : index
      %get3A_871 = tpu.vector_load %arg13[%get3A_869, %get3A_870] {strides = array<i32>} : memref<128x128xf32, #tpu.memory_space<vmem>>, vector<16xf32>,
      %mul3A_872 = arith.mulf %get3A_868, %get3A_871 : vector<16xf32>
      %get3A_873 = arith.index_cast %add3A_865 : i32 to index
      %get3A_874 = arith.constant 64 : index
      %get3A_875 = tpu.vector_load %arg15[%get3A_873, %get3A_874] {strides = array<i32>} : memref<128x128xf32, #tpu.memory_space<vmem>>, vector<16xf32>,
      %mul3A_876 = arith.mulf %get3A_868, %get3A_875 : vector<16xf32>
      %get3A_877 = arith.index_cast %add3A_865 : i32 to index
      %get3A_878 = arith.constant 16 : index
      %get3A_879 = tpu.vector_load %arg11[%get3A_877, %get3A_878] {strides = array<i32>} : memref<128x128xf32, #tpu.memory_space<vmem>>, vector<16xf32>,
      %get3A_880 = arith.index_cast %add3A_865 : i32 to index
      %get3A_881 = arith.constant 80 : index
      %get3A_882 = tpu.vector_load %arg13[%get3A_880, %get3A_881] {strides = array<i32>} : memref<128x128xf32, #tpu.memory_space<vmem>>, vector<16xf32>,
      %mul3A_883 = arith.mulf %get3A_879, %get3A_882 : vector<16xf32>
      %add3A_884 = arith.addf %mul3A_872, %mul3A_883 : vector<16xf32>
      %get3A_885 = arith.index_cast %add3A_865 : i32 to index
      %get3A_886 = arith.constant 80 : index
      %get3A_887 = tpu.vector_load %arg15[%get3A_885, %get3A_886] {strides = array<i32>} : memref<128x128xf32, #tpu.memory_space<vmem>>, vector<16xf32>,
      %mul3A_888 = arith.mulf %get3A_879, %get3A_887 : vector<16xf32>
      %add3A_889 = arith.addf %mul3A_876, %mul3A_888 : vector<16xf32>
      %get3A_890 = arith.index_cast %add3A_865 : i32 to index
      %get3A_891 = arith.constant 32 : index
      %get3A_892 = tpu.vector_load %arg11[%get3A_890, %get3A_891] {strides = array<i32>} : memref<128x128xf32, #tpu.memory_space<vmem>>, vector<16xf32>,
      %get3A_893 = arith.index_cast %add3A_865 : i32 to index
      %get3A_894 = arith.constant 96 : index
      %get3A_895 = tpu.vector_load %arg13[%get3A_893, %get3A_894] {strides = array<i32>} : memref<128x128xf32, #tpu.memory_space<vmem>>, vector<16xf32>,
      %mul3A_896 = arith.mulf %get3A_892, %get3A_895 : vector<16xf32>
      %add3A_897 = arith.addf %add3A_884, %mul3A_896 : vector<16xf32>
      %get3A_898 = arith.index_cast %add3A_865 : i32 to index
      %get3A_899 = arith.constant 96 : index
      %get3A_900 = tpu.vector_load %arg15[%get3A_898, %get3A_899] {strides = array<i32>} : memref<128x128xf32, #tpu.memory_space<vmem>>, vector<16xf32>,
      %mul3A_901 = arith.mulf %get3A_892, %get3A_900 : vector<16xf32>
      %add3A_902 = arith.addf %add3A_889, %mul3A_901 : vector<16xf32>
      %get3A_903 = arith.index_cast %add3A_865 : i32 to index
      %get3A_904 = arith.constant 48 : index
      %get3A_905 = tpu.vector_load %arg11[%get3A_903, %get3A_904] {strides = array<i32>} : memref<128x128xf32, #tpu.memory_space<vmem>>, vector<16xf32>,
      %get3A_906 = arith.index_cast %add3A_865 : i32 to index
      %get3A_907 = arith.constant 112 : index
      %get3A_908 = tpu.vector_load %arg13[%get3A_906, %get3A_907] {strides = array<i32>} : memref<128x128xf32, #tpu.memory_space<vmem>>, vector<16xf32>,
      %mul3A_909 = arith.mulf %get3A_905, %get3A_908 : vector<16xf32>
      %add3A_910 = arith.addf %add3A_897, %mul3A_909 : vector<16xf32>
      %get3A_911 = arith.index_cast %add3A_865 : i32 to index
      %get3A_912 = arith.constant 112 : index
      %get3A_913 = tpu.vector_load %arg15[%get3A_911, %get3A_912] {strides = array<i32>} : memref<128x128xf32, #tpu.memory_space<vmem>>, vector<16xf32>,
      %mul3A_914 = arith.mulf %get3A_905, %get3A_913 : vector<16xf32>
      %add3A_915 = arith.addf %add3A_902, %mul3A_914 : vector<16xf32>
      %add3A_916 = arith.constant 12 : i32
      %add3A_917 = vector.broadcast %add3A_916 : i32 to vector<16xi32>
      %add3A_918 = arith.addi %mul3A_7, %add3A_917 : vector<16xi32>
      tpu.vector_store_idx %arg19[%add3A_918], %add3A_910 : memref<272xf32, #tpu.memory_space<vmem>>[vector<16xi32>], vector<16xf32>,
      tpu.vector_store_idx %arg20[%add3A_918], %add3A_915 : memref<272xf32, #tpu.memory_space<vmem>>[vector<16xi32>], vector<16xf32>,
      %add3A_919 = arith.constant 13 : i32
      %add3A_920 = arith.addi %mul3A_204, %add3A_919 : i32
      %get3A_921 = arith.index_cast %add3A_920 : i32 to index
      %get3A_922 = arith.constant 0 : index
      %get3A_923 = tpu.vector_load %arg11[%get3A_921, %get3A_922] {strides = array<i32>} : memref<128x128xf32, #tpu.memory_space<vmem>>, vector<16xf32>,
      %get3A_924 = arith.index_cast %add3A_920 : i32 to index
      %get3A_925 = arith.constant 64 : index
      %get3A_926 = tpu.vector_load %arg13[%get3A_924, %get3A_925] {strides = array<i32>} : memref<128x128xf32, #tpu.memory_space<vmem>>, vector<16xf32>,
      %mul3A_927 = arith.mulf %get3A_923, %get3A_926 : vector<16xf32>
      %get3A_928 = arith.index_cast %add3A_920 : i32 to index
      %get3A_929 = arith.constant 64 : index
      %get3A_930 = tpu.vector_load %arg15[%get3A_928, %get3A_929] {strides = array<i32>} : memref<128x128xf32, #tpu.memory_space<vmem>>, vector<16xf32>,
      %mul3A_931 = arith.mulf %get3A_923, %get3A_930 : vector<16xf32>
      %get3A_932 = arith.index_cast %add3A_920 : i32 to index
      %get3A_933 = arith.constant 16 : index
      %get3A_934 = tpu.vector_load %arg11[%get3A_932, %get3A_933] {strides = array<i32>} : memref<128x128xf32, #tpu.memory_space<vmem>>, vector<16xf32>,
      %get3A_935 = arith.index_cast %add3A_920 : i32 to index
      %get3A_936 = arith.constant 80 : index
      %get3A_937 = tpu.vector_load %arg13[%get3A_935, %get3A_936] {strides = array<i32>} : memref<128x128xf32, #tpu.memory_space<vmem>>, vector<16xf32>,
      %mul3A_938 = arith.mulf %get3A_934, %get3A_937 : vector<16xf32>
      %add3A_939 = arith.addf %mul3A_927, %mul3A_938 : vector<16xf32>
      %get3A_940 = arith.index_cast %add3A_920 : i32 to index
      %get3A_941 = arith.constant 80 : index
      %get3A_942 = tpu.vector_load %arg15[%get3A_940, %get3A_941] {strides = array<i32>} : memref<128x128xf32, #tpu.memory_space<vmem>>, vector<16xf32>,
      %mul3A_943 = arith.mulf %get3A_934, %get3A_942 : vector<16xf32>
      %add3A_944 = arith.addf %mul3A_931, %mul3A_943 : vector<16xf32>
      %get3A_945 = arith.index_cast %add3A_920 : i32 to index
      %get3A_946 = arith.constant 32 : index
      %get3A_947 = tpu.vector_load %arg11[%get3A_945, %get3A_946] {strides = array<i32>} : memref<128x128xf32, #tpu.memory_space<vmem>>, vector<16xf32>,
      %get3A_948 = arith.index_cast %add3A_920 : i32 to index
      %get3A_949 = arith.constant 96 : index
      %get3A_950 = tpu.vector_load %arg13[%get3A_948, %get3A_949] {strides = array<i32>} : memref<128x128xf32, #tpu.memory_space<vmem>>, vector<16xf32>,
      %mul3A_951 = arith.mulf %get3A_947, %get3A_950 : vector<16xf32>
      %add3A_952 = arith.addf %add3A_939, %mul3A_951 : vector<16xf32>
      %get3A_953 = arith.index_cast %add3A_920 : i32 to index
      %get3A_954 = arith.constant 96 : index
      %get3A_955 = tpu.vector_load %arg15[%get3A_953, %get3A_954] {strides = array<i32>} : memref<128x128xf32, #tpu.memory_space<vmem>>, vector<16xf32>,
      %mul3A_956 = arith.mulf %get3A_947, %get3A_955 : vector<16xf32>
      %add3A_957 = arith.addf %add3A_944, %mul3A_956 : vector<16xf32>
      %get3A_958 = arith.index_cast %add3A_920 : i32 to index
      %get3A_959 = arith.constant 48 : index
      %get3A_960 = tpu.vector_load %arg11[%get3A_958, %get3A_959] {strides = array<i32>} : memref<128x128xf32, #tpu.memory_space<vmem>>, vector<16xf32>,
      %get3A_961 = arith.index_cast %add3A_920 : i32 to index
      %get3A_962 = arith.constant 112 : index
      %get3A_963 = tpu.vector_load %arg13[%get3A_961, %get3A_962] {strides = array<i32>} : memref<128x128xf32, #tpu.memory_space<vmem>>, vector<16xf32>,
      %mul3A_964 = arith.mulf %get3A_960, %get3A_963 : vector<16xf32>
      %add3A_965 = arith.addf %add3A_952, %mul3A_964 : vector<16xf32>
      %get3A_966 = arith.index_cast %add3A_920 : i32 to index
      %get3A_967 = arith.constant 112 : index
      %get3A_968 = tpu.vector_load %arg15[%get3A_966, %get3A_967] {strides = array<i32>} : memref<128x128xf32, #tpu.memory_space<vmem>>, vector<16xf32>,
      %mul3A_969 = arith.mulf %get3A_960, %get3A_968 : vector<16xf32>
      %add3A_970 = arith.addf %add3A_957, %mul3A_969 : vector<16xf32>
      %add3A_971 = arith.constant 13 : i32
      %add3A_972 = vector.broadcast %add3A_971 : i32 to vector<16xi32>
      %add3A_973 = arith.addi %mul3A_7, %add3A_972 : vector<16xi32>
      tpu.vector_store_idx %arg19[%add3A_973], %add3A_965 : memref<272xf32, #tpu.memory_space<vmem>>[vector<16xi32>], vector<16xf32>,
      tpu.vector_store_idx %arg20[%add3A_973], %add3A_970 : memref<272xf32, #tpu.memory_space<vmem>>[vector<16xi32>], vector<16xf32>,
      %add3A_974 = arith.constant 14 : i32
      %add3A_975 = arith.addi %mul3A_204, %add3A_974 : i32
      %get3A_976 = arith.index_cast %add3A_975 : i32 to index
      %get3A_977 = arith.constant 0 : index
      %get3A_978 = tpu.vector_load %arg11[%get3A_976, %get3A_977] {strides = array<i32>} : memref<128x128xf32, #tpu.memory_space<vmem>>, vector<16xf32>,
      %get3A_979 = arith.index_cast %add3A_975 : i32 to index
      %get3A_980 = arith.constant 64 : index
      %get3A_981 = tpu.vector_load %arg13[%get3A_979, %get3A_980] {strides = array<i32>} : memref<128x128xf32, #tpu.memory_space<vmem>>, vector<16xf32>,
      %mul3A_982 = arith.mulf %get3A_978, %get3A_981 : vector<16xf32>
      %get3A_983 = arith.index_cast %add3A_975 : i32 to index
      %get3A_984 = arith.constant 64 : index
      %get3A_985 = tpu.vector_load %arg15[%get3A_983, %get3A_984] {strides = array<i32>} : memref<128x128xf32, #tpu.memory_space<vmem>>, vector<16xf32>,
      %mul3A_986 = arith.mulf %get3A_978, %get3A_985 : vector<16xf32>
      %get3A_987 = arith.index_cast %add3A_975 : i32 to index
      %get3A_988 = arith.constant 16 : index
      %get3A_989 = tpu.vector_load %arg11[%get3A_987, %get3A_988] {strides = array<i32>} : memref<128x128xf32, #tpu.memory_space<vmem>>, vector<16xf32>,
      %get3A_990 = arith.index_cast %add3A_975 : i32 to index
      %get3A_991 = arith.constant 80 : index
      %get3A_992 = tpu.vector_load %arg13[%get3A_990, %get3A_991] {strides = array<i32>} : memref<128x128xf32, #tpu.memory_space<vmem>>, vector<16xf32>,
      %mul3A_993 = arith.mulf %get3A_989, %get3A_992 : vector<16xf32>
      %add3A_994 = arith.addf %mul3A_982, %mul3A_993 : vector<16xf32>
      %get3A_995 = arith.index_cast %add3A_975 : i32 to index
      %get3A_996 = arith.constant 80 : index
      %get3A_997 = tpu.vector_load %arg15[%get3A_995, %get3A_996] {strides = array<i32>} : memref<128x128xf32, #tpu.memory_space<vmem>>, vector<16xf32>,
      %mul3A_998 = arith.mulf %get3A_989, %get3A_997 : vector<16xf32>
      %add3A_999 = arith.addf %mul3A_986, %mul3A_998 : vector<16xf32>
      %get3A_1000 = arith.index_cast %add3A_975 : i32 to index
      %get3A_1001 = arith.constant 32 : index
      %get3A_1002 = tpu.vector_load %arg11[%get3A_1000, %get3A_1001] {strides = array<i32>} : memref<128x128xf32, #tpu.memory_space<vmem>>, vector<16xf32>,
      %get3A_1003 = arith.index_cast %add3A_975 : i32 to index
      %get3A_1004 = arith.constant 96 : index
      %get3A_1005 = tpu.vector_load %arg13[%get3A_1003, %get3A_1004] {strides = array<i32>} : memref<128x128xf32, #tpu.memory_space<vmem>>, vector<16xf32>,
      %mul3A_1006 = arith.mulf %get3A_1002, %get3A_1005 : vector<16xf32>
      %add3A_1007 = arith.addf %add3A_994, %mul3A_1006 : vector<16xf32>
      %get3A_1008 = arith.index_cast %add3A_975 : i32 to index
      %get3A_1009 = arith.constant 96 : index
      %get3A_1010 = tpu.vector_load %arg15[%get3A_1008, %get3A_1009] {strides = array<i32>} : memref<128x128xf32, #tpu.memory_space<vmem>>, vector<16xf32>,
      %mul3A_1011 = arith.mulf %get3A_1002, %get3A_1010 : vector<16xf32>
      %add3A_1012 = arith.addf %add3A_999, %mul3A_1011 : vector<16xf32>
      %get3A_1013 = arith.index_cast %add3A_975 : i32 to index
      %get3A_1014 = arith.constant 48 : index
      %get3A_1015 = tpu.vector_load %arg11[%get3A_1013, %get3A_1014] {strides = array<i32>} : memref<128x128xf32, #tpu.memory_space<vmem>>, vector<16xf32>,
      %get3A_1016 = arith.index_cast %add3A_975 : i32 to index
      %get3A_1017 = arith.constant 112 : index
      %get3A_1018 = tpu.vector_load %arg13[%get3A_1016, %get3A_1017] {strides = array<i32>} : memref<128x128xf32, #tpu.memory_space<vmem>>, vector<16xf32>,
      %mul3A_1019 = arith.mulf %get3A_1015, %get3A_1018 : vector<16xf32>
      %add3A_1020 = arith.addf %add3A_1007, %mul3A_1019 : vector<16xf32>
      %get3A_1021 = arith.index_cast %add3A_975 : i32 to index
      %get3A_1022 = arith.constant 112 : index
      %get3A_1023 = tpu.vector_load %arg15[%get3A_1021, %get3A_1022] {strides = array<i32>} : memref<128x128xf32, #tpu.memory_space<vmem>>, vector<16xf32>,
      %mul3A_1024 = arith.mulf %get3A_1015, %get3A_1023 : vector<16xf32>
      %add3A_1025 = arith.addf %add3A_1012, %mul3A_1024 : vector<16xf32>
      %add3A_1026 = arith.constant 14 : i32
      %add3A_1027 = vector.broadcast %add3A_1026 : i32 to vector<16xi32>
      %add3A_1028 = arith.addi %mul3A_7, %add3A_1027 : vector<16xi32>
      tpu.vector_store_idx %arg19[%add3A_1028], %add3A_1020 : memref<272xf32, #tpu.memory_space<vmem>>[vector<16xi32>], vector<16xf32>,
      tpu.vector_store_idx %arg20[%add3A_1028], %add3A_1025 : memref<272xf32, #tpu.memory_space<vmem>>[vector<16xi32>], vector<16xf32>,
      %add3A_1029 = arith.constant 15 : i32
      %add3A_1030 = arith.addi %mul3A_204, %add3A_1029 : i32
      %get3A_1031 = arith.index_cast %add3A_1030 : i32 to index
      %get3A_1032 = arith.constant 0 : index
      %get3A_1033 = tpu.vector_load %arg11[%get3A_1031, %get3A_1032] {strides = array<i32>} : memref<128x128xf32, #tpu.memory_space<vmem>>, vector<16xf32>,
      %get3A_1034 = arith.index_cast %add3A_1030 : i32 to index
      %get3A_1035 = arith.constant 64 : index
      %get3A_1036 = tpu.vector_load %arg13[%get3A_1034, %get3A_1035] {strides = array<i32>} : memref<128x128xf32, #tpu.memory_space<vmem>>, vector<16xf32>,
      %mul3A_1037 = arith.mulf %get3A_1033, %get3A_1036 : vector<16xf32>
      %get3A_1038 = arith.index_cast %add3A_1030 : i32 to index
      %get3A_1039 = arith.constant 64 : index
      %get3A_1040 = tpu.vector_load %arg15[%get3A_1038, %get3A_1039] {strides = array<i32>} : memref<128x128xf32, #tpu.memory_space<vmem>>, vector<16xf32>,
      %mul3A_1041 = arith.mulf %get3A_1033, %get3A_1040 : vector<16xf32>
      %get3A_1042 = arith.index_cast %add3A_1030 : i32 to index
      %get3A_1043 = arith.constant 16 : index
      %get3A_1044 = tpu.vector_load %arg11[%get3A_1042, %get3A_1043] {strides = array<i32>} : memref<128x128xf32, #tpu.memory_space<vmem>>, vector<16xf32>,
      %get3A_1045 = arith.index_cast %add3A_1030 : i32 to index
      %get3A_1046 = arith.constant 80 : index
      %get3A_1047 = tpu.vector_load %arg13[%get3A_1045, %get3A_1046] {strides = array<i32>} : memref<128x128xf32, #tpu.memory_space<vmem>>, vector<16xf32>,
      %mul3A_1048 = arith.mulf %get3A_1044, %get3A_1047 : vector<16xf32>
      %add3A_1049 = arith.addf %mul3A_1037, %mul3A_1048 : vector<16xf32>
      %get3A_1050 = arith.index_cast %add3A_1030 : i32 to index
      %get3A_1051 = arith.constant 80 : index
      %get3A_1052 = tpu.vector_load %arg15[%get3A_1050, %get3A_1051] {strides = array<i32>} : memref<128x128xf32, #tpu.memory_space<vmem>>, vector<16xf32>,
      %mul3A_1053 = arith.mulf %get3A_1044, %get3A_1052 : vector<16xf32>
      %add3A_1054 = arith.addf %mul3A_1041, %mul3A_1053 : vector<16xf32>
      %get3A_1055 = arith.index_cast %add3A_1030 : i32 to index
      %get3A_1056 = arith.constant 32 : index
      %get3A_1057 = tpu.vector_load %arg11[%get3A_1055, %get3A_1056] {strides = array<i32>} : memref<128x128xf32, #tpu.memory_space<vmem>>, vector<16xf32>,
      %get3A_1058 = arith.index_cast %add3A_1030 : i32 to index
      %get3A_1059 = arith.constant 96 : index
      %get3A_1060 = tpu.vector_load %arg13[%get3A_1058, %get3A_1059] {strides = array<i32>} : memref<128x128xf32, #tpu.memory_space<vmem>>, vector<16xf32>,
      %mul3A_1061 = arith.mulf %get3A_1057, %get3A_1060 : vector<16xf32>
      %add3A_1062 = arith.addf %add3A_1049, %mul3A_1061 : vector<16xf32>
      %get3A_1063 = arith.index_cast %add3A_1030 : i32 to index
      %get3A_1064 = arith.constant 96 : index
      %get3A_1065 = tpu.vector_load %arg15[%get3A_1063, %get3A_1064] {strides = array<i32>} : memref<128x128xf32, #tpu.memory_space<vmem>>, vector<16xf32>,
      %mul3A_1066 = arith.mulf %get3A_1057, %get3A_1065 : vector<16xf32>
      %add3A_1067 = arith.addf %add3A_1054, %mul3A_1066 : vector<16xf32>
      %get3A_1068 = arith.index_cast %add3A_1030 : i32 to index
      %get3A_1069 = arith.constant 48 : index
      %get3A_1070 = tpu.vector_load %arg11[%get3A_1068, %get3A_1069] {strides = array<i32>} : memref<128x128xf32, #tpu.memory_space<vmem>>, vector<16xf32>,
      %get3A_1071 = arith.index_cast %add3A_1030 : i32 to index
      %get3A_1072 = arith.constant 112 : index
      %get3A_1073 = tpu.vector_load %arg13[%get3A_1071, %get3A_1072] {strides = array<i32>} : memref<128x128xf32, #tpu.memory_space<vmem>>, vector<16xf32>,
      %mul3A_1074 = arith.mulf %get3A_1070, %get3A_1073 : vector<16xf32>
      %add3A_1075 = arith.addf %add3A_1062, %mul3A_1074 : vector<16xf32>
      %get3A_1076 = arith.index_cast %add3A_1030 : i32 to index
      %get3A_1077 = arith.constant 112 : index
      %get3A_1078 = tpu.vector_load %arg15[%get3A_1076, %get3A_1077] {strides = array<i32>} : memref<128x128xf32, #tpu.memory_space<vmem>>, vector<16xf32>,
      %mul3A_1079 = arith.mulf %get3A_1070, %get3A_1078 : vector<16xf32>
      %add3A_1080 = arith.addf %add3A_1067, %mul3A_1079 : vector<16xf32>
      %add3A_1081 = arith.constant 15 : i32
      %add3A_1082 = vector.broadcast %add3A_1081 : i32 to vector<16xi32>
      %add3A_1083 = arith.addi %mul3A_7, %add3A_1082 : vector<16xi32>
      tpu.vector_store_idx %arg19[%add3A_1083], %add3A_1075 : memref<272xf32, #tpu.memory_space<vmem>>[vector<16xi32>], vector<16xf32>,
      tpu.vector_store_idx %arg20[%add3A_1083], %add3A_1080 : memref<272xf32, #tpu.memory_space<vmem>>[vector<16xi32>], vector<16xf32>,
      %get3A_1084 = arith.constant 0 : index
      %get3A_1085 = tpu.vector_load %arg19[%get3A_1084] {strides = array<i32>} : memref<272xf32, #tpu.memory_space<vmem>>, vector<16xf32>,
      %get3A_1086 = arith.constant 0 : index
      %get3A_1087 = tpu.vector_load %arg20[%get3A_1086] {strides = array<i32>} : memref<272xf32, #tpu.memory_space<vmem>>, vector<16xf32>,
      %get3A_1088 = arith.constant 17 : index
      %get3A_1089 = tpu.vector_load %arg19[%get3A_1088] {strides = array<i32>} : memref<272xf32, #tpu.memory_space<vmem>>, vector<16xf32>,
      %add3A_1090 = arith.addf %get3A_1085, %get3A_1089 : vector<16xf32>
      %get3A_1091 = arith.constant 17 : index
      %get3A_1092 = tpu.vector_load %arg20[%get3A_1091] {strides = array<i32>} : memref<272xf32, #tpu.memory_space<vmem>>, vector<16xf32>,
      %add3A_1093 = arith.addf %get3A_1087, %get3A_1092 : vector<16xf32>
      %get3A_1094 = arith.constant 34 : index
      %get3A_1095 = tpu.vector_load %arg19[%get3A_1094] {strides = array<i32>} : memref<272xf32, #tpu.memory_space<vmem>>, vector<16xf32>,
      %add3A_1096 = arith.addf %add3A_1090, %get3A_1095 : vector<16xf32>
      %get3A_1097 = arith.constant 34 : index
      %get3A_1098 = tpu.vector_load %arg20[%get3A_1097] {strides = array<i32>} : memref<272xf32, #tpu.memory_space<vmem>>, vector<16xf32>,
      %add3A_1099 = arith.addf %add3A_1093, %get3A_1098 : vector<16xf32>
      %get3A_1100 = arith.constant 51 : index
      %get3A_1101 = tpu.vector_load %arg19[%get3A_1100] {strides = array<i32>} : memref<272xf32, #tpu.memory_space<vmem>>, vector<16xf32>,
      %add3A_1102 = arith.addf %add3A_1096, %get3A_1101 : vector<16xf32>
      %get3A_1103 = arith.constant 51 : index
      %get3A_1104 = tpu.vector_load %arg20[%get3A_1103] {strides = array<i32>} : memref<272xf32, #tpu.memory_space<vmem>>, vector<16xf32>,
      %add3A_1105 = arith.addf %add3A_1099, %get3A_1104 : vector<16xf32>
      %get3A_1106 = arith.constant 68 : index
      %get3A_1107 = tpu.vector_load %arg19[%get3A_1106] {strides = array<i32>} : memref<272xf32, #tpu.memory_space<vmem>>, vector<16xf32>,
      %add3A_1108 = arith.addf %add3A_1102, %get3A_1107 : vector<16xf32>
      %get3A_1109 = arith.constant 68 : index
      %get3A_1110 = tpu.vector_load %arg20[%get3A_1109] {strides = array<i32>} : memref<272xf32, #tpu.memory_space<vmem>>, vector<16xf32>,
      %add3A_1111 = arith.addf %add3A_1105, %get3A_1110 : vector<16xf32>
      %get3A_1112 = arith.constant 85 : index
      %get3A_1113 = tpu.vector_load %arg19[%get3A_1112] {strides = array<i32>} : memref<272xf32, #tpu.memory_space<vmem>>, vector<16xf32>,
      %add3A_1114 = arith.addf %add3A_1108, %get3A_1113 : vector<16xf32>
      %get3A_1115 = arith.constant 85 : index
      %get3A_1116 = tpu.vector_load %arg20[%get3A_1115] {strides = array<i32>} : memref<272xf32, #tpu.memory_space<vmem>>, vector<16xf32>,
      %add3A_1117 = arith.addf %add3A_1111, %get3A_1116 : vector<16xf32>
      %get3A_1118 = arith.constant 102 : index
      %get3A_1119 = tpu.vector_load %arg19[%get3A_1118] {strides = array<i32>} : memref<272xf32, #tpu.memory_space<vmem>>, vector<16xf32>,
      %add3A_1120 = arith.addf %add3A_1114, %get3A_1119 : vector<16xf32>
      %get3A_1121 = arith.constant 102 : index
      %get3A_1122 = tpu.vector_load %arg20[%get3A_1121] {strides = array<i32>} : memref<272xf32, #tpu.memory_space<vmem>>, vector<16xf32>,
      %add3A_1123 = arith.addf %add3A_1117, %get3A_1122 : vector<16xf32>
      %get3A_1124 = arith.constant 119 : index
      %get3A_1125 = tpu.vector_load %arg19[%get3A_1124] {strides = array<i32>} : memref<272xf32, #tpu.memory_space<vmem>>, vector<16xf32>,
      %add3A_1126 = arith.addf %add3A_1120, %get3A_1125 : vector<16xf32>
      %get3A_1127 = arith.constant 119 : index
      %get3A_1128 = tpu.vector_load %arg20[%get3A_1127] {strides = array<i32>} : memref<272xf32, #tpu.memory_space<vmem>>, vector<16xf32>,
      %add3A_1129 = arith.addf %add3A_1123, %get3A_1128 : vector<16xf32>
      %get3A_1130 = arith.constant 136 : index
      %get3A_1131 = tpu.vector_load %arg19[%get3A_1130] {strides = array<i32>} : memref<272xf32, #tpu.memory_space<vmem>>, vector<16xf32>,
      %add3A_1132 = arith.addf %add3A_1126, %get3A_1131 : vector<16xf32>
      %get3A_1133 = arith.constant 136 : index
      %get3A_1134 = tpu.vector_load %arg20[%get3A_1133] {strides = array<i32>} : memref<272xf32, #tpu.memory_space<vmem>>, vector<16xf32>,
      %add3A_1135 = arith.addf %add3A_1129, %get3A_1134 : vector<16xf32>
      %get3A_1136 = arith.constant 153 : index
      %get3A_1137 = tpu.vector_load %arg19[%get3A_1136] {strides = array<i32>} : memref<272xf32, #tpu.memory_space<vmem>>, vector<16xf32>,
      %add3A_1138 = arith.addf %add3A_1132, %get3A_1137 : vector<16xf32>
      %get3A_1139 = arith.constant 153 : index
      %get3A_1140 = tpu.vector_load %arg20[%get3A_1139] {strides = array<i32>} : memref<272xf32, #tpu.memory_space<vmem>>, vector<16xf32>,
      %add3A_1141 = arith.addf %add3A_1135, %get3A_1140 : vector<16xf32>
      %get3A_1142 = arith.constant 170 : index
      %get3A_1143 = tpu.vector_load %arg19[%get3A_1142] {strides = array<i32>} : memref<272xf32, #tpu.memory_space<vmem>>, vector<16xf32>,
      %add3A_1144 = arith.addf %add3A_1138, %get3A_1143 : vector<16xf32>
      %get3A_1145 = arith.constant 170 : index
      %get3A_1146 = tpu.vector_load %arg20[%get3A_1145] {strides = array<i32>} : memref<272xf32, #tpu.memory_space<vmem>>, vector<16xf32>,
      %add3A_1147 = arith.addf %add3A_1141, %get3A_1146 : vector<16xf32>
      %get3A_1148 = arith.constant 187 : index
      %get3A_1149 = tpu.vector_load %arg19[%get3A_1148] {strides = array<i32>} : memref<272xf32, #tpu.memory_space<vmem>>, vector<16xf32>,
      %add3A_1150 = arith.addf %add3A_1144, %get3A_1149 : vector<16xf32>
      %get3A_1151 = arith.constant 187 : index
      %get3A_1152 = tpu.vector_load %arg20[%get3A_1151] {strides = array<i32>} : memref<272xf32, #tpu.memory_space<vmem>>, vector<16xf32>,
      %add3A_1153 = arith.addf %add3A_1147, %get3A_1152 : vector<16xf32>
      %get3A_1154 = arith.constant 204 : index
      %get3A_1155 = tpu.vector_load %arg19[%get3A_1154] {strides = array<i32>} : memref<272xf32, #tpu.memory_space<vmem>>, vector<16xf32>,
      %add3A_1156 = arith.addf %add3A_1150, %get3A_1155 : vector<16xf32>
      %get3A_1157 = arith.constant 204 : index
      %get3A_1158 = tpu.vector_load %arg20[%get3A_1157] {strides = array<i32>} : memref<272xf32, #tpu.memory_space<vmem>>, vector<16xf32>,
      %add3A_1159 = arith.addf %add3A_1153, %get3A_1158 : vector<16xf32>
      %get3A_1160 = arith.constant 221 : index
      %get3A_1161 = tpu.vector_load %arg19[%get3A_1160] {strides = array<i32>} : memref<272xf32, #tpu.memory_space<vmem>>, vector<16xf32>,
      %add3A_1162 = arith.addf %add3A_1156, %get3A_1161 : vector<16xf32>
      %get3A_1163 = arith.constant 221 : index
      %get3A_1164 = tpu.vector_load %arg20[%get3A_1163] {strides = array<i32>} : memref<272xf32, #tpu.memory_space<vmem>>, vector<16xf32>,
      %add3A_1165 = arith.addf %add3A_1159, %get3A_1164 : vector<16xf32>
      %get3A_1166 = arith.constant 238 : index
      %get3A_1167 = tpu.vector_load %arg19[%get3A_1166] {strides = array<i32>} : memref<272xf32, #tpu.memory_space<vmem>>, vector<16xf32>,
      %add3A_1168 = arith.addf %add3A_1162, %get3A_1167 : vector<16xf32>
      %get3A_1169 = arith.constant 238 : index
      %get3A_1170 = tpu.vector_load %arg20[%get3A_1169] {strides = array<i32>} : memref<272xf32, #tpu.memory_space<vmem>>, vector<16xf32>,
      %add3A_1171 = arith.addf %add3A_1165, %get3A_1170 : vector<16xf32>
      %get3A_1172 = arith.constant 255 : index
      %get3A_1173 = tpu.vector_load %arg19[%get3A_1172] {strides = array<i32>} : memref<272xf32, #tpu.memory_space<vmem>>, vector<16xf32>,
      %add3A_1174 = arith.addf %add3A_1168, %get3A_1173 : vector<16xf32>
      %get3A_1175 = arith.constant 255 : index
      %get3A_1176 = tpu.vector_load %arg20[%get3A_1175] {strides = array<i32>} : memref<272xf32, #tpu.memory_space<vmem>>, vector<16xf32>,
      %add3A_1177 = arith.addf %add3A_1171, %get3A_1176 : vector<16xf32>
      %add3A_1178 = arith.constant 0 : i32
      %add3A_1179 = arith.addi %add3A_1178, %mul3A_204 : i32
      %neg3A = arith.constant 0.000000e+00 : f32
      %neg3A_1180 = vector.broadcast %neg3A : f32 to vector<16xf32>
      %neg3A_1181 = arith.subf %neg3A_1180, %add3A_1174 : vector<16xf32>
      %exp3A = math.exp %neg3A_1181 : vector<16xf32>
      %add3A_1182 = arith.constant 1.000000e+00 : f32
      %add3A_1183 = vector.broadcast %add3A_1182 : f32 to vector<16xf32>
      %add3A_1184 = arith.addf %add3A_1183, %exp3A : vector<16xf32>
      %div3A = arith.constant 1.000000e+00 : f32
      %div3A_1185 = vector.broadcast %div3A : f32 to vector<16xf32>
      %div3A_1186 = arith.divf %div3A_1185, %add3A_1184 : vector<16xf32>
      %swap3A = arith.index_cast %add3A_1179 : i32 to index
      %swap3A_1187 = tpu.vector_load %arg17[%swap3A] {strides = array<i32>} : memref<512xf32, #tpu.memory_space<vmem>>, vector<16xf32>,
      tpu.vector_store %arg17[%swap3A], %div3A_1186 {strides = array<i32>} : memref<512xf32, #tpu.memory_space<vmem>>, vector<16xf32>,
      %neg3A_1188 = arith.constant 0.000000e+00 : f32
      %neg3A_1189 = vector.broadcast %neg3A_1188 : f32 to vector<16xf32>
      %neg3A_1190 = arith.subf %neg3A_1189, %add3A_1177 : vector<16xf32>
      %exp3A_1191 = math.exp %neg3A_1190 : vector<16xf32>
      %add3A_1192 = arith.constant 1.000000e+00 : f32
      %add3A_1193 = vector.broadcast %add3A_1192 : f32 to vector<16xf32>
      %add3A_1194 = arith.addf %add3A_1193, %exp3A_1191 : vector<16xf32>
      %div3A_1195 = arith.constant 1.000000e+00 : f32
      %div3A_1196 = vector.broadcast %div3A_1195 : f32 to vector<16xf32>
      %div3A_1197 = arith.divf %div3A_1196, %add3A_1194 : vector<16xf32>
      %swap3A_1198 = arith.index_cast %add3A_1179 : i32 to index
      %swap3A_1199 = tpu.vector_load %arg18[%swap3A_1198] {strides = array<i32>} : memref<512xf32, #tpu.memory_space<vmem>>, vector<16xf32>,
      tpu.vector_store %arg18[%swap3A_1198], %div3A_1197 {strides = array<i32>} : memref<512xf32, #tpu.memory_space<vmem>>, vector<16xf32>,
      %scan3A_1200 = arith.constant 0 : i32
      scf.yield %scan3A_1200 : i32
    }
    %scan3A_74 = arith.constant 8 : i32
    %dma_start3A_75 = arith.constant 2 : i32
    %dma_start3A_76 = arith.constant 0 : i32
    %dma_start3A_77 = tpu.memref_slice %arg8[%dma_start3A_75, %dma_start3A_76] : memref<4x128xi32, #tpu.memory_space<vmem>> -> memref<1x128xi32, #tpu.memory_space<vmem>>
    %dma_start3A_78 = tpu.memref_squeeze %dma_start3A_77 : memref<1x128xi32, #tpu.memory_space<vmem>> -> memref<128xi32, #tpu.memory_space<vmem>>
    %dma_start3A_79 = arith.constant 0 : i32
    %dma_start3A_80 = arith.constant 0 : i32
    %dma_start3A_81 = tpu.memref_slice %arg5[%dma_start3A_79, %dma_start3A_80] : memref<1000000x128xf32, #tpu.memory_space<hbm>> -> memref<1000000x128xf32, #tpu.memory_space<hbm>>
    tpu.enqueue_indirect_dma source(%dma_start3A_81 : memref<1000000x128xf32, #tpu.memory_space<hbm>>) target(%arg11 : memref<128x128xf32, #tpu.memory_space<vmem>>) offsets(%dma_start3A_78 : memref<128xi32, #tpu.memory_space<vmem>>) semaphore(%arg23 : memref<!tpu.dma_semaphore, #tpu.memory_space<semaphore_mem>>)
    %dma_start3A_82 = arith.constant 2 : i32
    %dma_start3A_83 = arith.constant 0 : i32
    %dma_start3A_84 = tpu.memref_slice %arg9[%dma_start3A_82, %dma_start3A_83] : memref<4x128xi32, #tpu.memory_space<vmem>> -> memref<1x128xi32, #tpu.memory_space<vmem>>
    %dma_start3A_85 = tpu.memref_squeeze %dma_start3A_84 : memref<1x128xi32, #tpu.memory_space<vmem>> -> memref<128xi32, #tpu.memory_space<vmem>>
    %dma_start3A_86 = arith.constant 0 : i32
    %dma_start3A_87 = arith.constant 0 : i32
    %dma_start3A_88 = tpu.memref_slice %arg5[%dma_start3A_86, %dma_start3A_87] : memref<1000000x128xf32, #tpu.memory_space<hbm>> -> memref<1000000x128xf32, #tpu.memory_space<hbm>>
    tpu.enqueue_indirect_dma source(%dma_start3A_88 : memref<1000000x128xf32, #tpu.memory_space<hbm>>) target(%arg13 : memref<128x128xf32, #tpu.memory_space<vmem>>) offsets(%dma_start3A_85 : memref<128xi32, #tpu.memory_space<vmem>>) semaphore(%arg23 : memref<!tpu.dma_semaphore, #tpu.memory_space<semaphore_mem>>)
    %dma_start3A_89 = arith.constant 2 : i32
    %dma_start3A_90 = arith.constant 0 : i32
    %dma_start3A_91 = tpu.memref_slice %arg10[%dma_start3A_89, %dma_start3A_90] : memref<4x128xi32, #tpu.memory_space<vmem>> -> memref<1x128xi32, #tpu.memory_space<vmem>>
    %dma_start3A_92 = tpu.memref_squeeze %dma_start3A_91 : memref<1x128xi32, #tpu.memory_space<vmem>> -> memref<128xi32, #tpu.memory_space<vmem>>
    %dma_start3A_93 = arith.constant 0 : i32
    %dma_start3A_94 = arith.constant 0 : i32
    %dma_start3A_95 = tpu.memref_slice %arg5[%dma_start3A_93, %dma_start3A_94] : memref<1000000x128xf32, #tpu.memory_space<hbm>> -> memref<1000000x128xf32, #tpu.memory_space<hbm>>
    tpu.enqueue_indirect_dma source(%dma_start3A_95 : memref<1000000x128xf32, #tpu.memory_space<hbm>>) target(%arg15 : memref<128x128xf32, #tpu.memory_space<vmem>>) offsets(%dma_start3A_92 : memref<128xi32, #tpu.memory_space<vmem>>) semaphore(%arg23 : memref<!tpu.dma_semaphore, #tpu.memory_space<semaphore_mem>>)
    %dma_wait3A_96 = arith.constant 1 : i32
    %dma_wait3A_97 = arith.constant 0 : i32
    %dma_wait3A_98 = tpu.memref_slice %arg8[%dma_wait3A_96, %dma_wait3A_97] : memref<4x128xi32, #tpu.memory_space<vmem>> -> memref<1x128xi32, #tpu.memory_space<vmem>>
    %dma_wait3A_99 = tpu.memref_squeeze %dma_wait3A_98 : memref<1x128xi32, #tpu.memory_space<vmem>> -> memref<128xi32, #tpu.memory_space<vmem>>
    %dma_wait3A_100 = arith.constant 0 : i32
    %dma_wait3A_101 = arith.constant 0 : i32
    %dma_wait3A_102 = tpu.memref_slice %arg5[%dma_wait3A_100, %dma_wait3A_101] : memref<1000000x128xf32, #tpu.memory_space<hbm>> -> memref<1000000x128xf32, #tpu.memory_space<hbm>>
    tpu.wait_indirect_dma semaphore(%arg22 : memref<!tpu.dma_semaphore, #tpu.memory_space<semaphore_mem>>) src(%dma_wait3A_102 : memref<1000000x128xf32, #tpu.memory_space<hbm>>) dst(%arg12 : memref<128x128xf32, #tpu.memory_space<vmem>>)
    %dma_wait3A_103 = arith.constant 1 : i32
    %dma_wait3A_104 = arith.constant 0 : i32
    %dma_wait3A_105 = tpu.memref_slice %arg9[%dma_wait3A_103, %dma_wait3A_104] : memref<4x128xi32, #tpu.memory_space<vmem>> -> memref<1x128xi32, #tpu.memory_space<vmem>>
    %dma_wait3A_106 = tpu.memref_squeeze %dma_wait3A_105 : memref<1x128xi32, #tpu.memory_space<vmem>> -> memref<128xi32, #tpu.memory_space<vmem>>
    %dma_wait3A_107 = arith.constant 0 : i32
    %dma_wait3A_108 = arith.constant 0 : i32
    %dma_wait3A_109 = tpu.memref_slice %arg5[%dma_wait3A_107, %dma_wait3A_108] : memref<1000000x128xf32, #tpu.memory_space<hbm>> -> memref<1000000x128xf32, #tpu.memory_space<hbm>>
    tpu.wait_indirect_dma semaphore(%arg22 : memref<!tpu.dma_semaphore, #tpu.memory_space<semaphore_mem>>) src(%dma_wait3A_109 : memref<1000000x128xf32, #tpu.memory_space<hbm>>) dst(%arg14 : memref<128x128xf32, #tpu.memory_space<vmem>>)
    %dma_wait3A_110 = arith.constant 1 : i32
    %dma_wait3A_111 = arith.constant 0 : i32
    %dma_wait3A_112 = tpu.memref_slice %arg10[%dma_wait3A_110, %dma_wait3A_111] : memref<4x128xi32, #tpu.memory_space<vmem>> -> memref<1x128xi32, #tpu.memory_space<vmem>>
    %dma_wait3A_113 = tpu.memref_squeeze %dma_wait3A_112 : memref<1x128xi32, #tpu.memory_space<vmem>> -> memref<128xi32, #tpu.memory_space<vmem>>
    %dma_wait3A_114 = arith.constant 0 : i32
    %dma_wait3A_115 = arith.constant 0 : i32
    %dma_wait3A_116 = tpu.memref_slice %arg5[%dma_wait3A_114, %dma_wait3A_115] : memref<1000000x128xf32, #tpu.memory_space<hbm>> -> memref<1000000x128xf32, #tpu.memory_space<hbm>>
    tpu.wait_indirect_dma semaphore(%arg22 : memref<!tpu.dma_semaphore, #tpu.memory_space<semaphore_mem>>) src(%dma_wait3A_116 : memref<1000000x128xf32, #tpu.memory_space<hbm>>) dst(%arg16 : memref<128x128xf32, #tpu.memory_space<vmem>>)
    %scan3A_117 = arith.constant 0 : i32
    %scan3A_118 = arith.constant 0 : i32
    %scan3A_119 = arith.constant 8 : i32
    %scan3A_120 = arith.addi %scan3A_118, %scan3A_119 : i32
    %scan3A_121 = arith.constant 1 : i32
    %scan3A_122 = scf.for %scan3A_201 = %scan3A_118 to %scan3A_120 step %scan3A_121 iter_args(%scan3A_202 = %scan3A_117) -> (i32)  : i32 {
      %mul3A_203 = arith.constant 16 : i32
      %mul3A_204 = arith.muli %scan3A_201, %mul3A_203 : i32
      %add3A_205 = arith.constant 0 : i32
      %add3A_206 = arith.addi %mul3A_204, %add3A_205 : i32
      %get3A = arith.index_cast %add3A_206 : i32 to index
      %get3A_207 = arith.constant 0 : index
      %get3A_208 = tpu.vector_load %arg12[%get3A, %get3A_207] {strides = array<i32>} : memref<128x128xf32, #tpu.memory_space<vmem>>, vector<16xf32>,
      %get3A_209 = arith.index_cast %add3A_206 : i32 to index
      %get3A_210 = arith.constant 64 : index
      %get3A_211 = tpu.vector_load %arg14[%get3A_209, %get3A_210] {strides = array<i32>} : memref<128x128xf32, #tpu.memory_space<vmem>>, vector<16xf32>,
      %mul3A_212 = arith.mulf %get3A_208, %get3A_211 : vector<16xf32>
      %get3A_213 = arith.index_cast %add3A_206 : i32 to index
      %get3A_214 = arith.constant 64 : index
      %get3A_215 = tpu.vector_load %arg16[%get3A_213, %get3A_214] {strides = array<i32>} : memref<128x128xf32, #tpu.memory_space<vmem>>, vector<16xf32>,
      %mul3A_216 = arith.mulf %get3A_208, %get3A_215 : vector<16xf32>
      %get3A_217 = arith.index_cast %add3A_206 : i32 to index
      %get3A_218 = arith.constant 16 : index
      %get3A_219 = tpu.vector_load %arg12[%get3A_217, %get3A_218] {strides = array<i32>} : memref<128x128xf32, #tpu.memory_space<vmem>>, vector<16xf32>,
      %get3A_220 = arith.index_cast %add3A_206 : i32 to index
      %get3A_221 = arith.constant 80 : index
      %get3A_222 = tpu.vector_load %arg14[%get3A_220, %get3A_221] {strides = array<i32>} : memref<128x128xf32, #tpu.memory_space<vmem>>, vector<16xf32>,
      %mul3A_223 = arith.mulf %get3A_219, %get3A_222 : vector<16xf32>
      %add3A_224 = arith.addf %mul3A_212, %mul3A_223 : vector<16xf32>
      %get3A_225 = arith.index_cast %add3A_206 : i32 to index
      %get3A_226 = arith.constant 80 : index
      %get3A_227 = tpu.vector_load %arg16[%get3A_225, %get3A_226] {strides = array<i32>} : memref<128x128xf32, #tpu.memory_space<vmem>>, vector<16xf32>,
      %mul3A_228 = arith.mulf %get3A_219, %get3A_227 : vector<16xf32>
      %add3A_229 = arith.addf %mul3A_216, %mul3A_228 : vector<16xf32>
      %get3A_230 = arith.index_cast %add3A_206 : i32 to index
      %get3A_231 = arith.constant 32 : index
      %get3A_232 = tpu.vector_load %arg12[%get3A_230, %get3A_231] {strides = array<i32>} : memref<128x128xf32, #tpu.memory_space<vmem>>, vector<16xf32>,
      %get3A_233 = arith.index_cast %add3A_206 : i32 to index
      %get3A_234 = arith.constant 96 : index
      %get3A_235 = tpu.vector_load %arg14[%get3A_233, %get3A_234] {strides = array<i32>} : memref<128x128xf32, #tpu.memory_space<vmem>>, vector<16xf32>,
      %mul3A_236 = arith.mulf %get3A_232, %get3A_235 : vector<16xf32>
      %add3A_237 = arith.addf %add3A_224, %mul3A_236 : vector<16xf32>
      %get3A_238 = arith.index_cast %add3A_206 : i32 to index
      %get3A_239 = arith.constant 96 : index
      %get3A_240 = tpu.vector_load %arg16[%get3A_238, %get3A_239] {strides = array<i32>} : memref<128x128xf32, #tpu.memory_space<vmem>>, vector<16xf32>,
      %mul3A_241 = arith.mulf %get3A_232, %get3A_240 : vector<16xf32>
      %add3A_242 = arith.addf %add3A_229, %mul3A_241 : vector<16xf32>
      %get3A_243 = arith.index_cast %add3A_206 : i32 to index
      %get3A_244 = arith.constant 48 : index
      %get3A_245 = tpu.vector_load %arg12[%get3A_243, %get3A_244] {strides = array<i32>} : memref<128x128xf32, #tpu.memory_space<vmem>>, vector<16xf32>,
      %get3A_246 = arith.index_cast %add3A_206 : i32 to index
      %get3A_247 = arith.constant 112 : index
      %get3A_248 = tpu.vector_load %arg14[%get3A_246, %get3A_247] {strides = array<i32>} : memref<128x128xf32, #tpu.memory_space<vmem>>, vector<16xf32>,
      %mul3A_249 = arith.mulf %get3A_245, %get3A_248 : vector<16xf32>
      %add3A_250 = arith.addf %add3A_237, %mul3A_249 : vector<16xf32>
      %get3A_251 = arith.index_cast %add3A_206 : i32 to index
      %get3A_252 = arith.constant 112 : index
      %get3A_253 = tpu.vector_load %arg16[%get3A_251, %get3A_252] {strides = array<i32>} : memref<128x128xf32, #tpu.memory_space<vmem>>, vector<16xf32>,
      %mul3A_254 = arith.mulf %get3A_245, %get3A_253 : vector<16xf32>
      %add3A_255 = arith.addf %add3A_242, %mul3A_254 : vector<16xf32>
      %add3A_256 = arith.constant 0 : i32
      %add3A_257 = vector.broadcast %add3A_256 : i32 to vector<16xi32>
      %add3A_258 = arith.addi %mul3A_7, %add3A_257 : vector<16xi32>
      tpu.vector_store_idx %arg19[%add3A_258], %add3A_250 : memref<272xf32, #tpu.memory_space<vmem>>[vector<16xi32>], vector<16xf32>,
      tpu.vector_store_idx %arg20[%add3A_258], %add3A_255 : memref<272xf32, #tpu.memory_space<vmem>>[vector<16xi32>], vector<16xf32>,
      %add3A_259 = arith.constant 1 : i32
      %add3A_260 = arith.addi %mul3A_204, %add3A_259 : i32
      %get3A_261 = arith.index_cast %add3A_260 : i32 to index
      %get3A_262 = arith.constant 0 : index
      %get3A_263 = tpu.vector_load %arg12[%get3A_261, %get3A_262] {strides = array<i32>} : memref<128x128xf32, #tpu.memory_space<vmem>>, vector<16xf32>,
      %get3A_264 = arith.index_cast %add3A_260 : i32 to index
      %get3A_265 = arith.constant 64 : index
      %get3A_266 = tpu.vector_load %arg14[%get3A_264, %get3A_265] {strides = array<i32>} : memref<128x128xf32, #tpu.memory_space<vmem>>, vector<16xf32>,
      %mul3A_267 = arith.mulf %get3A_263, %get3A_266 : vector<16xf32>
      %get3A_268 = arith.index_cast %add3A_260 : i32 to index
      %get3A_269 = arith.constant 64 : index
      %get3A_270 = tpu.vector_load %arg16[%get3A_268, %get3A_269] {strides = array<i32>} : memref<128x128xf32, #tpu.memory_space<vmem>>, vector<16xf32>,
      %mul3A_271 = arith.mulf %get3A_263, %get3A_270 : vector<16xf32>
      %get3A_272 = arith.index_cast %add3A_260 : i32 to index
      %get3A_273 = arith.constant 16 : index
      %get3A_274 = tpu.vector_load %arg12[%get3A_272, %get3A_273] {strides = array<i32>} : memref<128x128xf32, #tpu.memory_space<vmem>>, vector<16xf32>,
      %get3A_275 = arith.index_cast %add3A_260 : i32 to index
      %get3A_276 = arith.constant 80 : index
      %get3A_277 = tpu.vector_load %arg14[%get3A_275, %get3A_276] {strides = array<i32>} : memref<128x128xf32, #tpu.memory_space<vmem>>, vector<16xf32>,
      %mul3A_278 = arith.mulf %get3A_274, %get3A_277 : vector<16xf32>
      %add3A_279 = arith.addf %mul3A_267, %mul3A_278 : vector<16xf32>
      %get3A_280 = arith.index_cast %add3A_260 : i32 to index
      %get3A_281 = arith.constant 80 : index
      %get3A_282 = tpu.vector_load %arg16[%get3A_280, %get3A_281] {strides = array<i32>} : memref<128x128xf32, #tpu.memory_space<vmem>>, vector<16xf32>,
      %mul3A_283 = arith.mulf %get3A_274, %get3A_282 : vector<16xf32>
      %add3A_284 = arith.addf %mul3A_271, %mul3A_283 : vector<16xf32>
      %get3A_285 = arith.index_cast %add3A_260 : i32 to index
      %get3A_286 = arith.constant 32 : index
      %get3A_287 = tpu.vector_load %arg12[%get3A_285, %get3A_286] {strides = array<i32>} : memref<128x128xf32, #tpu.memory_space<vmem>>, vector<16xf32>,
      %get3A_288 = arith.index_cast %add3A_260 : i32 to index
      %get3A_289 = arith.constant 96 : index
      %get3A_290 = tpu.vector_load %arg14[%get3A_288, %get3A_289] {strides = array<i32>} : memref<128x128xf32, #tpu.memory_space<vmem>>, vector<16xf32>,
      %mul3A_291 = arith.mulf %get3A_287, %get3A_290 : vector<16xf32>
      %add3A_292 = arith.addf %add3A_279, %mul3A_291 : vector<16xf32>
      %get3A_293 = arith.index_cast %add3A_260 : i32 to index
      %get3A_294 = arith.constant 96 : index
      %get3A_295 = tpu.vector_load %arg16[%get3A_293, %get3A_294] {strides = array<i32>} : memref<128x128xf32, #tpu.memory_space<vmem>>, vector<16xf32>,
      %mul3A_296 = arith.mulf %get3A_287, %get3A_295 : vector<16xf32>
      %add3A_297 = arith.addf %add3A_284, %mul3A_296 : vector<16xf32>
      %get3A_298 = arith.index_cast %add3A_260 : i32 to index
      %get3A_299 = arith.constant 48 : index
      %get3A_300 = tpu.vector_load %arg12[%get3A_298, %get3A_299] {strides = array<i32>} : memref<128x128xf32, #tpu.memory_space<vmem>>, vector<16xf32>,
      %get3A_301 = arith.index_cast %add3A_260 : i32 to index
      %get3A_302 = arith.constant 112 : index
      %get3A_303 = tpu.vector_load %arg14[%get3A_301, %get3A_302] {strides = array<i32>} : memref<128x128xf32, #tpu.memory_space<vmem>>, vector<16xf32>,
      %mul3A_304 = arith.mulf %get3A_300, %get3A_303 : vector<16xf32>
      %add3A_305 = arith.addf %add3A_292, %mul3A_304 : vector<16xf32>
      %get3A_306 = arith.index_cast %add3A_260 : i32 to index
      %get3A_307 = arith.constant 112 : index
      %get3A_308 = tpu.vector_load %arg16[%get3A_306, %get3A_307] {strides = array<i32>} : memref<128x128xf32, #tpu.memory_space<vmem>>, vector<16xf32>,
      %mul3A_309 = arith.mulf %get3A_300, %get3A_308 : vector<16xf32>
      %add3A_310 = arith.addf %add3A_297, %mul3A_309 : vector<16xf32>
      %add3A_311 = arith.constant 1 : i32
      %add3A_312 = vector.broadcast %add3A_311 : i32 to vector<16xi32>
      %add3A_313 = arith.addi %mul3A_7, %add3A_312 : vector<16xi32>
      tpu.vector_store_idx %arg19[%add3A_313], %add3A_305 : memref<272xf32, #tpu.memory_space<vmem>>[vector<16xi32>], vector<16xf32>,
      tpu.vector_store_idx %arg20[%add3A_313], %add3A_310 : memref<272xf32, #tpu.memory_space<vmem>>[vector<16xi32>], vector<16xf32>,
      %add3A_314 = arith.constant 2 : i32
      %add3A_315 = arith.addi %mul3A_204, %add3A_314 : i32
      %get3A_316 = arith.index_cast %add3A_315 : i32 to index
      %get3A_317 = arith.constant 0 : index
      %get3A_318 = tpu.vector_load %arg12[%get3A_316, %get3A_317] {strides = array<i32>} : memref<128x128xf32, #tpu.memory_space<vmem>>, vector<16xf32>,
      %get3A_319 = arith.index_cast %add3A_315 : i32 to index
      %get3A_320 = arith.constant 64 : index
      %get3A_321 = tpu.vector_load %arg14[%get3A_319, %get3A_320] {strides = array<i32>} : memref<128x128xf32, #tpu.memory_space<vmem>>, vector<16xf32>,
      %mul3A_322 = arith.mulf %get3A_318, %get3A_321 : vector<16xf32>
      %get3A_323 = arith.index_cast %add3A_315 : i32 to index
      %get3A_324 = arith.constant 64 : index
      %get3A_325 = tpu.vector_load %arg16[%get3A_323, %get3A_324] {strides = array<i32>} : memref<128x128xf32, #tpu.memory_space<vmem>>, vector<16xf32>,
      %mul3A_326 = arith.mulf %get3A_318, %get3A_325 : vector<16xf32>
      %get3A_327 = arith.index_cast %add3A_315 : i32 to index
      %get3A_328 = arith.constant 16 : index
      %get3A_329 = tpu.vector_load %arg12[%get3A_327, %get3A_328] {strides = array<i32>} : memref<128x128xf32, #tpu.memory_space<vmem>>, vector<16xf32>,
      %get3A_330 = arith.index_cast %add3A_315 : i32 to index
      %get3A_331 = arith.constant 80 : index
      %get3A_332 = tpu.vector_load %arg14[%get3A_330, %get3A_331] {strides = array<i32>} : memref<128x128xf32, #tpu.memory_space<vmem>>, vector<16xf32>,
      %mul3A_333 = arith.mulf %get3A_329, %get3A_332 : vector<16xf32>
      %add3A_334 = arith.addf %mul3A_322, %mul3A_333 : vector<16xf32>
      %get3A_335 = arith.index_cast %add3A_315 : i32 to index
      %get3A_336 = arith.constant 80 : index
      %get3A_337 = tpu.vector_load %arg16[%get3A_335, %get3A_336] {strides = array<i32>} : memref<128x128xf32, #tpu.memory_space<vmem>>, vector<16xf32>,
      %mul3A_338 = arith.mulf %get3A_329, %get3A_337 : vector<16xf32>
      %add3A_339 = arith.addf %mul3A_326, %mul3A_338 : vector<16xf32>
      %get3A_340 = arith.index_cast %add3A_315 : i32 to index
      %get3A_341 = arith.constant 32 : index
      %get3A_342 = tpu.vector_load %arg12[%get3A_340, %get3A_341] {strides = array<i32>} : memref<128x128xf32, #tpu.memory_space<vmem>>, vector<16xf32>,
      %get3A_343 = arith.index_cast %add3A_315 : i32 to index
      %get3A_344 = arith.constant 96 : index
      %get3A_345 = tpu.vector_load %arg14[%get3A_343, %get3A_344] {strides = array<i32>} : memref<128x128xf32, #tpu.memory_space<vmem>>, vector<16xf32>,
      %mul3A_346 = arith.mulf %get3A_342, %get3A_345 : vector<16xf32>
      %add3A_347 = arith.addf %add3A_334, %mul3A_346 : vector<16xf32>
      %get3A_348 = arith.index_cast %add3A_315 : i32 to index
      %get3A_349 = arith.constant 96 : index
      %get3A_350 = tpu.vector_load %arg16[%get3A_348, %get3A_349] {strides = array<i32>} : memref<128x128xf32, #tpu.memory_space<vmem>>, vector<16xf32>,
      %mul3A_351 = arith.mulf %get3A_342, %get3A_350 : vector<16xf32>
      %add3A_352 = arith.addf %add3A_339, %mul3A_351 : vector<16xf32>
      %get3A_353 = arith.index_cast %add3A_315 : i32 to index
      %get3A_354 = arith.constant 48 : index
      %get3A_355 = tpu.vector_load %arg12[%get3A_353, %get3A_354] {strides = array<i32>} : memref<128x128xf32, #tpu.memory_space<vmem>>, vector<16xf32>,
      %get3A_356 = arith.index_cast %add3A_315 : i32 to index
      %get3A_357 = arith.constant 112 : index
      %get3A_358 = tpu.vector_load %arg14[%get3A_356, %get3A_357] {strides = array<i32>} : memref<128x128xf32, #tpu.memory_space<vmem>>, vector<16xf32>,
      %mul3A_359 = arith.mulf %get3A_355, %get3A_358 : vector<16xf32>
      %add3A_360 = arith.addf %add3A_347, %mul3A_359 : vector<16xf32>
      %get3A_361 = arith.index_cast %add3A_315 : i32 to index
      %get3A_362 = arith.constant 112 : index
      %get3A_363 = tpu.vector_load %arg16[%get3A_361, %get3A_362] {strides = array<i32>} : memref<128x128xf32, #tpu.memory_space<vmem>>, vector<16xf32>,
      %mul3A_364 = arith.mulf %get3A_355, %get3A_363 : vector<16xf32>
      %add3A_365 = arith.addf %add3A_352, %mul3A_364 : vector<16xf32>
      %add3A_366 = arith.constant 2 : i32
      %add3A_367 = vector.broadcast %add3A_366 : i32 to vector<16xi32>
      %add3A_368 = arith.addi %mul3A_7, %add3A_367 : vector<16xi32>
      tpu.vector_store_idx %arg19[%add3A_368], %add3A_360 : memref<272xf32, #tpu.memory_space<vmem>>[vector<16xi32>], vector<16xf32>,
      tpu.vector_store_idx %arg20[%add3A_368], %add3A_365 : memref<272xf32, #tpu.memory_space<vmem>>[vector<16xi32>], vector<16xf32>,
      %add3A_369 = arith.constant 3 : i32
      %add3A_370 = arith.addi %mul3A_204, %add3A_369 : i32
      %get3A_371 = arith.index_cast %add3A_370 : i32 to index
      %get3A_372 = arith.constant 0 : index
      %get3A_373 = tpu.vector_load %arg12[%get3A_371, %get3A_372] {strides = array<i32>} : memref<128x128xf32, #tpu.memory_space<vmem>>, vector<16xf32>,
      %get3A_374 = arith.index_cast %add3A_370 : i32 to index
      %get3A_375 = arith.constant 64 : index
      %get3A_376 = tpu.vector_load %arg14[%get3A_374, %get3A_375] {strides = array<i32>} : memref<128x128xf32, #tpu.memory_space<vmem>>, vector<16xf32>,
      %mul3A_377 = arith.mulf %get3A_373, %get3A_376 : vector<16xf32>
      %get3A_378 = arith.index_cast %add3A_370 : i32 to index
      %get3A_379 = arith.constant 64 : index
      %get3A_380 = tpu.vector_load %arg16[%get3A_378, %get3A_379] {strides = array<i32>} : memref<128x128xf32, #tpu.memory_space<vmem>>, vector<16xf32>,
      %mul3A_381 = arith.mulf %get3A_373, %get3A_380 : vector<16xf32>
      %get3A_382 = arith.index_cast %add3A_370 : i32 to index
      %get3A_383 = arith.constant 16 : index
      %get3A_384 = tpu.vector_load %arg12[%get3A_382, %get3A_383] {strides = array<i32>} : memref<128x128xf32, #tpu.memory_space<vmem>>, vector<16xf32>,
      %get3A_385 = arith.index_cast %add3A_370 : i32 to index
      %get3A_386 = arith.constant 80 : index
      %get3A_387 = tpu.vector_load %arg14[%get3A_385, %get3A_386] {strides = array<i32>} : memref<128x128xf32, #tpu.memory_space<vmem>>, vector<16xf32>,
      %mul3A_388 = arith.mulf %get3A_384, %get3A_387 : vector<16xf32>
      %add3A_389 = arith.addf %mul3A_377, %mul3A_388 : vector<16xf32>
      %get3A_390 = arith.index_cast %add3A_370 : i32 to index
      %get3A_391 = arith.constant 80 : index
      %get3A_392 = tpu.vector_load %arg16[%get3A_390, %get3A_391] {strides = array<i32>} : memref<128x128xf32, #tpu.memory_space<vmem>>, vector<16xf32>,
      %mul3A_393 = arith.mulf %get3A_384, %get3A_392 : vector<16xf32>
      %add3A_394 = arith.addf %mul3A_381, %mul3A_393 : vector<16xf32>
      %get3A_395 = arith.index_cast %add3A_370 : i32 to index
      %get3A_396 = arith.constant 32 : index
      %get3A_397 = tpu.vector_load %arg12[%get3A_395, %get3A_396] {strides = array<i32>} : memref<128x128xf32, #tpu.memory_space<vmem>>, vector<16xf32>,
      %get3A_398 = arith.index_cast %add3A_370 : i32 to index
      %get3A_399 = arith.constant 96 : index
      %get3A_400 = tpu.vector_load %arg14[%get3A_398, %get3A_399] {strides = array<i32>} : memref<128x128xf32, #tpu.memory_space<vmem>>, vector<16xf32>,
      %mul3A_401 = arith.mulf %get3A_397, %get3A_400 : vector<16xf32>
      %add3A_402 = arith.addf %add3A_389, %mul3A_401 : vector<16xf32>
      %get3A_403 = arith.index_cast %add3A_370 : i32 to index
      %get3A_404 = arith.constant 96 : index
      %get3A_405 = tpu.vector_load %arg16[%get3A_403, %get3A_404] {strides = array<i32>} : memref<128x128xf32, #tpu.memory_space<vmem>>, vector<16xf32>,
      %mul3A_406 = arith.mulf %get3A_397, %get3A_405 : vector<16xf32>
      %add3A_407 = arith.addf %add3A_394, %mul3A_406 : vector<16xf32>
      %get3A_408 = arith.index_cast %add3A_370 : i32 to index
      %get3A_409 = arith.constant 48 : index
      %get3A_410 = tpu.vector_load %arg12[%get3A_408, %get3A_409] {strides = array<i32>} : memref<128x128xf32, #tpu.memory_space<vmem>>, vector<16xf32>,
      %get3A_411 = arith.index_cast %add3A_370 : i32 to index
      %get3A_412 = arith.constant 112 : index
      %get3A_413 = tpu.vector_load %arg14[%get3A_411, %get3A_412] {strides = array<i32>} : memref<128x128xf32, #tpu.memory_space<vmem>>, vector<16xf32>,
      %mul3A_414 = arith.mulf %get3A_410, %get3A_413 : vector<16xf32>
      %add3A_415 = arith.addf %add3A_402, %mul3A_414 : vector<16xf32>
      %get3A_416 = arith.index_cast %add3A_370 : i32 to index
      %get3A_417 = arith.constant 112 : index
      %get3A_418 = tpu.vector_load %arg16[%get3A_416, %get3A_417] {strides = array<i32>} : memref<128x128xf32, #tpu.memory_space<vmem>>, vector<16xf32>,
      %mul3A_419 = arith.mulf %get3A_410, %get3A_418 : vector<16xf32>
      %add3A_420 = arith.addf %add3A_407, %mul3A_419 : vector<16xf32>
      %add3A_421 = arith.constant 3 : i32
      %add3A_422 = vector.broadcast %add3A_421 : i32 to vector<16xi32>
      %add3A_423 = arith.addi %mul3A_7, %add3A_422 : vector<16xi32>
      tpu.vector_store_idx %arg19[%add3A_423], %add3A_415 : memref<272xf32, #tpu.memory_space<vmem>>[vector<16xi32>], vector<16xf32>,
      tpu.vector_store_idx %arg20[%add3A_423], %add3A_420 : memref<272xf32, #tpu.memory_space<vmem>>[vector<16xi32>], vector<16xf32>,
      %add3A_424 = arith.constant 4 : i32
      %add3A_425 = arith.addi %mul3A_204, %add3A_424 : i32
      %get3A_426 = arith.index_cast %add3A_425 : i32 to index
      %get3A_427 = arith.constant 0 : index
      %get3A_428 = tpu.vector_load %arg12[%get3A_426, %get3A_427] {strides = array<i32>} : memref<128x128xf32, #tpu.memory_space<vmem>>, vector<16xf32>,
      %get3A_429 = arith.index_cast %add3A_425 : i32 to index
      %get3A_430 = arith.constant 64 : index
      %get3A_431 = tpu.vector_load %arg14[%get3A_429, %get3A_430] {strides = array<i32>} : memref<128x128xf32, #tpu.memory_space<vmem>>, vector<16xf32>,
      %mul3A_432 = arith.mulf %get3A_428, %get3A_431 : vector<16xf32>
      %get3A_433 = arith.index_cast %add3A_425 : i32 to index
      %get3A_434 = arith.constant 64 : index
      %get3A_435 = tpu.vector_load %arg16[%get3A_433, %get3A_434] {strides = array<i32>} : memref<128x128xf32, #tpu.memory_space<vmem>>, vector<16xf32>,
      %mul3A_436 = arith.mulf %get3A_428, %get3A_435 : vector<16xf32>
      %get3A_437 = arith.index_cast %add3A_425 : i32 to index
      %get3A_438 = arith.constant 16 : index
      %get3A_439 = tpu.vector_load %arg12[%get3A_437, %get3A_438] {strides = array<i32>} : memref<128x128xf32, #tpu.memory_space<vmem>>, vector<16xf32>,
      %get3A_440 = arith.index_cast %add3A_425 : i32 to index
      %get3A_441 = arith.constant 80 : index
      %get3A_442 = tpu.vector_load %arg14[%get3A_440, %get3A_441] {strides = array<i32>} : memref<128x128xf32, #tpu.memory_space<vmem>>, vector<16xf32>,
      %mul3A_443 = arith.mulf %get3A_439, %get3A_442 : vector<16xf32>
      %add3A_444 = arith.addf %mul3A_432, %mul3A_443 : vector<16xf32>
      %get3A_445 = arith.index_cast %add3A_425 : i32 to index
      %get3A_446 = arith.constant 80 : index
      %get3A_447 = tpu.vector_load %arg16[%get3A_445, %get3A_446] {strides = array<i32>} : memref<128x128xf32, #tpu.memory_space<vmem>>, vector<16xf32>,
      %mul3A_448 = arith.mulf %get3A_439, %get3A_447 : vector<16xf32>
      %add3A_449 = arith.addf %mul3A_436, %mul3A_448 : vector<16xf32>
      %get3A_450 = arith.index_cast %add3A_425 : i32 to index
      %get3A_451 = arith.constant 32 : index
      %get3A_452 = tpu.vector_load %arg12[%get3A_450, %get3A_451] {strides = array<i32>} : memref<128x128xf32, #tpu.memory_space<vmem>>, vector<16xf32>,
      %get3A_453 = arith.index_cast %add3A_425 : i32 to index
      %get3A_454 = arith.constant 96 : index
      %get3A_455 = tpu.vector_load %arg14[%get3A_453, %get3A_454] {strides = array<i32>} : memref<128x128xf32, #tpu.memory_space<vmem>>, vector<16xf32>,
      %mul3A_456 = arith.mulf %get3A_452, %get3A_455 : vector<16xf32>
      %add3A_457 = arith.addf %add3A_444, %mul3A_456 : vector<16xf32>
      %get3A_458 = arith.index_cast %add3A_425 : i32 to index
      %get3A_459 = arith.constant 96 : index
      %get3A_460 = tpu.vector_load %arg16[%get3A_458, %get3A_459] {strides = array<i32>} : memref<128x128xf32, #tpu.memory_space<vmem>>, vector<16xf32>,
      %mul3A_461 = arith.mulf %get3A_452, %get3A_460 : vector<16xf32>
      %add3A_462 = arith.addf %add3A_449, %mul3A_461 : vector<16xf32>
      %get3A_463 = arith.index_cast %add3A_425 : i32 to index
      %get3A_464 = arith.constant 48 : index
      %get3A_465 = tpu.vector_load %arg12[%get3A_463, %get3A_464] {strides = array<i32>} : memref<128x128xf32, #tpu.memory_space<vmem>>, vector<16xf32>,
      %get3A_466 = arith.index_cast %add3A_425 : i32 to index
      %get3A_467 = arith.constant 112 : index
      %get3A_468 = tpu.vector_load %arg14[%get3A_466, %get3A_467] {strides = array<i32>} : memref<128x128xf32, #tpu.memory_space<vmem>>, vector<16xf32>,
      %mul3A_469 = arith.mulf %get3A_465, %get3A_468 : vector<16xf32>
      %add3A_470 = arith.addf %add3A_457, %mul3A_469 : vector<16xf32>
      %get3A_471 = arith.index_cast %add3A_425 : i32 to index
      %get3A_472 = arith.constant 112 : index
      %get3A_473 = tpu.vector_load %arg16[%get3A_471, %get3A_472] {strides = array<i32>} : memref<128x128xf32, #tpu.memory_space<vmem>>, vector<16xf32>,
      %mul3A_474 = arith.mulf %get3A_465, %get3A_473 : vector<16xf32>
      %add3A_475 = arith.addf %add3A_462, %mul3A_474 : vector<16xf32>
      %add3A_476 = arith.constant 4 : i32
      %add3A_477 = vector.broadcast %add3A_476 : i32 to vector<16xi32>
      %add3A_478 = arith.addi %mul3A_7, %add3A_477 : vector<16xi32>
      tpu.vector_store_idx %arg19[%add3A_478], %add3A_470 : memref<272xf32, #tpu.memory_space<vmem>>[vector<16xi32>], vector<16xf32>,
      tpu.vector_store_idx %arg20[%add3A_478], %add3A_475 : memref<272xf32, #tpu.memory_space<vmem>>[vector<16xi32>], vector<16xf32>,
      %add3A_479 = arith.constant 5 : i32
      %add3A_480 = arith.addi %mul3A_204, %add3A_479 : i32
      %get3A_481 = arith.index_cast %add3A_480 : i32 to index
      %get3A_482 = arith.constant 0 : index
      %get3A_483 = tpu.vector_load %arg12[%get3A_481, %get3A_482] {strides = array<i32>} : memref<128x128xf32, #tpu.memory_space<vmem>>, vector<16xf32>,
      %get3A_484 = arith.index_cast %add3A_480 : i32 to index
      %get3A_485 = arith.constant 64 : index
      %get3A_486 = tpu.vector_load %arg14[%get3A_484, %get3A_485] {strides = array<i32>} : memref<128x128xf32, #tpu.memory_space<vmem>>, vector<16xf32>,
      %mul3A_487 = arith.mulf %get3A_483, %get3A_486 : vector<16xf32>
      %get3A_488 = arith.index_cast %add3A_480 : i32 to index
      %get3A_489 = arith.constant 64 : index
      %get3A_490 = tpu.vector_load %arg16[%get3A_488, %get3A_489] {strides = array<i32>} : memref<128x128xf32, #tpu.memory_space<vmem>>, vector<16xf32>,
      %mul3A_491 = arith.mulf %get3A_483, %get3A_490 : vector<16xf32>
      %get3A_492 = arith.index_cast %add3A_480 : i32 to index
      %get3A_493 = arith.constant 16 : index
      %get3A_494 = tpu.vector_load %arg12[%get3A_492, %get3A_493] {strides = array<i32>} : memref<128x128xf32, #tpu.memory_space<vmem>>, vector<16xf32>,
      %get3A_495 = arith.index_cast %add3A_480 : i32 to index
      %get3A_496 = arith.constant 80 : index
      %get3A_497 = tpu.vector_load %arg14[%get3A_495, %get3A_496] {strides = array<i32>} : memref<128x128xf32, #tpu.memory_space<vmem>>, vector<16xf32>,
      %mul3A_498 = arith.mulf %get3A_494, %get3A_497 : vector<16xf32>
      %add3A_499 = arith.addf %mul3A_487, %mul3A_498 : vector<16xf32>
      %get3A_500 = arith.index_cast %add3A_480 : i32 to index
      %get3A_501 = arith.constant 80 : index
      %get3A_502 = tpu.vector_load %arg16[%get3A_500, %get3A_501] {strides = array<i32>} : memref<128x128xf32, #tpu.memory_space<vmem>>, vector<16xf32>,
      %mul3A_503 = arith.mulf %get3A_494, %get3A_502 : vector<16xf32>
      %add3A_504 = arith.addf %mul3A_491, %mul3A_503 : vector<16xf32>
      %get3A_505 = arith.index_cast %add3A_480 : i32 to index
      %get3A_506 = arith.constant 32 : index
      %get3A_507 = tpu.vector_load %arg12[%get3A_505, %get3A_506] {strides = array<i32>} : memref<128x128xf32, #tpu.memory_space<vmem>>, vector<16xf32>,
      %get3A_508 = arith.index_cast %add3A_480 : i32 to index
      %get3A_509 = arith.constant 96 : index
      %get3A_510 = tpu.vector_load %arg14[%get3A_508, %get3A_509] {strides = array<i32>} : memref<128x128xf32, #tpu.memory_space<vmem>>, vector<16xf32>,
      %mul3A_511 = arith.mulf %get3A_507, %get3A_510 : vector<16xf32>
      %add3A_512 = arith.addf %add3A_499, %mul3A_511 : vector<16xf32>
      %get3A_513 = arith.index_cast %add3A_480 : i32 to index
      %get3A_514 = arith.constant 96 : index
      %get3A_515 = tpu.vector_load %arg16[%get3A_513, %get3A_514] {strides = array<i32>} : memref<128x128xf32, #tpu.memory_space<vmem>>, vector<16xf32>,
      %mul3A_516 = arith.mulf %get3A_507, %get3A_515 : vector<16xf32>
      %add3A_517 = arith.addf %add3A_504, %mul3A_516 : vector<16xf32>
      %get3A_518 = arith.index_cast %add3A_480 : i32 to index
      %get3A_519 = arith.constant 48 : index
      %get3A_520 = tpu.vector_load %arg12[%get3A_518, %get3A_519] {strides = array<i32>} : memref<128x128xf32, #tpu.memory_space<vmem>>, vector<16xf32>,
      %get3A_521 = arith.index_cast %add3A_480 : i32 to index
      %get3A_522 = arith.constant 112 : index
      %get3A_523 = tpu.vector_load %arg14[%get3A_521, %get3A_522] {strides = array<i32>} : memref<128x128xf32, #tpu.memory_space<vmem>>, vector<16xf32>,
      %mul3A_524 = arith.mulf %get3A_520, %get3A_523 : vector<16xf32>
      %add3A_525 = arith.addf %add3A_512, %mul3A_524 : vector<16xf32>
      %get3A_526 = arith.index_cast %add3A_480 : i32 to index
      %get3A_527 = arith.constant 112 : index
      %get3A_528 = tpu.vector_load %arg16[%get3A_526, %get3A_527] {strides = array<i32>} : memref<128x128xf32, #tpu.memory_space<vmem>>, vector<16xf32>,
      %mul3A_529 = arith.mulf %get3A_520, %get3A_528 : vector<16xf32>
      %add3A_530 = arith.addf %add3A_517, %mul3A_529 : vector<16xf32>
      %add3A_531 = arith.constant 5 : i32
      %add3A_532 = vector.broadcast %add3A_531 : i32 to vector<16xi32>
      %add3A_533 = arith.addi %mul3A_7, %add3A_532 : vector<16xi32>
      tpu.vector_store_idx %arg19[%add3A_533], %add3A_525 : memref<272xf32, #tpu.memory_space<vmem>>[vector<16xi32>], vector<16xf32>,
      tpu.vector_store_idx %arg20[%add3A_533], %add3A_530 : memref<272xf32, #tpu.memory_space<vmem>>[vector<16xi32>], vector<16xf32>,
      %add3A_534 = arith.constant 6 : i32
      %add3A_535 = arith.addi %mul3A_204, %add3A_534 : i32
      %get3A_536 = arith.index_cast %add3A_535 : i32 to index
      %get3A_537 = arith.constant 0 : index
      %get3A_538 = tpu.vector_load %arg12[%get3A_536, %get3A_537] {strides = array<i32>} : memref<128x128xf32, #tpu.memory_space<vmem>>, vector<16xf32>,
      %get3A_539 = arith.index_cast %add3A_535 : i32 to index
      %get3A_540 = arith.constant 64 : index
      %get3A_541 = tpu.vector_load %arg14[%get3A_539, %get3A_540] {strides = array<i32>} : memref<128x128xf32, #tpu.memory_space<vmem>>, vector<16xf32>,
      %mul3A_542 = arith.mulf %get3A_538, %get3A_541 : vector<16xf32>
      %get3A_543 = arith.index_cast %add3A_535 : i32 to index
      %get3A_544 = arith.constant 64 : index
      %get3A_545 = tpu.vector_load %arg16[%get3A_543, %get3A_544] {strides = array<i32>} : memref<128x128xf32, #tpu.memory_space<vmem>>, vector<16xf32>,
      %mul3A_546 = arith.mulf %get3A_538, %get3A_545 : vector<16xf32>
      %get3A_547 = arith.index_cast %add3A_535 : i32 to index
      %get3A_548 = arith.constant 16 : index
      %get3A_549 = tpu.vector_load %arg12[%get3A_547, %get3A_548] {strides = array<i32>} : memref<128x128xf32, #tpu.memory_space<vmem>>, vector<16xf32>,
      %get3A_550 = arith.index_cast %add3A_535 : i32 to index
      %get3A_551 = arith.constant 80 : index
      %get3A_552 = tpu.vector_load %arg14[%get3A_550, %get3A_551] {strides = array<i32>} : memref<128x128xf32, #tpu.memory_space<vmem>>, vector<16xf32>,
      %mul3A_553 = arith.mulf %get3A_549, %get3A_552 : vector<16xf32>
      %add3A_554 = arith.addf %mul3A_542, %mul3A_553 : vector<16xf32>
      %get3A_555 = arith.index_cast %add3A_535 : i32 to index
      %get3A_556 = arith.constant 80 : index
      %get3A_557 = tpu.vector_load %arg16[%get3A_555, %get3A_556] {strides = array<i32>} : memref<128x128xf32, #tpu.memory_space<vmem>>, vector<16xf32>,
      %mul3A_558 = arith.mulf %get3A_549, %get3A_557 : vector<16xf32>
      %add3A_559 = arith.addf %mul3A_546, %mul3A_558 : vector<16xf32>
      %get3A_560 = arith.index_cast %add3A_535 : i32 to index
      %get3A_561 = arith.constant 32 : index
      %get3A_562 = tpu.vector_load %arg12[%get3A_560, %get3A_561] {strides = array<i32>} : memref<128x128xf32, #tpu.memory_space<vmem>>, vector<16xf32>,
      %get3A_563 = arith.index_cast %add3A_535 : i32 to index
      %get3A_564 = arith.constant 96 : index
      %get3A_565 = tpu.vector_load %arg14[%get3A_563, %get3A_564] {strides = array<i32>} : memref<128x128xf32, #tpu.memory_space<vmem>>, vector<16xf32>,
      %mul3A_566 = arith.mulf %get3A_562, %get3A_565 : vector<16xf32>
      %add3A_567 = arith.addf %add3A_554, %mul3A_566 : vector<16xf32>
      %get3A_568 = arith.index_cast %add3A_535 : i32 to index
      %get3A_569 = arith.constant 96 : index
      %get3A_570 = tpu.vector_load %arg16[%get3A_568, %get3A_569] {strides = array<i32>} : memref<128x128xf32, #tpu.memory_space<vmem>>, vector<16xf32>,
      %mul3A_571 = arith.mulf %get3A_562, %get3A_570 : vector<16xf32>
      %add3A_572 = arith.addf %add3A_559, %mul3A_571 : vector<16xf32>
      %get3A_573 = arith.index_cast %add3A_535 : i32 to index
      %get3A_574 = arith.constant 48 : index
      %get3A_575 = tpu.vector_load %arg12[%get3A_573, %get3A_574] {strides = array<i32>} : memref<128x128xf32, #tpu.memory_space<vmem>>, vector<16xf32>,
      %get3A_576 = arith.index_cast %add3A_535 : i32 to index
      %get3A_577 = arith.constant 112 : index
      %get3A_578 = tpu.vector_load %arg14[%get3A_576, %get3A_577] {strides = array<i32>} : memref<128x128xf32, #tpu.memory_space<vmem>>, vector<16xf32>,
      %mul3A_579 = arith.mulf %get3A_575, %get3A_578 : vector<16xf32>
      %add3A_580 = arith.addf %add3A_567, %mul3A_579 : vector<16xf32>
      %get3A_581 = arith.index_cast %add3A_535 : i32 to index
      %get3A_582 = arith.constant 112 : index
      %get3A_583 = tpu.vector_load %arg16[%get3A_581, %get3A_582] {strides = array<i32>} : memref<128x128xf32, #tpu.memory_space<vmem>>, vector<16xf32>,
      %mul3A_584 = arith.mulf %get3A_575, %get3A_583 : vector<16xf32>
      %add3A_585 = arith.addf %add3A_572, %mul3A_584 : vector<16xf32>
      %add3A_586 = arith.constant 6 : i32
      %add3A_587 = vector.broadcast %add3A_586 : i32 to vector<16xi32>
      %add3A_588 = arith.addi %mul3A_7, %add3A_587 : vector<16xi32>
      tpu.vector_store_idx %arg19[%add3A_588], %add3A_580 : memref<272xf32, #tpu.memory_space<vmem>>[vector<16xi32>], vector<16xf32>,
      tpu.vector_store_idx %arg20[%add3A_588], %add3A_585 : memref<272xf32, #tpu.memory_space<vmem>>[vector<16xi32>], vector<16xf32>,
      %add3A_589 = arith.constant 7 : i32
      %add3A_590 = arith.addi %mul3A_204, %add3A_589 : i32
      %get3A_591 = arith.index_cast %add3A_590 : i32 to index
      %get3A_592 = arith.constant 0 : index
      %get3A_593 = tpu.vector_load %arg12[%get3A_591, %get3A_592] {strides = array<i32>} : memref<128x128xf32, #tpu.memory_space<vmem>>, vector<16xf32>,
      %get3A_594 = arith.index_cast %add3A_590 : i32 to index
      %get3A_595 = arith.constant 64 : index
      %get3A_596 = tpu.vector_load %arg14[%get3A_594, %get3A_595] {strides = array<i32>} : memref<128x128xf32, #tpu.memory_space<vmem>>, vector<16xf32>,
      %mul3A_597 = arith.mulf %get3A_593, %get3A_596 : vector<16xf32>
      %get3A_598 = arith.index_cast %add3A_590 : i32 to index
      %get3A_599 = arith.constant 64 : index
      %get3A_600 = tpu.vector_load %arg16[%get3A_598, %get3A_599] {strides = array<i32>} : memref<128x128xf32, #tpu.memory_space<vmem>>, vector<16xf32>,
      %mul3A_601 = arith.mulf %get3A_593, %get3A_600 : vector<16xf32>
      %get3A_602 = arith.index_cast %add3A_590 : i32 to index
      %get3A_603 = arith.constant 16 : index
      %get3A_604 = tpu.vector_load %arg12[%get3A_602, %get3A_603] {strides = array<i32>} : memref<128x128xf32, #tpu.memory_space<vmem>>, vector<16xf32>,
      %get3A_605 = arith.index_cast %add3A_590 : i32 to index
      %get3A_606 = arith.constant 80 : index
      %get3A_607 = tpu.vector_load %arg14[%get3A_605, %get3A_606] {strides = array<i32>} : memref<128x128xf32, #tpu.memory_space<vmem>>, vector<16xf32>,
      %mul3A_608 = arith.mulf %get3A_604, %get3A_607 : vector<16xf32>
      %add3A_609 = arith.addf %mul3A_597, %mul3A_608 : vector<16xf32>
      %get3A_610 = arith.index_cast %add3A_590 : i32 to index
      %get3A_611 = arith.constant 80 : index
      %get3A_612 = tpu.vector_load %arg16[%get3A_610, %get3A_611] {strides = array<i32>} : memref<128x128xf32, #tpu.memory_space<vmem>>, vector<16xf32>,
      %mul3A_613 = arith.mulf %get3A_604, %get3A_612 : vector<16xf32>
      %add3A_614 = arith.addf %mul3A_601, %mul3A_613 : vector<16xf32>
      %get3A_615 = arith.index_cast %add3A_590 : i32 to index
      %get3A_616 = arith.constant 32 : index
      %get3A_617 = tpu.vector_load %arg12[%get3A_615, %get3A_616] {strides = array<i32>} : memref<128x128xf32, #tpu.memory_space<vmem>>, vector<16xf32>,
      %get3A_618 = arith.index_cast %add3A_590 : i32 to index
      %get3A_619 = arith.constant 96 : index
      %get3A_620 = tpu.vector_load %arg14[%get3A_618, %get3A_619] {strides = array<i32>} : memref<128x128xf32, #tpu.memory_space<vmem>>, vector<16xf32>,
      %mul3A_621 = arith.mulf %get3A_617, %get3A_620 : vector<16xf32>
      %add3A_622 = arith.addf %add3A_609, %mul3A_621 : vector<16xf32>
      %get3A_623 = arith.index_cast %add3A_590 : i32 to index
      %get3A_624 = arith.constant 96 : index
      %get3A_625 = tpu.vector_load %arg16[%get3A_623, %get3A_624] {strides = array<i32>} : memref<128x128xf32, #tpu.memory_space<vmem>>, vector<16xf32>,
      %mul3A_626 = arith.mulf %get3A_617, %get3A_625 : vector<16xf32>
      %add3A_627 = arith.addf %add3A_614, %mul3A_626 : vector<16xf32>
      %get3A_628 = arith.index_cast %add3A_590 : i32 to index
      %get3A_629 = arith.constant 48 : index
      %get3A_630 = tpu.vector_load %arg12[%get3A_628, %get3A_629] {strides = array<i32>} : memref<128x128xf32, #tpu.memory_space<vmem>>, vector<16xf32>,
      %get3A_631 = arith.index_cast %add3A_590 : i32 to index
      %get3A_632 = arith.constant 112 : index
      %get3A_633 = tpu.vector_load %arg14[%get3A_631, %get3A_632] {strides = array<i32>} : memref<128x128xf32, #tpu.memory_space<vmem>>, vector<16xf32>,
      %mul3A_634 = arith.mulf %get3A_630, %get3A_633 : vector<16xf32>
      %add3A_635 = arith.addf %add3A_622, %mul3A_634 : vector<16xf32>
      %get3A_636 = arith.index_cast %add3A_590 : i32 to index
      %get3A_637 = arith.constant 112 : index
      %get3A_638 = tpu.vector_load %arg16[%get3A_636, %get3A_637] {strides = array<i32>} : memref<128x128xf32, #tpu.memory_space<vmem>>, vector<16xf32>,
      %mul3A_639 = arith.mulf %get3A_630, %get3A_638 : vector<16xf32>
      %add3A_640 = arith.addf %add3A_627, %mul3A_639 : vector<16xf32>
      %add3A_641 = arith.constant 7 : i32
      %add3A_642 = vector.broadcast %add3A_641 : i32 to vector<16xi32>
      %add3A_643 = arith.addi %mul3A_7, %add3A_642 : vector<16xi32>
      tpu.vector_store_idx %arg19[%add3A_643], %add3A_635 : memref<272xf32, #tpu.memory_space<vmem>>[vector<16xi32>], vector<16xf32>,
      tpu.vector_store_idx %arg20[%add3A_643], %add3A_640 : memref<272xf32, #tpu.memory_space<vmem>>[vector<16xi32>], vector<16xf32>,
      %add3A_644 = arith.constant 8 : i32
      %add3A_645 = arith.addi %mul3A_204, %add3A_644 : i32
      %get3A_646 = arith.index_cast %add3A_645 : i32 to index
      %get3A_647 = arith.constant 0 : index
      %get3A_648 = tpu.vector_load %arg12[%get3A_646, %get3A_647] {strides = array<i32>} : memref<128x128xf32, #tpu.memory_space<vmem>>, vector<16xf32>,
      %get3A_649 = arith.index_cast %add3A_645 : i32 to index
      %get3A_650 = arith.constant 64 : index
      %get3A_651 = tpu.vector_load %arg14[%get3A_649, %get3A_650] {strides = array<i32>} : memref<128x128xf32, #tpu.memory_space<vmem>>, vector<16xf32>,
      %mul3A_652 = arith.mulf %get3A_648, %get3A_651 : vector<16xf32>
      %get3A_653 = arith.index_cast %add3A_645 : i32 to index
      %get3A_654 = arith.constant 64 : index
      %get3A_655 = tpu.vector_load %arg16[%get3A_653, %get3A_654] {strides = array<i32>} : memref<128x128xf32, #tpu.memory_space<vmem>>, vector<16xf32>,
      %mul3A_656 = arith.mulf %get3A_648, %get3A_655 : vector<16xf32>
      %get3A_657 = arith.index_cast %add3A_645 : i32 to index
      %get3A_658 = arith.constant 16 : index
      %get3A_659 = tpu.vector_load %arg12[%get3A_657, %get3A_658] {strides = array<i32>} : memref<128x128xf32, #tpu.memory_space<vmem>>, vector<16xf32>,
      %get3A_660 = arith.index_cast %add3A_645 : i32 to index
      %get3A_661 = arith.constant 80 : index
      %get3A_662 = tpu.vector_load %arg14[%get3A_660, %get3A_661] {strides = array<i32>} : memref<128x128xf32, #tpu.memory_space<vmem>>, vector<16xf32>,
      %mul3A_663 = arith.mulf %get3A_659, %get3A_662 : vector<16xf32>
      %add3A_664 = arith.addf %mul3A_652, %mul3A_663 : vector<16xf32>
      %get3A_665 = arith.index_cast %add3A_645 : i32 to index
      %get3A_666 = arith.constant 80 : index
      %get3A_667 = tpu.vector_load %arg16[%get3A_665, %get3A_666] {strides = array<i32>} : memref<128x128xf32, #tpu.memory_space<vmem>>, vector<16xf32>,
      %mul3A_668 = arith.mulf %get3A_659, %get3A_667 : vector<16xf32>
      %add3A_669 = arith.addf %mul3A_656, %mul3A_668 : vector<16xf32>
      %get3A_670 = arith.index_cast %add3A_645 : i32 to index
      %get3A_671 = arith.constant 32 : index
      %get3A_672 = tpu.vector_load %arg12[%get3A_670, %get3A_671] {strides = array<i32>} : memref<128x128xf32, #tpu.memory_space<vmem>>, vector<16xf32>,
      %get3A_673 = arith.index_cast %add3A_645 : i32 to index
      %get3A_674 = arith.constant 96 : index
      %get3A_675 = tpu.vector_load %arg14[%get3A_673, %get3A_674] {strides = array<i32>} : memref<128x128xf32, #tpu.memory_space<vmem>>, vector<16xf32>,
      %mul3A_676 = arith.mulf %get3A_672, %get3A_675 : vector<16xf32>
      %add3A_677 = arith.addf %add3A_664, %mul3A_676 : vector<16xf32>
      %get3A_678 = arith.index_cast %add3A_645 : i32 to index
      %get3A_679 = arith.constant 96 : index
      %get3A_680 = tpu.vector_load %arg16[%get3A_678, %get3A_679] {strides = array<i32>} : memref<128x128xf32, #tpu.memory_space<vmem>>, vector<16xf32>,
      %mul3A_681 = arith.mulf %get3A_672, %get3A_680 : vector<16xf32>
      %add3A_682 = arith.addf %add3A_669, %mul3A_681 : vector<16xf32>
      %get3A_683 = arith.index_cast %add3A_645 : i32 to index
      %get3A_684 = arith.constant 48 : index
      %get3A_685 = tpu.vector_load %arg12[%get3A_683, %get3A_684] {strides = array<i32>} : memref<128x128xf32, #tpu.memory_space<vmem>>, vector<16xf32>,
      %get3A_686 = arith.index_cast %add3A_645 : i32 to index
      %get3A_687 = arith.constant 112 : index
      %get3A_688 = tpu.vector_load %arg14[%get3A_686, %get3A_687] {strides = array<i32>} : memref<128x128xf32, #tpu.memory_space<vmem>>, vector<16xf32>,
      %mul3A_689 = arith.mulf %get3A_685, %get3A_688 : vector<16xf32>
      %add3A_690 = arith.addf %add3A_677, %mul3A_689 : vector<16xf32>
      %get3A_691 = arith.index_cast %add3A_645 : i32 to index
      %get3A_692 = arith.constant 112 : index
      %get3A_693 = tpu.vector_load %arg16[%get3A_691, %get3A_692] {strides = array<i32>} : memref<128x128xf32, #tpu.memory_space<vmem>>, vector<16xf32>,
      %mul3A_694 = arith.mulf %get3A_685, %get3A_693 : vector<16xf32>
      %add3A_695 = arith.addf %add3A_682, %mul3A_694 : vector<16xf32>
      %add3A_696 = arith.constant 8 : i32
      %add3A_697 = vector.broadcast %add3A_696 : i32 to vector<16xi32>
      %add3A_698 = arith.addi %mul3A_7, %add3A_697 : vector<16xi32>
      tpu.vector_store_idx %arg19[%add3A_698], %add3A_690 : memref<272xf32, #tpu.memory_space<vmem>>[vector<16xi32>], vector<16xf32>,
      tpu.vector_store_idx %arg20[%add3A_698], %add3A_695 : memref<272xf32, #tpu.memory_space<vmem>>[vector<16xi32>], vector<16xf32>,
      %add3A_699 = arith.constant 9 : i32
      %add3A_700 = arith.addi %mul3A_204, %add3A_699 : i32
      %get3A_701 = arith.index_cast %add3A_700 : i32 to index
      %get3A_702 = arith.constant 0 : index
      %get3A_703 = tpu.vector_load %arg12[%get3A_701, %get3A_702] {strides = array<i32>} : memref<128x128xf32, #tpu.memory_space<vmem>>, vector<16xf32>,
      %get3A_704 = arith.index_cast %add3A_700 : i32 to index
      %get3A_705 = arith.constant 64 : index
      %get3A_706 = tpu.vector_load %arg14[%get3A_704, %get3A_705] {strides = array<i32>} : memref<128x128xf32, #tpu.memory_space<vmem>>, vector<16xf32>,
      %mul3A_707 = arith.mulf %get3A_703, %get3A_706 : vector<16xf32>
      %get3A_708 = arith.index_cast %add3A_700 : i32 to index
      %get3A_709 = arith.constant 64 : index
      %get3A_710 = tpu.vector_load %arg16[%get3A_708, %get3A_709] {strides = array<i32>} : memref<128x128xf32, #tpu.memory_space<vmem>>, vector<16xf32>,
      %mul3A_711 = arith.mulf %get3A_703, %get3A_710 : vector<16xf32>
      %get3A_712 = arith.index_cast %add3A_700 : i32 to index
      %get3A_713 = arith.constant 16 : index
      %get3A_714 = tpu.vector_load %arg12[%get3A_712, %get3A_713] {strides = array<i32>} : memref<128x128xf32, #tpu.memory_space<vmem>>, vector<16xf32>,
      %get3A_715 = arith.index_cast %add3A_700 : i32 to index
      %get3A_716 = arith.constant 80 : index
      %get3A_717 = tpu.vector_load %arg14[%get3A_715, %get3A_716] {strides = array<i32>} : memref<128x128xf32, #tpu.memory_space<vmem>>, vector<16xf32>,
      %mul3A_718 = arith.mulf %get3A_714, %get3A_717 : vector<16xf32>
      %add3A_719 = arith.addf %mul3A_707, %mul3A_718 : vector<16xf32>
      %get3A_720 = arith.index_cast %add3A_700 : i32 to index
      %get3A_721 = arith.constant 80 : index
      %get3A_722 = tpu.vector_load %arg16[%get3A_720, %get3A_721] {strides = array<i32>} : memref<128x128xf32, #tpu.memory_space<vmem>>, vector<16xf32>,
      %mul3A_723 = arith.mulf %get3A_714, %get3A_722 : vector<16xf32>
      %add3A_724 = arith.addf %mul3A_711, %mul3A_723 : vector<16xf32>
      %get3A_725 = arith.index_cast %add3A_700 : i32 to index
      %get3A_726 = arith.constant 32 : index
      %get3A_727 = tpu.vector_load %arg12[%get3A_725, %get3A_726] {strides = array<i32>} : memref<128x128xf32, #tpu.memory_space<vmem>>, vector<16xf32>,
      %get3A_728 = arith.index_cast %add3A_700 : i32 to index
      %get3A_729 = arith.constant 96 : index
      %get3A_730 = tpu.vector_load %arg14[%get3A_728, %get3A_729] {strides = array<i32>} : memref<128x128xf32, #tpu.memory_space<vmem>>, vector<16xf32>,
      %mul3A_731 = arith.mulf %get3A_727, %get3A_730 : vector<16xf32>
      %add3A_732 = arith.addf %add3A_719, %mul3A_731 : vector<16xf32>
      %get3A_733 = arith.index_cast %add3A_700 : i32 to index
      %get3A_734 = arith.constant 96 : index
      %get3A_735 = tpu.vector_load %arg16[%get3A_733, %get3A_734] {strides = array<i32>} : memref<128x128xf32, #tpu.memory_space<vmem>>, vector<16xf32>,
      %mul3A_736 = arith.mulf %get3A_727, %get3A_735 : vector<16xf32>
      %add3A_737 = arith.addf %add3A_724, %mul3A_736 : vector<16xf32>
      %get3A_738 = arith.index_cast %add3A_700 : i32 to index
      %get3A_739 = arith.constant 48 : index
      %get3A_740 = tpu.vector_load %arg12[%get3A_738, %get3A_739] {strides = array<i32>} : memref<128x128xf32, #tpu.memory_space<vmem>>, vector<16xf32>,
      %get3A_741 = arith.index_cast %add3A_700 : i32 to index
      %get3A_742 = arith.constant 112 : index
      %get3A_743 = tpu.vector_load %arg14[%get3A_741, %get3A_742] {strides = array<i32>} : memref<128x128xf32, #tpu.memory_space<vmem>>, vector<16xf32>,
      %mul3A_744 = arith.mulf %get3A_740, %get3A_743 : vector<16xf32>
      %add3A_745 = arith.addf %add3A_732, %mul3A_744 : vector<16xf32>
      %get3A_746 = arith.index_cast %add3A_700 : i32 to index
      %get3A_747 = arith.constant 112 : index
      %get3A_748 = tpu.vector_load %arg16[%get3A_746, %get3A_747] {strides = array<i32>} : memref<128x128xf32, #tpu.memory_space<vmem>>, vector<16xf32>,
      %mul3A_749 = arith.mulf %get3A_740, %get3A_748 : vector<16xf32>
      %add3A_750 = arith.addf %add3A_737, %mul3A_749 : vector<16xf32>
      %add3A_751 = arith.constant 9 : i32
      %add3A_752 = vector.broadcast %add3A_751 : i32 to vector<16xi32>
      %add3A_753 = arith.addi %mul3A_7, %add3A_752 : vector<16xi32>
      tpu.vector_store_idx %arg19[%add3A_753], %add3A_745 : memref<272xf32, #tpu.memory_space<vmem>>[vector<16xi32>], vector<16xf32>,
      tpu.vector_store_idx %arg20[%add3A_753], %add3A_750 : memref<272xf32, #tpu.memory_space<vmem>>[vector<16xi32>], vector<16xf32>,
      %add3A_754 = arith.constant 10 : i32
      %add3A_755 = arith.addi %mul3A_204, %add3A_754 : i32
      %get3A_756 = arith.index_cast %add3A_755 : i32 to index
      %get3A_757 = arith.constant 0 : index
      %get3A_758 = tpu.vector_load %arg12[%get3A_756, %get3A_757] {strides = array<i32>} : memref<128x128xf32, #tpu.memory_space<vmem>>, vector<16xf32>,
      %get3A_759 = arith.index_cast %add3A_755 : i32 to index
      %get3A_760 = arith.constant 64 : index
      %get3A_761 = tpu.vector_load %arg14[%get3A_759, %get3A_760] {strides = array<i32>} : memref<128x128xf32, #tpu.memory_space<vmem>>, vector<16xf32>,
      %mul3A_762 = arith.mulf %get3A_758, %get3A_761 : vector<16xf32>
      %get3A_763 = arith.index_cast %add3A_755 : i32 to index
      %get3A_764 = arith.constant 64 : index
      %get3A_765 = tpu.vector_load %arg16[%get3A_763, %get3A_764] {strides = array<i32>} : memref<128x128xf32, #tpu.memory_space<vmem>>, vector<16xf32>,
      %mul3A_766 = arith.mulf %get3A_758, %get3A_765 : vector<16xf32>
      %get3A_767 = arith.index_cast %add3A_755 : i32 to index
      %get3A_768 = arith.constant 16 : index
      %get3A_769 = tpu.vector_load %arg12[%get3A_767, %get3A_768] {strides = array<i32>} : memref<128x128xf32, #tpu.memory_space<vmem>>, vector<16xf32>,
      %get3A_770 = arith.index_cast %add3A_755 : i32 to index
      %get3A_771 = arith.constant 80 : index
      %get3A_772 = tpu.vector_load %arg14[%get3A_770, %get3A_771] {strides = array<i32>} : memref<128x128xf32, #tpu.memory_space<vmem>>, vector<16xf32>,
      %mul3A_773 = arith.mulf %get3A_769, %get3A_772 : vector<16xf32>
      %add3A_774 = arith.addf %mul3A_762, %mul3A_773 : vector<16xf32>
      %get3A_775 = arith.index_cast %add3A_755 : i32 to index
      %get3A_776 = arith.constant 80 : index
      %get3A_777 = tpu.vector_load %arg16[%get3A_775, %get3A_776] {strides = array<i32>} : memref<128x128xf32, #tpu.memory_space<vmem>>, vector<16xf32>,
      %mul3A_778 = arith.mulf %get3A_769, %get3A_777 : vector<16xf32>
      %add3A_779 = arith.addf %mul3A_766, %mul3A_778 : vector<16xf32>
      %get3A_780 = arith.index_cast %add3A_755 : i32 to index
      %get3A_781 = arith.constant 32 : index
      %get3A_782 = tpu.vector_load %arg12[%get3A_780, %get3A_781] {strides = array<i32>} : memref<128x128xf32, #tpu.memory_space<vmem>>, vector<16xf32>,
      %get3A_783 = arith.index_cast %add3A_755 : i32 to index
      %get3A_784 = arith.constant 96 : index
      %get3A_785 = tpu.vector_load %arg14[%get3A_783, %get3A_784] {strides = array<i32>} : memref<128x128xf32, #tpu.memory_space<vmem>>, vector<16xf32>,
      %mul3A_786 = arith.mulf %get3A_782, %get3A_785 : vector<16xf32>
      %add3A_787 = arith.addf %add3A_774, %mul3A_786 : vector<16xf32>
      %get3A_788 = arith.index_cast %add3A_755 : i32 to index
      %get3A_789 = arith.constant 96 : index
      %get3A_790 = tpu.vector_load %arg16[%get3A_788, %get3A_789] {strides = array<i32>} : memref<128x128xf32, #tpu.memory_space<vmem>>, vector<16xf32>,
      %mul3A_791 = arith.mulf %get3A_782, %get3A_790 : vector<16xf32>
      %add3A_792 = arith.addf %add3A_779, %mul3A_791 : vector<16xf32>
      %get3A_793 = arith.index_cast %add3A_755 : i32 to index
      %get3A_794 = arith.constant 48 : index
      %get3A_795 = tpu.vector_load %arg12[%get3A_793, %get3A_794] {strides = array<i32>} : memref<128x128xf32, #tpu.memory_space<vmem>>, vector<16xf32>,
      %get3A_796 = arith.index_cast %add3A_755 : i32 to index
      %get3A_797 = arith.constant 112 : index
      %get3A_798 = tpu.vector_load %arg14[%get3A_796, %get3A_797] {strides = array<i32>} : memref<128x128xf32, #tpu.memory_space<vmem>>, vector<16xf32>,
      %mul3A_799 = arith.mulf %get3A_795, %get3A_798 : vector<16xf32>
      %add3A_800 = arith.addf %add3A_787, %mul3A_799 : vector<16xf32>
      %get3A_801 = arith.index_cast %add3A_755 : i32 to index
      %get3A_802 = arith.constant 112 : index
      %get3A_803 = tpu.vector_load %arg16[%get3A_801, %get3A_802] {strides = array<i32>} : memref<128x128xf32, #tpu.memory_space<vmem>>, vector<16xf32>,
      %mul3A_804 = arith.mulf %get3A_795, %get3A_803 : vector<16xf32>
      %add3A_805 = arith.addf %add3A_792, %mul3A_804 : vector<16xf32>
      %add3A_806 = arith.constant 10 : i32
      %add3A_807 = vector.broadcast %add3A_806 : i32 to vector<16xi32>
      %add3A_808 = arith.addi %mul3A_7, %add3A_807 : vector<16xi32>
      tpu.vector_store_idx %arg19[%add3A_808], %add3A_800 : memref<272xf32, #tpu.memory_space<vmem>>[vector<16xi32>], vector<16xf32>,
      tpu.vector_store_idx %arg20[%add3A_808], %add3A_805 : memref<272xf32, #tpu.memory_space<vmem>>[vector<16xi32>], vector<16xf32>,
      %add3A_809 = arith.constant 11 : i32
      %add3A_810 = arith.addi %mul3A_204, %add3A_809 : i32
      %get3A_811 = arith.index_cast %add3A_810 : i32 to index
      %get3A_812 = arith.constant 0 : index
      %get3A_813 = tpu.vector_load %arg12[%get3A_811, %get3A_812] {strides = array<i32>} : memref<128x128xf32, #tpu.memory_space<vmem>>, vector<16xf32>,
      %get3A_814 = arith.index_cast %add3A_810 : i32 to index
      %get3A_815 = arith.constant 64 : index
      %get3A_816 = tpu.vector_load %arg14[%get3A_814, %get3A_815] {strides = array<i32>} : memref<128x128xf32, #tpu.memory_space<vmem>>, vector<16xf32>,
      %mul3A_817 = arith.mulf %get3A_813, %get3A_816 : vector<16xf32>
      %get3A_818 = arith.index_cast %add3A_810 : i32 to index
      %get3A_819 = arith.constant 64 : index
      %get3A_820 = tpu.vector_load %arg16[%get3A_818, %get3A_819] {strides = array<i32>} : memref<128x128xf32, #tpu.memory_space<vmem>>, vector<16xf32>,
      %mul3A_821 = arith.mulf %get3A_813, %get3A_820 : vector<16xf32>
      %get3A_822 = arith.index_cast %add3A_810 : i32 to index
      %get3A_823 = arith.constant 16 : index
      %get3A_824 = tpu.vector_load %arg12[%get3A_822, %get3A_823] {strides = array<i32>} : memref<128x128xf32, #tpu.memory_space<vmem>>, vector<16xf32>,
      %get3A_825 = arith.index_cast %add3A_810 : i32 to index
      %get3A_826 = arith.constant 80 : index
      %get3A_827 = tpu.vector_load %arg14[%get3A_825, %get3A_826] {strides = array<i32>} : memref<128x128xf32, #tpu.memory_space<vmem>>, vector<16xf32>,
      %mul3A_828 = arith.mulf %get3A_824, %get3A_827 : vector<16xf32>
      %add3A_829 = arith.addf %mul3A_817, %mul3A_828 : vector<16xf32>
      %get3A_830 = arith.index_cast %add3A_810 : i32 to index
      %get3A_831 = arith.constant 80 : index
      %get3A_832 = tpu.vector_load %arg16[%get3A_830, %get3A_831] {strides = array<i32>} : memref<128x128xf32, #tpu.memory_space<vmem>>, vector<16xf32>,
      %mul3A_833 = arith.mulf %get3A_824, %get3A_832 : vector<16xf32>
      %add3A_834 = arith.addf %mul3A_821, %mul3A_833 : vector<16xf32>
      %get3A_835 = arith.index_cast %add3A_810 : i32 to index
      %get3A_836 = arith.constant 32 : index
      %get3A_837 = tpu.vector_load %arg12[%get3A_835, %get3A_836] {strides = array<i32>} : memref<128x128xf32, #tpu.memory_space<vmem>>, vector<16xf32>,
      %get3A_838 = arith.index_cast %add3A_810 : i32 to index
      %get3A_839 = arith.constant 96 : index
      %get3A_840 = tpu.vector_load %arg14[%get3A_838, %get3A_839] {strides = array<i32>} : memref<128x128xf32, #tpu.memory_space<vmem>>, vector<16xf32>,
      %mul3A_841 = arith.mulf %get3A_837, %get3A_840 : vector<16xf32>
      %add3A_842 = arith.addf %add3A_829, %mul3A_841 : vector<16xf32>
      %get3A_843 = arith.index_cast %add3A_810 : i32 to index
      %get3A_844 = arith.constant 96 : index
      %get3A_845 = tpu.vector_load %arg16[%get3A_843, %get3A_844] {strides = array<i32>} : memref<128x128xf32, #tpu.memory_space<vmem>>, vector<16xf32>,
      %mul3A_846 = arith.mulf %get3A_837, %get3A_845 : vector<16xf32>
      %add3A_847 = arith.addf %add3A_834, %mul3A_846 : vector<16xf32>
      %get3A_848 = arith.index_cast %add3A_810 : i32 to index
      %get3A_849 = arith.constant 48 : index
      %get3A_850 = tpu.vector_load %arg12[%get3A_848, %get3A_849] {strides = array<i32>} : memref<128x128xf32, #tpu.memory_space<vmem>>, vector<16xf32>,
      %get3A_851 = arith.index_cast %add3A_810 : i32 to index
      %get3A_852 = arith.constant 112 : index
      %get3A_853 = tpu.vector_load %arg14[%get3A_851, %get3A_852] {strides = array<i32>} : memref<128x128xf32, #tpu.memory_space<vmem>>, vector<16xf32>,
      %mul3A_854 = arith.mulf %get3A_850, %get3A_853 : vector<16xf32>
      %add3A_855 = arith.addf %add3A_842, %mul3A_854 : vector<16xf32>
      %get3A_856 = arith.index_cast %add3A_810 : i32 to index
      %get3A_857 = arith.constant 112 : index
      %get3A_858 = tpu.vector_load %arg16[%get3A_856, %get3A_857] {strides = array<i32>} : memref<128x128xf32, #tpu.memory_space<vmem>>, vector<16xf32>,
      %mul3A_859 = arith.mulf %get3A_850, %get3A_858 : vector<16xf32>
      %add3A_860 = arith.addf %add3A_847, %mul3A_859 : vector<16xf32>
      %add3A_861 = arith.constant 11 : i32
      %add3A_862 = vector.broadcast %add3A_861 : i32 to vector<16xi32>
      %add3A_863 = arith.addi %mul3A_7, %add3A_862 : vector<16xi32>
      tpu.vector_store_idx %arg19[%add3A_863], %add3A_855 : memref<272xf32, #tpu.memory_space<vmem>>[vector<16xi32>], vector<16xf32>,
      tpu.vector_store_idx %arg20[%add3A_863], %add3A_860 : memref<272xf32, #tpu.memory_space<vmem>>[vector<16xi32>], vector<16xf32>,
      %add3A_864 = arith.constant 12 : i32
      %add3A_865 = arith.addi %mul3A_204, %add3A_864 : i32
      %get3A_866 = arith.index_cast %add3A_865 : i32 to index
      %get3A_867 = arith.constant 0 : index
      %get3A_868 = tpu.vector_load %arg12[%get3A_866, %get3A_867] {strides = array<i32>} : memref<128x128xf32, #tpu.memory_space<vmem>>, vector<16xf32>,
      %get3A_869 = arith.index_cast %add3A_865 : i32 to index
      %get3A_870 = arith.constant 64 : index
      %get3A_871 = tpu.vector_load %arg14[%get3A_869, %get3A_870] {strides = array<i32>} : memref<128x128xf32, #tpu.memory_space<vmem>>, vector<16xf32>,
      %mul3A_872 = arith.mulf %get3A_868, %get3A_871 : vector<16xf32>
      %get3A_873 = arith.index_cast %add3A_865 : i32 to index
      %get3A_874 = arith.constant 64 : index
      %get3A_875 = tpu.vector_load %arg16[%get3A_873, %get3A_874] {strides = array<i32>} : memref<128x128xf32, #tpu.memory_space<vmem>>, vector<16xf32>,
      %mul3A_876 = arith.mulf %get3A_868, %get3A_875 : vector<16xf32>
      %get3A_877 = arith.index_cast %add3A_865 : i32 to index
      %get3A_878 = arith.constant 16 : index
      %get3A_879 = tpu.vector_load %arg12[%get3A_877, %get3A_878] {strides = array<i32>} : memref<128x128xf32, #tpu.memory_space<vmem>>, vector<16xf32>,
      %get3A_880 = arith.index_cast %add3A_865 : i32 to index
      %get3A_881 = arith.constant 80 : index
      %get3A_882 = tpu.vector_load %arg14[%get3A_880, %get3A_881] {strides = array<i32>} : memref<128x128xf32, #tpu.memory_space<vmem>>, vector<16xf32>,
      %mul3A_883 = arith.mulf %get3A_879, %get3A_882 : vector<16xf32>
      %add3A_884 = arith.addf %mul3A_872, %mul3A_883 : vector<16xf32>
      %get3A_885 = arith.index_cast %add3A_865 : i32 to index
      %get3A_886 = arith.constant 80 : index
      %get3A_887 = tpu.vector_load %arg16[%get3A_885, %get3A_886] {strides = array<i32>} : memref<128x128xf32, #tpu.memory_space<vmem>>, vector<16xf32>,
      %mul3A_888 = arith.mulf %get3A_879, %get3A_887 : vector<16xf32>
      %add3A_889 = arith.addf %mul3A_876, %mul3A_888 : vector<16xf32>
      %get3A_890 = arith.index_cast %add3A_865 : i32 to index
      %get3A_891 = arith.constant 32 : index
      %get3A_892 = tpu.vector_load %arg12[%get3A_890, %get3A_891] {strides = array<i32>} : memref<128x128xf32, #tpu.memory_space<vmem>>, vector<16xf32>,
      %get3A_893 = arith.index_cast %add3A_865 : i32 to index
      %get3A_894 = arith.constant 96 : index
      %get3A_895 = tpu.vector_load %arg14[%get3A_893, %get3A_894] {strides = array<i32>} : memref<128x128xf32, #tpu.memory_space<vmem>>, vector<16xf32>,
      %mul3A_896 = arith.mulf %get3A_892, %get3A_895 : vector<16xf32>
      %add3A_897 = arith.addf %add3A_884, %mul3A_896 : vector<16xf32>
      %get3A_898 = arith.index_cast %add3A_865 : i32 to index
      %get3A_899 = arith.constant 96 : index
      %get3A_900 = tpu.vector_load %arg16[%get3A_898, %get3A_899] {strides = array<i32>} : memref<128x128xf32, #tpu.memory_space<vmem>>, vector<16xf32>,
      %mul3A_901 = arith.mulf %get3A_892, %get3A_900 : vector<16xf32>
      %add3A_902 = arith.addf %add3A_889, %mul3A_901 : vector<16xf32>
      %get3A_903 = arith.index_cast %add3A_865 : i32 to index
      %get3A_904 = arith.constant 48 : index
      %get3A_905 = tpu.vector_load %arg12[%get3A_903, %get3A_904] {strides = array<i32>} : memref<128x128xf32, #tpu.memory_space<vmem>>, vector<16xf32>,
      %get3A_906 = arith.index_cast %add3A_865 : i32 to index
      %get3A_907 = arith.constant 112 : index
      %get3A_908 = tpu.vector_load %arg14[%get3A_906, %get3A_907] {strides = array<i32>} : memref<128x128xf32, #tpu.memory_space<vmem>>, vector<16xf32>,
      %mul3A_909 = arith.mulf %get3A_905, %get3A_908 : vector<16xf32>
      %add3A_910 = arith.addf %add3A_897, %mul3A_909 : vector<16xf32>
      %get3A_911 = arith.index_cast %add3A_865 : i32 to index
      %get3A_912 = arith.constant 112 : index
      %get3A_913 = tpu.vector_load %arg16[%get3A_911, %get3A_912] {strides = array<i32>} : memref<128x128xf32, #tpu.memory_space<vmem>>, vector<16xf32>,
      %mul3A_914 = arith.mulf %get3A_905, %get3A_913 : vector<16xf32>
      %add3A_915 = arith.addf %add3A_902, %mul3A_914 : vector<16xf32>
      %add3A_916 = arith.constant 12 : i32
      %add3A_917 = vector.broadcast %add3A_916 : i32 to vector<16xi32>
      %add3A_918 = arith.addi %mul3A_7, %add3A_917 : vector<16xi32>
      tpu.vector_store_idx %arg19[%add3A_918], %add3A_910 : memref<272xf32, #tpu.memory_space<vmem>>[vector<16xi32>], vector<16xf32>,
      tpu.vector_store_idx %arg20[%add3A_918], %add3A_915 : memref<272xf32, #tpu.memory_space<vmem>>[vector<16xi32>], vector<16xf32>,
      %add3A_919 = arith.constant 13 : i32
      %add3A_920 = arith.addi %mul3A_204, %add3A_919 : i32
      %get3A_921 = arith.index_cast %add3A_920 : i32 to index
      %get3A_922 = arith.constant 0 : index
      %get3A_923 = tpu.vector_load %arg12[%get3A_921, %get3A_922] {strides = array<i32>} : memref<128x128xf32, #tpu.memory_space<vmem>>, vector<16xf32>,
      %get3A_924 = arith.index_cast %add3A_920 : i32 to index
      %get3A_925 = arith.constant 64 : index
      %get3A_926 = tpu.vector_load %arg14[%get3A_924, %get3A_925] {strides = array<i32>} : memref<128x128xf32, #tpu.memory_space<vmem>>, vector<16xf32>,
      %mul3A_927 = arith.mulf %get3A_923, %get3A_926 : vector<16xf32>
      %get3A_928 = arith.index_cast %add3A_920 : i32 to index
      %get3A_929 = arith.constant 64 : index
      %get3A_930 = tpu.vector_load %arg16[%get3A_928, %get3A_929] {strides = array<i32>} : memref<128x128xf32, #tpu.memory_space<vmem>>, vector<16xf32>,
      %mul3A_931 = arith.mulf %get3A_923, %get3A_930 : vector<16xf32>
      %get3A_932 = arith.index_cast %add3A_920 : i32 to index
      %get3A_933 = arith.constant 16 : index
      %get3A_934 = tpu.vector_load %arg12[%get3A_932, %get3A_933] {strides = array<i32>} : memref<128x128xf32, #tpu.memory_space<vmem>>, vector<16xf32>,
      %get3A_935 = arith.index_cast %add3A_920 : i32 to index
      %get3A_936 = arith.constant 80 : index
      %get3A_937 = tpu.vector_load %arg14[%get3A_935, %get3A_936] {strides = array<i32>} : memref<128x128xf32, #tpu.memory_space<vmem>>, vector<16xf32>,
      %mul3A_938 = arith.mulf %get3A_934, %get3A_937 : vector<16xf32>
      %add3A_939 = arith.addf %mul3A_927, %mul3A_938 : vector<16xf32>
      %get3A_940 = arith.index_cast %add3A_920 : i32 to index
      %get3A_941 = arith.constant 80 : index
      %get3A_942 = tpu.vector_load %arg16[%get3A_940, %get3A_941] {strides = array<i32>} : memref<128x128xf32, #tpu.memory_space<vmem>>, vector<16xf32>,
      %mul3A_943 = arith.mulf %get3A_934, %get3A_942 : vector<16xf32>
      %add3A_944 = arith.addf %mul3A_931, %mul3A_943 : vector<16xf32>
      %get3A_945 = arith.index_cast %add3A_920 : i32 to index
      %get3A_946 = arith.constant 32 : index
      %get3A_947 = tpu.vector_load %arg12[%get3A_945, %get3A_946] {strides = array<i32>} : memref<128x128xf32, #tpu.memory_space<vmem>>, vector<16xf32>,
      %get3A_948 = arith.index_cast %add3A_920 : i32 to index
      %get3A_949 = arith.constant 96 : index
      %get3A_950 = tpu.vector_load %arg14[%get3A_948, %get3A_949] {strides = array<i32>} : memref<128x128xf32, #tpu.memory_space<vmem>>, vector<16xf32>,
      %mul3A_951 = arith.mulf %get3A_947, %get3A_950 : vector<16xf32>
      %add3A_952 = arith.addf %add3A_939, %mul3A_951 : vector<16xf32>
      %get3A_953 = arith.index_cast %add3A_920 : i32 to index
      %get3A_954 = arith.constant 96 : index
      %get3A_955 = tpu.vector_load %arg16[%get3A_953, %get3A_954] {strides = array<i32>} : memref<128x128xf32, #tpu.memory_space<vmem>>, vector<16xf32>,
      %mul3A_956 = arith.mulf %get3A_947, %get3A_955 : vector<16xf32>
      %add3A_957 = arith.addf %add3A_944, %mul3A_956 : vector<16xf32>
      %get3A_958 = arith.index_cast %add3A_920 : i32 to index
      %get3A_959 = arith.constant 48 : index
      %get3A_960 = tpu.vector_load %arg12[%get3A_958, %get3A_959] {strides = array<i32>} : memref<128x128xf32, #tpu.memory_space<vmem>>, vector<16xf32>,
      %get3A_961 = arith.index_cast %add3A_920 : i32 to index
      %get3A_962 = arith.constant 112 : index
      %get3A_963 = tpu.vector_load %arg14[%get3A_961, %get3A_962] {strides = array<i32>} : memref<128x128xf32, #tpu.memory_space<vmem>>, vector<16xf32>,
      %mul3A_964 = arith.mulf %get3A_960, %get3A_963 : vector<16xf32>
      %add3A_965 = arith.addf %add3A_952, %mul3A_964 : vector<16xf32>
      %get3A_966 = arith.index_cast %add3A_920 : i32 to index
      %get3A_967 = arith.constant 112 : index
      %get3A_968 = tpu.vector_load %arg16[%get3A_966, %get3A_967] {strides = array<i32>} : memref<128x128xf32, #tpu.memory_space<vmem>>, vector<16xf32>,
      %mul3A_969 = arith.mulf %get3A_960, %get3A_968 : vector<16xf32>
      %add3A_970 = arith.addf %add3A_957, %mul3A_969 : vector<16xf32>
      %add3A_971 = arith.constant 13 : i32
      %add3A_972 = vector.broadcast %add3A_971 : i32 to vector<16xi32>
      %add3A_973 = arith.addi %mul3A_7, %add3A_972 : vector<16xi32>
      tpu.vector_store_idx %arg19[%add3A_973], %add3A_965 : memref<272xf32, #tpu.memory_space<vmem>>[vector<16xi32>], vector<16xf32>,
      tpu.vector_store_idx %arg20[%add3A_973], %add3A_970 : memref<272xf32, #tpu.memory_space<vmem>>[vector<16xi32>], vector<16xf32>,
      %add3A_974 = arith.constant 14 : i32
      %add3A_975 = arith.addi %mul3A_204, %add3A_974 : i32
      %get3A_976 = arith.index_cast %add3A_975 : i32 to index
      %get3A_977 = arith.constant 0 : index
      %get3A_978 = tpu.vector_load %arg12[%get3A_976, %get3A_977] {strides = array<i32>} : memref<128x128xf32, #tpu.memory_space<vmem>>, vector<16xf32>,
      %get3A_979 = arith.index_cast %add3A_975 : i32 to index
      %get3A_980 = arith.constant 64 : index
      %get3A_981 = tpu.vector_load %arg14[%get3A_979, %get3A_980] {strides = array<i32>} : memref<128x128xf32, #tpu.memory_space<vmem>>, vector<16xf32>,
      %mul3A_982 = arith.mulf %get3A_978, %get3A_981 : vector<16xf32>
      %get3A_983 = arith.index_cast %add3A_975 : i32 to index
      %get3A_984 = arith.constant 64 : index
      %get3A_985 = tpu.vector_load %arg16[%get3A_983, %get3A_984] {strides = array<i32>} : memref<128x128xf32, #tpu.memory_space<vmem>>, vector<16xf32>,
      %mul3A_986 = arith.mulf %get3A_978, %get3A_985 : vector<16xf32>
      %get3A_987 = arith.index_cast %add3A_975 : i32 to index
      %get3A_988 = arith.constant 16 : index
      %get3A_989 = tpu.vector_load %arg12[%get3A_987, %get3A_988] {strides = array<i32>} : memref<128x128xf32, #tpu.memory_space<vmem>>, vector<16xf32>,
      %get3A_990 = arith.index_cast %add3A_975 : i32 to index
      %get3A_991 = arith.constant 80 : index
      %get3A_992 = tpu.vector_load %arg14[%get3A_990, %get3A_991] {strides = array<i32>} : memref<128x128xf32, #tpu.memory_space<vmem>>, vector<16xf32>,
      %mul3A_993 = arith.mulf %get3A_989, %get3A_992 : vector<16xf32>
      %add3A_994 = arith.addf %mul3A_982, %mul3A_993 : vector<16xf32>
      %get3A_995 = arith.index_cast %add3A_975 : i32 to index
      %get3A_996 = arith.constant 80 : index
      %get3A_997 = tpu.vector_load %arg16[%get3A_995, %get3A_996] {strides = array<i32>} : memref<128x128xf32, #tpu.memory_space<vmem>>, vector<16xf32>,
      %mul3A_998 = arith.mulf %get3A_989, %get3A_997 : vector<16xf32>
      %add3A_999 = arith.addf %mul3A_986, %mul3A_998 : vector<16xf32>
      %get3A_1000 = arith.index_cast %add3A_975 : i32 to index
      %get3A_1001 = arith.constant 32 : index
      %get3A_1002 = tpu.vector_load %arg12[%get3A_1000, %get3A_1001] {strides = array<i32>} : memref<128x128xf32, #tpu.memory_space<vmem>>, vector<16xf32>,
      %get3A_1003 = arith.index_cast %add3A_975 : i32 to index
      %get3A_1004 = arith.constant 96 : index
      %get3A_1005 = tpu.vector_load %arg14[%get3A_1003, %get3A_1004] {strides = array<i32>} : memref<128x128xf32, #tpu.memory_space<vmem>>, vector<16xf32>,
      %mul3A_1006 = arith.mulf %get3A_1002, %get3A_1005 : vector<16xf32>
      %add3A_1007 = arith.addf %add3A_994, %mul3A_1006 : vector<16xf32>
      %get3A_1008 = arith.index_cast %add3A_975 : i32 to index
      %get3A_1009 = arith.constant 96 : index
      %get3A_1010 = tpu.vector_load %arg16[%get3A_1008, %get3A_1009] {strides = array<i32>} : memref<128x128xf32, #tpu.memory_space<vmem>>, vector<16xf32>,
      %mul3A_1011 = arith.mulf %get3A_1002, %get3A_1010 : vector<16xf32>
      %add3A_1012 = arith.addf %add3A_999, %mul3A_1011 : vector<16xf32>
      %get3A_1013 = arith.index_cast %add3A_975 : i32 to index
      %get3A_1014 = arith.constant 48 : index
      %get3A_1015 = tpu.vector_load %arg12[%get3A_1013, %get3A_1014] {strides = array<i32>} : memref<128x128xf32, #tpu.memory_space<vmem>>, vector<16xf32>,
      %get3A_1016 = arith.index_cast %add3A_975 : i32 to index
      %get3A_1017 = arith.constant 112 : index
      %get3A_1018 = tpu.vector_load %arg14[%get3A_1016, %get3A_1017] {strides = array<i32>} : memref<128x128xf32, #tpu.memory_space<vmem>>, vector<16xf32>,
      %mul3A_1019 = arith.mulf %get3A_1015, %get3A_1018 : vector<16xf32>
      %add3A_1020 = arith.addf %add3A_1007, %mul3A_1019 : vector<16xf32>
      %get3A_1021 = arith.index_cast %add3A_975 : i32 to index
      %get3A_1022 = arith.constant 112 : index
      %get3A_1023 = tpu.vector_load %arg16[%get3A_1021, %get3A_1022] {strides = array<i32>} : memref<128x128xf32, #tpu.memory_space<vmem>>, vector<16xf32>,
      %mul3A_1024 = arith.mulf %get3A_1015, %get3A_1023 : vector<16xf32>
      %add3A_1025 = arith.addf %add3A_1012, %mul3A_1024 : vector<16xf32>
      %add3A_1026 = arith.constant 14 : i32
      %add3A_1027 = vector.broadcast %add3A_1026 : i32 to vector<16xi32>
      %add3A_1028 = arith.addi %mul3A_7, %add3A_1027 : vector<16xi32>
      tpu.vector_store_idx %arg19[%add3A_1028], %add3A_1020 : memref<272xf32, #tpu.memory_space<vmem>>[vector<16xi32>], vector<16xf32>,
      tpu.vector_store_idx %arg20[%add3A_1028], %add3A_1025 : memref<272xf32, #tpu.memory_space<vmem>>[vector<16xi32>], vector<16xf32>,
      %add3A_1029 = arith.constant 15 : i32
      %add3A_1030 = arith.addi %mul3A_204, %add3A_1029 : i32
      %get3A_1031 = arith.index_cast %add3A_1030 : i32 to index
      %get3A_1032 = arith.constant 0 : index
      %get3A_1033 = tpu.vector_load %arg12[%get3A_1031, %get3A_1032] {strides = array<i32>} : memref<128x128xf32, #tpu.memory_space<vmem>>, vector<16xf32>,
      %get3A_1034 = arith.index_cast %add3A_1030 : i32 to index
      %get3A_1035 = arith.constant 64 : index
      %get3A_1036 = tpu.vector_load %arg14[%get3A_1034, %get3A_1035] {strides = array<i32>} : memref<128x128xf32, #tpu.memory_space<vmem>>, vector<16xf32>,
      %mul3A_1037 = arith.mulf %get3A_1033, %get3A_1036 : vector<16xf32>
      %get3A_1038 = arith.index_cast %add3A_1030 : i32 to index
      %get3A_1039 = arith.constant 64 : index
      %get3A_1040 = tpu.vector_load %arg16[%get3A_1038, %get3A_1039] {strides = array<i32>} : memref<128x128xf32, #tpu.memory_space<vmem>>, vector<16xf32>,
      %mul3A_1041 = arith.mulf %get3A_1033, %get3A_1040 : vector<16xf32>
      %get3A_1042 = arith.index_cast %add3A_1030 : i32 to index
      %get3A_1043 = arith.constant 16 : index
      %get3A_1044 = tpu.vector_load %arg12[%get3A_1042, %get3A_1043] {strides = array<i32>} : memref<128x128xf32, #tpu.memory_space<vmem>>, vector<16xf32>,
      %get3A_1045 = arith.index_cast %add3A_1030 : i32 to index
      %get3A_1046 = arith.constant 80 : index
      %get3A_1047 = tpu.vector_load %arg14[%get3A_1045, %get3A_1046] {strides = array<i32>} : memref<128x128xf32, #tpu.memory_space<vmem>>, vector<16xf32>,
      %mul3A_1048 = arith.mulf %get3A_1044, %get3A_1047 : vector<16xf32>
      %add3A_1049 = arith.addf %mul3A_1037, %mul3A_1048 : vector<16xf32>
      %get3A_1050 = arith.index_cast %add3A_1030 : i32 to index
      %get3A_1051 = arith.constant 80 : index
      %get3A_1052 = tpu.vector_load %arg16[%get3A_1050, %get3A_1051] {strides = array<i32>} : memref<128x128xf32, #tpu.memory_space<vmem>>, vector<16xf32>,
      %mul3A_1053 = arith.mulf %get3A_1044, %get3A_1052 : vector<16xf32>
      %add3A_1054 = arith.addf %mul3A_1041, %mul3A_1053 : vector<16xf32>
      %get3A_1055 = arith.index_cast %add3A_1030 : i32 to index
      %get3A_1056 = arith.constant 32 : index
      %get3A_1057 = tpu.vector_load %arg12[%get3A_1055, %get3A_1056] {strides = array<i32>} : memref<128x128xf32, #tpu.memory_space<vmem>>, vector<16xf32>,
      %get3A_1058 = arith.index_cast %add3A_1030 : i32 to index
      %get3A_1059 = arith.constant 96 : index
      %get3A_1060 = tpu.vector_load %arg14[%get3A_1058, %get3A_1059] {strides = array<i32>} : memref<128x128xf32, #tpu.memory_space<vmem>>, vector<16xf32>,
      %mul3A_1061 = arith.mulf %get3A_1057, %get3A_1060 : vector<16xf32>
      %add3A_1062 = arith.addf %add3A_1049, %mul3A_1061 : vector<16xf32>
      %get3A_1063 = arith.index_cast %add3A_1030 : i32 to index
      %get3A_1064 = arith.constant 96 : index
      %get3A_1065 = tpu.vector_load %arg16[%get3A_1063, %get3A_1064] {strides = array<i32>} : memref<128x128xf32, #tpu.memory_space<vmem>>, vector<16xf32>,
      %mul3A_1066 = arith.mulf %get3A_1057, %get3A_1065 : vector<16xf32>
      %add3A_1067 = arith.addf %add3A_1054, %mul3A_1066 : vector<16xf32>
      %get3A_1068 = arith.index_cast %add3A_1030 : i32 to index
      %get3A_1069 = arith.constant 48 : index
      %get3A_1070 = tpu.vector_load %arg12[%get3A_1068, %get3A_1069] {strides = array<i32>} : memref<128x128xf32, #tpu.memory_space<vmem>>, vector<16xf32>,
      %get3A_1071 = arith.index_cast %add3A_1030 : i32 to index
      %get3A_1072 = arith.constant 112 : index
      %get3A_1073 = tpu.vector_load %arg14[%get3A_1071, %get3A_1072] {strides = array<i32>} : memref<128x128xf32, #tpu.memory_space<vmem>>, vector<16xf32>,
      %mul3A_1074 = arith.mulf %get3A_1070, %get3A_1073 : vector<16xf32>
      %add3A_1075 = arith.addf %add3A_1062, %mul3A_1074 : vector<16xf32>
      %get3A_1076 = arith.index_cast %add3A_1030 : i32 to index
      %get3A_1077 = arith.constant 112 : index
      %get3A_1078 = tpu.vector_load %arg16[%get3A_1076, %get3A_1077] {strides = array<i32>} : memref<128x128xf32, #tpu.memory_space<vmem>>, vector<16xf32>,
      %mul3A_1079 = arith.mulf %get3A_1070, %get3A_1078 : vector<16xf32>
      %add3A_1080 = arith.addf %add3A_1067, %mul3A_1079 : vector<16xf32>
      %add3A_1081 = arith.constant 15 : i32
      %add3A_1082 = vector.broadcast %add3A_1081 : i32 to vector<16xi32>
      %add3A_1083 = arith.addi %mul3A_7, %add3A_1082 : vector<16xi32>
      tpu.vector_store_idx %arg19[%add3A_1083], %add3A_1075 : memref<272xf32, #tpu.memory_space<vmem>>[vector<16xi32>], vector<16xf32>,
      tpu.vector_store_idx %arg20[%add3A_1083], %add3A_1080 : memref<272xf32, #tpu.memory_space<vmem>>[vector<16xi32>], vector<16xf32>,
      %get3A_1084 = arith.constant 0 : index
      %get3A_1085 = tpu.vector_load %arg19[%get3A_1084] {strides = array<i32>} : memref<272xf32, #tpu.memory_space<vmem>>, vector<16xf32>,
      %get3A_1086 = arith.constant 0 : index
      %get3A_1087 = tpu.vector_load %arg20[%get3A_1086] {strides = array<i32>} : memref<272xf32, #tpu.memory_space<vmem>>, vector<16xf32>,
      %get3A_1088 = arith.constant 17 : index
      %get3A_1089 = tpu.vector_load %arg19[%get3A_1088] {strides = array<i32>} : memref<272xf32, #tpu.memory_space<vmem>>, vector<16xf32>,
      %add3A_1090 = arith.addf %get3A_1085, %get3A_1089 : vector<16xf32>
      %get3A_1091 = arith.constant 17 : index
      %get3A_1092 = tpu.vector_load %arg20[%get3A_1091] {strides = array<i32>} : memref<272xf32, #tpu.memory_space<vmem>>, vector<16xf32>,
      %add3A_1093 = arith.addf %get3A_1087, %get3A_1092 : vector<16xf32>
      %get3A_1094 = arith.constant 34 : index
      %get3A_1095 = tpu.vector_load %arg19[%get3A_1094] {strides = array<i32>} : memref<272xf32, #tpu.memory_space<vmem>>, vector<16xf32>,
      %add3A_1096 = arith.addf %add3A_1090, %get3A_1095 : vector<16xf32>
      %get3A_1097 = arith.constant 34 : index
      %get3A_1098 = tpu.vector_load %arg20[%get3A_1097] {strides = array<i32>} : memref<272xf32, #tpu.memory_space<vmem>>, vector<16xf32>,
      %add3A_1099 = arith.addf %add3A_1093, %get3A_1098 : vector<16xf32>
      %get3A_1100 = arith.constant 51 : index
      %get3A_1101 = tpu.vector_load %arg19[%get3A_1100] {strides = array<i32>} : memref<272xf32, #tpu.memory_space<vmem>>, vector<16xf32>,
      %add3A_1102 = arith.addf %add3A_1096, %get3A_1101 : vector<16xf32>
      %get3A_1103 = arith.constant 51 : index
      %get3A_1104 = tpu.vector_load %arg20[%get3A_1103] {strides = array<i32>} : memref<272xf32, #tpu.memory_space<vmem>>, vector<16xf32>,
      %add3A_1105 = arith.addf %add3A_1099, %get3A_1104 : vector<16xf32>
      %get3A_1106 = arith.constant 68 : index
      %get3A_1107 = tpu.vector_load %arg19[%get3A_1106] {strides = array<i32>} : memref<272xf32, #tpu.memory_space<vmem>>, vector<16xf32>,
      %add3A_1108 = arith.addf %add3A_1102, %get3A_1107 : vector<16xf32>
      %get3A_1109 = arith.constant 68 : index
      %get3A_1110 = tpu.vector_load %arg20[%get3A_1109] {strides = array<i32>} : memref<272xf32, #tpu.memory_space<vmem>>, vector<16xf32>,
      %add3A_1111 = arith.addf %add3A_1105, %get3A_1110 : vector<16xf32>
      %get3A_1112 = arith.constant 85 : index
      %get3A_1113 = tpu.vector_load %arg19[%get3A_1112] {strides = array<i32>} : memref<272xf32, #tpu.memory_space<vmem>>, vector<16xf32>,
      %add3A_1114 = arith.addf %add3A_1108, %get3A_1113 : vector<16xf32>
      %get3A_1115 = arith.constant 85 : index
      %get3A_1116 = tpu.vector_load %arg20[%get3A_1115] {strides = array<i32>} : memref<272xf32, #tpu.memory_space<vmem>>, vector<16xf32>,
      %add3A_1117 = arith.addf %add3A_1111, %get3A_1116 : vector<16xf32>
      %get3A_1118 = arith.constant 102 : index
      %get3A_1119 = tpu.vector_load %arg19[%get3A_1118] {strides = array<i32>} : memref<272xf32, #tpu.memory_space<vmem>>, vector<16xf32>,
      %add3A_1120 = arith.addf %add3A_1114, %get3A_1119 : vector<16xf32>
      %get3A_1121 = arith.constant 102 : index
      %get3A_1122 = tpu.vector_load %arg20[%get3A_1121] {strides = array<i32>} : memref<272xf32, #tpu.memory_space<vmem>>, vector<16xf32>,
      %add3A_1123 = arith.addf %add3A_1117, %get3A_1122 : vector<16xf32>
      %get3A_1124 = arith.constant 119 : index
      %get3A_1125 = tpu.vector_load %arg19[%get3A_1124] {strides = array<i32>} : memref<272xf32, #tpu.memory_space<vmem>>, vector<16xf32>,
      %add3A_1126 = arith.addf %add3A_1120, %get3A_1125 : vector<16xf32>
      %get3A_1127 = arith.constant 119 : index
      %get3A_1128 = tpu.vector_load %arg20[%get3A_1127] {strides = array<i32>} : memref<272xf32, #tpu.memory_space<vmem>>, vector<16xf32>,
      %add3A_1129 = arith.addf %add3A_1123, %get3A_1128 : vector<16xf32>
      %get3A_1130 = arith.constant 136 : index
      %get3A_1131 = tpu.vector_load %arg19[%get3A_1130] {strides = array<i32>} : memref<272xf32, #tpu.memory_space<vmem>>, vector<16xf32>,
      %add3A_1132 = arith.addf %add3A_1126, %get3A_1131 : vector<16xf32>
      %get3A_1133 = arith.constant 136 : index
      %get3A_1134 = tpu.vector_load %arg20[%get3A_1133] {strides = array<i32>} : memref<272xf32, #tpu.memory_space<vmem>>, vector<16xf32>,
      %add3A_1135 = arith.addf %add3A_1129, %get3A_1134 : vector<16xf32>
      %get3A_1136 = arith.constant 153 : index
      %get3A_1137 = tpu.vector_load %arg19[%get3A_1136] {strides = array<i32>} : memref<272xf32, #tpu.memory_space<vmem>>, vector<16xf32>,
      %add3A_1138 = arith.addf %add3A_1132, %get3A_1137 : vector<16xf32>
      %get3A_1139 = arith.constant 153 : index
      %get3A_1140 = tpu.vector_load %arg20[%get3A_1139] {strides = array<i32>} : memref<272xf32, #tpu.memory_space<vmem>>, vector<16xf32>,
      %add3A_1141 = arith.addf %add3A_1135, %get3A_1140 : vector<16xf32>
      %get3A_1142 = arith.constant 170 : index
      %get3A_1143 = tpu.vector_load %arg19[%get3A_1142] {strides = array<i32>} : memref<272xf32, #tpu.memory_space<vmem>>, vector<16xf32>,
      %add3A_1144 = arith.addf %add3A_1138, %get3A_1143 : vector<16xf32>
      %get3A_1145 = arith.constant 170 : index
      %get3A_1146 = tpu.vector_load %arg20[%get3A_1145] {strides = array<i32>} : memref<272xf32, #tpu.memory_space<vmem>>, vector<16xf32>,
      %add3A_1147 = arith.addf %add3A_1141, %get3A_1146 : vector<16xf32>
      %get3A_1148 = arith.constant 187 : index
      %get3A_1149 = tpu.vector_load %arg19[%get3A_1148] {strides = array<i32>} : memref<272xf32, #tpu.memory_space<vmem>>, vector<16xf32>,
      %add3A_1150 = arith.addf %add3A_1144, %get3A_1149 : vector<16xf32>
      %get3A_1151 = arith.constant 187 : index
      %get3A_1152 = tpu.vector_load %arg20[%get3A_1151] {strides = array<i32>} : memref<272xf32, #tpu.memory_space<vmem>>, vector<16xf32>,
      %add3A_1153 = arith.addf %add3A_1147, %get3A_1152 : vector<16xf32>
      %get3A_1154 = arith.constant 204 : index
      %get3A_1155 = tpu.vector_load %arg19[%get3A_1154] {strides = array<i32>} : memref<272xf32, #tpu.memory_space<vmem>>, vector<16xf32>,
      %add3A_1156 = arith.addf %add3A_1150, %get3A_1155 : vector<16xf32>
      %get3A_1157 = arith.constant 204 : index
      %get3A_1158 = tpu.vector_load %arg20[%get3A_1157] {strides = array<i32>} : memref<272xf32, #tpu.memory_space<vmem>>, vector<16xf32>,
      %add3A_1159 = arith.addf %add3A_1153, %get3A_1158 : vector<16xf32>
      %get3A_1160 = arith.constant 221 : index
      %get3A_1161 = tpu.vector_load %arg19[%get3A_1160] {strides = array<i32>} : memref<272xf32, #tpu.memory_space<vmem>>, vector<16xf32>,
      %add3A_1162 = arith.addf %add3A_1156, %get3A_1161 : vector<16xf32>
      %get3A_1163 = arith.constant 221 : index
      %get3A_1164 = tpu.vector_load %arg20[%get3A_1163] {strides = array<i32>} : memref<272xf32, #tpu.memory_space<vmem>>, vector<16xf32>,
      %add3A_1165 = arith.addf %add3A_1159, %get3A_1164 : vector<16xf32>
      %get3A_1166 = arith.constant 238 : index
      %get3A_1167 = tpu.vector_load %arg19[%get3A_1166] {strides = array<i32>} : memref<272xf32, #tpu.memory_space<vmem>>, vector<16xf32>,
      %add3A_1168 = arith.addf %add3A_1162, %get3A_1167 : vector<16xf32>
      %get3A_1169 = arith.constant 238 : index
      %get3A_1170 = tpu.vector_load %arg20[%get3A_1169] {strides = array<i32>} : memref<272xf32, #tpu.memory_space<vmem>>, vector<16xf32>,
      %add3A_1171 = arith.addf %add3A_1165, %get3A_1170 : vector<16xf32>
      %get3A_1172 = arith.constant 255 : index
      %get3A_1173 = tpu.vector_load %arg19[%get3A_1172] {strides = array<i32>} : memref<272xf32, #tpu.memory_space<vmem>>, vector<16xf32>,
      %add3A_1174 = arith.addf %add3A_1168, %get3A_1173 : vector<16xf32>
      %get3A_1175 = arith.constant 255 : index
      %get3A_1176 = tpu.vector_load %arg20[%get3A_1175] {strides = array<i32>} : memref<272xf32, #tpu.memory_space<vmem>>, vector<16xf32>,
      %add3A_1177 = arith.addf %add3A_1171, %get3A_1176 : vector<16xf32>
      %add3A_1178 = arith.constant 128 : i32
      %add3A_1179 = arith.addi %add3A_1178, %mul3A_204 : i32
      %neg3A = arith.constant 0.000000e+00 : f32
      %neg3A_1180 = vector.broadcast %neg3A : f32 to vector<16xf32>
      %neg3A_1181 = arith.subf %neg3A_1180, %add3A_1174 : vector<16xf32>
      %exp3A = math.exp %neg3A_1181 : vector<16xf32>
      %add3A_1182 = arith.constant 1.000000e+00 : f32
      %add3A_1183 = vector.broadcast %add3A_1182 : f32 to vector<16xf32>
      %add3A_1184 = arith.addf %add3A_1183, %exp3A : vector<16xf32>
      %div3A = arith.constant 1.000000e+00 : f32
      %div3A_1185 = vector.broadcast %div3A : f32 to vector<16xf32>
      %div3A_1186 = arith.divf %div3A_1185, %add3A_1184 : vector<16xf32>
      %swap3A = arith.index_cast %add3A_1179 : i32 to index
      %swap3A_1187 = tpu.vector_load %arg17[%swap3A] {strides = array<i32>} : memref<512xf32, #tpu.memory_space<vmem>>, vector<16xf32>,
      tpu.vector_store %arg17[%swap3A], %div3A_1186 {strides = array<i32>} : memref<512xf32, #tpu.memory_space<vmem>>, vector<16xf32>,
      %neg3A_1188 = arith.constant 0.000000e+00 : f32
      %neg3A_1189 = vector.broadcast %neg3A_1188 : f32 to vector<16xf32>
      %neg3A_1190 = arith.subf %neg3A_1189, %add3A_1177 : vector<16xf32>
      %exp3A_1191 = math.exp %neg3A_1190 : vector<16xf32>
      %add3A_1192 = arith.constant 1.000000e+00 : f32
      %add3A_1193 = vector.broadcast %add3A_1192 : f32 to vector<16xf32>
      %add3A_1194 = arith.addf %add3A_1193, %exp3A_1191 : vector<16xf32>
      %div3A_1195 = arith.constant 1.000000e+00 : f32
      %div3A_1196 = vector.broadcast %div3A_1195 : f32 to vector<16xf32>
      %div3A_1197 = arith.divf %div3A_1196, %add3A_1194 : vector<16xf32>
      %swap3A_1198 = arith.index_cast %add3A_1179 : i32 to index
      %swap3A_1199 = tpu.vector_load %arg18[%swap3A_1198] {strides = array<i32>} : memref<512xf32, #tpu.memory_space<vmem>>, vector<16xf32>,
      tpu.vector_store %arg18[%swap3A_1198], %div3A_1197 {strides = array<i32>} : memref<512xf32, #tpu.memory_space<vmem>>, vector<16xf32>,
      %scan3A_1200 = arith.constant 0 : i32
      scf.yield %scan3A_1200 : i32
    }
    %scan3A_123 = arith.constant 8 : i32
    %dma_start3A_124 = arith.constant 3 : i32
    %dma_start3A_125 = arith.constant 0 : i32
    %dma_start3A_126 = tpu.memref_slice %arg8[%dma_start3A_124, %dma_start3A_125] : memref<4x128xi32, #tpu.memory_space<vmem>> -> memref<1x128xi32, #tpu.memory_space<vmem>>
    %dma_start3A_127 = tpu.memref_squeeze %dma_start3A_126 : memref<1x128xi32, #tpu.memory_space<vmem>> -> memref<128xi32, #tpu.memory_space<vmem>>
    %dma_start3A_128 = arith.constant 0 : i32
    %dma_start3A_129 = arith.constant 0 : i32
    %dma_start3A_130 = tpu.memref_slice %arg5[%dma_start3A_128, %dma_start3A_129] : memref<1000000x128xf32, #tpu.memory_space<hbm>> -> memref<1000000x128xf32, #tpu.memory_space<hbm>>
    tpu.enqueue_indirect_dma source(%dma_start3A_130 : memref<1000000x128xf32, #tpu.memory_space<hbm>>) target(%arg12 : memref<128x128xf32, #tpu.memory_space<vmem>>) offsets(%dma_start3A_127 : memref<128xi32, #tpu.memory_space<vmem>>) semaphore(%arg24 : memref<!tpu.dma_semaphore, #tpu.memory_space<semaphore_mem>>)
    %dma_start3A_131 = arith.constant 3 : i32
    %dma_start3A_132 = arith.constant 0 : i32
    %dma_start3A_133 = tpu.memref_slice %arg9[%dma_start3A_131, %dma_start3A_132] : memref<4x128xi32, #tpu.memory_space<vmem>> -> memref<1x128xi32, #tpu.memory_space<vmem>>
    %dma_start3A_134 = tpu.memref_squeeze %dma_start3A_133 : memref<1x128xi32, #tpu.memory_space<vmem>> -> memref<128xi32, #tpu.memory_space<vmem>>
    %dma_start3A_135 = arith.constant 0 : i32
    %dma_start3A_136 = arith.constant 0 : i32
    %dma_start3A_137 = tpu.memref_slice %arg5[%dma_start3A_135, %dma_start3A_136] : memref<1000000x128xf32, #tpu.memory_space<hbm>> -> memref<1000000x128xf32, #tpu.memory_space<hbm>>
    tpu.enqueue_indirect_dma source(%dma_start3A_137 : memref<1000000x128xf32, #tpu.memory_space<hbm>>) target(%arg14 : memref<128x128xf32, #tpu.memory_space<vmem>>) offsets(%dma_start3A_134 : memref<128xi32, #tpu.memory_space<vmem>>) semaphore(%arg24 : memref<!tpu.dma_semaphore, #tpu.memory_space<semaphore_mem>>)
    %dma_start3A_138 = arith.constant 3 : i32
    %dma_start3A_139 = arith.constant 0 : i32
    %dma_start3A_140 = tpu.memref_slice %arg10[%dma_start3A_138, %dma_start3A_139] : memref<4x128xi32, #tpu.memory_space<vmem>> -> memref<1x128xi32, #tpu.memory_space<vmem>>
    %dma_start3A_141 = tpu.memref_squeeze %dma_start3A_140 : memref<1x128xi32, #tpu.memory_space<vmem>> -> memref<128xi32, #tpu.memory_space<vmem>>
    %dma_start3A_142 = arith.constant 0 : i32
    %dma_start3A_143 = arith.constant 0 : i32
    %dma_start3A_144 = tpu.memref_slice %arg5[%dma_start3A_142, %dma_start3A_143] : memref<1000000x128xf32, #tpu.memory_space<hbm>> -> memref<1000000x128xf32, #tpu.memory_space<hbm>>
    tpu.enqueue_indirect_dma source(%dma_start3A_144 : memref<1000000x128xf32, #tpu.memory_space<hbm>>) target(%arg16 : memref<128x128xf32, #tpu.memory_space<vmem>>) offsets(%dma_start3A_141 : memref<128xi32, #tpu.memory_space<vmem>>) semaphore(%arg24 : memref<!tpu.dma_semaphore, #tpu.memory_space<semaphore_mem>>)
    %dma_wait3A_145 = arith.constant 2 : i32
    %dma_wait3A_146 = arith.constant 0 : i32
    %dma_wait3A_147 = tpu.memref_slice %arg8[%dma_wait3A_145, %dma_wait3A_146] : memref<4x128xi32, #tpu.memory_space<vmem>> -> memref<1x128xi32, #tpu.memory_space<vmem>>
    %dma_wait3A_148 = tpu.memref_squeeze %dma_wait3A_147 : memref<1x128xi32, #tpu.memory_space<vmem>> -> memref<128xi32, #tpu.memory_space<vmem>>
    %dma_wait3A_149 = arith.constant 0 : i32
    %dma_wait3A_150 = arith.constant 0 : i32
    %dma_wait3A_151 = tpu.memref_slice %arg5[%dma_wait3A_149, %dma_wait3A_150] : memref<1000000x128xf32, #tpu.memory_space<hbm>> -> memref<1000000x128xf32, #tpu.memory_space<hbm>>
    tpu.wait_indirect_dma semaphore(%arg23 : memref<!tpu.dma_semaphore, #tpu.memory_space<semaphore_mem>>) src(%dma_wait3A_151 : memref<1000000x128xf32, #tpu.memory_space<hbm>>) dst(%arg11 : memref<128x128xf32, #tpu.memory_space<vmem>>)
    %dma_wait3A_152 = arith.constant 2 : i32
    %dma_wait3A_153 = arith.constant 0 : i32
    %dma_wait3A_154 = tpu.memref_slice %arg9[%dma_wait3A_152, %dma_wait3A_153] : memref<4x128xi32, #tpu.memory_space<vmem>> -> memref<1x128xi32, #tpu.memory_space<vmem>>
    %dma_wait3A_155 = tpu.memref_squeeze %dma_wait3A_154 : memref<1x128xi32, #tpu.memory_space<vmem>> -> memref<128xi32, #tpu.memory_space<vmem>>
    %dma_wait3A_156 = arith.constant 0 : i32
    %dma_wait3A_157 = arith.constant 0 : i32
    %dma_wait3A_158 = tpu.memref_slice %arg5[%dma_wait3A_156, %dma_wait3A_157] : memref<1000000x128xf32, #tpu.memory_space<hbm>> -> memref<1000000x128xf32, #tpu.memory_space<hbm>>
    tpu.wait_indirect_dma semaphore(%arg23 : memref<!tpu.dma_semaphore, #tpu.memory_space<semaphore_mem>>) src(%dma_wait3A_158 : memref<1000000x128xf32, #tpu.memory_space<hbm>>) dst(%arg13 : memref<128x128xf32, #tpu.memory_space<vmem>>)
    %dma_wait3A_159 = arith.constant 2 : i32
    %dma_wait3A_160 = arith.constant 0 : i32
    %dma_wait3A_161 = tpu.memref_slice %arg10[%dma_wait3A_159, %dma_wait3A_160] : memref<4x128xi32, #tpu.memory_space<vmem>> -> memref<1x128xi32, #tpu.memory_space<vmem>>
    %dma_wait3A_162 = tpu.memref_squeeze %dma_wait3A_161 : memref<1x128xi32, #tpu.memory_space<vmem>> -> memref<128xi32, #tpu.memory_space<vmem>>
    %dma_wait3A_163 = arith.constant 0 : i32
    %dma_wait3A_164 = arith.constant 0 : i32
    %dma_wait3A_165 = tpu.memref_slice %arg5[%dma_wait3A_163, %dma_wait3A_164] : memref<1000000x128xf32, #tpu.memory_space<hbm>> -> memref<1000000x128xf32, #tpu.memory_space<hbm>>
    tpu.wait_indirect_dma semaphore(%arg23 : memref<!tpu.dma_semaphore, #tpu.memory_space<semaphore_mem>>) src(%dma_wait3A_165 : memref<1000000x128xf32, #tpu.memory_space<hbm>>) dst(%arg15 : memref<128x128xf32, #tpu.memory_space<vmem>>)
    %scan3A_166 = arith.constant 0 : i32
    %scan3A_167 = arith.constant 0 : i32
    %scan3A_168 = arith.constant 8 : i32
    %scan3A_169 = arith.addi %scan3A_167, %scan3A_168 : i32
    %scan3A_170 = arith.constant 1 : i32
    %scan3A_171 = scf.for %scan3A_201 = %scan3A_167 to %scan3A_169 step %scan3A_170 iter_args(%scan3A_202 = %scan3A_166) -> (i32)  : i32 {
      %mul3A_203 = arith.constant 16 : i32
      %mul3A_204 = arith.muli %scan3A_201, %mul3A_203 : i32
      %add3A_205 = arith.constant 0 : i32
      %add3A_206 = arith.addi %mul3A_204, %add3A_205 : i32
      %get3A = arith.index_cast %add3A_206 : i32 to index
      %get3A_207 = arith.constant 0 : index
      %get3A_208 = tpu.vector_load %arg11[%get3A, %get3A_207] {strides = array<i32>} : memref<128x128xf32, #tpu.memory_space<vmem>>, vector<16xf32>,
      %get3A_209 = arith.index_cast %add3A_206 : i32 to index
      %get3A_210 = arith.constant 64 : index
      %get3A_211 = tpu.vector_load %arg13[%get3A_209, %get3A_210] {strides = array<i32>} : memref<128x128xf32, #tpu.memory_space<vmem>>, vector<16xf32>,
      %mul3A_212 = arith.mulf %get3A_208, %get3A_211 : vector<16xf32>
      %get3A_213 = arith.index_cast %add3A_206 : i32 to index
      %get3A_214 = arith.constant 64 : index
      %get3A_215 = tpu.vector_load %arg15[%get3A_213, %get3A_214] {strides = array<i32>} : memref<128x128xf32, #tpu.memory_space<vmem>>, vector<16xf32>,
      %mul3A_216 = arith.mulf %get3A_208, %get3A_215 : vector<16xf32>
      %get3A_217 = arith.index_cast %add3A_206 : i32 to index
      %get3A_218 = arith.constant 16 : index
      %get3A_219 = tpu.vector_load %arg11[%get3A_217, %get3A_218] {strides = array<i32>} : memref<128x128xf32, #tpu.memory_space<vmem>>, vector<16xf32>,
      %get3A_220 = arith.index_cast %add3A_206 : i32 to index
      %get3A_221 = arith.constant 80 : index
      %get3A_222 = tpu.vector_load %arg13[%get3A_220, %get3A_221] {strides = array<i32>} : memref<128x128xf32, #tpu.memory_space<vmem>>, vector<16xf32>,
      %mul3A_223 = arith.mulf %get3A_219, %get3A_222 : vector<16xf32>
      %add3A_224 = arith.addf %mul3A_212, %mul3A_223 : vector<16xf32>
      %get3A_225 = arith.index_cast %add3A_206 : i32 to index
      %get3A_226 = arith.constant 80 : index
      %get3A_227 = tpu.vector_load %arg15[%get3A_225, %get3A_226] {strides = array<i32>} : memref<128x128xf32, #tpu.memory_space<vmem>>, vector<16xf32>,
      %mul3A_228 = arith.mulf %get3A_219, %get3A_227 : vector<16xf32>
      %add3A_229 = arith.addf %mul3A_216, %mul3A_228 : vector<16xf32>
      %get3A_230 = arith.index_cast %add3A_206 : i32 to index
      %get3A_231 = arith.constant 32 : index
      %get3A_232 = tpu.vector_load %arg11[%get3A_230, %get3A_231] {strides = array<i32>} : memref<128x128xf32, #tpu.memory_space<vmem>>, vector<16xf32>,
      %get3A_233 = arith.index_cast %add3A_206 : i32 to index
      %get3A_234 = arith.constant 96 : index
      %get3A_235 = tpu.vector_load %arg13[%get3A_233, %get3A_234] {strides = array<i32>} : memref<128x128xf32, #tpu.memory_space<vmem>>, vector<16xf32>,
      %mul3A_236 = arith.mulf %get3A_232, %get3A_235 : vector<16xf32>
      %add3A_237 = arith.addf %add3A_224, %mul3A_236 : vector<16xf32>
      %get3A_238 = arith.index_cast %add3A_206 : i32 to index
      %get3A_239 = arith.constant 96 : index
      %get3A_240 = tpu.vector_load %arg15[%get3A_238, %get3A_239] {strides = array<i32>} : memref<128x128xf32, #tpu.memory_space<vmem>>, vector<16xf32>,
      %mul3A_241 = arith.mulf %get3A_232, %get3A_240 : vector<16xf32>
      %add3A_242 = arith.addf %add3A_229, %mul3A_241 : vector<16xf32>
      %get3A_243 = arith.index_cast %add3A_206 : i32 to index
      %get3A_244 = arith.constant 48 : index
      %get3A_245 = tpu.vector_load %arg11[%get3A_243, %get3A_244] {strides = array<i32>} : memref<128x128xf32, #tpu.memory_space<vmem>>, vector<16xf32>,
      %get3A_246 = arith.index_cast %add3A_206 : i32 to index
      %get3A_247 = arith.constant 112 : index
      %get3A_248 = tpu.vector_load %arg13[%get3A_246, %get3A_247] {strides = array<i32>} : memref<128x128xf32, #tpu.memory_space<vmem>>, vector<16xf32>,
      %mul3A_249 = arith.mulf %get3A_245, %get3A_248 : vector<16xf32>
      %add3A_250 = arith.addf %add3A_237, %mul3A_249 : vector<16xf32>
      %get3A_251 = arith.index_cast %add3A_206 : i32 to index
      %get3A_252 = arith.constant 112 : index
      %get3A_253 = tpu.vector_load %arg15[%get3A_251, %get3A_252] {strides = array<i32>} : memref<128x128xf32, #tpu.memory_space<vmem>>, vector<16xf32>,
      %mul3A_254 = arith.mulf %get3A_245, %get3A_253 : vector<16xf32>
      %add3A_255 = arith.addf %add3A_242, %mul3A_254 : vector<16xf32>
      %add3A_256 = arith.constant 0 : i32
      %add3A_257 = vector.broadcast %add3A_256 : i32 to vector<16xi32>
      %add3A_258 = arith.addi %mul3A_7, %add3A_257 : vector<16xi32>
      tpu.vector_store_idx %arg19[%add3A_258], %add3A_250 : memref<272xf32, #tpu.memory_space<vmem>>[vector<16xi32>], vector<16xf32>,
      tpu.vector_store_idx %arg20[%add3A_258], %add3A_255 : memref<272xf32, #tpu.memory_space<vmem>>[vector<16xi32>], vector<16xf32>,
      %add3A_259 = arith.constant 1 : i32
      %add3A_260 = arith.addi %mul3A_204, %add3A_259 : i32
      %get3A_261 = arith.index_cast %add3A_260 : i32 to index
      %get3A_262 = arith.constant 0 : index
      %get3A_263 = tpu.vector_load %arg11[%get3A_261, %get3A_262] {strides = array<i32>} : memref<128x128xf32, #tpu.memory_space<vmem>>, vector<16xf32>,
      %get3A_264 = arith.index_cast %add3A_260 : i32 to index
      %get3A_265 = arith.constant 64 : index
      %get3A_266 = tpu.vector_load %arg13[%get3A_264, %get3A_265] {strides = array<i32>} : memref<128x128xf32, #tpu.memory_space<vmem>>, vector<16xf32>,
      %mul3A_267 = arith.mulf %get3A_263, %get3A_266 : vector<16xf32>
      %get3A_268 = arith.index_cast %add3A_260 : i32 to index
      %get3A_269 = arith.constant 64 : index
      %get3A_270 = tpu.vector_load %arg15[%get3A_268, %get3A_269] {strides = array<i32>} : memref<128x128xf32, #tpu.memory_space<vmem>>, vector<16xf32>,
      %mul3A_271 = arith.mulf %get3A_263, %get3A_270 : vector<16xf32>
      %get3A_272 = arith.index_cast %add3A_260 : i32 to index
      %get3A_273 = arith.constant 16 : index
      %get3A_274 = tpu.vector_load %arg11[%get3A_272, %get3A_273] {strides = array<i32>} : memref<128x128xf32, #tpu.memory_space<vmem>>, vector<16xf32>,
      %get3A_275 = arith.index_cast %add3A_260 : i32 to index
      %get3A_276 = arith.constant 80 : index
      %get3A_277 = tpu.vector_load %arg13[%get3A_275, %get3A_276] {strides = array<i32>} : memref<128x128xf32, #tpu.memory_space<vmem>>, vector<16xf32>,
      %mul3A_278 = arith.mulf %get3A_274, %get3A_277 : vector<16xf32>
      %add3A_279 = arith.addf %mul3A_267, %mul3A_278 : vector<16xf32>
      %get3A_280 = arith.index_cast %add3A_260 : i32 to index
      %get3A_281 = arith.constant 80 : index
      %get3A_282 = tpu.vector_load %arg15[%get3A_280, %get3A_281] {strides = array<i32>} : memref<128x128xf32, #tpu.memory_space<vmem>>, vector<16xf32>,
      %mul3A_283 = arith.mulf %get3A_274, %get3A_282 : vector<16xf32>
      %add3A_284 = arith.addf %mul3A_271, %mul3A_283 : vector<16xf32>
      %get3A_285 = arith.index_cast %add3A_260 : i32 to index
      %get3A_286 = arith.constant 32 : index
      %get3A_287 = tpu.vector_load %arg11[%get3A_285, %get3A_286] {strides = array<i32>} : memref<128x128xf32, #tpu.memory_space<vmem>>, vector<16xf32>,
      %get3A_288 = arith.index_cast %add3A_260 : i32 to index
      %get3A_289 = arith.constant 96 : index
      %get3A_290 = tpu.vector_load %arg13[%get3A_288, %get3A_289] {strides = array<i32>} : memref<128x128xf32, #tpu.memory_space<vmem>>, vector<16xf32>,
      %mul3A_291 = arith.mulf %get3A_287, %get3A_290 : vector<16xf32>
      %add3A_292 = arith.addf %add3A_279, %mul3A_291 : vector<16xf32>
      %get3A_293 = arith.index_cast %add3A_260 : i32 to index
      %get3A_294 = arith.constant 96 : index
      %get3A_295 = tpu.vector_load %arg15[%get3A_293, %get3A_294] {strides = array<i32>} : memref<128x128xf32, #tpu.memory_space<vmem>>, vector<16xf32>,
      %mul3A_296 = arith.mulf %get3A_287, %get3A_295 : vector<16xf32>
      %add3A_297 = arith.addf %add3A_284, %mul3A_296 : vector<16xf32>
      %get3A_298 = arith.index_cast %add3A_260 : i32 to index
      %get3A_299 = arith.constant 48 : index
      %get3A_300 = tpu.vector_load %arg11[%get3A_298, %get3A_299] {strides = array<i32>} : memref<128x128xf32, #tpu.memory_space<vmem>>, vector<16xf32>,
      %get3A_301 = arith.index_cast %add3A_260 : i32 to index
      %get3A_302 = arith.constant 112 : index
      %get3A_303 = tpu.vector_load %arg13[%get3A_301, %get3A_302] {strides = array<i32>} : memref<128x128xf32, #tpu.memory_space<vmem>>, vector<16xf32>,
      %mul3A_304 = arith.mulf %get3A_300, %get3A_303 : vector<16xf32>
      %add3A_305 = arith.addf %add3A_292, %mul3A_304 : vector<16xf32>
      %get3A_306 = arith.index_cast %add3A_260 : i32 to index
      %get3A_307 = arith.constant 112 : index
      %get3A_308 = tpu.vector_load %arg15[%get3A_306, %get3A_307] {strides = array<i32>} : memref<128x128xf32, #tpu.memory_space<vmem>>, vector<16xf32>,
      %mul3A_309 = arith.mulf %get3A_300, %get3A_308 : vector<16xf32>
      %add3A_310 = arith.addf %add3A_297, %mul3A_309 : vector<16xf32>
      %add3A_311 = arith.constant 1 : i32
      %add3A_312 = vector.broadcast %add3A_311 : i32 to vector<16xi32>
      %add3A_313 = arith.addi %mul3A_7, %add3A_312 : vector<16xi32>
      tpu.vector_store_idx %arg19[%add3A_313], %add3A_305 : memref<272xf32, #tpu.memory_space<vmem>>[vector<16xi32>], vector<16xf32>,
      tpu.vector_store_idx %arg20[%add3A_313], %add3A_310 : memref<272xf32, #tpu.memory_space<vmem>>[vector<16xi32>], vector<16xf32>,
      %add3A_314 = arith.constant 2 : i32
      %add3A_315 = arith.addi %mul3A_204, %add3A_314 : i32
      %get3A_316 = arith.index_cast %add3A_315 : i32 to index
      %get3A_317 = arith.constant 0 : index
      %get3A_318 = tpu.vector_load %arg11[%get3A_316, %get3A_317] {strides = array<i32>} : memref<128x128xf32, #tpu.memory_space<vmem>>, vector<16xf32>,
      %get3A_319 = arith.index_cast %add3A_315 : i32 to index
      %get3A_320 = arith.constant 64 : index
      %get3A_321 = tpu.vector_load %arg13[%get3A_319, %get3A_320] {strides = array<i32>} : memref<128x128xf32, #tpu.memory_space<vmem>>, vector<16xf32>,
      %mul3A_322 = arith.mulf %get3A_318, %get3A_321 : vector<16xf32>
      %get3A_323 = arith.index_cast %add3A_315 : i32 to index
      %get3A_324 = arith.constant 64 : index
      %get3A_325 = tpu.vector_load %arg15[%get3A_323, %get3A_324] {strides = array<i32>} : memref<128x128xf32, #tpu.memory_space<vmem>>, vector<16xf32>,
      %mul3A_326 = arith.mulf %get3A_318, %get3A_325 : vector<16xf32>
      %get3A_327 = arith.index_cast %add3A_315 : i32 to index
      %get3A_328 = arith.constant 16 : index
      %get3A_329 = tpu.vector_load %arg11[%get3A_327, %get3A_328] {strides = array<i32>} : memref<128x128xf32, #tpu.memory_space<vmem>>, vector<16xf32>,
      %get3A_330 = arith.index_cast %add3A_315 : i32 to index
      %get3A_331 = arith.constant 80 : index
      %get3A_332 = tpu.vector_load %arg13[%get3A_330, %get3A_331] {strides = array<i32>} : memref<128x128xf32, #tpu.memory_space<vmem>>, vector<16xf32>,
      %mul3A_333 = arith.mulf %get3A_329, %get3A_332 : vector<16xf32>
      %add3A_334 = arith.addf %mul3A_322, %mul3A_333 : vector<16xf32>
      %get3A_335 = arith.index_cast %add3A_315 : i32 to index
      %get3A_336 = arith.constant 80 : index
      %get3A_337 = tpu.vector_load %arg15[%get3A_335, %get3A_336] {strides = array<i32>} : memref<128x128xf32, #tpu.memory_space<vmem>>, vector<16xf32>,
      %mul3A_338 = arith.mulf %get3A_329, %get3A_337 : vector<16xf32>
      %add3A_339 = arith.addf %mul3A_326, %mul3A_338 : vector<16xf32>
      %get3A_340 = arith.index_cast %add3A_315 : i32 to index
      %get3A_341 = arith.constant 32 : index
      %get3A_342 = tpu.vector_load %arg11[%get3A_340, %get3A_341] {strides = array<i32>} : memref<128x128xf32, #tpu.memory_space<vmem>>, vector<16xf32>,
      %get3A_343 = arith.index_cast %add3A_315 : i32 to index
      %get3A_344 = arith.constant 96 : index
      %get3A_345 = tpu.vector_load %arg13[%get3A_343, %get3A_344] {strides = array<i32>} : memref<128x128xf32, #tpu.memory_space<vmem>>, vector<16xf32>,
      %mul3A_346 = arith.mulf %get3A_342, %get3A_345 : vector<16xf32>
      %add3A_347 = arith.addf %add3A_334, %mul3A_346 : vector<16xf32>
      %get3A_348 = arith.index_cast %add3A_315 : i32 to index
      %get3A_349 = arith.constant 96 : index
      %get3A_350 = tpu.vector_load %arg15[%get3A_348, %get3A_349] {strides = array<i32>} : memref<128x128xf32, #tpu.memory_space<vmem>>, vector<16xf32>,
      %mul3A_351 = arith.mulf %get3A_342, %get3A_350 : vector<16xf32>
      %add3A_352 = arith.addf %add3A_339, %mul3A_351 : vector<16xf32>
      %get3A_353 = arith.index_cast %add3A_315 : i32 to index
      %get3A_354 = arith.constant 48 : index
      %get3A_355 = tpu.vector_load %arg11[%get3A_353, %get3A_354] {strides = array<i32>} : memref<128x128xf32, #tpu.memory_space<vmem>>, vector<16xf32>,
      %get3A_356 = arith.index_cast %add3A_315 : i32 to index
      %get3A_357 = arith.constant 112 : index
      %get3A_358 = tpu.vector_load %arg13[%get3A_356, %get3A_357] {strides = array<i32>} : memref<128x128xf32, #tpu.memory_space<vmem>>, vector<16xf32>,
      %mul3A_359 = arith.mulf %get3A_355, %get3A_358 : vector<16xf32>
      %add3A_360 = arith.addf %add3A_347, %mul3A_359 : vector<16xf32>
      %get3A_361 = arith.index_cast %add3A_315 : i32 to index
      %get3A_362 = arith.constant 112 : index
      %get3A_363 = tpu.vector_load %arg15[%get3A_361, %get3A_362] {strides = array<i32>} : memref<128x128xf32, #tpu.memory_space<vmem>>, vector<16xf32>,
      %mul3A_364 = arith.mulf %get3A_355, %get3A_363 : vector<16xf32>
      %add3A_365 = arith.addf %add3A_352, %mul3A_364 : vector<16xf32>
      %add3A_366 = arith.constant 2 : i32
      %add3A_367 = vector.broadcast %add3A_366 : i32 to vector<16xi32>
      %add3A_368 = arith.addi %mul3A_7, %add3A_367 : vector<16xi32>
      tpu.vector_store_idx %arg19[%add3A_368], %add3A_360 : memref<272xf32, #tpu.memory_space<vmem>>[vector<16xi32>], vector<16xf32>,
      tpu.vector_store_idx %arg20[%add3A_368], %add3A_365 : memref<272xf32, #tpu.memory_space<vmem>>[vector<16xi32>], vector<16xf32>,
      %add3A_369 = arith.constant 3 : i32
      %add3A_370 = arith.addi %mul3A_204, %add3A_369 : i32
      %get3A_371 = arith.index_cast %add3A_370 : i32 to index
      %get3A_372 = arith.constant 0 : index
      %get3A_373 = tpu.vector_load %arg11[%get3A_371, %get3A_372] {strides = array<i32>} : memref<128x128xf32, #tpu.memory_space<vmem>>, vector<16xf32>,
      %get3A_374 = arith.index_cast %add3A_370 : i32 to index
      %get3A_375 = arith.constant 64 : index
      %get3A_376 = tpu.vector_load %arg13[%get3A_374, %get3A_375] {strides = array<i32>} : memref<128x128xf32, #tpu.memory_space<vmem>>, vector<16xf32>,
      %mul3A_377 = arith.mulf %get3A_373, %get3A_376 : vector<16xf32>
      %get3A_378 = arith.index_cast %add3A_370 : i32 to index
      %get3A_379 = arith.constant 64 : index
      %get3A_380 = tpu.vector_load %arg15[%get3A_378, %get3A_379] {strides = array<i32>} : memref<128x128xf32, #tpu.memory_space<vmem>>, vector<16xf32>,
      %mul3A_381 = arith.mulf %get3A_373, %get3A_380 : vector<16xf32>
      %get3A_382 = arith.index_cast %add3A_370 : i32 to index
      %get3A_383 = arith.constant 16 : index
      %get3A_384 = tpu.vector_load %arg11[%get3A_382, %get3A_383] {strides = array<i32>} : memref<128x128xf32, #tpu.memory_space<vmem>>, vector<16xf32>,
      %get3A_385 = arith.index_cast %add3A_370 : i32 to index
      %get3A_386 = arith.constant 80 : index
      %get3A_387 = tpu.vector_load %arg13[%get3A_385, %get3A_386] {strides = array<i32>} : memref<128x128xf32, #tpu.memory_space<vmem>>, vector<16xf32>,
      %mul3A_388 = arith.mulf %get3A_384, %get3A_387 : vector<16xf32>
      %add3A_389 = arith.addf %mul3A_377, %mul3A_388 : vector<16xf32>
      %get3A_390 = arith.index_cast %add3A_370 : i32 to index
      %get3A_391 = arith.constant 80 : index
      %get3A_392 = tpu.vector_load %arg15[%get3A_390, %get3A_391] {strides = array<i32>} : memref<128x128xf32, #tpu.memory_space<vmem>>, vector<16xf32>,
      %mul3A_393 = arith.mulf %get3A_384, %get3A_392 : vector<16xf32>
      %add3A_394 = arith.addf %mul3A_381, %mul3A_393 : vector<16xf32>
      %get3A_395 = arith.index_cast %add3A_370 : i32 to index
      %get3A_396 = arith.constant 32 : index
      %get3A_397 = tpu.vector_load %arg11[%get3A_395, %get3A_396] {strides = array<i32>} : memref<128x128xf32, #tpu.memory_space<vmem>>, vector<16xf32>,
      %get3A_398 = arith.index_cast %add3A_370 : i32 to index
      %get3A_399 = arith.constant 96 : index
      %get3A_400 = tpu.vector_load %arg13[%get3A_398, %get3A_399] {strides = array<i32>} : memref<128x128xf32, #tpu.memory_space<vmem>>, vector<16xf32>,
      %mul3A_401 = arith.mulf %get3A_397, %get3A_400 : vector<16xf32>
      %add3A_402 = arith.addf %add3A_389, %mul3A_401 : vector<16xf32>
      %get3A_403 = arith.index_cast %add3A_370 : i32 to index
      %get3A_404 = arith.constant 96 : index
      %get3A_405 = tpu.vector_load %arg15[%get3A_403, %get3A_404] {strides = array<i32>} : memref<128x128xf32, #tpu.memory_space<vmem>>, vector<16xf32>,
      %mul3A_406 = arith.mulf %get3A_397, %get3A_405 : vector<16xf32>
      %add3A_407 = arith.addf %add3A_394, %mul3A_406 : vector<16xf32>
      %get3A_408 = arith.index_cast %add3A_370 : i32 to index
      %get3A_409 = arith.constant 48 : index
      %get3A_410 = tpu.vector_load %arg11[%get3A_408, %get3A_409] {strides = array<i32>} : memref<128x128xf32, #tpu.memory_space<vmem>>, vector<16xf32>,
      %get3A_411 = arith.index_cast %add3A_370 : i32 to index
      %get3A_412 = arith.constant 112 : index
      %get3A_413 = tpu.vector_load %arg13[%get3A_411, %get3A_412] {strides = array<i32>} : memref<128x128xf32, #tpu.memory_space<vmem>>, vector<16xf32>,
      %mul3A_414 = arith.mulf %get3A_410, %get3A_413 : vector<16xf32>
      %add3A_415 = arith.addf %add3A_402, %mul3A_414 : vector<16xf32>
      %get3A_416 = arith.index_cast %add3A_370 : i32 to index
      %get3A_417 = arith.constant 112 : index
      %get3A_418 = tpu.vector_load %arg15[%get3A_416, %get3A_417] {strides = array<i32>} : memref<128x128xf32, #tpu.memory_space<vmem>>, vector<16xf32>,
      %mul3A_419 = arith.mulf %get3A_410, %get3A_418 : vector<16xf32>
      %add3A_420 = arith.addf %add3A_407, %mul3A_419 : vector<16xf32>
      %add3A_421 = arith.constant 3 : i32
      %add3A_422 = vector.broadcast %add3A_421 : i32 to vector<16xi32>
      %add3A_423 = arith.addi %mul3A_7, %add3A_422 : vector<16xi32>
      tpu.vector_store_idx %arg19[%add3A_423], %add3A_415 : memref<272xf32, #tpu.memory_space<vmem>>[vector<16xi32>], vector<16xf32>,
      tpu.vector_store_idx %arg20[%add3A_423], %add3A_420 : memref<272xf32, #tpu.memory_space<vmem>>[vector<16xi32>], vector<16xf32>,
      %add3A_424 = arith.constant 4 : i32
      %add3A_425 = arith.addi %mul3A_204, %add3A_424 : i32
      %get3A_426 = arith.index_cast %add3A_425 : i32 to index
      %get3A_427 = arith.constant 0 : index
      %get3A_428 = tpu.vector_load %arg11[%get3A_426, %get3A_427] {strides = array<i32>} : memref<128x128xf32, #tpu.memory_space<vmem>>, vector<16xf32>,
      %get3A_429 = arith.index_cast %add3A_425 : i32 to index
      %get3A_430 = arith.constant 64 : index
      %get3A_431 = tpu.vector_load %arg13[%get3A_429, %get3A_430] {strides = array<i32>} : memref<128x128xf32, #tpu.memory_space<vmem>>, vector<16xf32>,
      %mul3A_432 = arith.mulf %get3A_428, %get3A_431 : vector<16xf32>
      %get3A_433 = arith.index_cast %add3A_425 : i32 to index
      %get3A_434 = arith.constant 64 : index
      %get3A_435 = tpu.vector_load %arg15[%get3A_433, %get3A_434] {strides = array<i32>} : memref<128x128xf32, #tpu.memory_space<vmem>>, vector<16xf32>,
      %mul3A_436 = arith.mulf %get3A_428, %get3A_435 : vector<16xf32>
      %get3A_437 = arith.index_cast %add3A_425 : i32 to index
      %get3A_438 = arith.constant 16 : index
      %get3A_439 = tpu.vector_load %arg11[%get3A_437, %get3A_438] {strides = array<i32>} : memref<128x128xf32, #tpu.memory_space<vmem>>, vector<16xf32>,
      %get3A_440 = arith.index_cast %add3A_425 : i32 to index
      %get3A_441 = arith.constant 80 : index
      %get3A_442 = tpu.vector_load %arg13[%get3A_440, %get3A_441] {strides = array<i32>} : memref<128x128xf32, #tpu.memory_space<vmem>>, vector<16xf32>,
      %mul3A_443 = arith.mulf %get3A_439, %get3A_442 : vector<16xf32>
      %add3A_444 = arith.addf %mul3A_432, %mul3A_443 : vector<16xf32>
      %get3A_445 = arith.index_cast %add3A_425 : i32 to index
      %get3A_446 = arith.constant 80 : index
      %get3A_447 = tpu.vector_load %arg15[%get3A_445, %get3A_446] {strides = array<i32>} : memref<128x128xf32, #tpu.memory_space<vmem>>, vector<16xf32>,
      %mul3A_448 = arith.mulf %get3A_439, %get3A_447 : vector<16xf32>
      %add3A_449 = arith.addf %mul3A_436, %mul3A_448 : vector<16xf32>
      %get3A_450 = arith.index_cast %add3A_425 : i32 to index
      %get3A_451 = arith.constant 32 : index
      %get3A_452 = tpu.vector_load %arg11[%get3A_450, %get3A_451] {strides = array<i32>} : memref<128x128xf32, #tpu.memory_space<vmem>>, vector<16xf32>,
      %get3A_453 = arith.index_cast %add3A_425 : i32 to index
      %get3A_454 = arith.constant 96 : index
      %get3A_455 = tpu.vector_load %arg13[%get3A_453, %get3A_454] {strides = array<i32>} : memref<128x128xf32, #tpu.memory_space<vmem>>, vector<16xf32>,
      %mul3A_456 = arith.mulf %get3A_452, %get3A_455 : vector<16xf32>
      %add3A_457 = arith.addf %add3A_444, %mul3A_456 : vector<16xf32>
      %get3A_458 = arith.index_cast %add3A_425 : i32 to index
      %get3A_459 = arith.constant 96 : index
      %get3A_460 = tpu.vector_load %arg15[%get3A_458, %get3A_459] {strides = array<i32>} : memref<128x128xf32, #tpu.memory_space<vmem>>, vector<16xf32>,
      %mul3A_461 = arith.mulf %get3A_452, %get3A_460 : vector<16xf32>
      %add3A_462 = arith.addf %add3A_449, %mul3A_461 : vector<16xf32>
      %get3A_463 = arith.index_cast %add3A_425 : i32 to index
      %get3A_464 = arith.constant 48 : index
      %get3A_465 = tpu.vector_load %arg11[%get3A_463, %get3A_464] {strides = array<i32>} : memref<128x128xf32, #tpu.memory_space<vmem>>, vector<16xf32>,
      %get3A_466 = arith.index_cast %add3A_425 : i32 to index
      %get3A_467 = arith.constant 112 : index
      %get3A_468 = tpu.vector_load %arg13[%get3A_466, %get3A_467] {strides = array<i32>} : memref<128x128xf32, #tpu.memory_space<vmem>>, vector<16xf32>,
      %mul3A_469 = arith.mulf %get3A_465, %get3A_468 : vector<16xf32>
      %add3A_470 = arith.addf %add3A_457, %mul3A_469 : vector<16xf32>
      %get3A_471 = arith.index_cast %add3A_425 : i32 to index
      %get3A_472 = arith.constant 112 : index
      %get3A_473 = tpu.vector_load %arg15[%get3A_471, %get3A_472] {strides = array<i32>} : memref<128x128xf32, #tpu.memory_space<vmem>>, vector<16xf32>,
      %mul3A_474 = arith.mulf %get3A_465, %get3A_473 : vector<16xf32>
      %add3A_475 = arith.addf %add3A_462, %mul3A_474 : vector<16xf32>
      %add3A_476 = arith.constant 4 : i32
      %add3A_477 = vector.broadcast %add3A_476 : i32 to vector<16xi32>
      %add3A_478 = arith.addi %mul3A_7, %add3A_477 : vector<16xi32>
      tpu.vector_store_idx %arg19[%add3A_478], %add3A_470 : memref<272xf32, #tpu.memory_space<vmem>>[vector<16xi32>], vector<16xf32>,
      tpu.vector_store_idx %arg20[%add3A_478], %add3A_475 : memref<272xf32, #tpu.memory_space<vmem>>[vector<16xi32>], vector<16xf32>,
      %add3A_479 = arith.constant 5 : i32
      %add3A_480 = arith.addi %mul3A_204, %add3A_479 : i32
      %get3A_481 = arith.index_cast %add3A_480 : i32 to index
      %get3A_482 = arith.constant 0 : index
      %get3A_483 = tpu.vector_load %arg11[%get3A_481, %get3A_482] {strides = array<i32>} : memref<128x128xf32, #tpu.memory_space<vmem>>, vector<16xf32>,
      %get3A_484 = arith.index_cast %add3A_480 : i32 to index
      %get3A_485 = arith.constant 64 : index
      %get3A_486 = tpu.vector_load %arg13[%get3A_484, %get3A_485] {strides = array<i32>} : memref<128x128xf32, #tpu.memory_space<vmem>>, vector<16xf32>,
      %mul3A_487 = arith.mulf %get3A_483, %get3A_486 : vector<16xf32>
      %get3A_488 = arith.index_cast %add3A_480 : i32 to index
      %get3A_489 = arith.constant 64 : index
      %get3A_490 = tpu.vector_load %arg15[%get3A_488, %get3A_489] {strides = array<i32>} : memref<128x128xf32, #tpu.memory_space<vmem>>, vector<16xf32>,
      %mul3A_491 = arith.mulf %get3A_483, %get3A_490 : vector<16xf32>
      %get3A_492 = arith.index_cast %add3A_480 : i32 to index
      %get3A_493 = arith.constant 16 : index
      %get3A_494 = tpu.vector_load %arg11[%get3A_492, %get3A_493] {strides = array<i32>} : memref<128x128xf32, #tpu.memory_space<vmem>>, vector<16xf32>,
      %get3A_495 = arith.index_cast %add3A_480 : i32 to index
      %get3A_496 = arith.constant 80 : index
      %get3A_497 = tpu.vector_load %arg13[%get3A_495, %get3A_496] {strides = array<i32>} : memref<128x128xf32, #tpu.memory_space<vmem>>, vector<16xf32>,
      %mul3A_498 = arith.mulf %get3A_494, %get3A_497 : vector<16xf32>
      %add3A_499 = arith.addf %mul3A_487, %mul3A_498 : vector<16xf32>
      %get3A_500 = arith.index_cast %add3A_480 : i32 to index
      %get3A_501 = arith.constant 80 : index
      %get3A_502 = tpu.vector_load %arg15[%get3A_500, %get3A_501] {strides = array<i32>} : memref<128x128xf32, #tpu.memory_space<vmem>>, vector<16xf32>,
      %mul3A_503 = arith.mulf %get3A_494, %get3A_502 : vector<16xf32>
      %add3A_504 = arith.addf %mul3A_491, %mul3A_503 : vector<16xf32>
      %get3A_505 = arith.index_cast %add3A_480 : i32 to index
      %get3A_506 = arith.constant 32 : index
      %get3A_507 = tpu.vector_load %arg11[%get3A_505, %get3A_506] {strides = array<i32>} : memref<128x128xf32, #tpu.memory_space<vmem>>, vector<16xf32>,
      %get3A_508 = arith.index_cast %add3A_480 : i32 to index
      %get3A_509 = arith.constant 96 : index
      %get3A_510 = tpu.vector_load %arg13[%get3A_508, %get3A_509] {strides = array<i32>} : memref<128x128xf32, #tpu.memory_space<vmem>>, vector<16xf32>,
      %mul3A_511 = arith.mulf %get3A_507, %get3A_510 : vector<16xf32>
      %add3A_512 = arith.addf %add3A_499, %mul3A_511 : vector<16xf32>
      %get3A_513 = arith.index_cast %add3A_480 : i32 to index
      %get3A_514 = arith.constant 96 : index
      %get3A_515 = tpu.vector_load %arg15[%get3A_513, %get3A_514] {strides = array<i32>} : memref<128x128xf32, #tpu.memory_space<vmem>>, vector<16xf32>,
      %mul3A_516 = arith.mulf %get3A_507, %get3A_515 : vector<16xf32>
      %add3A_517 = arith.addf %add3A_504, %mul3A_516 : vector<16xf32>
      %get3A_518 = arith.index_cast %add3A_480 : i32 to index
      %get3A_519 = arith.constant 48 : index
      %get3A_520 = tpu.vector_load %arg11[%get3A_518, %get3A_519] {strides = array<i32>} : memref<128x128xf32, #tpu.memory_space<vmem>>, vector<16xf32>,
      %get3A_521 = arith.index_cast %add3A_480 : i32 to index
      %get3A_522 = arith.constant 112 : index
      %get3A_523 = tpu.vector_load %arg13[%get3A_521, %get3A_522] {strides = array<i32>} : memref<128x128xf32, #tpu.memory_space<vmem>>, vector<16xf32>,
      %mul3A_524 = arith.mulf %get3A_520, %get3A_523 : vector<16xf32>
      %add3A_525 = arith.addf %add3A_512, %mul3A_524 : vector<16xf32>
      %get3A_526 = arith.index_cast %add3A_480 : i32 to index
      %get3A_527 = arith.constant 112 : index
      %get3A_528 = tpu.vector_load %arg15[%get3A_526, %get3A_527] {strides = array<i32>} : memref<128x128xf32, #tpu.memory_space<vmem>>, vector<16xf32>,
      %mul3A_529 = arith.mulf %get3A_520, %get3A_528 : vector<16xf32>
      %add3A_530 = arith.addf %add3A_517, %mul3A_529 : vector<16xf32>
      %add3A_531 = arith.constant 5 : i32
      %add3A_532 = vector.broadcast %add3A_531 : i32 to vector<16xi32>
      %add3A_533 = arith.addi %mul3A_7, %add3A_532 : vector<16xi32>
      tpu.vector_store_idx %arg19[%add3A_533], %add3A_525 : memref<272xf32, #tpu.memory_space<vmem>>[vector<16xi32>], vector<16xf32>,
      tpu.vector_store_idx %arg20[%add3A_533], %add3A_530 : memref<272xf32, #tpu.memory_space<vmem>>[vector<16xi32>], vector<16xf32>,
      %add3A_534 = arith.constant 6 : i32
      %add3A_535 = arith.addi %mul3A_204, %add3A_534 : i32
      %get3A_536 = arith.index_cast %add3A_535 : i32 to index
      %get3A_537 = arith.constant 0 : index
      %get3A_538 = tpu.vector_load %arg11[%get3A_536, %get3A_537] {strides = array<i32>} : memref<128x128xf32, #tpu.memory_space<vmem>>, vector<16xf32>,
      %get3A_539 = arith.index_cast %add3A_535 : i32 to index
      %get3A_540 = arith.constant 64 : index
      %get3A_541 = tpu.vector_load %arg13[%get3A_539, %get3A_540] {strides = array<i32>} : memref<128x128xf32, #tpu.memory_space<vmem>>, vector<16xf32>,
      %mul3A_542 = arith.mulf %get3A_538, %get3A_541 : vector<16xf32>
      %get3A_543 = arith.index_cast %add3A_535 : i32 to index
      %get3A_544 = arith.constant 64 : index
      %get3A_545 = tpu.vector_load %arg15[%get3A_543, %get3A_544] {strides = array<i32>} : memref<128x128xf32, #tpu.memory_space<vmem>>, vector<16xf32>,
      %mul3A_546 = arith.mulf %get3A_538, %get3A_545 : vector<16xf32>
      %get3A_547 = arith.index_cast %add3A_535 : i32 to index
      %get3A_548 = arith.constant 16 : index
      %get3A_549 = tpu.vector_load %arg11[%get3A_547, %get3A_548] {strides = array<i32>} : memref<128x128xf32, #tpu.memory_space<vmem>>, vector<16xf32>,
      %get3A_550 = arith.index_cast %add3A_535 : i32 to index
      %get3A_551 = arith.constant 80 : index
      %get3A_552 = tpu.vector_load %arg13[%get3A_550, %get3A_551] {strides = array<i32>} : memref<128x128xf32, #tpu.memory_space<vmem>>, vector<16xf32>,
      %mul3A_553 = arith.mulf %get3A_549, %get3A_552 : vector<16xf32>
      %add3A_554 = arith.addf %mul3A_542, %mul3A_553 : vector<16xf32>
      %get3A_555 = arith.index_cast %add3A_535 : i32 to index
      %get3A_556 = arith.constant 80 : index
      %get3A_557 = tpu.vector_load %arg15[%get3A_555, %get3A_556] {strides = array<i32>} : memref<128x128xf32, #tpu.memory_space<vmem>>, vector<16xf32>,
      %mul3A_558 = arith.mulf %get3A_549, %get3A_557 : vector<16xf32>
      %add3A_559 = arith.addf %mul3A_546, %mul3A_558 : vector<16xf32>
      %get3A_560 = arith.index_cast %add3A_535 : i32 to index
      %get3A_561 = arith.constant 32 : index
      %get3A_562 = tpu.vector_load %arg11[%get3A_560, %get3A_561] {strides = array<i32>} : memref<128x128xf32, #tpu.memory_space<vmem>>, vector<16xf32>,
      %get3A_563 = arith.index_cast %add3A_535 : i32 to index
      %get3A_564 = arith.constant 96 : index
      %get3A_565 = tpu.vector_load %arg13[%get3A_563, %get3A_564] {strides = array<i32>} : memref<128x128xf32, #tpu.memory_space<vmem>>, vector<16xf32>,
      %mul3A_566 = arith.mulf %get3A_562, %get3A_565 : vector<16xf32>
      %add3A_567 = arith.addf %add3A_554, %mul3A_566 : vector<16xf32>
      %get3A_568 = arith.index_cast %add3A_535 : i32 to index
      %get3A_569 = arith.constant 96 : index
      %get3A_570 = tpu.vector_load %arg15[%get3A_568, %get3A_569] {strides = array<i32>} : memref<128x128xf32, #tpu.memory_space<vmem>>, vector<16xf32>,
      %mul3A_571 = arith.mulf %get3A_562, %get3A_570 : vector<16xf32>
      %add3A_572 = arith.addf %add3A_559, %mul3A_571 : vector<16xf32>
      %get3A_573 = arith.index_cast %add3A_535 : i32 to index
      %get3A_574 = arith.constant 48 : index
      %get3A_575 = tpu.vector_load %arg11[%get3A_573, %get3A_574] {strides = array<i32>} : memref<128x128xf32, #tpu.memory_space<vmem>>, vector<16xf32>,
      %get3A_576 = arith.index_cast %add3A_535 : i32 to index
      %get3A_577 = arith.constant 112 : index
      %get3A_578 = tpu.vector_load %arg13[%get3A_576, %get3A_577] {strides = array<i32>} : memref<128x128xf32, #tpu.memory_space<vmem>>, vector<16xf32>,
      %mul3A_579 = arith.mulf %get3A_575, %get3A_578 : vector<16xf32>
      %add3A_580 = arith.addf %add3A_567, %mul3A_579 : vector<16xf32>
      %get3A_581 = arith.index_cast %add3A_535 : i32 to index
      %get3A_582 = arith.constant 112 : index
      %get3A_583 = tpu.vector_load %arg15[%get3A_581, %get3A_582] {strides = array<i32>} : memref<128x128xf32, #tpu.memory_space<vmem>>, vector<16xf32>,
      %mul3A_584 = arith.mulf %get3A_575, %get3A_583 : vector<16xf32>
      %add3A_585 = arith.addf %add3A_572, %mul3A_584 : vector<16xf32>
      %add3A_586 = arith.constant 6 : i32
      %add3A_587 = vector.broadcast %add3A_586 : i32 to vector<16xi32>
      %add3A_588 = arith.addi %mul3A_7, %add3A_587 : vector<16xi32>
      tpu.vector_store_idx %arg19[%add3A_588], %add3A_580 : memref<272xf32, #tpu.memory_space<vmem>>[vector<16xi32>], vector<16xf32>,
      tpu.vector_store_idx %arg20[%add3A_588], %add3A_585 : memref<272xf32, #tpu.memory_space<vmem>>[vector<16xi32>], vector<16xf32>,
      %add3A_589 = arith.constant 7 : i32
      %add3A_590 = arith.addi %mul3A_204, %add3A_589 : i32
      %get3A_591 = arith.index_cast %add3A_590 : i32 to index
      %get3A_592 = arith.constant 0 : index
      %get3A_593 = tpu.vector_load %arg11[%get3A_591, %get3A_592] {strides = array<i32>} : memref<128x128xf32, #tpu.memory_space<vmem>>, vector<16xf32>,
      %get3A_594 = arith.index_cast %add3A_590 : i32 to index
      %get3A_595 = arith.constant 64 : index
      %get3A_596 = tpu.vector_load %arg13[%get3A_594, %get3A_595] {strides = array<i32>} : memref<128x128xf32, #tpu.memory_space<vmem>>, vector<16xf32>,
      %mul3A_597 = arith.mulf %get3A_593, %get3A_596 : vector<16xf32>
      %get3A_598 = arith.index_cast %add3A_590 : i32 to index
      %get3A_599 = arith.constant 64 : index
      %get3A_600 = tpu.vector_load %arg15[%get3A_598, %get3A_599] {strides = array<i32>} : memref<128x128xf32, #tpu.memory_space<vmem>>, vector<16xf32>,
      %mul3A_601 = arith.mulf %get3A_593, %get3A_600 : vector<16xf32>
      %get3A_602 = arith.index_cast %add3A_590 : i32 to index
      %get3A_603 = arith.constant 16 : index
      %get3A_604 = tpu.vector_load %arg11[%get3A_602, %get3A_603] {strides = array<i32>} : memref<128x128xf32, #tpu.memory_space<vmem>>, vector<16xf32>,
      %get3A_605 = arith.index_cast %add3A_590 : i32 to index
      %get3A_606 = arith.constant 80 : index
      %get3A_607 = tpu.vector_load %arg13[%get3A_605, %get3A_606] {strides = array<i32>} : memref<128x128xf32, #tpu.memory_space<vmem>>, vector<16xf32>,
      %mul3A_608 = arith.mulf %get3A_604, %get3A_607 : vector<16xf32>
      %add3A_609 = arith.addf %mul3A_597, %mul3A_608 : vector<16xf32>
      %get3A_610 = arith.index_cast %add3A_590 : i32 to index
      %get3A_611 = arith.constant 80 : index
      %get3A_612 = tpu.vector_load %arg15[%get3A_610, %get3A_611] {strides = array<i32>} : memref<128x128xf32, #tpu.memory_space<vmem>>, vector<16xf32>,
      %mul3A_613 = arith.mulf %get3A_604, %get3A_612 : vector<16xf32>
      %add3A_614 = arith.addf %mul3A_601, %mul3A_613 : vector<16xf32>
      %get3A_615 = arith.index_cast %add3A_590 : i32 to index
      %get3A_616 = arith.constant 32 : index
      %get3A_617 = tpu.vector_load %arg11[%get3A_615, %get3A_616] {strides = array<i32>} : memref<128x128xf32, #tpu.memory_space<vmem>>, vector<16xf32>,
      %get3A_618 = arith.index_cast %add3A_590 : i32 to index
      %get3A_619 = arith.constant 96 : index
      %get3A_620 = tpu.vector_load %arg13[%get3A_618, %get3A_619] {strides = array<i32>} : memref<128x128xf32, #tpu.memory_space<vmem>>, vector<16xf32>,
      %mul3A_621 = arith.mulf %get3A_617, %get3A_620 : vector<16xf32>
      %add3A_622 = arith.addf %add3A_609, %mul3A_621 : vector<16xf32>
      %get3A_623 = arith.index_cast %add3A_590 : i32 to index
      %get3A_624 = arith.constant 96 : index
      %get3A_625 = tpu.vector_load %arg15[%get3A_623, %get3A_624] {strides = array<i32>} : memref<128x128xf32, #tpu.memory_space<vmem>>, vector<16xf32>,
      %mul3A_626 = arith.mulf %get3A_617, %get3A_625 : vector<16xf32>
      %add3A_627 = arith.addf %add3A_614, %mul3A_626 : vector<16xf32>
      %get3A_628 = arith.index_cast %add3A_590 : i32 to index
      %get3A_629 = arith.constant 48 : index
      %get3A_630 = tpu.vector_load %arg11[%get3A_628, %get3A_629] {strides = array<i32>} : memref<128x128xf32, #tpu.memory_space<vmem>>, vector<16xf32>,
      %get3A_631 = arith.index_cast %add3A_590 : i32 to index
      %get3A_632 = arith.constant 112 : index
      %get3A_633 = tpu.vector_load %arg13[%get3A_631, %get3A_632] {strides = array<i32>} : memref<128x128xf32, #tpu.memory_space<vmem>>, vector<16xf32>,
      %mul3A_634 = arith.mulf %get3A_630, %get3A_633 : vector<16xf32>
      %add3A_635 = arith.addf %add3A_622, %mul3A_634 : vector<16xf32>
      %get3A_636 = arith.index_cast %add3A_590 : i32 to index
      %get3A_637 = arith.constant 112 : index
      %get3A_638 = tpu.vector_load %arg15[%get3A_636, %get3A_637] {strides = array<i32>} : memref<128x128xf32, #tpu.memory_space<vmem>>, vector<16xf32>,
      %mul3A_639 = arith.mulf %get3A_630, %get3A_638 : vector<16xf32>
      %add3A_640 = arith.addf %add3A_627, %mul3A_639 : vector<16xf32>
      %add3A_641 = arith.constant 7 : i32
      %add3A_642 = vector.broadcast %add3A_641 : i32 to vector<16xi32>
      %add3A_643 = arith.addi %mul3A_7, %add3A_642 : vector<16xi32>
      tpu.vector_store_idx %arg19[%add3A_643], %add3A_635 : memref<272xf32, #tpu.memory_space<vmem>>[vector<16xi32>], vector<16xf32>,
      tpu.vector_store_idx %arg20[%add3A_643], %add3A_640 : memref<272xf32, #tpu.memory_space<vmem>>[vector<16xi32>], vector<16xf32>,
      %add3A_644 = arith.constant 8 : i32
      %add3A_645 = arith.addi %mul3A_204, %add3A_644 : i32
      %get3A_646 = arith.index_cast %add3A_645 : i32 to index
      %get3A_647 = arith.constant 0 : index
      %get3A_648 = tpu.vector_load %arg11[%get3A_646, %get3A_647] {strides = array<i32>} : memref<128x128xf32, #tpu.memory_space<vmem>>, vector<16xf32>,
      %get3A_649 = arith.index_cast %add3A_645 : i32 to index
      %get3A_650 = arith.constant 64 : index
      %get3A_651 = tpu.vector_load %arg13[%get3A_649, %get3A_650] {strides = array<i32>} : memref<128x128xf32, #tpu.memory_space<vmem>>, vector<16xf32>,
      %mul3A_652 = arith.mulf %get3A_648, %get3A_651 : vector<16xf32>
      %get3A_653 = arith.index_cast %add3A_645 : i32 to index
      %get3A_654 = arith.constant 64 : index
      %get3A_655 = tpu.vector_load %arg15[%get3A_653, %get3A_654] {strides = array<i32>} : memref<128x128xf32, #tpu.memory_space<vmem>>, vector<16xf32>,
      %mul3A_656 = arith.mulf %get3A_648, %get3A_655 : vector<16xf32>
      %get3A_657 = arith.index_cast %add3A_645 : i32 to index
      %get3A_658 = arith.constant 16 : index
      %get3A_659 = tpu.vector_load %arg11[%get3A_657, %get3A_658] {strides = array<i32>} : memref<128x128xf32, #tpu.memory_space<vmem>>, vector<16xf32>,
      %get3A_660 = arith.index_cast %add3A_645 : i32 to index
      %get3A_661 = arith.constant 80 : index
      %get3A_662 = tpu.vector_load %arg13[%get3A_660, %get3A_661] {strides = array<i32>} : memref<128x128xf32, #tpu.memory_space<vmem>>, vector<16xf32>,
      %mul3A_663 = arith.mulf %get3A_659, %get3A_662 : vector<16xf32>
      %add3A_664 = arith.addf %mul3A_652, %mul3A_663 : vector<16xf32>
      %get3A_665 = arith.index_cast %add3A_645 : i32 to index
      %get3A_666 = arith.constant 80 : index
      %get3A_667 = tpu.vector_load %arg15[%get3A_665, %get3A_666] {strides = array<i32>} : memref<128x128xf32, #tpu.memory_space<vmem>>, vector<16xf32>,
      %mul3A_668 = arith.mulf %get3A_659, %get3A_667 : vector<16xf32>
      %add3A_669 = arith.addf %mul3A_656, %mul3A_668 : vector<16xf32>
      %get3A_670 = arith.index_cast %add3A_645 : i32 to index
      %get3A_671 = arith.constant 32 : index
      %get3A_672 = tpu.vector_load %arg11[%get3A_670, %get3A_671] {strides = array<i32>} : memref<128x128xf32, #tpu.memory_space<vmem>>, vector<16xf32>,
      %get3A_673 = arith.index_cast %add3A_645 : i32 to index
      %get3A_674 = arith.constant 96 : index
      %get3A_675 = tpu.vector_load %arg13[%get3A_673, %get3A_674] {strides = array<i32>} : memref<128x128xf32, #tpu.memory_space<vmem>>, vector<16xf32>,
      %mul3A_676 = arith.mulf %get3A_672, %get3A_675 : vector<16xf32>
      %add3A_677 = arith.addf %add3A_664, %mul3A_676 : vector<16xf32>
      %get3A_678 = arith.index_cast %add3A_645 : i32 to index
      %get3A_679 = arith.constant 96 : index
      %get3A_680 = tpu.vector_load %arg15[%get3A_678, %get3A_679] {strides = array<i32>} : memref<128x128xf32, #tpu.memory_space<vmem>>, vector<16xf32>,
      %mul3A_681 = arith.mulf %get3A_672, %get3A_680 : vector<16xf32>
      %add3A_682 = arith.addf %add3A_669, %mul3A_681 : vector<16xf32>
      %get3A_683 = arith.index_cast %add3A_645 : i32 to index
      %get3A_684 = arith.constant 48 : index
      %get3A_685 = tpu.vector_load %arg11[%get3A_683, %get3A_684] {strides = array<i32>} : memref<128x128xf32, #tpu.memory_space<vmem>>, vector<16xf32>,
      %get3A_686 = arith.index_cast %add3A_645 : i32 to index
      %get3A_687 = arith.constant 112 : index
      %get3A_688 = tpu.vector_load %arg13[%get3A_686, %get3A_687] {strides = array<i32>} : memref<128x128xf32, #tpu.memory_space<vmem>>, vector<16xf32>,
      %mul3A_689 = arith.mulf %get3A_685, %get3A_688 : vector<16xf32>
      %add3A_690 = arith.addf %add3A_677, %mul3A_689 : vector<16xf32>
      %get3A_691 = arith.index_cast %add3A_645 : i32 to index
      %get3A_692 = arith.constant 112 : index
      %get3A_693 = tpu.vector_load %arg15[%get3A_691, %get3A_692] {strides = array<i32>} : memref<128x128xf32, #tpu.memory_space<vmem>>, vector<16xf32>,
      %mul3A_694 = arith.mulf %get3A_685, %get3A_693 : vector<16xf32>
      %add3A_695 = arith.addf %add3A_682, %mul3A_694 : vector<16xf32>
      %add3A_696 = arith.constant 8 : i32
      %add3A_697 = vector.broadcast %add3A_696 : i32 to vector<16xi32>
      %add3A_698 = arith.addi %mul3A_7, %add3A_697 : vector<16xi32>
      tpu.vector_store_idx %arg19[%add3A_698], %add3A_690 : memref<272xf32, #tpu.memory_space<vmem>>[vector<16xi32>], vector<16xf32>,
      tpu.vector_store_idx %arg20[%add3A_698], %add3A_695 : memref<272xf32, #tpu.memory_space<vmem>>[vector<16xi32>], vector<16xf32>,
      %add3A_699 = arith.constant 9 : i32
      %add3A_700 = arith.addi %mul3A_204, %add3A_699 : i32
      %get3A_701 = arith.index_cast %add3A_700 : i32 to index
      %get3A_702 = arith.constant 0 : index
      %get3A_703 = tpu.vector_load %arg11[%get3A_701, %get3A_702] {strides = array<i32>} : memref<128x128xf32, #tpu.memory_space<vmem>>, vector<16xf32>,
      %get3A_704 = arith.index_cast %add3A_700 : i32 to index
      %get3A_705 = arith.constant 64 : index
      %get3A_706 = tpu.vector_load %arg13[%get3A_704, %get3A_705] {strides = array<i32>} : memref<128x128xf32, #tpu.memory_space<vmem>>, vector<16xf32>,
      %mul3A_707 = arith.mulf %get3A_703, %get3A_706 : vector<16xf32>
      %get3A_708 = arith.index_cast %add3A_700 : i32 to index
      %get3A_709 = arith.constant 64 : index
      %get3A_710 = tpu.vector_load %arg15[%get3A_708, %get3A_709] {strides = array<i32>} : memref<128x128xf32, #tpu.memory_space<vmem>>, vector<16xf32>,
      %mul3A_711 = arith.mulf %get3A_703, %get3A_710 : vector<16xf32>
      %get3A_712 = arith.index_cast %add3A_700 : i32 to index
      %get3A_713 = arith.constant 16 : index
      %get3A_714 = tpu.vector_load %arg11[%get3A_712, %get3A_713] {strides = array<i32>} : memref<128x128xf32, #tpu.memory_space<vmem>>, vector<16xf32>,
      %get3A_715 = arith.index_cast %add3A_700 : i32 to index
      %get3A_716 = arith.constant 80 : index
      %get3A_717 = tpu.vector_load %arg13[%get3A_715, %get3A_716] {strides = array<i32>} : memref<128x128xf32, #tpu.memory_space<vmem>>, vector<16xf32>,
      %mul3A_718 = arith.mulf %get3A_714, %get3A_717 : vector<16xf32>
      %add3A_719 = arith.addf %mul3A_707, %mul3A_718 : vector<16xf32>
      %get3A_720 = arith.index_cast %add3A_700 : i32 to index
      %get3A_721 = arith.constant 80 : index
      %get3A_722 = tpu.vector_load %arg15[%get3A_720, %get3A_721] {strides = array<i32>} : memref<128x128xf32, #tpu.memory_space<vmem>>, vector<16xf32>,
      %mul3A_723 = arith.mulf %get3A_714, %get3A_722 : vector<16xf32>
      %add3A_724 = arith.addf %mul3A_711, %mul3A_723 : vector<16xf32>
      %get3A_725 = arith.index_cast %add3A_700 : i32 to index
      %get3A_726 = arith.constant 32 : index
      %get3A_727 = tpu.vector_load %arg11[%get3A_725, %get3A_726] {strides = array<i32>} : memref<128x128xf32, #tpu.memory_space<vmem>>, vector<16xf32>,
      %get3A_728 = arith.index_cast %add3A_700 : i32 to index
      %get3A_729 = arith.constant 96 : index
      %get3A_730 = tpu.vector_load %arg13[%get3A_728, %get3A_729] {strides = array<i32>} : memref<128x128xf32, #tpu.memory_space<vmem>>, vector<16xf32>,
      %mul3A_731 = arith.mulf %get3A_727, %get3A_730 : vector<16xf32>
      %add3A_732 = arith.addf %add3A_719, %mul3A_731 : vector<16xf32>
      %get3A_733 = arith.index_cast %add3A_700 : i32 to index
      %get3A_734 = arith.constant 96 : index
      %get3A_735 = tpu.vector_load %arg15[%get3A_733, %get3A_734] {strides = array<i32>} : memref<128x128xf32, #tpu.memory_space<vmem>>, vector<16xf32>,
      %mul3A_736 = arith.mulf %get3A_727, %get3A_735 : vector<16xf32>
      %add3A_737 = arith.addf %add3A_724, %mul3A_736 : vector<16xf32>
      %get3A_738 = arith.index_cast %add3A_700 : i32 to index
      %get3A_739 = arith.constant 48 : index
      %get3A_740 = tpu.vector_load %arg11[%get3A_738, %get3A_739] {strides = array<i32>} : memref<128x128xf32, #tpu.memory_space<vmem>>, vector<16xf32>,
      %get3A_741 = arith.index_cast %add3A_700 : i32 to index
      %get3A_742 = arith.constant 112 : index
      %get3A_743 = tpu.vector_load %arg13[%get3A_741, %get3A_742] {strides = array<i32>} : memref<128x128xf32, #tpu.memory_space<vmem>>, vector<16xf32>,
      %mul3A_744 = arith.mulf %get3A_740, %get3A_743 : vector<16xf32>
      %add3A_745 = arith.addf %add3A_732, %mul3A_744 : vector<16xf32>
      %get3A_746 = arith.index_cast %add3A_700 : i32 to index
      %get3A_747 = arith.constant 112 : index
      %get3A_748 = tpu.vector_load %arg15[%get3A_746, %get3A_747] {strides = array<i32>} : memref<128x128xf32, #tpu.memory_space<vmem>>, vector<16xf32>,
      %mul3A_749 = arith.mulf %get3A_740, %get3A_748 : vector<16xf32>
      %add3A_750 = arith.addf %add3A_737, %mul3A_749 : vector<16xf32>
      %add3A_751 = arith.constant 9 : i32
      %add3A_752 = vector.broadcast %add3A_751 : i32 to vector<16xi32>
      %add3A_753 = arith.addi %mul3A_7, %add3A_752 : vector<16xi32>
      tpu.vector_store_idx %arg19[%add3A_753], %add3A_745 : memref<272xf32, #tpu.memory_space<vmem>>[vector<16xi32>], vector<16xf32>,
      tpu.vector_store_idx %arg20[%add3A_753], %add3A_750 : memref<272xf32, #tpu.memory_space<vmem>>[vector<16xi32>], vector<16xf32>,
      %add3A_754 = arith.constant 10 : i32
      %add3A_755 = arith.addi %mul3A_204, %add3A_754 : i32
      %get3A_756 = arith.index_cast %add3A_755 : i32 to index
      %get3A_757 = arith.constant 0 : index
      %get3A_758 = tpu.vector_load %arg11[%get3A_756, %get3A_757] {strides = array<i32>} : memref<128x128xf32, #tpu.memory_space<vmem>>, vector<16xf32>,
      %get3A_759 = arith.index_cast %add3A_755 : i32 to index
      %get3A_760 = arith.constant 64 : index
      %get3A_761 = tpu.vector_load %arg13[%get3A_759, %get3A_760] {strides = array<i32>} : memref<128x128xf32, #tpu.memory_space<vmem>>, vector<16xf32>,
      %mul3A_762 = arith.mulf %get3A_758, %get3A_761 : vector<16xf32>
      %get3A_763 = arith.index_cast %add3A_755 : i32 to index
      %get3A_764 = arith.constant 64 : index
      %get3A_765 = tpu.vector_load %arg15[%get3A_763, %get3A_764] {strides = array<i32>} : memref<128x128xf32, #tpu.memory_space<vmem>>, vector<16xf32>,
      %mul3A_766 = arith.mulf %get3A_758, %get3A_765 : vector<16xf32>
      %get3A_767 = arith.index_cast %add3A_755 : i32 to index
      %get3A_768 = arith.constant 16 : index
      %get3A_769 = tpu.vector_load %arg11[%get3A_767, %get3A_768] {strides = array<i32>} : memref<128x128xf32, #tpu.memory_space<vmem>>, vector<16xf32>,
      %get3A_770 = arith.index_cast %add3A_755 : i32 to index
      %get3A_771 = arith.constant 80 : index
      %get3A_772 = tpu.vector_load %arg13[%get3A_770, %get3A_771] {strides = array<i32>} : memref<128x128xf32, #tpu.memory_space<vmem>>, vector<16xf32>,
      %mul3A_773 = arith.mulf %get3A_769, %get3A_772 : vector<16xf32>
      %add3A_774 = arith.addf %mul3A_762, %mul3A_773 : vector<16xf32>
      %get3A_775 = arith.index_cast %add3A_755 : i32 to index
      %get3A_776 = arith.constant 80 : index
      %get3A_777 = tpu.vector_load %arg15[%get3A_775, %get3A_776] {strides = array<i32>} : memref<128x128xf32, #tpu.memory_space<vmem>>, vector<16xf32>,
      %mul3A_778 = arith.mulf %get3A_769, %get3A_777 : vector<16xf32>
      %add3A_779 = arith.addf %mul3A_766, %mul3A_778 : vector<16xf32>
      %get3A_780 = arith.index_cast %add3A_755 : i32 to index
      %get3A_781 = arith.constant 32 : index
      %get3A_782 = tpu.vector_load %arg11[%get3A_780, %get3A_781] {strides = array<i32>} : memref<128x128xf32, #tpu.memory_space<vmem>>, vector<16xf32>,
      %get3A_783 = arith.index_cast %add3A_755 : i32 to index
      %get3A_784 = arith.constant 96 : index
      %get3A_785 = tpu.vector_load %arg13[%get3A_783, %get3A_784] {strides = array<i32>} : memref<128x128xf32, #tpu.memory_space<vmem>>, vector<16xf32>,
      %mul3A_786 = arith.mulf %get3A_782, %get3A_785 : vector<16xf32>
      %add3A_787 = arith.addf %add3A_774, %mul3A_786 : vector<16xf32>
      %get3A_788 = arith.index_cast %add3A_755 : i32 to index
      %get3A_789 = arith.constant 96 : index
      %get3A_790 = tpu.vector_load %arg15[%get3A_788, %get3A_789] {strides = array<i32>} : memref<128x128xf32, #tpu.memory_space<vmem>>, vector<16xf32>,
      %mul3A_791 = arith.mulf %get3A_782, %get3A_790 : vector<16xf32>
      %add3A_792 = arith.addf %add3A_779, %mul3A_791 : vector<16xf32>
      %get3A_793 = arith.index_cast %add3A_755 : i32 to index
      %get3A_794 = arith.constant 48 : index
      %get3A_795 = tpu.vector_load %arg11[%get3A_793, %get3A_794] {strides = array<i32>} : memref<128x128xf32, #tpu.memory_space<vmem>>, vector<16xf32>,
      %get3A_796 = arith.index_cast %add3A_755 : i32 to index
      %get3A_797 = arith.constant 112 : index
      %get3A_798 = tpu.vector_load %arg13[%get3A_796, %get3A_797] {strides = array<i32>} : memref<128x128xf32, #tpu.memory_space<vmem>>, vector<16xf32>,
      %mul3A_799 = arith.mulf %get3A_795, %get3A_798 : vector<16xf32>
      %add3A_800 = arith.addf %add3A_787, %mul3A_799 : vector<16xf32>
      %get3A_801 = arith.index_cast %add3A_755 : i32 to index
      %get3A_802 = arith.constant 112 : index
      %get3A_803 = tpu.vector_load %arg15[%get3A_801, %get3A_802] {strides = array<i32>} : memref<128x128xf32, #tpu.memory_space<vmem>>, vector<16xf32>,
      %mul3A_804 = arith.mulf %get3A_795, %get3A_803 : vector<16xf32>
      %add3A_805 = arith.addf %add3A_792, %mul3A_804 : vector<16xf32>
      %add3A_806 = arith.constant 10 : i32
      %add3A_807 = vector.broadcast %add3A_806 : i32 to vector<16xi32>
      %add3A_808 = arith.addi %mul3A_7, %add3A_807 : vector<16xi32>
      tpu.vector_store_idx %arg19[%add3A_808], %add3A_800 : memref<272xf32, #tpu.memory_space<vmem>>[vector<16xi32>], vector<16xf32>,
      tpu.vector_store_idx %arg20[%add3A_808], %add3A_805 : memref<272xf32, #tpu.memory_space<vmem>>[vector<16xi32>], vector<16xf32>,
      %add3A_809 = arith.constant 11 : i32
      %add3A_810 = arith.addi %mul3A_204, %add3A_809 : i32
      %get3A_811 = arith.index_cast %add3A_810 : i32 to index
      %get3A_812 = arith.constant 0 : index
      %get3A_813 = tpu.vector_load %arg11[%get3A_811, %get3A_812] {strides = array<i32>} : memref<128x128xf32, #tpu.memory_space<vmem>>, vector<16xf32>,
      %get3A_814 = arith.index_cast %add3A_810 : i32 to index
      %get3A_815 = arith.constant 64 : index
      %get3A_816 = tpu.vector_load %arg13[%get3A_814, %get3A_815] {strides = array<i32>} : memref<128x128xf32, #tpu.memory_space<vmem>>, vector<16xf32>,
      %mul3A_817 = arith.mulf %get3A_813, %get3A_816 : vector<16xf32>
      %get3A_818 = arith.index_cast %add3A_810 : i32 to index
      %get3A_819 = arith.constant 64 : index
      %get3A_820 = tpu.vector_load %arg15[%get3A_818, %get3A_819] {strides = array<i32>} : memref<128x128xf32, #tpu.memory_space<vmem>>, vector<16xf32>,
      %mul3A_821 = arith.mulf %get3A_813, %get3A_820 : vector<16xf32>
      %get3A_822 = arith.index_cast %add3A_810 : i32 to index
      %get3A_823 = arith.constant 16 : index
      %get3A_824 = tpu.vector_load %arg11[%get3A_822, %get3A_823] {strides = array<i32>} : memref<128x128xf32, #tpu.memory_space<vmem>>, vector<16xf32>,
      %get3A_825 = arith.index_cast %add3A_810 : i32 to index
      %get3A_826 = arith.constant 80 : index
      %get3A_827 = tpu.vector_load %arg13[%get3A_825, %get3A_826] {strides = array<i32>} : memref<128x128xf32, #tpu.memory_space<vmem>>, vector<16xf32>,
      %mul3A_828 = arith.mulf %get3A_824, %get3A_827 : vector<16xf32>
      %add3A_829 = arith.addf %mul3A_817, %mul3A_828 : vector<16xf32>
      %get3A_830 = arith.index_cast %add3A_810 : i32 to index
      %get3A_831 = arith.constant 80 : index
      %get3A_832 = tpu.vector_load %arg15[%get3A_830, %get3A_831] {strides = array<i32>} : memref<128x128xf32, #tpu.memory_space<vmem>>, vector<16xf32>,
      %mul3A_833 = arith.mulf %get3A_824, %get3A_832 : vector<16xf32>
      %add3A_834 = arith.addf %mul3A_821, %mul3A_833 : vector<16xf32>
      %get3A_835 = arith.index_cast %add3A_810 : i32 to index
      %get3A_836 = arith.constant 32 : index
      %get3A_837 = tpu.vector_load %arg11[%get3A_835, %get3A_836] {strides = array<i32>} : memref<128x128xf32, #tpu.memory_space<vmem>>, vector<16xf32>,
      %get3A_838 = arith.index_cast %add3A_810 : i32 to index
      %get3A_839 = arith.constant 96 : index
      %get3A_840 = tpu.vector_load %arg13[%get3A_838, %get3A_839] {strides = array<i32>} : memref<128x128xf32, #tpu.memory_space<vmem>>, vector<16xf32>,
      %mul3A_841 = arith.mulf %get3A_837, %get3A_840 : vector<16xf32>
      %add3A_842 = arith.addf %add3A_829, %mul3A_841 : vector<16xf32>
      %get3A_843 = arith.index_cast %add3A_810 : i32 to index
      %get3A_844 = arith.constant 96 : index
      %get3A_845 = tpu.vector_load %arg15[%get3A_843, %get3A_844] {strides = array<i32>} : memref<128x128xf32, #tpu.memory_space<vmem>>, vector<16xf32>,
      %mul3A_846 = arith.mulf %get3A_837, %get3A_845 : vector<16xf32>
      %add3A_847 = arith.addf %add3A_834, %mul3A_846 : vector<16xf32>
      %get3A_848 = arith.index_cast %add3A_810 : i32 to index
      %get3A_849 = arith.constant 48 : index
      %get3A_850 = tpu.vector_load %arg11[%get3A_848, %get3A_849] {strides = array<i32>} : memref<128x128xf32, #tpu.memory_space<vmem>>, vector<16xf32>,
      %get3A_851 = arith.index_cast %add3A_810 : i32 to index
      %get3A_852 = arith.constant 112 : index
      %get3A_853 = tpu.vector_load %arg13[%get3A_851, %get3A_852] {strides = array<i32>} : memref<128x128xf32, #tpu.memory_space<vmem>>, vector<16xf32>,
      %mul3A_854 = arith.mulf %get3A_850, %get3A_853 : vector<16xf32>
      %add3A_855 = arith.addf %add3A_842, %mul3A_854 : vector<16xf32>
      %get3A_856 = arith.index_cast %add3A_810 : i32 to index
      %get3A_857 = arith.constant 112 : index
      %get3A_858 = tpu.vector_load %arg15[%get3A_856, %get3A_857] {strides = array<i32>} : memref<128x128xf32, #tpu.memory_space<vmem>>, vector<16xf32>,
      %mul3A_859 = arith.mulf %get3A_850, %get3A_858 : vector<16xf32>
      %add3A_860 = arith.addf %add3A_847, %mul3A_859 : vector<16xf32>
      %add3A_861 = arith.constant 11 : i32
      %add3A_862 = vector.broadcast %add3A_861 : i32 to vector<16xi32>
      %add3A_863 = arith.addi %mul3A_7, %add3A_862 : vector<16xi32>
      tpu.vector_store_idx %arg19[%add3A_863], %add3A_855 : memref<272xf32, #tpu.memory_space<vmem>>[vector<16xi32>], vector<16xf32>,
      tpu.vector_store_idx %arg20[%add3A_863], %add3A_860 : memref<272xf32, #tpu.memory_space<vmem>>[vector<16xi32>], vector<16xf32>,
      %add3A_864 = arith.constant 12 : i32
      %add3A_865 = arith.addi %mul3A_204, %add3A_864 : i32
      %get3A_866 = arith.index_cast %add3A_865 : i32 to index
      %get3A_867 = arith.constant 0 : index
      %get3A_868 = tpu.vector_load %arg11[%get3A_866, %get3A_867] {strides = array<i32>} : memref<128x128xf32, #tpu.memory_space<vmem>>, vector<16xf32>,
      %get3A_869 = arith.index_cast %add3A_865 : i32 to index
      %get3A_870 = arith.constant 64 : index
      %get3A_871 = tpu.vector_load %arg13[%get3A_869, %get3A_870] {strides = array<i32>} : memref<128x128xf32, #tpu.memory_space<vmem>>, vector<16xf32>,
      %mul3A_872 = arith.mulf %get3A_868, %get3A_871 : vector<16xf32>
      %get3A_873 = arith.index_cast %add3A_865 : i32 to index
      %get3A_874 = arith.constant 64 : index
      %get3A_875 = tpu.vector_load %arg15[%get3A_873, %get3A_874] {strides = array<i32>} : memref<128x128xf32, #tpu.memory_space<vmem>>, vector<16xf32>,
      %mul3A_876 = arith.mulf %get3A_868, %get3A_875 : vector<16xf32>
      %get3A_877 = arith.index_cast %add3A_865 : i32 to index
      %get3A_878 = arith.constant 16 : index
      %get3A_879 = tpu.vector_load %arg11[%get3A_877, %get3A_878] {strides = array<i32>} : memref<128x128xf32, #tpu.memory_space<vmem>>, vector<16xf32>,
      %get3A_880 = arith.index_cast %add3A_865 : i32 to index
      %get3A_881 = arith.constant 80 : index
      %get3A_882 = tpu.vector_load %arg13[%get3A_880, %get3A_881] {strides = array<i32>} : memref<128x128xf32, #tpu.memory_space<vmem>>, vector<16xf32>,
      %mul3A_883 = arith.mulf %get3A_879, %get3A_882 : vector<16xf32>
      %add3A_884 = arith.addf %mul3A_872, %mul3A_883 : vector<16xf32>
      %get3A_885 = arith.index_cast %add3A_865 : i32 to index
      %get3A_886 = arith.constant 80 : index
      %get3A_887 = tpu.vector_load %arg15[%get3A_885, %get3A_886] {strides = array<i32>} : memref<128x128xf32, #tpu.memory_space<vmem>>, vector<16xf32>,
      %mul3A_888 = arith.mulf %get3A_879, %get3A_887 : vector<16xf32>
      %add3A_889 = arith.addf %mul3A_876, %mul3A_888 : vector<16xf32>
      %get3A_890 = arith.index_cast %add3A_865 : i32 to index
      %get3A_891 = arith.constant 32 : index
      %get3A_892 = tpu.vector_load %arg11[%get3A_890, %get3A_891] {strides = array<i32>} : memref<128x128xf32, #tpu.memory_space<vmem>>, vector<16xf32>,
      %get3A_893 = arith.index_cast %add3A_865 : i32 to index
      %get3A_894 = arith.constant 96 : index
      %get3A_895 = tpu.vector_load %arg13[%get3A_893, %get3A_894] {strides = array<i32>} : memref<128x128xf32, #tpu.memory_space<vmem>>, vector<16xf32>,
      %mul3A_896 = arith.mulf %get3A_892, %get3A_895 : vector<16xf32>
      %add3A_897 = arith.addf %add3A_884, %mul3A_896 : vector<16xf32>
      %get3A_898 = arith.index_cast %add3A_865 : i32 to index
      %get3A_899 = arith.constant 96 : index
      %get3A_900 = tpu.vector_load %arg15[%get3A_898, %get3A_899] {strides = array<i32>} : memref<128x128xf32, #tpu.memory_space<vmem>>, vector<16xf32>,
      %mul3A_901 = arith.mulf %get3A_892, %get3A_900 : vector<16xf32>
      %add3A_902 = arith.addf %add3A_889, %mul3A_901 : vector<16xf32>
      %get3A_903 = arith.index_cast %add3A_865 : i32 to index
      %get3A_904 = arith.constant 48 : index
      %get3A_905 = tpu.vector_load %arg11[%get3A_903, %get3A_904] {strides = array<i32>} : memref<128x128xf32, #tpu.memory_space<vmem>>, vector<16xf32>,
      %get3A_906 = arith.index_cast %add3A_865 : i32 to index
      %get3A_907 = arith.constant 112 : index
      %get3A_908 = tpu.vector_load %arg13[%get3A_906, %get3A_907] {strides = array<i32>} : memref<128x128xf32, #tpu.memory_space<vmem>>, vector<16xf32>,
      %mul3A_909 = arith.mulf %get3A_905, %get3A_908 : vector<16xf32>
      %add3A_910 = arith.addf %add3A_897, %mul3A_909 : vector<16xf32>
      %get3A_911 = arith.index_cast %add3A_865 : i32 to index
      %get3A_912 = arith.constant 112 : index
      %get3A_913 = tpu.vector_load %arg15[%get3A_911, %get3A_912] {strides = array<i32>} : memref<128x128xf32, #tpu.memory_space<vmem>>, vector<16xf32>,
      %mul3A_914 = arith.mulf %get3A_905, %get3A_913 : vector<16xf32>
      %add3A_915 = arith.addf %add3A_902, %mul3A_914 : vector<16xf32>
      %add3A_916 = arith.constant 12 : i32
      %add3A_917 = vector.broadcast %add3A_916 : i32 to vector<16xi32>
      %add3A_918 = arith.addi %mul3A_7, %add3A_917 : vector<16xi32>
      tpu.vector_store_idx %arg19[%add3A_918], %add3A_910 : memref<272xf32, #tpu.memory_space<vmem>>[vector<16xi32>], vector<16xf32>,
      tpu.vector_store_idx %arg20[%add3A_918], %add3A_915 : memref<272xf32, #tpu.memory_space<vmem>>[vector<16xi32>], vector<16xf32>,
      %add3A_919 = arith.constant 13 : i32
      %add3A_920 = arith.addi %mul3A_204, %add3A_919 : i32
      %get3A_921 = arith.index_cast %add3A_920 : i32 to index
      %get3A_922 = arith.constant 0 : index
      %get3A_923 = tpu.vector_load %arg11[%get3A_921, %get3A_922] {strides = array<i32>} : memref<128x128xf32, #tpu.memory_space<vmem>>, vector<16xf32>,
      %get3A_924 = arith.index_cast %add3A_920 : i32 to index
      %get3A_925 = arith.constant 64 : index
      %get3A_926 = tpu.vector_load %arg13[%get3A_924, %get3A_925] {strides = array<i32>} : memref<128x128xf32, #tpu.memory_space<vmem>>, vector<16xf32>,
      %mul3A_927 = arith.mulf %get3A_923, %get3A_926 : vector<16xf32>
      %get3A_928 = arith.index_cast %add3A_920 : i32 to index
      %get3A_929 = arith.constant 64 : index
      %get3A_930 = tpu.vector_load %arg15[%get3A_928, %get3A_929] {strides = array<i32>} : memref<128x128xf32, #tpu.memory_space<vmem>>, vector<16xf32>,
      %mul3A_931 = arith.mulf %get3A_923, %get3A_930 : vector<16xf32>
      %get3A_932 = arith.index_cast %add3A_920 : i32 to index
      %get3A_933 = arith.constant 16 : index
      %get3A_934 = tpu.vector_load %arg11[%get3A_932, %get3A_933] {strides = array<i32>} : memref<128x128xf32, #tpu.memory_space<vmem>>, vector<16xf32>,
      %get3A_935 = arith.index_cast %add3A_920 : i32 to index
      %get3A_936 = arith.constant 80 : index
      %get3A_937 = tpu.vector_load %arg13[%get3A_935, %get3A_936] {strides = array<i32>} : memref<128x128xf32, #tpu.memory_space<vmem>>, vector<16xf32>,
      %mul3A_938 = arith.mulf %get3A_934, %get3A_937 : vector<16xf32>
      %add3A_939 = arith.addf %mul3A_927, %mul3A_938 : vector<16xf32>
      %get3A_940 = arith.index_cast %add3A_920 : i32 to index
      %get3A_941 = arith.constant 80 : index
      %get3A_942 = tpu.vector_load %arg15[%get3A_940, %get3A_941] {strides = array<i32>} : memref<128x128xf32, #tpu.memory_space<vmem>>, vector<16xf32>,
      %mul3A_943 = arith.mulf %get3A_934, %get3A_942 : vector<16xf32>
      %add3A_944 = arith.addf %mul3A_931, %mul3A_943 : vector<16xf32>
      %get3A_945 = arith.index_cast %add3A_920 : i32 to index
      %get3A_946 = arith.constant 32 : index
      %get3A_947 = tpu.vector_load %arg11[%get3A_945, %get3A_946] {strides = array<i32>} : memref<128x128xf32, #tpu.memory_space<vmem>>, vector<16xf32>,
      %get3A_948 = arith.index_cast %add3A_920 : i32 to index
      %get3A_949 = arith.constant 96 : index
      %get3A_950 = tpu.vector_load %arg13[%get3A_948, %get3A_949] {strides = array<i32>} : memref<128x128xf32, #tpu.memory_space<vmem>>, vector<16xf32>,
      %mul3A_951 = arith.mulf %get3A_947, %get3A_950 : vector<16xf32>
      %add3A_952 = arith.addf %add3A_939, %mul3A_951 : vector<16xf32>
      %get3A_953 = arith.index_cast %add3A_920 : i32 to index
      %get3A_954 = arith.constant 96 : index
      %get3A_955 = tpu.vector_load %arg15[%get3A_953, %get3A_954] {strides = array<i32>} : memref<128x128xf32, #tpu.memory_space<vmem>>, vector<16xf32>,
      %mul3A_956 = arith.mulf %get3A_947, %get3A_955 : vector<16xf32>
      %add3A_957 = arith.addf %add3A_944, %mul3A_956 : vector<16xf32>
      %get3A_958 = arith.index_cast %add3A_920 : i32 to index
      %get3A_959 = arith.constant 48 : index
      %get3A_960 = tpu.vector_load %arg11[%get3A_958, %get3A_959] {strides = array<i32>} : memref<128x128xf32, #tpu.memory_space<vmem>>, vector<16xf32>,
      %get3A_961 = arith.index_cast %add3A_920 : i32 to index
      %get3A_962 = arith.constant 112 : index
      %get3A_963 = tpu.vector_load %arg13[%get3A_961, %get3A_962] {strides = array<i32>} : memref<128x128xf32, #tpu.memory_space<vmem>>, vector<16xf32>,
      %mul3A_964 = arith.mulf %get3A_960, %get3A_963 : vector<16xf32>
      %add3A_965 = arith.addf %add3A_952, %mul3A_964 : vector<16xf32>
      %get3A_966 = arith.index_cast %add3A_920 : i32 to index
      %get3A_967 = arith.constant 112 : index
      %get3A_968 = tpu.vector_load %arg15[%get3A_966, %get3A_967] {strides = array<i32>} : memref<128x128xf32, #tpu.memory_space<vmem>>, vector<16xf32>,
      %mul3A_969 = arith.mulf %get3A_960, %get3A_968 : vector<16xf32>
      %add3A_970 = arith.addf %add3A_957, %mul3A_969 : vector<16xf32>
      %add3A_971 = arith.constant 13 : i32
      %add3A_972 = vector.broadcast %add3A_971 : i32 to vector<16xi32>
      %add3A_973 = arith.addi %mul3A_7, %add3A_972 : vector<16xi32>
      tpu.vector_store_idx %arg19[%add3A_973], %add3A_965 : memref<272xf32, #tpu.memory_space<vmem>>[vector<16xi32>], vector<16xf32>,
      tpu.vector_store_idx %arg20[%add3A_973], %add3A_970 : memref<272xf32, #tpu.memory_space<vmem>>[vector<16xi32>], vector<16xf32>,
      %add3A_974 = arith.constant 14 : i32
      %add3A_975 = arith.addi %mul3A_204, %add3A_974 : i32
      %get3A_976 = arith.index_cast %add3A_975 : i32 to index
      %get3A_977 = arith.constant 0 : index
      %get3A_978 = tpu.vector_load %arg11[%get3A_976, %get3A_977] {strides = array<i32>} : memref<128x128xf32, #tpu.memory_space<vmem>>, vector<16xf32>,
      %get3A_979 = arith.index_cast %add3A_975 : i32 to index
      %get3A_980 = arith.constant 64 : index
      %get3A_981 = tpu.vector_load %arg13[%get3A_979, %get3A_980] {strides = array<i32>} : memref<128x128xf32, #tpu.memory_space<vmem>>, vector<16xf32>,
      %mul3A_982 = arith.mulf %get3A_978, %get3A_981 : vector<16xf32>
      %get3A_983 = arith.index_cast %add3A_975 : i32 to index
      %get3A_984 = arith.constant 64 : index
      %get3A_985 = tpu.vector_load %arg15[%get3A_983, %get3A_984] {strides = array<i32>} : memref<128x128xf32, #tpu.memory_space<vmem>>, vector<16xf32>,
      %mul3A_986 = arith.mulf %get3A_978, %get3A_985 : vector<16xf32>
      %get3A_987 = arith.index_cast %add3A_975 : i32 to index
      %get3A_988 = arith.constant 16 : index
      %get3A_989 = tpu.vector_load %arg11[%get3A_987, %get3A_988] {strides = array<i32>} : memref<128x128xf32, #tpu.memory_space<vmem>>, vector<16xf32>,
      %get3A_990 = arith.index_cast %add3A_975 : i32 to index
      %get3A_991 = arith.constant 80 : index
      %get3A_992 = tpu.vector_load %arg13[%get3A_990, %get3A_991] {strides = array<i32>} : memref<128x128xf32, #tpu.memory_space<vmem>>, vector<16xf32>,
      %mul3A_993 = arith.mulf %get3A_989, %get3A_992 : vector<16xf32>
      %add3A_994 = arith.addf %mul3A_982, %mul3A_993 : vector<16xf32>
      %get3A_995 = arith.index_cast %add3A_975 : i32 to index
      %get3A_996 = arith.constant 80 : index
      %get3A_997 = tpu.vector_load %arg15[%get3A_995, %get3A_996] {strides = array<i32>} : memref<128x128xf32, #tpu.memory_space<vmem>>, vector<16xf32>,
      %mul3A_998 = arith.mulf %get3A_989, %get3A_997 : vector<16xf32>
      %add3A_999 = arith.addf %mul3A_986, %mul3A_998 : vector<16xf32>
      %get3A_1000 = arith.index_cast %add3A_975 : i32 to index
      %get3A_1001 = arith.constant 32 : index
      %get3A_1002 = tpu.vector_load %arg11[%get3A_1000, %get3A_1001] {strides = array<i32>} : memref<128x128xf32, #tpu.memory_space<vmem>>, vector<16xf32>,
      %get3A_1003 = arith.index_cast %add3A_975 : i32 to index
      %get3A_1004 = arith.constant 96 : index
      %get3A_1005 = tpu.vector_load %arg13[%get3A_1003, %get3A_1004] {strides = array<i32>} : memref<128x128xf32, #tpu.memory_space<vmem>>, vector<16xf32>,
      %mul3A_1006 = arith.mulf %get3A_1002, %get3A_1005 : vector<16xf32>
      %add3A_1007 = arith.addf %add3A_994, %mul3A_1006 : vector<16xf32>
      %get3A_1008 = arith.index_cast %add3A_975 : i32 to index
      %get3A_1009 = arith.constant 96 : index
      %get3A_1010 = tpu.vector_load %arg15[%get3A_1008, %get3A_1009] {strides = array<i32>} : memref<128x128xf32, #tpu.memory_space<vmem>>, vector<16xf32>,
      %mul3A_1011 = arith.mulf %get3A_1002, %get3A_1010 : vector<16xf32>
      %add3A_1012 = arith.addf %add3A_999, %mul3A_1011 : vector<16xf32>
      %get3A_1013 = arith.index_cast %add3A_975 : i32 to index
      %get3A_1014 = arith.constant 48 : index
      %get3A_1015 = tpu.vector_load %arg11[%get3A_1013, %get3A_1014] {strides = array<i32>} : memref<128x128xf32, #tpu.memory_space<vmem>>, vector<16xf32>,
      %get3A_1016 = arith.index_cast %add3A_975 : i32 to index
      %get3A_1017 = arith.constant 112 : index
      %get3A_1018 = tpu.vector_load %arg13[%get3A_1016, %get3A_1017] {strides = array<i32>} : memref<128x128xf32, #tpu.memory_space<vmem>>, vector<16xf32>,
      %mul3A_1019 = arith.mulf %get3A_1015, %get3A_1018 : vector<16xf32>
      %add3A_1020 = arith.addf %add3A_1007, %mul3A_1019 : vector<16xf32>
      %get3A_1021 = arith.index_cast %add3A_975 : i32 to index
      %get3A_1022 = arith.constant 112 : index
      %get3A_1023 = tpu.vector_load %arg15[%get3A_1021, %get3A_1022] {strides = array<i32>} : memref<128x128xf32, #tpu.memory_space<vmem>>, vector<16xf32>,
      %mul3A_1024 = arith.mulf %get3A_1015, %get3A_1023 : vector<16xf32>
      %add3A_1025 = arith.addf %add3A_1012, %mul3A_1024 : vector<16xf32>
      %add3A_1026 = arith.constant 14 : i32
      %add3A_1027 = vector.broadcast %add3A_1026 : i32 to vector<16xi32>
      %add3A_1028 = arith.addi %mul3A_7, %add3A_1027 : vector<16xi32>
      tpu.vector_store_idx %arg19[%add3A_1028], %add3A_1020 : memref<272xf32, #tpu.memory_space<vmem>>[vector<16xi32>], vector<16xf32>,
      tpu.vector_store_idx %arg20[%add3A_1028], %add3A_1025 : memref<272xf32, #tpu.memory_space<vmem>>[vector<16xi32>], vector<16xf32>,
      %add3A_1029 = arith.constant 15 : i32
      %add3A_1030 = arith.addi %mul3A_204, %add3A_1029 : i32
      %get3A_1031 = arith.index_cast %add3A_1030 : i32 to index
      %get3A_1032 = arith.constant 0 : index
      %get3A_1033 = tpu.vector_load %arg11[%get3A_1031, %get3A_1032] {strides = array<i32>} : memref<128x128xf32, #tpu.memory_space<vmem>>, vector<16xf32>,
      %get3A_1034 = arith.index_cast %add3A_1030 : i32 to index
      %get3A_1035 = arith.constant 64 : index
      %get3A_1036 = tpu.vector_load %arg13[%get3A_1034, %get3A_1035] {strides = array<i32>} : memref<128x128xf32, #tpu.memory_space<vmem>>, vector<16xf32>,
      %mul3A_1037 = arith.mulf %get3A_1033, %get3A_1036 : vector<16xf32>
      %get3A_1038 = arith.index_cast %add3A_1030 : i32 to index
      %get3A_1039 = arith.constant 64 : index
      %get3A_1040 = tpu.vector_load %arg15[%get3A_1038, %get3A_1039] {strides = array<i32>} : memref<128x128xf32, #tpu.memory_space<vmem>>, vector<16xf32>,
      %mul3A_1041 = arith.mulf %get3A_1033, %get3A_1040 : vector<16xf32>
      %get3A_1042 = arith.index_cast %add3A_1030 : i32 to index
      %get3A_1043 = arith.constant 16 : index
      %get3A_1044 = tpu.vector_load %arg11[%get3A_1042, %get3A_1043] {strides = array<i32>} : memref<128x128xf32, #tpu.memory_space<vmem>>, vector<16xf32>,
      %get3A_1045 = arith.index_cast %add3A_1030 : i32 to index
      %get3A_1046 = arith.constant 80 : index
      %get3A_1047 = tpu.vector_load %arg13[%get3A_1045, %get3A_1046] {strides = array<i32>} : memref<128x128xf32, #tpu.memory_space<vmem>>, vector<16xf32>,
      %mul3A_1048 = arith.mulf %get3A_1044, %get3A_1047 : vector<16xf32>
      %add3A_1049 = arith.addf %mul3A_1037, %mul3A_1048 : vector<16xf32>
      %get3A_1050 = arith.index_cast %add3A_1030 : i32 to index
      %get3A_1051 = arith.constant 80 : index
      %get3A_1052 = tpu.vector_load %arg15[%get3A_1050, %get3A_1051] {strides = array<i32>} : memref<128x128xf32, #tpu.memory_space<vmem>>, vector<16xf32>,
      %mul3A_1053 = arith.mulf %get3A_1044, %get3A_1052 : vector<16xf32>
      %add3A_1054 = arith.addf %mul3A_1041, %mul3A_1053 : vector<16xf32>
      %get3A_1055 = arith.index_cast %add3A_1030 : i32 to index
      %get3A_1056 = arith.constant 32 : index
      %get3A_1057 = tpu.vector_load %arg11[%get3A_1055, %get3A_1056] {strides = array<i32>} : memref<128x128xf32, #tpu.memory_space<vmem>>, vector<16xf32>,
      %get3A_1058 = arith.index_cast %add3A_1030 : i32 to index
      %get3A_1059 = arith.constant 96 : index
      %get3A_1060 = tpu.vector_load %arg13[%get3A_1058, %get3A_1059] {strides = array<i32>} : memref<128x128xf32, #tpu.memory_space<vmem>>, vector<16xf32>,
      %mul3A_1061 = arith.mulf %get3A_1057, %get3A_1060 : vector<16xf32>
      %add3A_1062 = arith.addf %add3A_1049, %mul3A_1061 : vector<16xf32>
      %get3A_1063 = arith.index_cast %add3A_1030 : i32 to index
      %get3A_1064 = arith.constant 96 : index
      %get3A_1065 = tpu.vector_load %arg15[%get3A_1063, %get3A_1064] {strides = array<i32>} : memref<128x128xf32, #tpu.memory_space<vmem>>, vector<16xf32>,
      %mul3A_1066 = arith.mulf %get3A_1057, %get3A_1065 : vector<16xf32>
      %add3A_1067 = arith.addf %add3A_1054, %mul3A_1066 : vector<16xf32>
      %get3A_1068 = arith.index_cast %add3A_1030 : i32 to index
      %get3A_1069 = arith.constant 48 : index
      %get3A_1070 = tpu.vector_load %arg11[%get3A_1068, %get3A_1069] {strides = array<i32>} : memref<128x128xf32, #tpu.memory_space<vmem>>, vector<16xf32>,
      %get3A_1071 = arith.index_cast %add3A_1030 : i32 to index
      %get3A_1072 = arith.constant 112 : index
      %get3A_1073 = tpu.vector_load %arg13[%get3A_1071, %get3A_1072] {strides = array<i32>} : memref<128x128xf32, #tpu.memory_space<vmem>>, vector<16xf32>,
      %mul3A_1074 = arith.mulf %get3A_1070, %get3A_1073 : vector<16xf32>
      %add3A_1075 = arith.addf %add3A_1062, %mul3A_1074 : vector<16xf32>
      %get3A_1076 = arith.index_cast %add3A_1030 : i32 to index
      %get3A_1077 = arith.constant 112 : index
      %get3A_1078 = tpu.vector_load %arg15[%get3A_1076, %get3A_1077] {strides = array<i32>} : memref<128x128xf32, #tpu.memory_space<vmem>>, vector<16xf32>,
      %mul3A_1079 = arith.mulf %get3A_1070, %get3A_1078 : vector<16xf32>
      %add3A_1080 = arith.addf %add3A_1067, %mul3A_1079 : vector<16xf32>
      %add3A_1081 = arith.constant 15 : i32
      %add3A_1082 = vector.broadcast %add3A_1081 : i32 to vector<16xi32>
      %add3A_1083 = arith.addi %mul3A_7, %add3A_1082 : vector<16xi32>
      tpu.vector_store_idx %arg19[%add3A_1083], %add3A_1075 : memref<272xf32, #tpu.memory_space<vmem>>[vector<16xi32>], vector<16xf32>,
      tpu.vector_store_idx %arg20[%add3A_1083], %add3A_1080 : memref<272xf32, #tpu.memory_space<vmem>>[vector<16xi32>], vector<16xf32>,
      %get3A_1084 = arith.constant 0 : index
      %get3A_1085 = tpu.vector_load %arg19[%get3A_1084] {strides = array<i32>} : memref<272xf32, #tpu.memory_space<vmem>>, vector<16xf32>,
      %get3A_1086 = arith.constant 0 : index
      %get3A_1087 = tpu.vector_load %arg20[%get3A_1086] {strides = array<i32>} : memref<272xf32, #tpu.memory_space<vmem>>, vector<16xf32>,
      %get3A_1088 = arith.constant 17 : index
      %get3A_1089 = tpu.vector_load %arg19[%get3A_1088] {strides = array<i32>} : memref<272xf32, #tpu.memory_space<vmem>>, vector<16xf32>,
      %add3A_1090 = arith.addf %get3A_1085, %get3A_1089 : vector<16xf32>
      %get3A_1091 = arith.constant 17 : index
      %get3A_1092 = tpu.vector_load %arg20[%get3A_1091] {strides = array<i32>} : memref<272xf32, #tpu.memory_space<vmem>>, vector<16xf32>,
      %add3A_1093 = arith.addf %get3A_1087, %get3A_1092 : vector<16xf32>
      %get3A_1094 = arith.constant 34 : index
      %get3A_1095 = tpu.vector_load %arg19[%get3A_1094] {strides = array<i32>} : memref<272xf32, #tpu.memory_space<vmem>>, vector<16xf32>,
      %add3A_1096 = arith.addf %add3A_1090, %get3A_1095 : vector<16xf32>
      %get3A_1097 = arith.constant 34 : index
      %get3A_1098 = tpu.vector_load %arg20[%get3A_1097] {strides = array<i32>} : memref<272xf32, #tpu.memory_space<vmem>>, vector<16xf32>,
      %add3A_1099 = arith.addf %add3A_1093, %get3A_1098 : vector<16xf32>
      %get3A_1100 = arith.constant 51 : index
      %get3A_1101 = tpu.vector_load %arg19[%get3A_1100] {strides = array<i32>} : memref<272xf32, #tpu.memory_space<vmem>>, vector<16xf32>,
      %add3A_1102 = arith.addf %add3A_1096, %get3A_1101 : vector<16xf32>
      %get3A_1103 = arith.constant 51 : index
      %get3A_1104 = tpu.vector_load %arg20[%get3A_1103] {strides = array<i32>} : memref<272xf32, #tpu.memory_space<vmem>>, vector<16xf32>,
      %add3A_1105 = arith.addf %add3A_1099, %get3A_1104 : vector<16xf32>
      %get3A_1106 = arith.constant 68 : index
      %get3A_1107 = tpu.vector_load %arg19[%get3A_1106] {strides = array<i32>} : memref<272xf32, #tpu.memory_space<vmem>>, vector<16xf32>,
      %add3A_1108 = arith.addf %add3A_1102, %get3A_1107 : vector<16xf32>
      %get3A_1109 = arith.constant 68 : index
      %get3A_1110 = tpu.vector_load %arg20[%get3A_1109] {strides = array<i32>} : memref<272xf32, #tpu.memory_space<vmem>>, vector<16xf32>,
      %add3A_1111 = arith.addf %add3A_1105, %get3A_1110 : vector<16xf32>
      %get3A_1112 = arith.constant 85 : index
      %get3A_1113 = tpu.vector_load %arg19[%get3A_1112] {strides = array<i32>} : memref<272xf32, #tpu.memory_space<vmem>>, vector<16xf32>,
      %add3A_1114 = arith.addf %add3A_1108, %get3A_1113 : vector<16xf32>
      %get3A_1115 = arith.constant 85 : index
      %get3A_1116 = tpu.vector_load %arg20[%get3A_1115] {strides = array<i32>} : memref<272xf32, #tpu.memory_space<vmem>>, vector<16xf32>,
      %add3A_1117 = arith.addf %add3A_1111, %get3A_1116 : vector<16xf32>
      %get3A_1118 = arith.constant 102 : index
      %get3A_1119 = tpu.vector_load %arg19[%get3A_1118] {strides = array<i32>} : memref<272xf32, #tpu.memory_space<vmem>>, vector<16xf32>,
      %add3A_1120 = arith.addf %add3A_1114, %get3A_1119 : vector<16xf32>
      %get3A_1121 = arith.constant 102 : index
      %get3A_1122 = tpu.vector_load %arg20[%get3A_1121] {strides = array<i32>} : memref<272xf32, #tpu.memory_space<vmem>>, vector<16xf32>,
      %add3A_1123 = arith.addf %add3A_1117, %get3A_1122 : vector<16xf32>
      %get3A_1124 = arith.constant 119 : index
      %get3A_1125 = tpu.vector_load %arg19[%get3A_1124] {strides = array<i32>} : memref<272xf32, #tpu.memory_space<vmem>>, vector<16xf32>,
      %add3A_1126 = arith.addf %add3A_1120, %get3A_1125 : vector<16xf32>
      %get3A_1127 = arith.constant 119 : index
      %get3A_1128 = tpu.vector_load %arg20[%get3A_1127] {strides = array<i32>} : memref<272xf32, #tpu.memory_space<vmem>>, vector<16xf32>,
      %add3A_1129 = arith.addf %add3A_1123, %get3A_1128 : vector<16xf32>
      %get3A_1130 = arith.constant 136 : index
      %get3A_1131 = tpu.vector_load %arg19[%get3A_1130] {strides = array<i32>} : memref<272xf32, #tpu.memory_space<vmem>>, vector<16xf32>,
      %add3A_1132 = arith.addf %add3A_1126, %get3A_1131 : vector<16xf32>
      %get3A_1133 = arith.constant 136 : index
      %get3A_1134 = tpu.vector_load %arg20[%get3A_1133] {strides = array<i32>} : memref<272xf32, #tpu.memory_space<vmem>>, vector<16xf32>,
      %add3A_1135 = arith.addf %add3A_1129, %get3A_1134 : vector<16xf32>
      %get3A_1136 = arith.constant 153 : index
      %get3A_1137 = tpu.vector_load %arg19[%get3A_1136] {strides = array<i32>} : memref<272xf32, #tpu.memory_space<vmem>>, vector<16xf32>,
      %add3A_1138 = arith.addf %add3A_1132, %get3A_1137 : vector<16xf32>
      %get3A_1139 = arith.constant 153 : index
      %get3A_1140 = tpu.vector_load %arg20[%get3A_1139] {strides = array<i32>} : memref<272xf32, #tpu.memory_space<vmem>>, vector<16xf32>,
      %add3A_1141 = arith.addf %add3A_1135, %get3A_1140 : vector<16xf32>
      %get3A_1142 = arith.constant 170 : index
      %get3A_1143 = tpu.vector_load %arg19[%get3A_1142] {strides = array<i32>} : memref<272xf32, #tpu.memory_space<vmem>>, vector<16xf32>,
      %add3A_1144 = arith.addf %add3A_1138, %get3A_1143 : vector<16xf32>
      %get3A_1145 = arith.constant 170 : index
      %get3A_1146 = tpu.vector_load %arg20[%get3A_1145] {strides = array<i32>} : memref<272xf32, #tpu.memory_space<vmem>>, vector<16xf32>,
      %add3A_1147 = arith.addf %add3A_1141, %get3A_1146 : vector<16xf32>
      %get3A_1148 = arith.constant 187 : index
      %get3A_1149 = tpu.vector_load %arg19[%get3A_1148] {strides = array<i32>} : memref<272xf32, #tpu.memory_space<vmem>>, vector<16xf32>,
      %add3A_1150 = arith.addf %add3A_1144, %get3A_1149 : vector<16xf32>
      %get3A_1151 = arith.constant 187 : index
      %get3A_1152 = tpu.vector_load %arg20[%get3A_1151] {strides = array<i32>} : memref<272xf32, #tpu.memory_space<vmem>>, vector<16xf32>,
      %add3A_1153 = arith.addf %add3A_1147, %get3A_1152 : vector<16xf32>
      %get3A_1154 = arith.constant 204 : index
      %get3A_1155 = tpu.vector_load %arg19[%get3A_1154] {strides = array<i32>} : memref<272xf32, #tpu.memory_space<vmem>>, vector<16xf32>,
      %add3A_1156 = arith.addf %add3A_1150, %get3A_1155 : vector<16xf32>
      %get3A_1157 = arith.constant 204 : index
      %get3A_1158 = tpu.vector_load %arg20[%get3A_1157] {strides = array<i32>} : memref<272xf32, #tpu.memory_space<vmem>>, vector<16xf32>,
      %add3A_1159 = arith.addf %add3A_1153, %get3A_1158 : vector<16xf32>
      %get3A_1160 = arith.constant 221 : index
      %get3A_1161 = tpu.vector_load %arg19[%get3A_1160] {strides = array<i32>} : memref<272xf32, #tpu.memory_space<vmem>>, vector<16xf32>,
      %add3A_1162 = arith.addf %add3A_1156, %get3A_1161 : vector<16xf32>
      %get3A_1163 = arith.constant 221 : index
      %get3A_1164 = tpu.vector_load %arg20[%get3A_1163] {strides = array<i32>} : memref<272xf32, #tpu.memory_space<vmem>>, vector<16xf32>,
      %add3A_1165 = arith.addf %add3A_1159, %get3A_1164 : vector<16xf32>
      %get3A_1166 = arith.constant 238 : index
      %get3A_1167 = tpu.vector_load %arg19[%get3A_1166] {strides = array<i32>} : memref<272xf32, #tpu.memory_space<vmem>>, vector<16xf32>,
      %add3A_1168 = arith.addf %add3A_1162, %get3A_1167 : vector<16xf32>
      %get3A_1169 = arith.constant 238 : index
      %get3A_1170 = tpu.vector_load %arg20[%get3A_1169] {strides = array<i32>} : memref<272xf32, #tpu.memory_space<vmem>>, vector<16xf32>,
      %add3A_1171 = arith.addf %add3A_1165, %get3A_1170 : vector<16xf32>
      %get3A_1172 = arith.constant 255 : index
      %get3A_1173 = tpu.vector_load %arg19[%get3A_1172] {strides = array<i32>} : memref<272xf32, #tpu.memory_space<vmem>>, vector<16xf32>,
      %add3A_1174 = arith.addf %add3A_1168, %get3A_1173 : vector<16xf32>
      %get3A_1175 = arith.constant 255 : index
      %get3A_1176 = tpu.vector_load %arg20[%get3A_1175] {strides = array<i32>} : memref<272xf32, #tpu.memory_space<vmem>>, vector<16xf32>,
      %add3A_1177 = arith.addf %add3A_1171, %get3A_1176 : vector<16xf32>
      %add3A_1178 = arith.constant 256 : i32
      %add3A_1179 = arith.addi %add3A_1178, %mul3A_204 : i32
      %neg3A = arith.constant 0.000000e+00 : f32
      %neg3A_1180 = vector.broadcast %neg3A : f32 to vector<16xf32>
      %neg3A_1181 = arith.subf %neg3A_1180, %add3A_1174 : vector<16xf32>
      %exp3A = math.exp %neg3A_1181 : vector<16xf32>
      %add3A_1182 = arith.constant 1.000000e+00 : f32
      %add3A_1183 = vector.broadcast %add3A_1182 : f32 to vector<16xf32>
      %add3A_1184 = arith.addf %add3A_1183, %exp3A : vector<16xf32>
      %div3A = arith.constant 1.000000e+00 : f32
      %div3A_1185 = vector.broadcast %div3A : f32 to vector<16xf32>
      %div3A_1186 = arith.divf %div3A_1185, %add3A_1184 : vector<16xf32>
      %swap3A = arith.index_cast %add3A_1179 : i32 to index
      %swap3A_1187 = tpu.vector_load %arg17[%swap3A] {strides = array<i32>} : memref<512xf32, #tpu.memory_space<vmem>>, vector<16xf32>,
      tpu.vector_store %arg17[%swap3A], %div3A_1186 {strides = array<i32>} : memref<512xf32, #tpu.memory_space<vmem>>, vector<16xf32>,
      %neg3A_1188 = arith.constant 0.000000e+00 : f32
      %neg3A_1189 = vector.broadcast %neg3A_1188 : f32 to vector<16xf32>
      %neg3A_1190 = arith.subf %neg3A_1189, %add3A_1177 : vector<16xf32>
      %exp3A_1191 = math.exp %neg3A_1190 : vector<16xf32>
      %add3A_1192 = arith.constant 1.000000e+00 : f32
      %add3A_1193 = vector.broadcast %add3A_1192 : f32 to vector<16xf32>
      %add3A_1194 = arith.addf %add3A_1193, %exp3A_1191 : vector<16xf32>
      %div3A_1195 = arith.constant 1.000000e+00 : f32
      %div3A_1196 = vector.broadcast %div3A_1195 : f32 to vector<16xf32>
      %div3A_1197 = arith.divf %div3A_1196, %add3A_1194 : vector<16xf32>
      %swap3A_1198 = arith.index_cast %add3A_1179 : i32 to index
      %swap3A_1199 = tpu.vector_load %arg18[%swap3A_1198] {strides = array<i32>} : memref<512xf32, #tpu.memory_space<vmem>>, vector<16xf32>,
      tpu.vector_store %arg18[%swap3A_1198], %div3A_1197 {strides = array<i32>} : memref<512xf32, #tpu.memory_space<vmem>>, vector<16xf32>,
      %scan3A_1200 = arith.constant 0 : i32
      scf.yield %scan3A_1200 : i32
    }
    %scan3A_172 = arith.constant 8 : i32
    %dma_wait3A_173 = arith.constant 3 : i32
    %dma_wait3A_174 = arith.constant 0 : i32
    %dma_wait3A_175 = tpu.memref_slice %arg8[%dma_wait3A_173, %dma_wait3A_174] : memref<4x128xi32, #tpu.memory_space<vmem>> -> memref<1x128xi32, #tpu.memory_space<vmem>>
    %dma_wait3A_176 = tpu.memref_squeeze %dma_wait3A_175 : memref<1x128xi32, #tpu.memory_space<vmem>> -> memref<128xi32, #tpu.memory_space<vmem>>
    %dma_wait3A_177 = arith.constant 0 : i32
    %dma_wait3A_178 = arith.constant 0 : i32
    %dma_wait3A_179 = tpu.memref_slice %arg5[%dma_wait3A_177, %dma_wait3A_178] : memref<1000000x128xf32, #tpu.memory_space<hbm>> -> memref<1000000x128xf32, #tpu.memory_space<hbm>>
    tpu.wait_indirect_dma semaphore(%arg24 : memref<!tpu.dma_semaphore, #tpu.memory_space<semaphore_mem>>) src(%dma_wait3A_179 : memref<1000000x128xf32, #tpu.memory_space<hbm>>) dst(%arg12 : memref<128x128xf32, #tpu.memory_space<vmem>>)
    %dma_wait3A_180 = arith.constant 3 : i32
    %dma_wait3A_181 = arith.constant 0 : i32
    %dma_wait3A_182 = tpu.memref_slice %arg9[%dma_wait3A_180, %dma_wait3A_181] : memref<4x128xi32, #tpu.memory_space<vmem>> -> memref<1x128xi32, #tpu.memory_space<vmem>>
    %dma_wait3A_183 = tpu.memref_squeeze %dma_wait3A_182 : memref<1x128xi32, #tpu.memory_space<vmem>> -> memref<128xi32, #tpu.memory_space<vmem>>
    %dma_wait3A_184 = arith.constant 0 : i32
    %dma_wait3A_185 = arith.constant 0 : i32
    %dma_wait3A_186 = tpu.memref_slice %arg5[%dma_wait3A_184, %dma_wait3A_185] : memref<1000000x128xf32, #tpu.memory_space<hbm>> -> memref<1000000x128xf32, #tpu.memory_space<hbm>>
    tpu.wait_indirect_dma semaphore(%arg24 : memref<!tpu.dma_semaphore, #tpu.memory_space<semaphore_mem>>) src(%dma_wait3A_186 : memref<1000000x128xf32, #tpu.memory_space<hbm>>) dst(%arg14 : memref<128x128xf32, #tpu.memory_space<vmem>>)
    %dma_wait3A_187 = arith.constant 3 : i32
    %dma_wait3A_188 = arith.constant 0 : i32
    %dma_wait3A_189 = tpu.memref_slice %arg10[%dma_wait3A_187, %dma_wait3A_188] : memref<4x128xi32, #tpu.memory_space<vmem>> -> memref<1x128xi32, #tpu.memory_space<vmem>>
    %dma_wait3A_190 = tpu.memref_squeeze %dma_wait3A_189 : memref<1x128xi32, #tpu.memory_space<vmem>> -> memref<128xi32, #tpu.memory_space<vmem>>
    %dma_wait3A_191 = arith.constant 0 : i32
    %dma_wait3A_192 = arith.constant 0 : i32
    %dma_wait3A_193 = tpu.memref_slice %arg5[%dma_wait3A_191, %dma_wait3A_192] : memref<1000000x128xf32, #tpu.memory_space<hbm>> -> memref<1000000x128xf32, #tpu.memory_space<hbm>>
    tpu.wait_indirect_dma semaphore(%arg24 : memref<!tpu.dma_semaphore, #tpu.memory_space<semaphore_mem>>) src(%dma_wait3A_193 : memref<1000000x128xf32, #tpu.memory_space<hbm>>) dst(%arg16 : memref<128x128xf32, #tpu.memory_space<vmem>>)
    %scan3A_194 = arith.constant 0 : i32
    %scan3A_195 = arith.constant 0 : i32
    %scan3A_196 = arith.constant 8 : i32
    %scan3A_197 = arith.addi %scan3A_195, %scan3A_196 : i32
    %scan3A_198 = arith.constant 1 : i32
    %scan3A_199 = scf.for %scan3A_201 = %scan3A_195 to %scan3A_197 step %scan3A_198 iter_args(%scan3A_202 = %scan3A_194) -> (i32)  : i32 {
      %mul3A_203 = arith.constant 16 : i32
      %mul3A_204 = arith.muli %scan3A_201, %mul3A_203 : i32
      %add3A_205 = arith.constant 0 : i32
      %add3A_206 = arith.addi %mul3A_204, %add3A_205 : i32
      %get3A = arith.index_cast %add3A_206 : i32 to index
      %get3A_207 = arith.constant 0 : index
      %get3A_208 = tpu.vector_load %arg12[%get3A, %get3A_207] {strides = array<i32>} : memref<128x128xf32, #tpu.memory_space<vmem>>, vector<16xf32>,
      %get3A_209 = arith.index_cast %add3A_206 : i32 to index
      %get3A_210 = arith.constant 64 : index
      %get3A_211 = tpu.vector_load %arg14[%get3A_209, %get3A_210] {strides = array<i32>} : memref<128x128xf32, #tpu.memory_space<vmem>>, vector<16xf32>,
      %mul3A_212 = arith.mulf %get3A_208, %get3A_211 : vector<16xf32>
      %get3A_213 = arith.index_cast %add3A_206 : i32 to index
      %get3A_214 = arith.constant 64 : index
      %get3A_215 = tpu.vector_load %arg16[%get3A_213, %get3A_214] {strides = array<i32>} : memref<128x128xf32, #tpu.memory_space<vmem>>, vector<16xf32>,
      %mul3A_216 = arith.mulf %get3A_208, %get3A_215 : vector<16xf32>
      %get3A_217 = arith.index_cast %add3A_206 : i32 to index
      %get3A_218 = arith.constant 16 : index
      %get3A_219 = tpu.vector_load %arg12[%get3A_217, %get3A_218] {strides = array<i32>} : memref<128x128xf32, #tpu.memory_space<vmem>>, vector<16xf32>,
      %get3A_220 = arith.index_cast %add3A_206 : i32 to index
      %get3A_221 = arith.constant 80 : index
      %get3A_222 = tpu.vector_load %arg14[%get3A_220, %get3A_221] {strides = array<i32>} : memref<128x128xf32, #tpu.memory_space<vmem>>, vector<16xf32>,
      %mul3A_223 = arith.mulf %get3A_219, %get3A_222 : vector<16xf32>
      %add3A_224 = arith.addf %mul3A_212, %mul3A_223 : vector<16xf32>
      %get3A_225 = arith.index_cast %add3A_206 : i32 to index
      %get3A_226 = arith.constant 80 : index
      %get3A_227 = tpu.vector_load %arg16[%get3A_225, %get3A_226] {strides = array<i32>} : memref<128x128xf32, #tpu.memory_space<vmem>>, vector<16xf32>,
      %mul3A_228 = arith.mulf %get3A_219, %get3A_227 : vector<16xf32>
      %add3A_229 = arith.addf %mul3A_216, %mul3A_228 : vector<16xf32>
      %get3A_230 = arith.index_cast %add3A_206 : i32 to index
      %get3A_231 = arith.constant 32 : index
      %get3A_232 = tpu.vector_load %arg12[%get3A_230, %get3A_231] {strides = array<i32>} : memref<128x128xf32, #tpu.memory_space<vmem>>, vector<16xf32>,
      %get3A_233 = arith.index_cast %add3A_206 : i32 to index
      %get3A_234 = arith.constant 96 : index
      %get3A_235 = tpu.vector_load %arg14[%get3A_233, %get3A_234] {strides = array<i32>} : memref<128x128xf32, #tpu.memory_space<vmem>>, vector<16xf32>,
      %mul3A_236 = arith.mulf %get3A_232, %get3A_235 : vector<16xf32>
      %add3A_237 = arith.addf %add3A_224, %mul3A_236 : vector<16xf32>
      %get3A_238 = arith.index_cast %add3A_206 : i32 to index
      %get3A_239 = arith.constant 96 : index
      %get3A_240 = tpu.vector_load %arg16[%get3A_238, %get3A_239] {strides = array<i32>} : memref<128x128xf32, #tpu.memory_space<vmem>>, vector<16xf32>,
      %mul3A_241 = arith.mulf %get3A_232, %get3A_240 : vector<16xf32>
      %add3A_242 = arith.addf %add3A_229, %mul3A_241 : vector<16xf32>
      %get3A_243 = arith.index_cast %add3A_206 : i32 to index
      %get3A_244 = arith.constant 48 : index
      %get3A_245 = tpu.vector_load %arg12[%get3A_243, %get3A_244] {strides = array<i32>} : memref<128x128xf32, #tpu.memory_space<vmem>>, vector<16xf32>,
      %get3A_246 = arith.index_cast %add3A_206 : i32 to index
      %get3A_247 = arith.constant 112 : index
      %get3A_248 = tpu.vector_load %arg14[%get3A_246, %get3A_247] {strides = array<i32>} : memref<128x128xf32, #tpu.memory_space<vmem>>, vector<16xf32>,
      %mul3A_249 = arith.mulf %get3A_245, %get3A_248 : vector<16xf32>
      %add3A_250 = arith.addf %add3A_237, %mul3A_249 : vector<16xf32>
      %get3A_251 = arith.index_cast %add3A_206 : i32 to index
      %get3A_252 = arith.constant 112 : index
      %get3A_253 = tpu.vector_load %arg16[%get3A_251, %get3A_252] {strides = array<i32>} : memref<128x128xf32, #tpu.memory_space<vmem>>, vector<16xf32>,
      %mul3A_254 = arith.mulf %get3A_245, %get3A_253 : vector<16xf32>
      %add3A_255 = arith.addf %add3A_242, %mul3A_254 : vector<16xf32>
      %add3A_256 = arith.constant 0 : i32
      %add3A_257 = vector.broadcast %add3A_256 : i32 to vector<16xi32>
      %add3A_258 = arith.addi %mul3A_7, %add3A_257 : vector<16xi32>
      tpu.vector_store_idx %arg19[%add3A_258], %add3A_250 : memref<272xf32, #tpu.memory_space<vmem>>[vector<16xi32>], vector<16xf32>,
      tpu.vector_store_idx %arg20[%add3A_258], %add3A_255 : memref<272xf32, #tpu.memory_space<vmem>>[vector<16xi32>], vector<16xf32>,
      %add3A_259 = arith.constant 1 : i32
      %add3A_260 = arith.addi %mul3A_204, %add3A_259 : i32
      %get3A_261 = arith.index_cast %add3A_260 : i32 to index
      %get3A_262 = arith.constant 0 : index
      %get3A_263 = tpu.vector_load %arg12[%get3A_261, %get3A_262] {strides = array<i32>} : memref<128x128xf32, #tpu.memory_space<vmem>>, vector<16xf32>,
      %get3A_264 = arith.index_cast %add3A_260 : i32 to index
      %get3A_265 = arith.constant 64 : index
      %get3A_266 = tpu.vector_load %arg14[%get3A_264, %get3A_265] {strides = array<i32>} : memref<128x128xf32, #tpu.memory_space<vmem>>, vector<16xf32>,
      %mul3A_267 = arith.mulf %get3A_263, %get3A_266 : vector<16xf32>
      %get3A_268 = arith.index_cast %add3A_260 : i32 to index
      %get3A_269 = arith.constant 64 : index
      %get3A_270 = tpu.vector_load %arg16[%get3A_268, %get3A_269] {strides = array<i32>} : memref<128x128xf32, #tpu.memory_space<vmem>>, vector<16xf32>,
      %mul3A_271 = arith.mulf %get3A_263, %get3A_270 : vector<16xf32>
      %get3A_272 = arith.index_cast %add3A_260 : i32 to index
      %get3A_273 = arith.constant 16 : index
      %get3A_274 = tpu.vector_load %arg12[%get3A_272, %get3A_273] {strides = array<i32>} : memref<128x128xf32, #tpu.memory_space<vmem>>, vector<16xf32>,
      %get3A_275 = arith.index_cast %add3A_260 : i32 to index
      %get3A_276 = arith.constant 80 : index
      %get3A_277 = tpu.vector_load %arg14[%get3A_275, %get3A_276] {strides = array<i32>} : memref<128x128xf32, #tpu.memory_space<vmem>>, vector<16xf32>,
      %mul3A_278 = arith.mulf %get3A_274, %get3A_277 : vector<16xf32>
      %add3A_279 = arith.addf %mul3A_267, %mul3A_278 : vector<16xf32>
      %get3A_280 = arith.index_cast %add3A_260 : i32 to index
      %get3A_281 = arith.constant 80 : index
      %get3A_282 = tpu.vector_load %arg16[%get3A_280, %get3A_281] {strides = array<i32>} : memref<128x128xf32, #tpu.memory_space<vmem>>, vector<16xf32>,
      %mul3A_283 = arith.mulf %get3A_274, %get3A_282 : vector<16xf32>
      %add3A_284 = arith.addf %mul3A_271, %mul3A_283 : vector<16xf32>
      %get3A_285 = arith.index_cast %add3A_260 : i32 to index
      %get3A_286 = arith.constant 32 : index
      %get3A_287 = tpu.vector_load %arg12[%get3A_285, %get3A_286] {strides = array<i32>} : memref<128x128xf32, #tpu.memory_space<vmem>>, vector<16xf32>,
      %get3A_288 = arith.index_cast %add3A_260 : i32 to index
      %get3A_289 = arith.constant 96 : index
      %get3A_290 = tpu.vector_load %arg14[%get3A_288, %get3A_289] {strides = array<i32>} : memref<128x128xf32, #tpu.memory_space<vmem>>, vector<16xf32>,
      %mul3A_291 = arith.mulf %get3A_287, %get3A_290 : vector<16xf32>
      %add3A_292 = arith.addf %add3A_279, %mul3A_291 : vector<16xf32>
      %get3A_293 = arith.index_cast %add3A_260 : i32 to index
      %get3A_294 = arith.constant 96 : index
      %get3A_295 = tpu.vector_load %arg16[%get3A_293, %get3A_294] {strides = array<i32>} : memref<128x128xf32, #tpu.memory_space<vmem>>, vector<16xf32>,
      %mul3A_296 = arith.mulf %get3A_287, %get3A_295 : vector<16xf32>
      %add3A_297 = arith.addf %add3A_284, %mul3A_296 : vector<16xf32>
      %get3A_298 = arith.index_cast %add3A_260 : i32 to index
      %get3A_299 = arith.constant 48 : index
      %get3A_300 = tpu.vector_load %arg12[%get3A_298, %get3A_299] {strides = array<i32>} : memref<128x128xf32, #tpu.memory_space<vmem>>, vector<16xf32>,
      %get3A_301 = arith.index_cast %add3A_260 : i32 to index
      %get3A_302 = arith.constant 112 : index
      %get3A_303 = tpu.vector_load %arg14[%get3A_301, %get3A_302] {strides = array<i32>} : memref<128x128xf32, #tpu.memory_space<vmem>>, vector<16xf32>,
      %mul3A_304 = arith.mulf %get3A_300, %get3A_303 : vector<16xf32>
      %add3A_305 = arith.addf %add3A_292, %mul3A_304 : vector<16xf32>
      %get3A_306 = arith.index_cast %add3A_260 : i32 to index
      %get3A_307 = arith.constant 112 : index
      %get3A_308 = tpu.vector_load %arg16[%get3A_306, %get3A_307] {strides = array<i32>} : memref<128x128xf32, #tpu.memory_space<vmem>>, vector<16xf32>,
      %mul3A_309 = arith.mulf %get3A_300, %get3A_308 : vector<16xf32>
      %add3A_310 = arith.addf %add3A_297, %mul3A_309 : vector<16xf32>
      %add3A_311 = arith.constant 1 : i32
      %add3A_312 = vector.broadcast %add3A_311 : i32 to vector<16xi32>
      %add3A_313 = arith.addi %mul3A_7, %add3A_312 : vector<16xi32>
      tpu.vector_store_idx %arg19[%add3A_313], %add3A_305 : memref<272xf32, #tpu.memory_space<vmem>>[vector<16xi32>], vector<16xf32>,
      tpu.vector_store_idx %arg20[%add3A_313], %add3A_310 : memref<272xf32, #tpu.memory_space<vmem>>[vector<16xi32>], vector<16xf32>,
      %add3A_314 = arith.constant 2 : i32
      %add3A_315 = arith.addi %mul3A_204, %add3A_314 : i32
      %get3A_316 = arith.index_cast %add3A_315 : i32 to index
      %get3A_317 = arith.constant 0 : index
      %get3A_318 = tpu.vector_load %arg12[%get3A_316, %get3A_317] {strides = array<i32>} : memref<128x128xf32, #tpu.memory_space<vmem>>, vector<16xf32>,
      %get3A_319 = arith.index_cast %add3A_315 : i32 to index
      %get3A_320 = arith.constant 64 : index
      %get3A_321 = tpu.vector_load %arg14[%get3A_319, %get3A_320] {strides = array<i32>} : memref<128x128xf32, #tpu.memory_space<vmem>>, vector<16xf32>,
      %mul3A_322 = arith.mulf %get3A_318, %get3A_321 : vector<16xf32>
      %get3A_323 = arith.index_cast %add3A_315 : i32 to index
      %get3A_324 = arith.constant 64 : index
      %get3A_325 = tpu.vector_load %arg16[%get3A_323, %get3A_324] {strides = array<i32>} : memref<128x128xf32, #tpu.memory_space<vmem>>, vector<16xf32>,
      %mul3A_326 = arith.mulf %get3A_318, %get3A_325 : vector<16xf32>
      %get3A_327 = arith.index_cast %add3A_315 : i32 to index
      %get3A_328 = arith.constant 16 : index
      %get3A_329 = tpu.vector_load %arg12[%get3A_327, %get3A_328] {strides = array<i32>} : memref<128x128xf32, #tpu.memory_space<vmem>>, vector<16xf32>,
      %get3A_330 = arith.index_cast %add3A_315 : i32 to index
      %get3A_331 = arith.constant 80 : index
      %get3A_332 = tpu.vector_load %arg14[%get3A_330, %get3A_331] {strides = array<i32>} : memref<128x128xf32, #tpu.memory_space<vmem>>, vector<16xf32>,
      %mul3A_333 = arith.mulf %get3A_329, %get3A_332 : vector<16xf32>
      %add3A_334 = arith.addf %mul3A_322, %mul3A_333 : vector<16xf32>
      %get3A_335 = arith.index_cast %add3A_315 : i32 to index
      %get3A_336 = arith.constant 80 : index
      %get3A_337 = tpu.vector_load %arg16[%get3A_335, %get3A_336] {strides = array<i32>} : memref<128x128xf32, #tpu.memory_space<vmem>>, vector<16xf32>,
      %mul3A_338 = arith.mulf %get3A_329, %get3A_337 : vector<16xf32>
      %add3A_339 = arith.addf %mul3A_326, %mul3A_338 : vector<16xf32>
      %get3A_340 = arith.index_cast %add3A_315 : i32 to index
      %get3A_341 = arith.constant 32 : index
      %get3A_342 = tpu.vector_load %arg12[%get3A_340, %get3A_341] {strides = array<i32>} : memref<128x128xf32, #tpu.memory_space<vmem>>, vector<16xf32>,
      %get3A_343 = arith.index_cast %add3A_315 : i32 to index
      %get3A_344 = arith.constant 96 : index
      %get3A_345 = tpu.vector_load %arg14[%get3A_343, %get3A_344] {strides = array<i32>} : memref<128x128xf32, #tpu.memory_space<vmem>>, vector<16xf32>,
      %mul3A_346 = arith.mulf %get3A_342, %get3A_345 : vector<16xf32>
      %add3A_347 = arith.addf %add3A_334, %mul3A_346 : vector<16xf32>
      %get3A_348 = arith.index_cast %add3A_315 : i32 to index
      %get3A_349 = arith.constant 96 : index
      %get3A_350 = tpu.vector_load %arg16[%get3A_348, %get3A_349] {strides = array<i32>} : memref<128x128xf32, #tpu.memory_space<vmem>>, vector<16xf32>,
      %mul3A_351 = arith.mulf %get3A_342, %get3A_350 : vector<16xf32>
      %add3A_352 = arith.addf %add3A_339, %mul3A_351 : vector<16xf32>
      %get3A_353 = arith.index_cast %add3A_315 : i32 to index
      %get3A_354 = arith.constant 48 : index
      %get3A_355 = tpu.vector_load %arg12[%get3A_353, %get3A_354] {strides = array<i32>} : memref<128x128xf32, #tpu.memory_space<vmem>>, vector<16xf32>,
      %get3A_356 = arith.index_cast %add3A_315 : i32 to index
      %get3A_357 = arith.constant 112 : index
      %get3A_358 = tpu.vector_load %arg14[%get3A_356, %get3A_357] {strides = array<i32>} : memref<128x128xf32, #tpu.memory_space<vmem>>, vector<16xf32>,
      %mul3A_359 = arith.mulf %get3A_355, %get3A_358 : vector<16xf32>
      %add3A_360 = arith.addf %add3A_347, %mul3A_359 : vector<16xf32>
      %get3A_361 = arith.index_cast %add3A_315 : i32 to index
      %get3A_362 = arith.constant 112 : index
      %get3A_363 = tpu.vector_load %arg16[%get3A_361, %get3A_362] {strides = array<i32>} : memref<128x128xf32, #tpu.memory_space<vmem>>, vector<16xf32>,
      %mul3A_364 = arith.mulf %get3A_355, %get3A_363 : vector<16xf32>
      %add3A_365 = arith.addf %add3A_352, %mul3A_364 : vector<16xf32>
      %add3A_366 = arith.constant 2 : i32
      %add3A_367 = vector.broadcast %add3A_366 : i32 to vector<16xi32>
      %add3A_368 = arith.addi %mul3A_7, %add3A_367 : vector<16xi32>
      tpu.vector_store_idx %arg19[%add3A_368], %add3A_360 : memref<272xf32, #tpu.memory_space<vmem>>[vector<16xi32>], vector<16xf32>,
      tpu.vector_store_idx %arg20[%add3A_368], %add3A_365 : memref<272xf32, #tpu.memory_space<vmem>>[vector<16xi32>], vector<16xf32>,
      %add3A_369 = arith.constant 3 : i32
      %add3A_370 = arith.addi %mul3A_204, %add3A_369 : i32
      %get3A_371 = arith.index_cast %add3A_370 : i32 to index
      %get3A_372 = arith.constant 0 : index
      %get3A_373 = tpu.vector_load %arg12[%get3A_371, %get3A_372] {strides = array<i32>} : memref<128x128xf32, #tpu.memory_space<vmem>>, vector<16xf32>,
      %get3A_374 = arith.index_cast %add3A_370 : i32 to index
      %get3A_375 = arith.constant 64 : index
      %get3A_376 = tpu.vector_load %arg14[%get3A_374, %get3A_375] {strides = array<i32>} : memref<128x128xf32, #tpu.memory_space<vmem>>, vector<16xf32>,
      %mul3A_377 = arith.mulf %get3A_373, %get3A_376 : vector<16xf32>
      %get3A_378 = arith.index_cast %add3A_370 : i32 to index
      %get3A_379 = arith.constant 64 : index
      %get3A_380 = tpu.vector_load %arg16[%get3A_378, %get3A_379] {strides = array<i32>} : memref<128x128xf32, #tpu.memory_space<vmem>>, vector<16xf32>,
      %mul3A_381 = arith.mulf %get3A_373, %get3A_380 : vector<16xf32>
      %get3A_382 = arith.index_cast %add3A_370 : i32 to index
      %get3A_383 = arith.constant 16 : index
      %get3A_384 = tpu.vector_load %arg12[%get3A_382, %get3A_383] {strides = array<i32>} : memref<128x128xf32, #tpu.memory_space<vmem>>, vector<16xf32>,
      %get3A_385 = arith.index_cast %add3A_370 : i32 to index
      %get3A_386 = arith.constant 80 : index
      %get3A_387 = tpu.vector_load %arg14[%get3A_385, %get3A_386] {strides = array<i32>} : memref<128x128xf32, #tpu.memory_space<vmem>>, vector<16xf32>,
      %mul3A_388 = arith.mulf %get3A_384, %get3A_387 : vector<16xf32>
      %add3A_389 = arith.addf %mul3A_377, %mul3A_388 : vector<16xf32>
      %get3A_390 = arith.index_cast %add3A_370 : i32 to index
      %get3A_391 = arith.constant 80 : index
      %get3A_392 = tpu.vector_load %arg16[%get3A_390, %get3A_391] {strides = array<i32>} : memref<128x128xf32, #tpu.memory_space<vmem>>, vector<16xf32>,
      %mul3A_393 = arith.mulf %get3A_384, %get3A_392 : vector<16xf32>
      %add3A_394 = arith.addf %mul3A_381, %mul3A_393 : vector<16xf32>
      %get3A_395 = arith.index_cast %add3A_370 : i32 to index
      %get3A_396 = arith.constant 32 : index
      %get3A_397 = tpu.vector_load %arg12[%get3A_395, %get3A_396] {strides = array<i32>} : memref<128x128xf32, #tpu.memory_space<vmem>>, vector<16xf32>,
      %get3A_398 = arith.index_cast %add3A_370 : i32 to index
      %get3A_399 = arith.constant 96 : index
      %get3A_400 = tpu.vector_load %arg14[%get3A_398, %get3A_399] {strides = array<i32>} : memref<128x128xf32, #tpu.memory_space<vmem>>, vector<16xf32>,
      %mul3A_401 = arith.mulf %get3A_397, %get3A_400 : vector<16xf32>
      %add3A_402 = arith.addf %add3A_389, %mul3A_401 : vector<16xf32>
      %get3A_403 = arith.index_cast %add3A_370 : i32 to index
      %get3A_404 = arith.constant 96 : index
      %get3A_405 = tpu.vector_load %arg16[%get3A_403, %get3A_404] {strides = array<i32>} : memref<128x128xf32, #tpu.memory_space<vmem>>, vector<16xf32>,
      %mul3A_406 = arith.mulf %get3A_397, %get3A_405 : vector<16xf32>
      %add3A_407 = arith.addf %add3A_394, %mul3A_406 : vector<16xf32>
      %get3A_408 = arith.index_cast %add3A_370 : i32 to index
      %get3A_409 = arith.constant 48 : index
      %get3A_410 = tpu.vector_load %arg12[%get3A_408, %get3A_409] {strides = array<i32>} : memref<128x128xf32, #tpu.memory_space<vmem>>, vector<16xf32>,
      %get3A_411 = arith.index_cast %add3A_370 : i32 to index
      %get3A_412 = arith.constant 112 : index
      %get3A_413 = tpu.vector_load %arg14[%get3A_411, %get3A_412] {strides = array<i32>} : memref<128x128xf32, #tpu.memory_space<vmem>>, vector<16xf32>,
      %mul3A_414 = arith.mulf %get3A_410, %get3A_413 : vector<16xf32>
      %add3A_415 = arith.addf %add3A_402, %mul3A_414 : vector<16xf32>
      %get3A_416 = arith.index_cast %add3A_370 : i32 to index
      %get3A_417 = arith.constant 112 : index
      %get3A_418 = tpu.vector_load %arg16[%get3A_416, %get3A_417] {strides = array<i32>} : memref<128x128xf32, #tpu.memory_space<vmem>>, vector<16xf32>,
      %mul3A_419 = arith.mulf %get3A_410, %get3A_418 : vector<16xf32>
      %add3A_420 = arith.addf %add3A_407, %mul3A_419 : vector<16xf32>
      %add3A_421 = arith.constant 3 : i32
      %add3A_422 = vector.broadcast %add3A_421 : i32 to vector<16xi32>
      %add3A_423 = arith.addi %mul3A_7, %add3A_422 : vector<16xi32>
      tpu.vector_store_idx %arg19[%add3A_423], %add3A_415 : memref<272xf32, #tpu.memory_space<vmem>>[vector<16xi32>], vector<16xf32>,
      tpu.vector_store_idx %arg20[%add3A_423], %add3A_420 : memref<272xf32, #tpu.memory_space<vmem>>[vector<16xi32>], vector<16xf32>,
      %add3A_424 = arith.constant 4 : i32
      %add3A_425 = arith.addi %mul3A_204, %add3A_424 : i32
      %get3A_426 = arith.index_cast %add3A_425 : i32 to index
      %get3A_427 = arith.constant 0 : index
      %get3A_428 = tpu.vector_load %arg12[%get3A_426, %get3A_427] {strides = array<i32>} : memref<128x128xf32, #tpu.memory_space<vmem>>, vector<16xf32>,
      %get3A_429 = arith.index_cast %add3A_425 : i32 to index
      %get3A_430 = arith.constant 64 : index
      %get3A_431 = tpu.vector_load %arg14[%get3A_429, %get3A_430] {strides = array<i32>} : memref<128x128xf32, #tpu.memory_space<vmem>>, vector<16xf32>,
      %mul3A_432 = arith.mulf %get3A_428, %get3A_431 : vector<16xf32>
      %get3A_433 = arith.index_cast %add3A_425 : i32 to index
      %get3A_434 = arith.constant 64 : index
      %get3A_435 = tpu.vector_load %arg16[%get3A_433, %get3A_434] {strides = array<i32>} : memref<128x128xf32, #tpu.memory_space<vmem>>, vector<16xf32>,
      %mul3A_436 = arith.mulf %get3A_428, %get3A_435 : vector<16xf32>
      %get3A_437 = arith.index_cast %add3A_425 : i32 to index
      %get3A_438 = arith.constant 16 : index
      %get3A_439 = tpu.vector_load %arg12[%get3A_437, %get3A_438] {strides = array<i32>} : memref<128x128xf32, #tpu.memory_space<vmem>>, vector<16xf32>,
      %get3A_440 = arith.index_cast %add3A_425 : i32 to index
      %get3A_441 = arith.constant 80 : index
      %get3A_442 = tpu.vector_load %arg14[%get3A_440, %get3A_441] {strides = array<i32>} : memref<128x128xf32, #tpu.memory_space<vmem>>, vector<16xf32>,
      %mul3A_443 = arith.mulf %get3A_439, %get3A_442 : vector<16xf32>
      %add3A_444 = arith.addf %mul3A_432, %mul3A_443 : vector<16xf32>
      %get3A_445 = arith.index_cast %add3A_425 : i32 to index
      %get3A_446 = arith.constant 80 : index
      %get3A_447 = tpu.vector_load %arg16[%get3A_445, %get3A_446] {strides = array<i32>} : memref<128x128xf32, #tpu.memory_space<vmem>>, vector<16xf32>,
      %mul3A_448 = arith.mulf %get3A_439, %get3A_447 : vector<16xf32>
      %add3A_449 = arith.addf %mul3A_436, %mul3A_448 : vector<16xf32>
      %get3A_450 = arith.index_cast %add3A_425 : i32 to index
      %get3A_451 = arith.constant 32 : index
      %get3A_452 = tpu.vector_load %arg12[%get3A_450, %get3A_451] {strides = array<i32>} : memref<128x128xf32, #tpu.memory_space<vmem>>, vector<16xf32>,
      %get3A_453 = arith.index_cast %add3A_425 : i32 to index
      %get3A_454 = arith.constant 96 : index
      %get3A_455 = tpu.vector_load %arg14[%get3A_453, %get3A_454] {strides = array<i32>} : memref<128x128xf32, #tpu.memory_space<vmem>>, vector<16xf32>,
      %mul3A_456 = arith.mulf %get3A_452, %get3A_455 : vector<16xf32>
      %add3A_457 = arith.addf %add3A_444, %mul3A_456 : vector<16xf32>
      %get3A_458 = arith.index_cast %add3A_425 : i32 to index
      %get3A_459 = arith.constant 96 : index
      %get3A_460 = tpu.vector_load %arg16[%get3A_458, %get3A_459] {strides = array<i32>} : memref<128x128xf32, #tpu.memory_space<vmem>>, vector<16xf32>,
      %mul3A_461 = arith.mulf %get3A_452, %get3A_460 : vector<16xf32>
      %add3A_462 = arith.addf %add3A_449, %mul3A_461 : vector<16xf32>
      %get3A_463 = arith.index_cast %add3A_425 : i32 to index
      %get3A_464 = arith.constant 48 : index
      %get3A_465 = tpu.vector_load %arg12[%get3A_463, %get3A_464] {strides = array<i32>} : memref<128x128xf32, #tpu.memory_space<vmem>>, vector<16xf32>,
      %get3A_466 = arith.index_cast %add3A_425 : i32 to index
      %get3A_467 = arith.constant 112 : index
      %get3A_468 = tpu.vector_load %arg14[%get3A_466, %get3A_467] {strides = array<i32>} : memref<128x128xf32, #tpu.memory_space<vmem>>, vector<16xf32>,
      %mul3A_469 = arith.mulf %get3A_465, %get3A_468 : vector<16xf32>
      %add3A_470 = arith.addf %add3A_457, %mul3A_469 : vector<16xf32>
      %get3A_471 = arith.index_cast %add3A_425 : i32 to index
      %get3A_472 = arith.constant 112 : index
      %get3A_473 = tpu.vector_load %arg16[%get3A_471, %get3A_472] {strides = array<i32>} : memref<128x128xf32, #tpu.memory_space<vmem>>, vector<16xf32>,
      %mul3A_474 = arith.mulf %get3A_465, %get3A_473 : vector<16xf32>
      %add3A_475 = arith.addf %add3A_462, %mul3A_474 : vector<16xf32>
      %add3A_476 = arith.constant 4 : i32
      %add3A_477 = vector.broadcast %add3A_476 : i32 to vector<16xi32>
      %add3A_478 = arith.addi %mul3A_7, %add3A_477 : vector<16xi32>
      tpu.vector_store_idx %arg19[%add3A_478], %add3A_470 : memref<272xf32, #tpu.memory_space<vmem>>[vector<16xi32>], vector<16xf32>,
      tpu.vector_store_idx %arg20[%add3A_478], %add3A_475 : memref<272xf32, #tpu.memory_space<vmem>>[vector<16xi32>], vector<16xf32>,
      %add3A_479 = arith.constant 5 : i32
      %add3A_480 = arith.addi %mul3A_204, %add3A_479 : i32
      %get3A_481 = arith.index_cast %add3A_480 : i32 to index
      %get3A_482 = arith.constant 0 : index
      %get3A_483 = tpu.vector_load %arg12[%get3A_481, %get3A_482] {strides = array<i32>} : memref<128x128xf32, #tpu.memory_space<vmem>>, vector<16xf32>,
      %get3A_484 = arith.index_cast %add3A_480 : i32 to index
      %get3A_485 = arith.constant 64 : index
      %get3A_486 = tpu.vector_load %arg14[%get3A_484, %get3A_485] {strides = array<i32>} : memref<128x128xf32, #tpu.memory_space<vmem>>, vector<16xf32>,
      %mul3A_487 = arith.mulf %get3A_483, %get3A_486 : vector<16xf32>
      %get3A_488 = arith.index_cast %add3A_480 : i32 to index
      %get3A_489 = arith.constant 64 : index
      %get3A_490 = tpu.vector_load %arg16[%get3A_488, %get3A_489] {strides = array<i32>} : memref<128x128xf32, #tpu.memory_space<vmem>>, vector<16xf32>,
      %mul3A_491 = arith.mulf %get3A_483, %get3A_490 : vector<16xf32>
      %get3A_492 = arith.index_cast %add3A_480 : i32 to index
      %get3A_493 = arith.constant 16 : index
      %get3A_494 = tpu.vector_load %arg12[%get3A_492, %get3A_493] {strides = array<i32>} : memref<128x128xf32, #tpu.memory_space<vmem>>, vector<16xf32>,
      %get3A_495 = arith.index_cast %add3A_480 : i32 to index
      %get3A_496 = arith.constant 80 : index
      %get3A_497 = tpu.vector_load %arg14[%get3A_495, %get3A_496] {strides = array<i32>} : memref<128x128xf32, #tpu.memory_space<vmem>>, vector<16xf32>,
      %mul3A_498 = arith.mulf %get3A_494, %get3A_497 : vector<16xf32>
      %add3A_499 = arith.addf %mul3A_487, %mul3A_498 : vector<16xf32>
      %get3A_500 = arith.index_cast %add3A_480 : i32 to index
      %get3A_501 = arith.constant 80 : index
      %get3A_502 = tpu.vector_load %arg16[%get3A_500, %get3A_501] {strides = array<i32>} : memref<128x128xf32, #tpu.memory_space<vmem>>, vector<16xf32>,
      %mul3A_503 = arith.mulf %get3A_494, %get3A_502 : vector<16xf32>
      %add3A_504 = arith.addf %mul3A_491, %mul3A_503 : vector<16xf32>
      %get3A_505 = arith.index_cast %add3A_480 : i32 to index
      %get3A_506 = arith.constant 32 : index
      %get3A_507 = tpu.vector_load %arg12[%get3A_505, %get3A_506] {strides = array<i32>} : memref<128x128xf32, #tpu.memory_space<vmem>>, vector<16xf32>,
      %get3A_508 = arith.index_cast %add3A_480 : i32 to index
      %get3A_509 = arith.constant 96 : index
      %get3A_510 = tpu.vector_load %arg14[%get3A_508, %get3A_509] {strides = array<i32>} : memref<128x128xf32, #tpu.memory_space<vmem>>, vector<16xf32>,
      %mul3A_511 = arith.mulf %get3A_507, %get3A_510 : vector<16xf32>
      %add3A_512 = arith.addf %add3A_499, %mul3A_511 : vector<16xf32>
      %get3A_513 = arith.index_cast %add3A_480 : i32 to index
      %get3A_514 = arith.constant 96 : index
      %get3A_515 = tpu.vector_load %arg16[%get3A_513, %get3A_514] {strides = array<i32>} : memref<128x128xf32, #tpu.memory_space<vmem>>, vector<16xf32>,
      %mul3A_516 = arith.mulf %get3A_507, %get3A_515 : vector<16xf32>
      %add3A_517 = arith.addf %add3A_504, %mul3A_516 : vector<16xf32>
      %get3A_518 = arith.index_cast %add3A_480 : i32 to index
      %get3A_519 = arith.constant 48 : index
      %get3A_520 = tpu.vector_load %arg12[%get3A_518, %get3A_519] {strides = array<i32>} : memref<128x128xf32, #tpu.memory_space<vmem>>, vector<16xf32>,
      %get3A_521 = arith.index_cast %add3A_480 : i32 to index
      %get3A_522 = arith.constant 112 : index
      %get3A_523 = tpu.vector_load %arg14[%get3A_521, %get3A_522] {strides = array<i32>} : memref<128x128xf32, #tpu.memory_space<vmem>>, vector<16xf32>,
      %mul3A_524 = arith.mulf %get3A_520, %get3A_523 : vector<16xf32>
      %add3A_525 = arith.addf %add3A_512, %mul3A_524 : vector<16xf32>
      %get3A_526 = arith.index_cast %add3A_480 : i32 to index
      %get3A_527 = arith.constant 112 : index
      %get3A_528 = tpu.vector_load %arg16[%get3A_526, %get3A_527] {strides = array<i32>} : memref<128x128xf32, #tpu.memory_space<vmem>>, vector<16xf32>,
      %mul3A_529 = arith.mulf %get3A_520, %get3A_528 : vector<16xf32>
      %add3A_530 = arith.addf %add3A_517, %mul3A_529 : vector<16xf32>
      %add3A_531 = arith.constant 5 : i32
      %add3A_532 = vector.broadcast %add3A_531 : i32 to vector<16xi32>
      %add3A_533 = arith.addi %mul3A_7, %add3A_532 : vector<16xi32>
      tpu.vector_store_idx %arg19[%add3A_533], %add3A_525 : memref<272xf32, #tpu.memory_space<vmem>>[vector<16xi32>], vector<16xf32>,
      tpu.vector_store_idx %arg20[%add3A_533], %add3A_530 : memref<272xf32, #tpu.memory_space<vmem>>[vector<16xi32>], vector<16xf32>,
      %add3A_534 = arith.constant 6 : i32
      %add3A_535 = arith.addi %mul3A_204, %add3A_534 : i32
      %get3A_536 = arith.index_cast %add3A_535 : i32 to index
      %get3A_537 = arith.constant 0 : index
      %get3A_538 = tpu.vector_load %arg12[%get3A_536, %get3A_537] {strides = array<i32>} : memref<128x128xf32, #tpu.memory_space<vmem>>, vector<16xf32>,
      %get3A_539 = arith.index_cast %add3A_535 : i32 to index
      %get3A_540 = arith.constant 64 : index
      %get3A_541 = tpu.vector_load %arg14[%get3A_539, %get3A_540] {strides = array<i32>} : memref<128x128xf32, #tpu.memory_space<vmem>>, vector<16xf32>,
      %mul3A_542 = arith.mulf %get3A_538, %get3A_541 : vector<16xf32>
      %get3A_543 = arith.index_cast %add3A_535 : i32 to index
      %get3A_544 = arith.constant 64 : index
      %get3A_545 = tpu.vector_load %arg16[%get3A_543, %get3A_544] {strides = array<i32>} : memref<128x128xf32, #tpu.memory_space<vmem>>, vector<16xf32>,
      %mul3A_546 = arith.mulf %get3A_538, %get3A_545 : vector<16xf32>
      %get3A_547 = arith.index_cast %add3A_535 : i32 to index
      %get3A_548 = arith.constant 16 : index
      %get3A_549 = tpu.vector_load %arg12[%get3A_547, %get3A_548] {strides = array<i32>} : memref<128x128xf32, #tpu.memory_space<vmem>>, vector<16xf32>,
      %get3A_550 = arith.index_cast %add3A_535 : i32 to index
      %get3A_551 = arith.constant 80 : index
      %get3A_552 = tpu.vector_load %arg14[%get3A_550, %get3A_551] {strides = array<i32>} : memref<128x128xf32, #tpu.memory_space<vmem>>, vector<16xf32>,
      %mul3A_553 = arith.mulf %get3A_549, %get3A_552 : vector<16xf32>
      %add3A_554 = arith.addf %mul3A_542, %mul3A_553 : vector<16xf32>
      %get3A_555 = arith.index_cast %add3A_535 : i32 to index
      %get3A_556 = arith.constant 80 : index
      %get3A_557 = tpu.vector_load %arg16[%get3A_555, %get3A_556] {strides = array<i32>} : memref<128x128xf32, #tpu.memory_space<vmem>>, vector<16xf32>,
      %mul3A_558 = arith.mulf %get3A_549, %get3A_557 : vector<16xf32>
      %add3A_559 = arith.addf %mul3A_546, %mul3A_558 : vector<16xf32>
      %get3A_560 = arith.index_cast %add3A_535 : i32 to index
      %get3A_561 = arith.constant 32 : index
      %get3A_562 = tpu.vector_load %arg12[%get3A_560, %get3A_561] {strides = array<i32>} : memref<128x128xf32, #tpu.memory_space<vmem>>, vector<16xf32>,
      %get3A_563 = arith.index_cast %add3A_535 : i32 to index
      %get3A_564 = arith.constant 96 : index
      %get3A_565 = tpu.vector_load %arg14[%get3A_563, %get3A_564] {strides = array<i32>} : memref<128x128xf32, #tpu.memory_space<vmem>>, vector<16xf32>,
      %mul3A_566 = arith.mulf %get3A_562, %get3A_565 : vector<16xf32>
      %add3A_567 = arith.addf %add3A_554, %mul3A_566 : vector<16xf32>
      %get3A_568 = arith.index_cast %add3A_535 : i32 to index
      %get3A_569 = arith.constant 96 : index
      %get3A_570 = tpu.vector_load %arg16[%get3A_568, %get3A_569] {strides = array<i32>} : memref<128x128xf32, #tpu.memory_space<vmem>>, vector<16xf32>,
      %mul3A_571 = arith.mulf %get3A_562, %get3A_570 : vector<16xf32>
      %add3A_572 = arith.addf %add3A_559, %mul3A_571 : vector<16xf32>
      %get3A_573 = arith.index_cast %add3A_535 : i32 to index
      %get3A_574 = arith.constant 48 : index
      %get3A_575 = tpu.vector_load %arg12[%get3A_573, %get3A_574] {strides = array<i32>} : memref<128x128xf32, #tpu.memory_space<vmem>>, vector<16xf32>,
      %get3A_576 = arith.index_cast %add3A_535 : i32 to index
      %get3A_577 = arith.constant 112 : index
      %get3A_578 = tpu.vector_load %arg14[%get3A_576, %get3A_577] {strides = array<i32>} : memref<128x128xf32, #tpu.memory_space<vmem>>, vector<16xf32>,
      %mul3A_579 = arith.mulf %get3A_575, %get3A_578 : vector<16xf32>
      %add3A_580 = arith.addf %add3A_567, %mul3A_579 : vector<16xf32>
      %get3A_581 = arith.index_cast %add3A_535 : i32 to index
      %get3A_582 = arith.constant 112 : index
      %get3A_583 = tpu.vector_load %arg16[%get3A_581, %get3A_582] {strides = array<i32>} : memref<128x128xf32, #tpu.memory_space<vmem>>, vector<16xf32>,
      %mul3A_584 = arith.mulf %get3A_575, %get3A_583 : vector<16xf32>
      %add3A_585 = arith.addf %add3A_572, %mul3A_584 : vector<16xf32>
      %add3A_586 = arith.constant 6 : i32
      %add3A_587 = vector.broadcast %add3A_586 : i32 to vector<16xi32>
      %add3A_588 = arith.addi %mul3A_7, %add3A_587 : vector<16xi32>
      tpu.vector_store_idx %arg19[%add3A_588], %add3A_580 : memref<272xf32, #tpu.memory_space<vmem>>[vector<16xi32>], vector<16xf32>,
      tpu.vector_store_idx %arg20[%add3A_588], %add3A_585 : memref<272xf32, #tpu.memory_space<vmem>>[vector<16xi32>], vector<16xf32>,
      %add3A_589 = arith.constant 7 : i32
      %add3A_590 = arith.addi %mul3A_204, %add3A_589 : i32
      %get3A_591 = arith.index_cast %add3A_590 : i32 to index
      %get3A_592 = arith.constant 0 : index
      %get3A_593 = tpu.vector_load %arg12[%get3A_591, %get3A_592] {strides = array<i32>} : memref<128x128xf32, #tpu.memory_space<vmem>>, vector<16xf32>,
      %get3A_594 = arith.index_cast %add3A_590 : i32 to index
      %get3A_595 = arith.constant 64 : index
      %get3A_596 = tpu.vector_load %arg14[%get3A_594, %get3A_595] {strides = array<i32>} : memref<128x128xf32, #tpu.memory_space<vmem>>, vector<16xf32>,
      %mul3A_597 = arith.mulf %get3A_593, %get3A_596 : vector<16xf32>
      %get3A_598 = arith.index_cast %add3A_590 : i32 to index
      %get3A_599 = arith.constant 64 : index
      %get3A_600 = tpu.vector_load %arg16[%get3A_598, %get3A_599] {strides = array<i32>} : memref<128x128xf32, #tpu.memory_space<vmem>>, vector<16xf32>,
      %mul3A_601 = arith.mulf %get3A_593, %get3A_600 : vector<16xf32>
      %get3A_602 = arith.index_cast %add3A_590 : i32 to index
      %get3A_603 = arith.constant 16 : index
      %get3A_604 = tpu.vector_load %arg12[%get3A_602, %get3A_603] {strides = array<i32>} : memref<128x128xf32, #tpu.memory_space<vmem>>, vector<16xf32>,
      %get3A_605 = arith.index_cast %add3A_590 : i32 to index
      %get3A_606 = arith.constant 80 : index
      %get3A_607 = tpu.vector_load %arg14[%get3A_605, %get3A_606] {strides = array<i32>} : memref<128x128xf32, #tpu.memory_space<vmem>>, vector<16xf32>,
      %mul3A_608 = arith.mulf %get3A_604, %get3A_607 : vector<16xf32>
      %add3A_609 = arith.addf %mul3A_597, %mul3A_608 : vector<16xf32>
      %get3A_610 = arith.index_cast %add3A_590 : i32 to index
      %get3A_611 = arith.constant 80 : index
      %get3A_612 = tpu.vector_load %arg16[%get3A_610, %get3A_611] {strides = array<i32>} : memref<128x128xf32, #tpu.memory_space<vmem>>, vector<16xf32>,
      %mul3A_613 = arith.mulf %get3A_604, %get3A_612 : vector<16xf32>
      %add3A_614 = arith.addf %mul3A_601, %mul3A_613 : vector<16xf32>
      %get3A_615 = arith.index_cast %add3A_590 : i32 to index
      %get3A_616 = arith.constant 32 : index
      %get3A_617 = tpu.vector_load %arg12[%get3A_615, %get3A_616] {strides = array<i32>} : memref<128x128xf32, #tpu.memory_space<vmem>>, vector<16xf32>,
      %get3A_618 = arith.index_cast %add3A_590 : i32 to index
      %get3A_619 = arith.constant 96 : index
      %get3A_620 = tpu.vector_load %arg14[%get3A_618, %get3A_619] {strides = array<i32>} : memref<128x128xf32, #tpu.memory_space<vmem>>, vector<16xf32>,
      %mul3A_621 = arith.mulf %get3A_617, %get3A_620 : vector<16xf32>
      %add3A_622 = arith.addf %add3A_609, %mul3A_621 : vector<16xf32>
      %get3A_623 = arith.index_cast %add3A_590 : i32 to index
      %get3A_624 = arith.constant 96 : index
      %get3A_625 = tpu.vector_load %arg16[%get3A_623, %get3A_624] {strides = array<i32>} : memref<128x128xf32, #tpu.memory_space<vmem>>, vector<16xf32>,
      %mul3A_626 = arith.mulf %get3A_617, %get3A_625 : vector<16xf32>
      %add3A_627 = arith.addf %add3A_614, %mul3A_626 : vector<16xf32>
      %get3A_628 = arith.index_cast %add3A_590 : i32 to index
      %get3A_629 = arith.constant 48 : index
      %get3A_630 = tpu.vector_load %arg12[%get3A_628, %get3A_629] {strides = array<i32>} : memref<128x128xf32, #tpu.memory_space<vmem>>, vector<16xf32>,
      %get3A_631 = arith.index_cast %add3A_590 : i32 to index
      %get3A_632 = arith.constant 112 : index
      %get3A_633 = tpu.vector_load %arg14[%get3A_631, %get3A_632] {strides = array<i32>} : memref<128x128xf32, #tpu.memory_space<vmem>>, vector<16xf32>,
      %mul3A_634 = arith.mulf %get3A_630, %get3A_633 : vector<16xf32>
      %add3A_635 = arith.addf %add3A_622, %mul3A_634 : vector<16xf32>
      %get3A_636 = arith.index_cast %add3A_590 : i32 to index
      %get3A_637 = arith.constant 112 : index
      %get3A_638 = tpu.vector_load %arg16[%get3A_636, %get3A_637] {strides = array<i32>} : memref<128x128xf32, #tpu.memory_space<vmem>>, vector<16xf32>,
      %mul3A_639 = arith.mulf %get3A_630, %get3A_638 : vector<16xf32>
      %add3A_640 = arith.addf %add3A_627, %mul3A_639 : vector<16xf32>
      %add3A_641 = arith.constant 7 : i32
      %add3A_642 = vector.broadcast %add3A_641 : i32 to vector<16xi32>
      %add3A_643 = arith.addi %mul3A_7, %add3A_642 : vector<16xi32>
      tpu.vector_store_idx %arg19[%add3A_643], %add3A_635 : memref<272xf32, #tpu.memory_space<vmem>>[vector<16xi32>], vector<16xf32>,
      tpu.vector_store_idx %arg20[%add3A_643], %add3A_640 : memref<272xf32, #tpu.memory_space<vmem>>[vector<16xi32>], vector<16xf32>,
      %add3A_644 = arith.constant 8 : i32
      %add3A_645 = arith.addi %mul3A_204, %add3A_644 : i32
      %get3A_646 = arith.index_cast %add3A_645 : i32 to index
      %get3A_647 = arith.constant 0 : index
      %get3A_648 = tpu.vector_load %arg12[%get3A_646, %get3A_647] {strides = array<i32>} : memref<128x128xf32, #tpu.memory_space<vmem>>, vector<16xf32>,
      %get3A_649 = arith.index_cast %add3A_645 : i32 to index
      %get3A_650 = arith.constant 64 : index
      %get3A_651 = tpu.vector_load %arg14[%get3A_649, %get3A_650] {strides = array<i32>} : memref<128x128xf32, #tpu.memory_space<vmem>>, vector<16xf32>,
      %mul3A_652 = arith.mulf %get3A_648, %get3A_651 : vector<16xf32>
      %get3A_653 = arith.index_cast %add3A_645 : i32 to index
      %get3A_654 = arith.constant 64 : index
      %get3A_655 = tpu.vector_load %arg16[%get3A_653, %get3A_654] {strides = array<i32>} : memref<128x128xf32, #tpu.memory_space<vmem>>, vector<16xf32>,
      %mul3A_656 = arith.mulf %get3A_648, %get3A_655 : vector<16xf32>
      %get3A_657 = arith.index_cast %add3A_645 : i32 to index
      %get3A_658 = arith.constant 16 : index
      %get3A_659 = tpu.vector_load %arg12[%get3A_657, %get3A_658] {strides = array<i32>} : memref<128x128xf32, #tpu.memory_space<vmem>>, vector<16xf32>,
      %get3A_660 = arith.index_cast %add3A_645 : i32 to index
      %get3A_661 = arith.constant 80 : index
      %get3A_662 = tpu.vector_load %arg14[%get3A_660, %get3A_661] {strides = array<i32>} : memref<128x128xf32, #tpu.memory_space<vmem>>, vector<16xf32>,
      %mul3A_663 = arith.mulf %get3A_659, %get3A_662 : vector<16xf32>
      %add3A_664 = arith.addf %mul3A_652, %mul3A_663 : vector<16xf32>
      %get3A_665 = arith.index_cast %add3A_645 : i32 to index
      %get3A_666 = arith.constant 80 : index
      %get3A_667 = tpu.vector_load %arg16[%get3A_665, %get3A_666] {strides = array<i32>} : memref<128x128xf32, #tpu.memory_space<vmem>>, vector<16xf32>,
      %mul3A_668 = arith.mulf %get3A_659, %get3A_667 : vector<16xf32>
      %add3A_669 = arith.addf %mul3A_656, %mul3A_668 : vector<16xf32>
      %get3A_670 = arith.index_cast %add3A_645 : i32 to index
      %get3A_671 = arith.constant 32 : index
      %get3A_672 = tpu.vector_load %arg12[%get3A_670, %get3A_671] {strides = array<i32>} : memref<128x128xf32, #tpu.memory_space<vmem>>, vector<16xf32>,
      %get3A_673 = arith.index_cast %add3A_645 : i32 to index
      %get3A_674 = arith.constant 96 : index
      %get3A_675 = tpu.vector_load %arg14[%get3A_673, %get3A_674] {strides = array<i32>} : memref<128x128xf32, #tpu.memory_space<vmem>>, vector<16xf32>,
      %mul3A_676 = arith.mulf %get3A_672, %get3A_675 : vector<16xf32>
      %add3A_677 = arith.addf %add3A_664, %mul3A_676 : vector<16xf32>
      %get3A_678 = arith.index_cast %add3A_645 : i32 to index
      %get3A_679 = arith.constant 96 : index
      %get3A_680 = tpu.vector_load %arg16[%get3A_678, %get3A_679] {strides = array<i32>} : memref<128x128xf32, #tpu.memory_space<vmem>>, vector<16xf32>,
      %mul3A_681 = arith.mulf %get3A_672, %get3A_680 : vector<16xf32>
      %add3A_682 = arith.addf %add3A_669, %mul3A_681 : vector<16xf32>
      %get3A_683 = arith.index_cast %add3A_645 : i32 to index
      %get3A_684 = arith.constant 48 : index
      %get3A_685 = tpu.vector_load %arg12[%get3A_683, %get3A_684] {strides = array<i32>} : memref<128x128xf32, #tpu.memory_space<vmem>>, vector<16xf32>,
      %get3A_686 = arith.index_cast %add3A_645 : i32 to index
      %get3A_687 = arith.constant 112 : index
      %get3A_688 = tpu.vector_load %arg14[%get3A_686, %get3A_687] {strides = array<i32>} : memref<128x128xf32, #tpu.memory_space<vmem>>, vector<16xf32>,
      %mul3A_689 = arith.mulf %get3A_685, %get3A_688 : vector<16xf32>
      %add3A_690 = arith.addf %add3A_677, %mul3A_689 : vector<16xf32>
      %get3A_691 = arith.index_cast %add3A_645 : i32 to index
      %get3A_692 = arith.constant 112 : index
      %get3A_693 = tpu.vector_load %arg16[%get3A_691, %get3A_692] {strides = array<i32>} : memref<128x128xf32, #tpu.memory_space<vmem>>, vector<16xf32>,
      %mul3A_694 = arith.mulf %get3A_685, %get3A_693 : vector<16xf32>
      %add3A_695 = arith.addf %add3A_682, %mul3A_694 : vector<16xf32>
      %add3A_696 = arith.constant 8 : i32
      %add3A_697 = vector.broadcast %add3A_696 : i32 to vector<16xi32>
      %add3A_698 = arith.addi %mul3A_7, %add3A_697 : vector<16xi32>
      tpu.vector_store_idx %arg19[%add3A_698], %add3A_690 : memref<272xf32, #tpu.memory_space<vmem>>[vector<16xi32>], vector<16xf32>,
      tpu.vector_store_idx %arg20[%add3A_698], %add3A_695 : memref<272xf32, #tpu.memory_space<vmem>>[vector<16xi32>], vector<16xf32>,
      %add3A_699 = arith.constant 9 : i32
      %add3A_700 = arith.addi %mul3A_204, %add3A_699 : i32
      %get3A_701 = arith.index_cast %add3A_700 : i32 to index
      %get3A_702 = arith.constant 0 : index
      %get3A_703 = tpu.vector_load %arg12[%get3A_701, %get3A_702] {strides = array<i32>} : memref<128x128xf32, #tpu.memory_space<vmem>>, vector<16xf32>,
      %get3A_704 = arith.index_cast %add3A_700 : i32 to index
      %get3A_705 = arith.constant 64 : index
      %get3A_706 = tpu.vector_load %arg14[%get3A_704, %get3A_705] {strides = array<i32>} : memref<128x128xf32, #tpu.memory_space<vmem>>, vector<16xf32>,
      %mul3A_707 = arith.mulf %get3A_703, %get3A_706 : vector<16xf32>
      %get3A_708 = arith.index_cast %add3A_700 : i32 to index
      %get3A_709 = arith.constant 64 : index
      %get3A_710 = tpu.vector_load %arg16[%get3A_708, %get3A_709] {strides = array<i32>} : memref<128x128xf32, #tpu.memory_space<vmem>>, vector<16xf32>,
      %mul3A_711 = arith.mulf %get3A_703, %get3A_710 : vector<16xf32>
      %get3A_712 = arith.index_cast %add3A_700 : i32 to index
      %get3A_713 = arith.constant 16 : index
      %get3A_714 = tpu.vector_load %arg12[%get3A_712, %get3A_713] {strides = array<i32>} : memref<128x128xf32, #tpu.memory_space<vmem>>, vector<16xf32>,
      %get3A_715 = arith.index_cast %add3A_700 : i32 to index
      %get3A_716 = arith.constant 80 : index
      %get3A_717 = tpu.vector_load %arg14[%get3A_715, %get3A_716] {strides = array<i32>} : memref<128x128xf32, #tpu.memory_space<vmem>>, vector<16xf32>,
      %mul3A_718 = arith.mulf %get3A_714, %get3A_717 : vector<16xf32>
      %add3A_719 = arith.addf %mul3A_707, %mul3A_718 : vector<16xf32>
      %get3A_720 = arith.index_cast %add3A_700 : i32 to index
      %get3A_721 = arith.constant 80 : index
      %get3A_722 = tpu.vector_load %arg16[%get3A_720, %get3A_721] {strides = array<i32>} : memref<128x128xf32, #tpu.memory_space<vmem>>, vector<16xf32>,
      %mul3A_723 = arith.mulf %get3A_714, %get3A_722 : vector<16xf32>
      %add3A_724 = arith.addf %mul3A_711, %mul3A_723 : vector<16xf32>
      %get3A_725 = arith.index_cast %add3A_700 : i32 to index
      %get3A_726 = arith.constant 32 : index
      %get3A_727 = tpu.vector_load %arg12[%get3A_725, %get3A_726] {strides = array<i32>} : memref<128x128xf32, #tpu.memory_space<vmem>>, vector<16xf32>,
      %get3A_728 = arith.index_cast %add3A_700 : i32 to index
      %get3A_729 = arith.constant 96 : index
      %get3A_730 = tpu.vector_load %arg14[%get3A_728, %get3A_729] {strides = array<i32>} : memref<128x128xf32, #tpu.memory_space<vmem>>, vector<16xf32>,
      %mul3A_731 = arith.mulf %get3A_727, %get3A_730 : vector<16xf32>
      %add3A_732 = arith.addf %add3A_719, %mul3A_731 : vector<16xf32>
      %get3A_733 = arith.index_cast %add3A_700 : i32 to index
      %get3A_734 = arith.constant 96 : index
      %get3A_735 = tpu.vector_load %arg16[%get3A_733, %get3A_734] {strides = array<i32>} : memref<128x128xf32, #tpu.memory_space<vmem>>, vector<16xf32>,
      %mul3A_736 = arith.mulf %get3A_727, %get3A_735 : vector<16xf32>
      %add3A_737 = arith.addf %add3A_724, %mul3A_736 : vector<16xf32>
      %get3A_738 = arith.index_cast %add3A_700 : i32 to index
      %get3A_739 = arith.constant 48 : index
      %get3A_740 = tpu.vector_load %arg12[%get3A_738, %get3A_739] {strides = array<i32>} : memref<128x128xf32, #tpu.memory_space<vmem>>, vector<16xf32>,
      %get3A_741 = arith.index_cast %add3A_700 : i32 to index
      %get3A_742 = arith.constant 112 : index
      %get3A_743 = tpu.vector_load %arg14[%get3A_741, %get3A_742] {strides = array<i32>} : memref<128x128xf32, #tpu.memory_space<vmem>>, vector<16xf32>,
      %mul3A_744 = arith.mulf %get3A_740, %get3A_743 : vector<16xf32>
      %add3A_745 = arith.addf %add3A_732, %mul3A_744 : vector<16xf32>
      %get3A_746 = arith.index_cast %add3A_700 : i32 to index
      %get3A_747 = arith.constant 112 : index
      %get3A_748 = tpu.vector_load %arg16[%get3A_746, %get3A_747] {strides = array<i32>} : memref<128x128xf32, #tpu.memory_space<vmem>>, vector<16xf32>,
      %mul3A_749 = arith.mulf %get3A_740, %get3A_748 : vector<16xf32>
      %add3A_750 = arith.addf %add3A_737, %mul3A_749 : vector<16xf32>
      %add3A_751 = arith.constant 9 : i32
      %add3A_752 = vector.broadcast %add3A_751 : i32 to vector<16xi32>
      %add3A_753 = arith.addi %mul3A_7, %add3A_752 : vector<16xi32>
      tpu.vector_store_idx %arg19[%add3A_753], %add3A_745 : memref<272xf32, #tpu.memory_space<vmem>>[vector<16xi32>], vector<16xf32>,
      tpu.vector_store_idx %arg20[%add3A_753], %add3A_750 : memref<272xf32, #tpu.memory_space<vmem>>[vector<16xi32>], vector<16xf32>,
      %add3A_754 = arith.constant 10 : i32
      %add3A_755 = arith.addi %mul3A_204, %add3A_754 : i32
      %get3A_756 = arith.index_cast %add3A_755 : i32 to index
      %get3A_757 = arith.constant 0 : index
      %get3A_758 = tpu.vector_load %arg12[%get3A_756, %get3A_757] {strides = array<i32>} : memref<128x128xf32, #tpu.memory_space<vmem>>, vector<16xf32>,
      %get3A_759 = arith.index_cast %add3A_755 : i32 to index
      %get3A_760 = arith.constant 64 : index
      %get3A_761 = tpu.vector_load %arg14[%get3A_759, %get3A_760] {strides = array<i32>} : memref<128x128xf32, #tpu.memory_space<vmem>>, vector<16xf32>,
      %mul3A_762 = arith.mulf %get3A_758, %get3A_761 : vector<16xf32>
      %get3A_763 = arith.index_cast %add3A_755 : i32 to index
      %get3A_764 = arith.constant 64 : index
      %get3A_765 = tpu.vector_load %arg16[%get3A_763, %get3A_764] {strides = array<i32>} : memref<128x128xf32, #tpu.memory_space<vmem>>, vector<16xf32>,
      %mul3A_766 = arith.mulf %get3A_758, %get3A_765 : vector<16xf32>
      %get3A_767 = arith.index_cast %add3A_755 : i32 to index
      %get3A_768 = arith.constant 16 : index
      %get3A_769 = tpu.vector_load %arg12[%get3A_767, %get3A_768] {strides = array<i32>} : memref<128x128xf32, #tpu.memory_space<vmem>>, vector<16xf32>,
      %get3A_770 = arith.index_cast %add3A_755 : i32 to index
      %get3A_771 = arith.constant 80 : index
      %get3A_772 = tpu.vector_load %arg14[%get3A_770, %get3A_771] {strides = array<i32>} : memref<128x128xf32, #tpu.memory_space<vmem>>, vector<16xf32>,
      %mul3A_773 = arith.mulf %get3A_769, %get3A_772 : vector<16xf32>
      %add3A_774 = arith.addf %mul3A_762, %mul3A_773 : vector<16xf32>
      %get3A_775 = arith.index_cast %add3A_755 : i32 to index
      %get3A_776 = arith.constant 80 : index
      %get3A_777 = tpu.vector_load %arg16[%get3A_775, %get3A_776] {strides = array<i32>} : memref<128x128xf32, #tpu.memory_space<vmem>>, vector<16xf32>,
      %mul3A_778 = arith.mulf %get3A_769, %get3A_777 : vector<16xf32>
      %add3A_779 = arith.addf %mul3A_766, %mul3A_778 : vector<16xf32>
      %get3A_780 = arith.index_cast %add3A_755 : i32 to index
      %get3A_781 = arith.constant 32 : index
      %get3A_782 = tpu.vector_load %arg12[%get3A_780, %get3A_781] {strides = array<i32>} : memref<128x128xf32, #tpu.memory_space<vmem>>, vector<16xf32>,
      %get3A_783 = arith.index_cast %add3A_755 : i32 to index
      %get3A_784 = arith.constant 96 : index
      %get3A_785 = tpu.vector_load %arg14[%get3A_783, %get3A_784] {strides = array<i32>} : memref<128x128xf32, #tpu.memory_space<vmem>>, vector<16xf32>,
      %mul3A_786 = arith.mulf %get3A_782, %get3A_785 : vector<16xf32>
      %add3A_787 = arith.addf %add3A_774, %mul3A_786 : vector<16xf32>
      %get3A_788 = arith.index_cast %add3A_755 : i32 to index
      %get3A_789 = arith.constant 96 : index
      %get3A_790 = tpu.vector_load %arg16[%get3A_788, %get3A_789] {strides = array<i32>} : memref<128x128xf32, #tpu.memory_space<vmem>>, vector<16xf32>,
      %mul3A_791 = arith.mulf %get3A_782, %get3A_790 : vector<16xf32>
      %add3A_792 = arith.addf %add3A_779, %mul3A_791 : vector<16xf32>
      %get3A_793 = arith.index_cast %add3A_755 : i32 to index
      %get3A_794 = arith.constant 48 : index
      %get3A_795 = tpu.vector_load %arg12[%get3A_793, %get3A_794] {strides = array<i32>} : memref<128x128xf32, #tpu.memory_space<vmem>>, vector<16xf32>,
      %get3A_796 = arith.index_cast %add3A_755 : i32 to index
      %get3A_797 = arith.constant 112 : index
      %get3A_798 = tpu.vector_load %arg14[%get3A_796, %get3A_797] {strides = array<i32>} : memref<128x128xf32, #tpu.memory_space<vmem>>, vector<16xf32>,
      %mul3A_799 = arith.mulf %get3A_795, %get3A_798 : vector<16xf32>
      %add3A_800 = arith.addf %add3A_787, %mul3A_799 : vector<16xf32>
      %get3A_801 = arith.index_cast %add3A_755 : i32 to index
      %get3A_802 = arith.constant 112 : index
      %get3A_803 = tpu.vector_load %arg16[%get3A_801, %get3A_802] {strides = array<i32>} : memref<128x128xf32, #tpu.memory_space<vmem>>, vector<16xf32>,
      %mul3A_804 = arith.mulf %get3A_795, %get3A_803 : vector<16xf32>
      %add3A_805 = arith.addf %add3A_792, %mul3A_804 : vector<16xf32>
      %add3A_806 = arith.constant 10 : i32
      %add3A_807 = vector.broadcast %add3A_806 : i32 to vector<16xi32>
      %add3A_808 = arith.addi %mul3A_7, %add3A_807 : vector<16xi32>
      tpu.vector_store_idx %arg19[%add3A_808], %add3A_800 : memref<272xf32, #tpu.memory_space<vmem>>[vector<16xi32>], vector<16xf32>,
      tpu.vector_store_idx %arg20[%add3A_808], %add3A_805 : memref<272xf32, #tpu.memory_space<vmem>>[vector<16xi32>], vector<16xf32>,
      %add3A_809 = arith.constant 11 : i32
      %add3A_810 = arith.addi %mul3A_204, %add3A_809 : i32
      %get3A_811 = arith.index_cast %add3A_810 : i32 to index
      %get3A_812 = arith.constant 0 : index
      %get3A_813 = tpu.vector_load %arg12[%get3A_811, %get3A_812] {strides = array<i32>} : memref<128x128xf32, #tpu.memory_space<vmem>>, vector<16xf32>,
      %get3A_814 = arith.index_cast %add3A_810 : i32 to index
      %get3A_815 = arith.constant 64 : index
      %get3A_816 = tpu.vector_load %arg14[%get3A_814, %get3A_815] {strides = array<i32>} : memref<128x128xf32, #tpu.memory_space<vmem>>, vector<16xf32>,
      %mul3A_817 = arith.mulf %get3A_813, %get3A_816 : vector<16xf32>
      %get3A_818 = arith.index_cast %add3A_810 : i32 to index
      %get3A_819 = arith.constant 64 : index
      %get3A_820 = tpu.vector_load %arg16[%get3A_818, %get3A_819] {strides = array<i32>} : memref<128x128xf32, #tpu.memory_space<vmem>>, vector<16xf32>,
      %mul3A_821 = arith.mulf %get3A_813, %get3A_820 : vector<16xf32>
      %get3A_822 = arith.index_cast %add3A_810 : i32 to index
      %get3A_823 = arith.constant 16 : index
      %get3A_824 = tpu.vector_load %arg12[%get3A_822, %get3A_823] {strides = array<i32>} : memref<128x128xf32, #tpu.memory_space<vmem>>, vector<16xf32>,
      %get3A_825 = arith.index_cast %add3A_810 : i32 to index
      %get3A_826 = arith.constant 80 : index
      %get3A_827 = tpu.vector_load %arg14[%get3A_825, %get3A_826] {strides = array<i32>} : memref<128x128xf32, #tpu.memory_space<vmem>>, vector<16xf32>,
      %mul3A_828 = arith.mulf %get3A_824, %get3A_827 : vector<16xf32>
      %add3A_829 = arith.addf %mul3A_817, %mul3A_828 : vector<16xf32>
      %get3A_830 = arith.index_cast %add3A_810 : i32 to index
      %get3A_831 = arith.constant 80 : index
      %get3A_832 = tpu.vector_load %arg16[%get3A_830, %get3A_831] {strides = array<i32>} : memref<128x128xf32, #tpu.memory_space<vmem>>, vector<16xf32>,
      %mul3A_833 = arith.mulf %get3A_824, %get3A_832 : vector<16xf32>
      %add3A_834 = arith.addf %mul3A_821, %mul3A_833 : vector<16xf32>
      %get3A_835 = arith.index_cast %add3A_810 : i32 to index
      %get3A_836 = arith.constant 32 : index
      %get3A_837 = tpu.vector_load %arg12[%get3A_835, %get3A_836] {strides = array<i32>} : memref<128x128xf32, #tpu.memory_space<vmem>>, vector<16xf32>,
      %get3A_838 = arith.index_cast %add3A_810 : i32 to index
      %get3A_839 = arith.constant 96 : index
      %get3A_840 = tpu.vector_load %arg14[%get3A_838, %get3A_839] {strides = array<i32>} : memref<128x128xf32, #tpu.memory_space<vmem>>, vector<16xf32>,
      %mul3A_841 = arith.mulf %get3A_837, %get3A_840 : vector<16xf32>
      %add3A_842 = arith.addf %add3A_829, %mul3A_841 : vector<16xf32>
      %get3A_843 = arith.index_cast %add3A_810 : i32 to index
      %get3A_844 = arith.constant 96 : index
      %get3A_845 = tpu.vector_load %arg16[%get3A_843, %get3A_844] {strides = array<i32>} : memref<128x128xf32, #tpu.memory_space<vmem>>, vector<16xf32>,
      %mul3A_846 = arith.mulf %get3A_837, %get3A_845 : vector<16xf32>
      %add3A_847 = arith.addf %add3A_834, %mul3A_846 : vector<16xf32>
      %get3A_848 = arith.index_cast %add3A_810 : i32 to index
      %get3A_849 = arith.constant 48 : index
      %get3A_850 = tpu.vector_load %arg12[%get3A_848, %get3A_849] {strides = array<i32>} : memref<128x128xf32, #tpu.memory_space<vmem>>, vector<16xf32>,
      %get3A_851 = arith.index_cast %add3A_810 : i32 to index
      %get3A_852 = arith.constant 112 : index
      %get3A_853 = tpu.vector_load %arg14[%get3A_851, %get3A_852] {strides = array<i32>} : memref<128x128xf32, #tpu.memory_space<vmem>>, vector<16xf32>,
      %mul3A_854 = arith.mulf %get3A_850, %get3A_853 : vector<16xf32>
      %add3A_855 = arith.addf %add3A_842, %mul3A_854 : vector<16xf32>
      %get3A_856 = arith.index_cast %add3A_810 : i32 to index
      %get3A_857 = arith.constant 112 : index
      %get3A_858 = tpu.vector_load %arg16[%get3A_856, %get3A_857] {strides = array<i32>} : memref<128x128xf32, #tpu.memory_space<vmem>>, vector<16xf32>,
      %mul3A_859 = arith.mulf %get3A_850, %get3A_858 : vector<16xf32>
      %add3A_860 = arith.addf %add3A_847, %mul3A_859 : vector<16xf32>
      %add3A_861 = arith.constant 11 : i32
      %add3A_862 = vector.broadcast %add3A_861 : i32 to vector<16xi32>
      %add3A_863 = arith.addi %mul3A_7, %add3A_862 : vector<16xi32>
      tpu.vector_store_idx %arg19[%add3A_863], %add3A_855 : memref<272xf32, #tpu.memory_space<vmem>>[vector<16xi32>], vector<16xf32>,
      tpu.vector_store_idx %arg20[%add3A_863], %add3A_860 : memref<272xf32, #tpu.memory_space<vmem>>[vector<16xi32>], vector<16xf32>,
      %add3A_864 = arith.constant 12 : i32
      %add3A_865 = arith.addi %mul3A_204, %add3A_864 : i32
      %get3A_866 = arith.index_cast %add3A_865 : i32 to index
      %get3A_867 = arith.constant 0 : index
      %get3A_868 = tpu.vector_load %arg12[%get3A_866, %get3A_867] {strides = array<i32>} : memref<128x128xf32, #tpu.memory_space<vmem>>, vector<16xf32>,
      %get3A_869 = arith.index_cast %add3A_865 : i32 to index
      %get3A_870 = arith.constant 64 : index
      %get3A_871 = tpu.vector_load %arg14[%get3A_869, %get3A_870] {strides = array<i32>} : memref<128x128xf32, #tpu.memory_space<vmem>>, vector<16xf32>,
      %mul3A_872 = arith.mulf %get3A_868, %get3A_871 : vector<16xf32>
      %get3A_873 = arith.index_cast %add3A_865 : i32 to index
      %get3A_874 = arith.constant 64 : index
      %get3A_875 = tpu.vector_load %arg16[%get3A_873, %get3A_874] {strides = array<i32>} : memref<128x128xf32, #tpu.memory_space<vmem>>, vector<16xf32>,
      %mul3A_876 = arith.mulf %get3A_868, %get3A_875 : vector<16xf32>
      %get3A_877 = arith.index_cast %add3A_865 : i32 to index
      %get3A_878 = arith.constant 16 : index
      %get3A_879 = tpu.vector_load %arg12[%get3A_877, %get3A_878] {strides = array<i32>} : memref<128x128xf32, #tpu.memory_space<vmem>>, vector<16xf32>,
      %get3A_880 = arith.index_cast %add3A_865 : i32 to index
      %get3A_881 = arith.constant 80 : index
      %get3A_882 = tpu.vector_load %arg14[%get3A_880, %get3A_881] {strides = array<i32>} : memref<128x128xf32, #tpu.memory_space<vmem>>, vector<16xf32>,
      %mul3A_883 = arith.mulf %get3A_879, %get3A_882 : vector<16xf32>
      %add3A_884 = arith.addf %mul3A_872, %mul3A_883 : vector<16xf32>
      %get3A_885 = arith.index_cast %add3A_865 : i32 to index
      %get3A_886 = arith.constant 80 : index
      %get3A_887 = tpu.vector_load %arg16[%get3A_885, %get3A_886] {strides = array<i32>} : memref<128x128xf32, #tpu.memory_space<vmem>>, vector<16xf32>,
      %mul3A_888 = arith.mulf %get3A_879, %get3A_887 : vector<16xf32>
      %add3A_889 = arith.addf %mul3A_876, %mul3A_888 : vector<16xf32>
      %get3A_890 = arith.index_cast %add3A_865 : i32 to index
      %get3A_891 = arith.constant 32 : index
      %get3A_892 = tpu.vector_load %arg12[%get3A_890, %get3A_891] {strides = array<i32>} : memref<128x128xf32, #tpu.memory_space<vmem>>, vector<16xf32>,
      %get3A_893 = arith.index_cast %add3A_865 : i32 to index
      %get3A_894 = arith.constant 96 : index
      %get3A_895 = tpu.vector_load %arg14[%get3A_893, %get3A_894] {strides = array<i32>} : memref<128x128xf32, #tpu.memory_space<vmem>>, vector<16xf32>,
      %mul3A_896 = arith.mulf %get3A_892, %get3A_895 : vector<16xf32>
      %add3A_897 = arith.addf %add3A_884, %mul3A_896 : vector<16xf32>
      %get3A_898 = arith.index_cast %add3A_865 : i32 to index
      %get3A_899 = arith.constant 96 : index
      %get3A_900 = tpu.vector_load %arg16[%get3A_898, %get3A_899] {strides = array<i32>} : memref<128x128xf32, #tpu.memory_space<vmem>>, vector<16xf32>,
      %mul3A_901 = arith.mulf %get3A_892, %get3A_900 : vector<16xf32>
      %add3A_902 = arith.addf %add3A_889, %mul3A_901 : vector<16xf32>
      %get3A_903 = arith.index_cast %add3A_865 : i32 to index
      %get3A_904 = arith.constant 48 : index
      %get3A_905 = tpu.vector_load %arg12[%get3A_903, %get3A_904] {strides = array<i32>} : memref<128x128xf32, #tpu.memory_space<vmem>>, vector<16xf32>,
      %get3A_906 = arith.index_cast %add3A_865 : i32 to index
      %get3A_907 = arith.constant 112 : index
      %get3A_908 = tpu.vector_load %arg14[%get3A_906, %get3A_907] {strides = array<i32>} : memref<128x128xf32, #tpu.memory_space<vmem>>, vector<16xf32>,
      %mul3A_909 = arith.mulf %get3A_905, %get3A_908 : vector<16xf32>
      %add3A_910 = arith.addf %add3A_897, %mul3A_909 : vector<16xf32>
      %get3A_911 = arith.index_cast %add3A_865 : i32 to index
      %get3A_912 = arith.constant 112 : index
      %get3A_913 = tpu.vector_load %arg16[%get3A_911, %get3A_912] {strides = array<i32>} : memref<128x128xf32, #tpu.memory_space<vmem>>, vector<16xf32>,
      %mul3A_914 = arith.mulf %get3A_905, %get3A_913 : vector<16xf32>
      %add3A_915 = arith.addf %add3A_902, %mul3A_914 : vector<16xf32>
      %add3A_916 = arith.constant 12 : i32
      %add3A_917 = vector.broadcast %add3A_916 : i32 to vector<16xi32>
      %add3A_918 = arith.addi %mul3A_7, %add3A_917 : vector<16xi32>
      tpu.vector_store_idx %arg19[%add3A_918], %add3A_910 : memref<272xf32, #tpu.memory_space<vmem>>[vector<16xi32>], vector<16xf32>,
      tpu.vector_store_idx %arg20[%add3A_918], %add3A_915 : memref<272xf32, #tpu.memory_space<vmem>>[vector<16xi32>], vector<16xf32>,
      %add3A_919 = arith.constant 13 : i32
      %add3A_920 = arith.addi %mul3A_204, %add3A_919 : i32
      %get3A_921 = arith.index_cast %add3A_920 : i32 to index
      %get3A_922 = arith.constant 0 : index
      %get3A_923 = tpu.vector_load %arg12[%get3A_921, %get3A_922] {strides = array<i32>} : memref<128x128xf32, #tpu.memory_space<vmem>>, vector<16xf32>,
      %get3A_924 = arith.index_cast %add3A_920 : i32 to index
      %get3A_925 = arith.constant 64 : index
      %get3A_926 = tpu.vector_load %arg14[%get3A_924, %get3A_925] {strides = array<i32>} : memref<128x128xf32, #tpu.memory_space<vmem>>, vector<16xf32>,
      %mul3A_927 = arith.mulf %get3A_923, %get3A_926 : vector<16xf32>
      %get3A_928 = arith.index_cast %add3A_920 : i32 to index
      %get3A_929 = arith.constant 64 : index
      %get3A_930 = tpu.vector_load %arg16[%get3A_928, %get3A_929] {strides = array<i32>} : memref<128x128xf32, #tpu.memory_space<vmem>>, vector<16xf32>,
      %mul3A_931 = arith.mulf %get3A_923, %get3A_930 : vector<16xf32>
      %get3A_932 = arith.index_cast %add3A_920 : i32 to index
      %get3A_933 = arith.constant 16 : index
      %get3A_934 = tpu.vector_load %arg12[%get3A_932, %get3A_933] {strides = array<i32>} : memref<128x128xf32, #tpu.memory_space<vmem>>, vector<16xf32>,
      %get3A_935 = arith.index_cast %add3A_920 : i32 to index
      %get3A_936 = arith.constant 80 : index
      %get3A_937 = tpu.vector_load %arg14[%get3A_935, %get3A_936] {strides = array<i32>} : memref<128x128xf32, #tpu.memory_space<vmem>>, vector<16xf32>,
      %mul3A_938 = arith.mulf %get3A_934, %get3A_937 : vector<16xf32>
      %add3A_939 = arith.addf %mul3A_927, %mul3A_938 : vector<16xf32>
      %get3A_940 = arith.index_cast %add3A_920 : i32 to index
      %get3A_941 = arith.constant 80 : index
      %get3A_942 = tpu.vector_load %arg16[%get3A_940, %get3A_941] {strides = array<i32>} : memref<128x128xf32, #tpu.memory_space<vmem>>, vector<16xf32>,
      %mul3A_943 = arith.mulf %get3A_934, %get3A_942 : vector<16xf32>
      %add3A_944 = arith.addf %mul3A_931, %mul3A_943 : vector<16xf32>
      %get3A_945 = arith.index_cast %add3A_920 : i32 to index
      %get3A_946 = arith.constant 32 : index
      %get3A_947 = tpu.vector_load %arg12[%get3A_945, %get3A_946] {strides = array<i32>} : memref<128x128xf32, #tpu.memory_space<vmem>>, vector<16xf32>,
      %get3A_948 = arith.index_cast %add3A_920 : i32 to index
      %get3A_949 = arith.constant 96 : index
      %get3A_950 = tpu.vector_load %arg14[%get3A_948, %get3A_949] {strides = array<i32>} : memref<128x128xf32, #tpu.memory_space<vmem>>, vector<16xf32>,
      %mul3A_951 = arith.mulf %get3A_947, %get3A_950 : vector<16xf32>
      %add3A_952 = arith.addf %add3A_939, %mul3A_951 : vector<16xf32>
      %get3A_953 = arith.index_cast %add3A_920 : i32 to index
      %get3A_954 = arith.constant 96 : index
      %get3A_955 = tpu.vector_load %arg16[%get3A_953, %get3A_954] {strides = array<i32>} : memref<128x128xf32, #tpu.memory_space<vmem>>, vector<16xf32>,
      %mul3A_956 = arith.mulf %get3A_947, %get3A_955 : vector<16xf32>
      %add3A_957 = arith.addf %add3A_944, %mul3A_956 : vector<16xf32>
      %get3A_958 = arith.index_cast %add3A_920 : i32 to index
      %get3A_959 = arith.constant 48 : index
      %get3A_960 = tpu.vector_load %arg12[%get3A_958, %get3A_959] {strides = array<i32>} : memref<128x128xf32, #tpu.memory_space<vmem>>, vector<16xf32>,
      %get3A_961 = arith.index_cast %add3A_920 : i32 to index
      %get3A_962 = arith.constant 112 : index
      %get3A_963 = tpu.vector_load %arg14[%get3A_961, %get3A_962] {strides = array<i32>} : memref<128x128xf32, #tpu.memory_space<vmem>>, vector<16xf32>,
      %mul3A_964 = arith.mulf %get3A_960, %get3A_963 : vector<16xf32>
      %add3A_965 = arith.addf %add3A_952, %mul3A_964 : vector<16xf32>
      %get3A_966 = arith.index_cast %add3A_920 : i32 to index
      %get3A_967 = arith.constant 112 : index
      %get3A_968 = tpu.vector_load %arg16[%get3A_966, %get3A_967] {strides = array<i32>} : memref<128x128xf32, #tpu.memory_space<vmem>>, vector<16xf32>,
      %mul3A_969 = arith.mulf %get3A_960, %get3A_968 : vector<16xf32>
      %add3A_970 = arith.addf %add3A_957, %mul3A_969 : vector<16xf32>
      %add3A_971 = arith.constant 13 : i32
      %add3A_972 = vector.broadcast %add3A_971 : i32 to vector<16xi32>
      %add3A_973 = arith.addi %mul3A_7, %add3A_972 : vector<16xi32>
      tpu.vector_store_idx %arg19[%add3A_973], %add3A_965 : memref<272xf32, #tpu.memory_space<vmem>>[vector<16xi32>], vector<16xf32>,
      tpu.vector_store_idx %arg20[%add3A_973], %add3A_970 : memref<272xf32, #tpu.memory_space<vmem>>[vector<16xi32>], vector<16xf32>,
      %add3A_974 = arith.constant 14 : i32
      %add3A_975 = arith.addi %mul3A_204, %add3A_974 : i32
      %get3A_976 = arith.index_cast %add3A_975 : i32 to index
      %get3A_977 = arith.constant 0 : index
      %get3A_978 = tpu.vector_load %arg12[%get3A_976, %get3A_977] {strides = array<i32>} : memref<128x128xf32, #tpu.memory_space<vmem>>, vector<16xf32>,
      %get3A_979 = arith.index_cast %add3A_975 : i32 to index
      %get3A_980 = arith.constant 64 : index
      %get3A_981 = tpu.vector_load %arg14[%get3A_979, %get3A_980] {strides = array<i32>} : memref<128x128xf32, #tpu.memory_space<vmem>>, vector<16xf32>,
      %mul3A_982 = arith.mulf %get3A_978, %get3A_981 : vector<16xf32>
      %get3A_983 = arith.index_cast %add3A_975 : i32 to index
      %get3A_984 = arith.constant 64 : index
      %get3A_985 = tpu.vector_load %arg16[%get3A_983, %get3A_984] {strides = array<i32>} : memref<128x128xf32, #tpu.memory_space<vmem>>, vector<16xf32>,
      %mul3A_986 = arith.mulf %get3A_978, %get3A_985 : vector<16xf32>
      %get3A_987 = arith.index_cast %add3A_975 : i32 to index
      %get3A_988 = arith.constant 16 : index
      %get3A_989 = tpu.vector_load %arg12[%get3A_987, %get3A_988] {strides = array<i32>} : memref<128x128xf32, #tpu.memory_space<vmem>>, vector<16xf32>,
      %get3A_990 = arith.index_cast %add3A_975 : i32 to index
      %get3A_991 = arith.constant 80 : index
      %get3A_992 = tpu.vector_load %arg14[%get3A_990, %get3A_991] {strides = array<i32>} : memref<128x128xf32, #tpu.memory_space<vmem>>, vector<16xf32>,
      %mul3A_993 = arith.mulf %get3A_989, %get3A_992 : vector<16xf32>
      %add3A_994 = arith.addf %mul3A_982, %mul3A_993 : vector<16xf32>
      %get3A_995 = arith.index_cast %add3A_975 : i32 to index
      %get3A_996 = arith.constant 80 : index
      %get3A_997 = tpu.vector_load %arg16[%get3A_995, %get3A_996] {strides = array<i32>} : memref<128x128xf32, #tpu.memory_space<vmem>>, vector<16xf32>,
      %mul3A_998 = arith.mulf %get3A_989, %get3A_997 : vector<16xf32>
      %add3A_999 = arith.addf %mul3A_986, %mul3A_998 : vector<16xf32>
      %get3A_1000 = arith.index_cast %add3A_975 : i32 to index
      %get3A_1001 = arith.constant 32 : index
      %get3A_1002 = tpu.vector_load %arg12[%get3A_1000, %get3A_1001] {strides = array<i32>} : memref<128x128xf32, #tpu.memory_space<vmem>>, vector<16xf32>,
      %get3A_1003 = arith.index_cast %add3A_975 : i32 to index
      %get3A_1004 = arith.constant 96 : index
      %get3A_1005 = tpu.vector_load %arg14[%get3A_1003, %get3A_1004] {strides = array<i32>} : memref<128x128xf32, #tpu.memory_space<vmem>>, vector<16xf32>,
      %mul3A_1006 = arith.mulf %get3A_1002, %get3A_1005 : vector<16xf32>
      %add3A_1007 = arith.addf %add3A_994, %mul3A_1006 : vector<16xf32>
      %get3A_1008 = arith.index_cast %add3A_975 : i32 to index
      %get3A_1009 = arith.constant 96 : index
      %get3A_1010 = tpu.vector_load %arg16[%get3A_1008, %get3A_1009] {strides = array<i32>} : memref<128x128xf32, #tpu.memory_space<vmem>>, vector<16xf32>,
      %mul3A_1011 = arith.mulf %get3A_1002, %get3A_1010 : vector<16xf32>
      %add3A_1012 = arith.addf %add3A_999, %mul3A_1011 : vector<16xf32>
      %get3A_1013 = arith.index_cast %add3A_975 : i32 to index
      %get3A_1014 = arith.constant 48 : index
      %get3A_1015 = tpu.vector_load %arg12[%get3A_1013, %get3A_1014] {strides = array<i32>} : memref<128x128xf32, #tpu.memory_space<vmem>>, vector<16xf32>,
      %get3A_1016 = arith.index_cast %add3A_975 : i32 to index
      %get3A_1017 = arith.constant 112 : index
      %get3A_1018 = tpu.vector_load %arg14[%get3A_1016, %get3A_1017] {strides = array<i32>} : memref<128x128xf32, #tpu.memory_space<vmem>>, vector<16xf32>,
      %mul3A_1019 = arith.mulf %get3A_1015, %get3A_1018 : vector<16xf32>
      %add3A_1020 = arith.addf %add3A_1007, %mul3A_1019 : vector<16xf32>
      %get3A_1021 = arith.index_cast %add3A_975 : i32 to index
      %get3A_1022 = arith.constant 112 : index
      %get3A_1023 = tpu.vector_load %arg16[%get3A_1021, %get3A_1022] {strides = array<i32>} : memref<128x128xf32, #tpu.memory_space<vmem>>, vector<16xf32>,
      %mul3A_1024 = arith.mulf %get3A_1015, %get3A_1023 : vector<16xf32>
      %add3A_1025 = arith.addf %add3A_1012, %mul3A_1024 : vector<16xf32>
      %add3A_1026 = arith.constant 14 : i32
      %add3A_1027 = vector.broadcast %add3A_1026 : i32 to vector<16xi32>
      %add3A_1028 = arith.addi %mul3A_7, %add3A_1027 : vector<16xi32>
      tpu.vector_store_idx %arg19[%add3A_1028], %add3A_1020 : memref<272xf32, #tpu.memory_space<vmem>>[vector<16xi32>], vector<16xf32>,
      tpu.vector_store_idx %arg20[%add3A_1028], %add3A_1025 : memref<272xf32, #tpu.memory_space<vmem>>[vector<16xi32>], vector<16xf32>,
      %add3A_1029 = arith.constant 15 : i32
      %add3A_1030 = arith.addi %mul3A_204, %add3A_1029 : i32
      %get3A_1031 = arith.index_cast %add3A_1030 : i32 to index
      %get3A_1032 = arith.constant 0 : index
      %get3A_1033 = tpu.vector_load %arg12[%get3A_1031, %get3A_1032] {strides = array<i32>} : memref<128x128xf32, #tpu.memory_space<vmem>>, vector<16xf32>,
      %get3A_1034 = arith.index_cast %add3A_1030 : i32 to index
      %get3A_1035 = arith.constant 64 : index
      %get3A_1036 = tpu.vector_load %arg14[%get3A_1034, %get3A_1035] {strides = array<i32>} : memref<128x128xf32, #tpu.memory_space<vmem>>, vector<16xf32>,
      %mul3A_1037 = arith.mulf %get3A_1033, %get3A_1036 : vector<16xf32>
      %get3A_1038 = arith.index_cast %add3A_1030 : i32 to index
      %get3A_1039 = arith.constant 64 : index
      %get3A_1040 = tpu.vector_load %arg16[%get3A_1038, %get3A_1039] {strides = array<i32>} : memref<128x128xf32, #tpu.memory_space<vmem>>, vector<16xf32>,
      %mul3A_1041 = arith.mulf %get3A_1033, %get3A_1040 : vector<16xf32>
      %get3A_1042 = arith.index_cast %add3A_1030 : i32 to index
      %get3A_1043 = arith.constant 16 : index
      %get3A_1044 = tpu.vector_load %arg12[%get3A_1042, %get3A_1043] {strides = array<i32>} : memref<128x128xf32, #tpu.memory_space<vmem>>, vector<16xf32>,
      %get3A_1045 = arith.index_cast %add3A_1030 : i32 to index
      %get3A_1046 = arith.constant 80 : index
      %get3A_1047 = tpu.vector_load %arg14[%get3A_1045, %get3A_1046] {strides = array<i32>} : memref<128x128xf32, #tpu.memory_space<vmem>>, vector<16xf32>,
      %mul3A_1048 = arith.mulf %get3A_1044, %get3A_1047 : vector<16xf32>
      %add3A_1049 = arith.addf %mul3A_1037, %mul3A_1048 : vector<16xf32>
      %get3A_1050 = arith.index_cast %add3A_1030 : i32 to index
      %get3A_1051 = arith.constant 80 : index
      %get3A_1052 = tpu.vector_load %arg16[%get3A_1050, %get3A_1051] {strides = array<i32>} : memref<128x128xf32, #tpu.memory_space<vmem>>, vector<16xf32>,
      %mul3A_1053 = arith.mulf %get3A_1044, %get3A_1052 : vector<16xf32>
      %add3A_1054 = arith.addf %mul3A_1041, %mul3A_1053 : vector<16xf32>
      %get3A_1055 = arith.index_cast %add3A_1030 : i32 to index
      %get3A_1056 = arith.constant 32 : index
      %get3A_1057 = tpu.vector_load %arg12[%get3A_1055, %get3A_1056] {strides = array<i32>} : memref<128x128xf32, #tpu.memory_space<vmem>>, vector<16xf32>,
      %get3A_1058 = arith.index_cast %add3A_1030 : i32 to index
      %get3A_1059 = arith.constant 96 : index
      %get3A_1060 = tpu.vector_load %arg14[%get3A_1058, %get3A_1059] {strides = array<i32>} : memref<128x128xf32, #tpu.memory_space<vmem>>, vector<16xf32>,
      %mul3A_1061 = arith.mulf %get3A_1057, %get3A_1060 : vector<16xf32>
      %add3A_1062 = arith.addf %add3A_1049, %mul3A_1061 : vector<16xf32>
      %get3A_1063 = arith.index_cast %add3A_1030 : i32 to index
      %get3A_1064 = arith.constant 96 : index
      %get3A_1065 = tpu.vector_load %arg16[%get3A_1063, %get3A_1064] {strides = array<i32>} : memref<128x128xf32, #tpu.memory_space<vmem>>, vector<16xf32>,
      %mul3A_1066 = arith.mulf %get3A_1057, %get3A_1065 : vector<16xf32>
      %add3A_1067 = arith.addf %add3A_1054, %mul3A_1066 : vector<16xf32>
      %get3A_1068 = arith.index_cast %add3A_1030 : i32 to index
      %get3A_1069 = arith.constant 48 : index
      %get3A_1070 = tpu.vector_load %arg12[%get3A_1068, %get3A_1069] {strides = array<i32>} : memref<128x128xf32, #tpu.memory_space<vmem>>, vector<16xf32>,
      %get3A_1071 = arith.index_cast %add3A_1030 : i32 to index
      %get3A_1072 = arith.constant 112 : index
      %get3A_1073 = tpu.vector_load %arg14[%get3A_1071, %get3A_1072] {strides = array<i32>} : memref<128x128xf32, #tpu.memory_space<vmem>>, vector<16xf32>,
      %mul3A_1074 = arith.mulf %get3A_1070, %get3A_1073 : vector<16xf32>
      %add3A_1075 = arith.addf %add3A_1062, %mul3A_1074 : vector<16xf32>
      %get3A_1076 = arith.index_cast %add3A_1030 : i32 to index
      %get3A_1077 = arith.constant 112 : index
      %get3A_1078 = tpu.vector_load %arg16[%get3A_1076, %get3A_1077] {strides = array<i32>} : memref<128x128xf32, #tpu.memory_space<vmem>>, vector<16xf32>,
      %mul3A_1079 = arith.mulf %get3A_1070, %get3A_1078 : vector<16xf32>
      %add3A_1080 = arith.addf %add3A_1067, %mul3A_1079 : vector<16xf32>
      %add3A_1081 = arith.constant 15 : i32
      %add3A_1082 = vector.broadcast %add3A_1081 : i32 to vector<16xi32>
      %add3A_1083 = arith.addi %mul3A_7, %add3A_1082 : vector<16xi32>
      tpu.vector_store_idx %arg19[%add3A_1083], %add3A_1075 : memref<272xf32, #tpu.memory_space<vmem>>[vector<16xi32>], vector<16xf32>,
      tpu.vector_store_idx %arg20[%add3A_1083], %add3A_1080 : memref<272xf32, #tpu.memory_space<vmem>>[vector<16xi32>], vector<16xf32>,
      %get3A_1084 = arith.constant 0 : index
      %get3A_1085 = tpu.vector_load %arg19[%get3A_1084] {strides = array<i32>} : memref<272xf32, #tpu.memory_space<vmem>>, vector<16xf32>,
      %get3A_1086 = arith.constant 0 : index
      %get3A_1087 = tpu.vector_load %arg20[%get3A_1086] {strides = array<i32>} : memref<272xf32, #tpu.memory_space<vmem>>, vector<16xf32>,
      %get3A_1088 = arith.constant 17 : index
      %get3A_1089 = tpu.vector_load %arg19[%get3A_1088] {strides = array<i32>} : memref<272xf32, #tpu.memory_space<vmem>>, vector<16xf32>,
      %add3A_1090 = arith.addf %get3A_1085, %get3A_1089 : vector<16xf32>
      %get3A_1091 = arith.constant 17 : index
      %get3A_1092 = tpu.vector_load %arg20[%get3A_1091] {strides = array<i32>} : memref<272xf32, #tpu.memory_space<vmem>>, vector<16xf32>,
      %add3A_1093 = arith.addf %get3A_1087, %get3A_1092 : vector<16xf32>
      %get3A_1094 = arith.constant 34 : index
      %get3A_1095 = tpu.vector_load %arg19[%get3A_1094] {strides = array<i32>} : memref<272xf32, #tpu.memory_space<vmem>>, vector<16xf32>,
      %add3A_1096 = arith.addf %add3A_1090, %get3A_1095 : vector<16xf32>
      %get3A_1097 = arith.constant 34 : index
      %get3A_1098 = tpu.vector_load %arg20[%get3A_1097] {strides = array<i32>} : memref<272xf32, #tpu.memory_space<vmem>>, vector<16xf32>,
      %add3A_1099 = arith.addf %add3A_1093, %get3A_1098 : vector<16xf32>
      %get3A_1100 = arith.constant 51 : index
      %get3A_1101 = tpu.vector_load %arg19[%get3A_1100] {strides = array<i32>} : memref<272xf32, #tpu.memory_space<vmem>>, vector<16xf32>,
      %add3A_1102 = arith.addf %add3A_1096, %get3A_1101 : vector<16xf32>
      %get3A_1103 = arith.constant 51 : index
      %get3A_1104 = tpu.vector_load %arg20[%get3A_1103] {strides = array<i32>} : memref<272xf32, #tpu.memory_space<vmem>>, vector<16xf32>,
      %add3A_1105 = arith.addf %add3A_1099, %get3A_1104 : vector<16xf32>
      %get3A_1106 = arith.constant 68 : index
      %get3A_1107 = tpu.vector_load %arg19[%get3A_1106] {strides = array<i32>} : memref<272xf32, #tpu.memory_space<vmem>>, vector<16xf32>,
      %add3A_1108 = arith.addf %add3A_1102, %get3A_1107 : vector<16xf32>
      %get3A_1109 = arith.constant 68 : index
      %get3A_1110 = tpu.vector_load %arg20[%get3A_1109] {strides = array<i32>} : memref<272xf32, #tpu.memory_space<vmem>>, vector<16xf32>,
      %add3A_1111 = arith.addf %add3A_1105, %get3A_1110 : vector<16xf32>
      %get3A_1112 = arith.constant 85 : index
      %get3A_1113 = tpu.vector_load %arg19[%get3A_1112] {strides = array<i32>} : memref<272xf32, #tpu.memory_space<vmem>>, vector<16xf32>,
      %add3A_1114 = arith.addf %add3A_1108, %get3A_1113 : vector<16xf32>
      %get3A_1115 = arith.constant 85 : index
      %get3A_1116 = tpu.vector_load %arg20[%get3A_1115] {strides = array<i32>} : memref<272xf32, #tpu.memory_space<vmem>>, vector<16xf32>,
      %add3A_1117 = arith.addf %add3A_1111, %get3A_1116 : vector<16xf32>
      %get3A_1118 = arith.constant 102 : index
      %get3A_1119 = tpu.vector_load %arg19[%get3A_1118] {strides = array<i32>} : memref<272xf32, #tpu.memory_space<vmem>>, vector<16xf32>,
      %add3A_1120 = arith.addf %add3A_1114, %get3A_1119 : vector<16xf32>
      %get3A_1121 = arith.constant 102 : index
      %get3A_1122 = tpu.vector_load %arg20[%get3A_1121] {strides = array<i32>} : memref<272xf32, #tpu.memory_space<vmem>>, vector<16xf32>,
      %add3A_1123 = arith.addf %add3A_1117, %get3A_1122 : vector<16xf32>
      %get3A_1124 = arith.constant 119 : index
      %get3A_1125 = tpu.vector_load %arg19[%get3A_1124] {strides = array<i32>} : memref<272xf32, #tpu.memory_space<vmem>>, vector<16xf32>,
      %add3A_1126 = arith.addf %add3A_1120, %get3A_1125 : vector<16xf32>
      %get3A_1127 = arith.constant 119 : index
      %get3A_1128 = tpu.vector_load %arg20[%get3A_1127] {strides = array<i32>} : memref<272xf32, #tpu.memory_space<vmem>>, vector<16xf32>,
      %add3A_1129 = arith.addf %add3A_1123, %get3A_1128 : vector<16xf32>
      %get3A_1130 = arith.constant 136 : index
      %get3A_1131 = tpu.vector_load %arg19[%get3A_1130] {strides = array<i32>} : memref<272xf32, #tpu.memory_space<vmem>>, vector<16xf32>,
      %add3A_1132 = arith.addf %add3A_1126, %get3A_1131 : vector<16xf32>
      %get3A_1133 = arith.constant 136 : index
      %get3A_1134 = tpu.vector_load %arg20[%get3A_1133] {strides = array<i32>} : memref<272xf32, #tpu.memory_space<vmem>>, vector<16xf32>,
      %add3A_1135 = arith.addf %add3A_1129, %get3A_1134 : vector<16xf32>
      %get3A_1136 = arith.constant 153 : index
      %get3A_1137 = tpu.vector_load %arg19[%get3A_1136] {strides = array<i32>} : memref<272xf32, #tpu.memory_space<vmem>>, vector<16xf32>,
      %add3A_1138 = arith.addf %add3A_1132, %get3A_1137 : vector<16xf32>
      %get3A_1139 = arith.constant 153 : index
      %get3A_1140 = tpu.vector_load %arg20[%get3A_1139] {strides = array<i32>} : memref<272xf32, #tpu.memory_space<vmem>>, vector<16xf32>,
      %add3A_1141 = arith.addf %add3A_1135, %get3A_1140 : vector<16xf32>
      %get3A_1142 = arith.constant 170 : index
      %get3A_1143 = tpu.vector_load %arg19[%get3A_1142] {strides = array<i32>} : memref<272xf32, #tpu.memory_space<vmem>>, vector<16xf32>,
      %add3A_1144 = arith.addf %add3A_1138, %get3A_1143 : vector<16xf32>
      %get3A_1145 = arith.constant 170 : index
      %get3A_1146 = tpu.vector_load %arg20[%get3A_1145] {strides = array<i32>} : memref<272xf32, #tpu.memory_space<vmem>>, vector<16xf32>,
      %add3A_1147 = arith.addf %add3A_1141, %get3A_1146 : vector<16xf32>
      %get3A_1148 = arith.constant 187 : index
      %get3A_1149 = tpu.vector_load %arg19[%get3A_1148] {strides = array<i32>} : memref<272xf32, #tpu.memory_space<vmem>>, vector<16xf32>,
      %add3A_1150 = arith.addf %add3A_1144, %get3A_1149 : vector<16xf32>
      %get3A_1151 = arith.constant 187 : index
      %get3A_1152 = tpu.vector_load %arg20[%get3A_1151] {strides = array<i32>} : memref<272xf32, #tpu.memory_space<vmem>>, vector<16xf32>,
      %add3A_1153 = arith.addf %add3A_1147, %get3A_1152 : vector<16xf32>
      %get3A_1154 = arith.constant 204 : index
      %get3A_1155 = tpu.vector_load %arg19[%get3A_1154] {strides = array<i32>} : memref<272xf32, #tpu.memory_space<vmem>>, vector<16xf32>,
      %add3A_1156 = arith.addf %add3A_1150, %get3A_1155 : vector<16xf32>
      %get3A_1157 = arith.constant 204 : index
      %get3A_1158 = tpu.vector_load %arg20[%get3A_1157] {strides = array<i32>} : memref<272xf32, #tpu.memory_space<vmem>>, vector<16xf32>,
      %add3A_1159 = arith.addf %add3A_1153, %get3A_1158 : vector<16xf32>
      %get3A_1160 = arith.constant 221 : index
      %get3A_1161 = tpu.vector_load %arg19[%get3A_1160] {strides = array<i32>} : memref<272xf32, #tpu.memory_space<vmem>>, vector<16xf32>,
      %add3A_1162 = arith.addf %add3A_1156, %get3A_1161 : vector<16xf32>
      %get3A_1163 = arith.constant 221 : index
      %get3A_1164 = tpu.vector_load %arg20[%get3A_1163] {strides = array<i32>} : memref<272xf32, #tpu.memory_space<vmem>>, vector<16xf32>,
      %add3A_1165 = arith.addf %add3A_1159, %get3A_1164 : vector<16xf32>
      %get3A_1166 = arith.constant 238 : index
      %get3A_1167 = tpu.vector_load %arg19[%get3A_1166] {strides = array<i32>} : memref<272xf32, #tpu.memory_space<vmem>>, vector<16xf32>,
      %add3A_1168 = arith.addf %add3A_1162, %get3A_1167 : vector<16xf32>
      %get3A_1169 = arith.constant 238 : index
      %get3A_1170 = tpu.vector_load %arg20[%get3A_1169] {strides = array<i32>} : memref<272xf32, #tpu.memory_space<vmem>>, vector<16xf32>,
      %add3A_1171 = arith.addf %add3A_1165, %get3A_1170 : vector<16xf32>
      %get3A_1172 = arith.constant 255 : index
      %get3A_1173 = tpu.vector_load %arg19[%get3A_1172] {strides = array<i32>} : memref<272xf32, #tpu.memory_space<vmem>>, vector<16xf32>,
      %add3A_1174 = arith.addf %add3A_1168, %get3A_1173 : vector<16xf32>
      %get3A_1175 = arith.constant 255 : index
      %get3A_1176 = tpu.vector_load %arg20[%get3A_1175] {strides = array<i32>} : memref<272xf32, #tpu.memory_space<vmem>>, vector<16xf32>,
      %add3A_1177 = arith.addf %add3A_1171, %get3A_1176 : vector<16xf32>
      %add3A_1178 = arith.constant 384 : i32
      %add3A_1179 = arith.addi %add3A_1178, %mul3A_204 : i32
      %neg3A = arith.constant 0.000000e+00 : f32
      %neg3A_1180 = vector.broadcast %neg3A : f32 to vector<16xf32>
      %neg3A_1181 = arith.subf %neg3A_1180, %add3A_1174 : vector<16xf32>
      %exp3A = math.exp %neg3A_1181 : vector<16xf32>
      %add3A_1182 = arith.constant 1.000000e+00 : f32
      %add3A_1183 = vector.broadcast %add3A_1182 : f32 to vector<16xf32>
      %add3A_1184 = arith.addf %add3A_1183, %exp3A : vector<16xf32>
      %div3A = arith.constant 1.000000e+00 : f32
      %div3A_1185 = vector.broadcast %div3A : f32 to vector<16xf32>
      %div3A_1186 = arith.divf %div3A_1185, %add3A_1184 : vector<16xf32>
      %swap3A = arith.index_cast %add3A_1179 : i32 to index
      %swap3A_1187 = tpu.vector_load %arg17[%swap3A] {strides = array<i32>} : memref<512xf32, #tpu.memory_space<vmem>>, vector<16xf32>,
      tpu.vector_store %arg17[%swap3A], %div3A_1186 {strides = array<i32>} : memref<512xf32, #tpu.memory_space<vmem>>, vector<16xf32>,
      %neg3A_1188 = arith.constant 0.000000e+00 : f32
      %neg3A_1189 = vector.broadcast %neg3A_1188 : f32 to vector<16xf32>
      %neg3A_1190 = arith.subf %neg3A_1189, %add3A_1177 : vector<16xf32>
      %exp3A_1191 = math.exp %neg3A_1190 : vector<16xf32>
      %add3A_1192 = arith.constant 1.000000e+00 : f32
      %add3A_1193 = vector.broadcast %add3A_1192 : f32 to vector<16xf32>
      %add3A_1194 = arith.addf %add3A_1193, %exp3A_1191 : vector<16xf32>
      %div3A_1195 = arith.constant 1.000000e+00 : f32
      %div3A_1196 = vector.broadcast %div3A_1195 : f32 to vector<16xf32>
      %div3A_1197 = arith.divf %div3A_1196, %add3A_1194 : vector<16xf32>
      %swap3A_1198 = arith.index_cast %add3A_1179 : i32 to index
      %swap3A_1199 = tpu.vector_load %arg18[%swap3A_1198] {strides = array<i32>} : memref<512xf32, #tpu.memory_space<vmem>>, vector<16xf32>,
      tpu.vector_store %arg18[%swap3A_1198], %div3A_1197 {strides = array<i32>} : memref<512xf32, #tpu.memory_space<vmem>>, vector<16xf32>,
      %scan3A_1200 = arith.constant 0 : i32
      scf.yield %scan3A_1200 : i32
    }
    %scan3A_200 = arith.constant 8 : i32
    "tpu.region"() ({
      %run_scoped3A = tpu.sem_alloc : memref<!tpu.dma_semaphore, #tpu.memory_space<semaphore_mem>>
      %dma_start3A_201 = tpu.memref_slice %arg6[%mul3A_2] : memref<16384xf32, #tpu.memory_space<hbm>> -> memref<512xf32, #tpu.memory_space<hbm>>
      %dma_start3A_202 = tpu.memref_slice %arg6[%mul3A_2] : memref<16384xf32, #tpu.memory_space<hbm>> -> memref<512xf32, #tpu.memory_space<hbm>>
      tpu.enqueue_dma source(%arg17 : memref<512xf32, #tpu.memory_space<vmem>>) target(%dma_start3A_202 : memref<512xf32, #tpu.memory_space<hbm>>) target_semaphore(%run_scoped3A : memref<!tpu.dma_semaphore, #tpu.memory_space<semaphore_mem>>)
      %dma_wait3A_203 = tpu.memref_slice %arg6[%mul3A_2] : memref<16384xf32, #tpu.memory_space<hbm>> -> memref<512xf32, #tpu.memory_space<hbm>>
      %dma_wait3A_204 = tpu.memref_slice %arg6[%mul3A_2] : memref<16384xf32, #tpu.memory_space<hbm>> -> memref<512xf32, #tpu.memory_space<hbm>>
      tpu.wait_dma2 semaphore(%run_scoped3A : memref<!tpu.dma_semaphore, #tpu.memory_space<semaphore_mem>>) src(%arg17 : memref<512xf32, #tpu.memory_space<vmem>>) dst(%dma_wait3A_204 : memref<512xf32, #tpu.memory_space<hbm>>)
      tpu.yield
    }) : () -> ()
    "tpu.region"() ({
      %run_scoped3A = tpu.sem_alloc : memref<!tpu.dma_semaphore, #tpu.memory_space<semaphore_mem>>
      %dma_start3A_201 = tpu.memref_slice %arg7[%mul3A_2] : memref<16384xf32, #tpu.memory_space<hbm>> -> memref<512xf32, #tpu.memory_space<hbm>>
      %dma_start3A_202 = tpu.memref_slice %arg7[%mul3A_2] : memref<16384xf32, #tpu.memory_space<hbm>> -> memref<512xf32, #tpu.memory_space<hbm>>
      tpu.enqueue_dma source(%arg18 : memref<512xf32, #tpu.memory_space<vmem>>) target(%dma_start3A_202 : memref<512xf32, #tpu.memory_space<hbm>>) target_semaphore(%run_scoped3A : memref<!tpu.dma_semaphore, #tpu.memory_space<semaphore_mem>>)
      %dma_wait3A_203 = tpu.memref_slice %arg7[%mul3A_2] : memref<16384xf32, #tpu.memory_space<hbm>> -> memref<512xf32, #tpu.memory_space<hbm>>
      %dma_wait3A_204 = tpu.memref_slice %arg7[%mul3A_2] : memref<16384xf32, #tpu.memory_space<hbm>> -> memref<512xf32, #tpu.memory_space<hbm>>
      tpu.wait_dma2 semaphore(%run_scoped3A : memref<!tpu.dma_semaphore, #tpu.memory_space<semaphore_mem>>) src(%arg18 : memref<512xf32, #tpu.memory_space<vmem>>) dst(%dma_wait3A_204 : memref<512xf32, #tpu.memory_space<hbm>>)
      tpu.yield
    }) : () -> ()
    return
  }
}

</mosaic_0001>

<sc_bundles>
// kernel: _sc_call.3.cloned.1.call-start
scs
__scs_entry_jumppad:
0x0: {  	(pc) =	sbr.rel $0x88, $3  }
0x1: {  	(tag) =	ssettag $0x0;
	lr =	simm.s32 $0x1  }
0x2: {  	[smem:$0x3F9D] =	sst lr;
	_ =	strace $0xD0000000  }
0x3: {  	_ = 	snop  }
0x4: {  	_ = 	snop  }
0x5: {  	_ = 	snop  }
0x6: {  	_ = 	snop  }
0x7: {  	_ = 	snop  }
__scs_overlays_trampoline_lowered:
0x8: {  	[smem:$0x3FAC] =	sst s0  }
0x9: {  	[smem:$0x3FAD] =	sst s1  }
0xa: {  	[smem:$0x3FAE] =	sst s2  }
0xb: {  	[smem:$0x3FAF] =	sst s3  }
0xc: {  	[smem:$0x3FB0] =	sst s4  }
0xd: {  	[smem:$0x3FB1] =	sst s5  }
0xe: {  	[smem:$0x3FB2] =	sst s6  }
0xf: {  	[smem:$0x3FB3] =	sst s7  }
0x10: {  	[smem:$0x3FB4] =	sst s8  }
0x11: {  	[smem:$0x3FB5] =	sst s9;
	s0 =	simm.s32 @!p0 $0x0  }
0x12: {  	s1 =	sld [smem:$0x3F9B];
	s0 =	simm.s32 @p0 $0x1  }
0x13: {  	[smem:$0x3FB6] =	sst s0;
	s0 =	simm.s32 @!p1 $0x0  }
0x14: {  	s2 =	sld [smem:$0x3F9A];
	s0 =	simm.s32 @p1 $0x1  }
0x15: {  	[smem:$0x3FB7] =	sst s0;
	s0 =	simm.s32 @!p2 $0x0  }
0x16: {  	s3 =	sld [smem:$0x3FDB];
	s0 =	simm.s32 @p2 $0x1  }
0x17: {  	s4 =	simm.s32 $0x1BF5;
	[smem:$0x3FB9] =	sst s0  }
0x18: {  	s0 =	sld [smem:$0x3F9C];
	_ =	swait.ge [sflag:s4], $0x0  }
0x19: {  	s7 =	sld [smem:$0x3F9D]  }
0x1a: {  	s8 =	sadd.s32 $0xFFFFE003, lr  }
0x1b: {  	s9 =	sadd.s32 $0xFFFFFEF7, lr;
	s5 =	simm.s32 $0xFFFFFFFF;
	p2 =	slt.u32 s8, $0xFFFFF086  }
0x1c: {  	p1 =	slt.u32 s9, $0xF7A;
	s5 =	simm.s32 @!p2 $0x0  }
0x1d: {  	s5 =	simm.s32 @p1 $0x1;
	p0 =	seq.s32 s7, s2  }
0x1e: {  	s7 =	smul.u32 @!p0 $0xF7A, s2;
	p2 =	seq.s32 @!p0 s5, $0x0  }
0x1f: {  	s9 =	smul.u32 $0xF7A, s1;
	s8 =	simm.s32 @!p0 $0x1BF5;
	p2 =	por !p2, p0  }
0x20: {  	[sflag:s8] =	ssyncset.s32 @!p0 $0xFFFFF086;
	s6 =	sadd.s32 @!p0 s3, s7;
	s7 =	simm.s32 @!p0 $0x108  }
0x21: {  	s3 =	sadd.s32 s3, s9;
	s6 =	sadd.s32 @!p0 $0x88, s6;
	s7 =	simm.s32 @p2 $0x1082  }
0x22: {  	[simem:s7], [sflag:s8] =	dma.local @!p0 [hbm:s6], $0xF7A  }
0x23: {  	s9 =	sor.u32 $0xD0000000, s2;
	s6 =	simm.s32 $0x108;
	_ =	swait.ge @!p0 [sflag:s8], $0x0  }
0x24: {  	s3 =	sadd.s32 $0x88, s3;
	s6 =	simm.s32 @!p1 $0x1082;
	[sflag:s4] =	ssyncset.s32 $0xFFFFF086  }
0x25: {  	[simem:s6], [sflag:s4] =	dma.local [hbm:s3], $0xF7A  }
0x26: {  	[smem:$0x3F9D] =	sst s1;
	(tag) =	ssettag s2;
	_ =	strace s9  }
0x27: {  	s1 =	sld [smem:$0x3FAD]  }
0x28: {  	s2 =	sld [smem:$0x3FAE]  }
0x29: {  	s4 =	sld [smem:$0x3FB0]  }
0x2a: {  	p0 =	seq.s32 s5, $0x0;
	s5 =	sld [smem:$0x3FB1]  }
0x2b: {  	s6 =	sld [smem:$0x3FB2]  }
0x2c: {  	s7 =	sld [smem:$0x3FB3]  }
0x2d: {  	s3 =	simm.s32 $0x108;
	s8 =	sld [smem:$0x3FB4]  }
0x2e: {  	s3 =	simm.s32 @!p0 $0x1082;
	s9 =	sld [smem:$0x3FB5]  }
0x2f: {  	lr =	sadd.s32 s0, s3;
	s0 =	sld [smem:$0x3FAC]  }
0x30: {  	s3 =	sld [smem:$0x3FAF]  }
0x31: {  	[smem:$0x3FB8] =	sst s10  }
0x32: {  	s10 =	sld [smem:$0x3FB6];
	_ =	sdelay $0x3  }
0x33: {  	p0 =	seq.s32 s10, $0x1;
	s10 =	sld [smem:$0x3FB8];
	_ =	sdelay $0x3  }
0x34: {  	[smem:$0x3FB8] =	sst s10  }
0x35: {  	s10 =	sld [smem:$0x3FB7];
	_ =	sdelay $0x3  }
0x36: {  	p1 =	seq.s32 s10, $0x1;
	s10 =	sld [smem:$0x3FB8];
	_ =	sdelay $0x3  }
0x37: {  	[smem:$0x3FB8] =	sst s10  }
0x38: {  	s10 =	sld [smem:$0x3FB9]  }
0x39: {  	_ = 	snop;
	(pc) =	sbr.ind lr, $3  }
0x3a: {  	_ = 	snop  }
0x3b: {  	_ = 	snop  }
0x3c: {  	p2 =	seq.s32 s10, $0x1;
	s10 =	sld [smem:$0x3FB8]  }
0x3d: {  	_ =	shalt  }
0x3e: {  	_ =	shalt  }
0x3f: {  	_ =	shalt  }
0x40: {  	_ =	shalt  }
0x41: {  	_ =	shalt  }
0x42: {  	_ =	shalt  }
0x43: {  	_ =	shalt  }
0x44: {  	_ =	shalt  }
0x45: {  	_ =	shalt  }
0x46: {  	_ =	shalt  }
0x47: {  	_ =	shalt  }
0x48: {  	_ =	shalt  }
0x49: {  	_ =	shalt  }
0x4a: {  	_ =	shalt  }
0x4b: {  	_ =	shalt  }
0x4c: {  	_ =	shalt  }
0x4d: {  	_ =	shalt  }
0x4e: {  	_ =	shalt  }
0x4f: {  	_ =	shalt  }
0x50: {  	_ =	shalt  }
0x51: {  	_ =	shalt  }
0x52: {  	_ =	shalt  }
0x53: {  	_ =	shalt  }
0x54: {  	_ =	shalt  }
0x55: {  	_ =	shalt  }
0x56: {  	_ =	shalt  }
0x57: {  	_ =	shalt  }
0x58: {  	_ =	shalt  }
0x59: {  	_ =	shalt  }
0x5a: {  	_ =	shalt  }
0x5b: {  	_ =	shalt  }
0x5c: {  	_ =	shalt  }
0x5d: {  	_ =	shalt  }
0x5e: {  	_ =	shalt  }
0x5f: {  	_ =	shalt  }
0x60: {  	_ =	shalt  }
0x61: {  	_ =	shalt  }
0x62: {  	_ =	shalt  }
0x63: {  	_ =	shalt  }
0x64: {  	_ =	shalt  }
0x65: {  	_ =	shalt  }
0x66: {  	_ =	shalt  }
0x67: {  	_ =	shalt  }
0x68: {  	_ =	shalt  }
0x69: {  	_ =	shalt  }
0x6a: {  	_ =	shalt  }
0x6b: {  	_ =	shalt  }
0x6c: {  	_ =	shalt  }
0x6d: {  	_ =	shalt  }
0x6e: {  	_ =	shalt  }
0x6f: {  	_ =	shalt  }
0x70: {  	_ =	shalt  }
0x71: {  	_ =	shalt  }
0x72: {  	_ =	shalt  }
0x73: {  	_ =	shalt  }
0x74: {  	_ =	shalt  }
0x75: {  	_ =	shalt  }
0x76: {  	_ =	shalt  }
0x77: {  	_ =	shalt  }
0x78: {  	_ =	shalt  }
0x79: {  	_ =	shalt  }
0x7a: {  	_ =	shalt  }
0x7b: {  	_ =	shalt  }
0x7c: {  	_ =	shalt  }
0x7d: {  	_ =	shalt  }
0x7e: {  	_ =	shalt  }
0x7f: {  	_ =	shalt  }
0x80: {  	_ =	shalt  }
0x81: {  	_ =	shalt  }
0x82: {  	_ =	shalt  }
0x83: {  	_ =	shalt  }
0x84: {  	_ =	shalt  }
0x85: {  	_ =	shalt  }
0x86: {  	_ =	shalt  }
0x87: {  	_ =	shalt  }
.Lfunc_end0:
.L_simem_size_0:
called_computation_lowered:
.L_overlay_start_0:
0x88: {  	s2 =	sld [smem:$0x3FD9]  }
0x89: {  	s3 =	sld [smem:$0x3FFE];
	_ =	sdelay $0x1  }
0x8a: {  	s1 =	srdreg.scid  }
0x8b: {  	s0 =	sand.u32 $0x1, s1  }
0x8c: {  	s15 =	sshll.u32 s0, $0xA;
	s2 =	sadd.s32 s3, s2  }
0x8d: {  	s2 =	sadd.s32 s2, s15  }
0x8e: {  	[smem:$0x3FC4] =	sst s2  }
0x8f: {  	_ = 	snop  }
0x90: {  	s2 =	sld [smem:$0x3FC9]  }
0x91: {  	s16 =	sld [smem:$0x3FD0]  }
0x92: {  	s4 =	sld [smem:$0x3FC8]  }
0x93: {  	s5 =	sld [smem:$0x3FC7]  }
0x94: {  	s7 =	simm.s32 $0xA;
	s8 =	simm.s32 $0x10;
	s6 =	sld [smem:$0x3FC6]  }
0x95: {  	[smem:s8], [sflag:s7] =	dma.local [hbm:s16], $0x1  }
0x96: {  	_ =	swait.eq [sflag:s7], $0x1  }
0x97: {  	[sflag:s7] =	ssyncset.done $0x0  }
0x98: {  	s17 =	sld [smem:$0x10];
	[sflag:s7] =	ssyncadd.s32 $0xFFFFFFFF  }
0x99: {  	s18 =	sld [smem:$0x11];
	(tm) =	ssettm $0x1  }
0x9a: {  	s19 =	sld [smem:$0x3FFB];
	_ =	sdelay $0x3  }
0x9b: {  	_ =	strace s19  }
0x9c: {  	s8 =	sld [smem:$0x3FFC];
	_ =	sdelay $0x3  }
0x9d: {  	_ =	strace s8  }
0x9e: {  	s8 =	sld [smem:$0x3FFD];
	_ =	sdelay $0x3  }
0x9f: {  	_ =	strace s8  }
0xa0: {  	_ =	strace $0x8FFFFFFF  }
0xa1: {  	s20 =	sld [smem:$0x3FDB];
	_ =	sdelay $0x1  }
0xa2: {  	s9 =	simm.s32 $_scs_section_size  }
0xa3: {  	s10 =	simm.s32 $_size__tile_overlayer_lowered;
	s11 =	simm.s32 $_tile_overlayer_lowered  }
0xa4: {  	s23 =	simm.s32 $0x1BFF;
	s22 =	sshll.u32 s11, $0x1;
	s8 =	sadd.s32 s9, s20  }
0xa5: {  	s12 =	simm.s32 $0x0;
	s21 =	sshll.u32 s10, $0x1;
	s10 =	sadd.s32 s22, s8  }
0xa6: {  	[timem:s12], [sflag:s23] =	dma.local [hbm:s10], s21  }
0xa7: {  	_ =	swait.ge [sflag:s23], s21  }
0xa8: {  	s9 =	ssub.s32 $0x0, s21;
	[sflag:s23] =	ssyncset.done $0x0  }
0xa9: {  	[sflag:s23] =	ssyncadd.s32 s9;
	_ =	sdelay $0x1  }
0xaa: {  	s24 =	simm.s32 $0x1B8B  }
0xab: {  	_ =	swait.ge [sflag:s24], $0x1  }
0xac: {  	[sflag:s24] =	ssyncset.done $0x0  }
0xad: {  	s25 =	simm.s32 $0x1B8E;
	[sflag:s24] =	ssyncadd.s32 $0xFFFFFFFF  }
0xae: {  	s26 =	simm.s32 $execute0_lowered;
	[smem:$0x3FD2] =	sst s25  }
0xaf: {  	s9 =	sshll.u32 s26, $0x1;
	_ =	strace $0x80000046;
	[dreg:$0x1] =	wrdreg $0xFFFFFFFF  }
0xb0: {  	s28 =	simm.s32 $_size_execute0_lowered;
	s8 =	sadd.s32 s8, s9;
	[dreg:$0x0] =	wrdreg $0x0  }
0xb1: {  	s9 =	sshll.u32 s28, $0x1;
	[dreg:$0x2] =	wrdreg s8  }
0xb2: {  	[dreg:$0x3] =	wrdreg s9  }
0xb3: {  	[dreg:$0x4] =	wrdreg $0xC0  }
0xb4: {  	_ =	task [dreg:s12], $0x5FFFF  }
0xb5: {  	[dreg:$0x1] =	wrdreg $0xFFFFFFFF  }
0xb6: {  	[dreg:$0x0] =	wrdreg $0x60  }
0xb7: {  	[dreg:$0x2] =	wrdreg s2  }
0xb8: {  	[dreg:$0x3] =	wrdreg s4  }
0xb9: {  	[dreg:$0x4] =	wrdreg s5  }
0xba: {  	[dreg:$0x5] =	wrdreg s6  }
0xbb: {  	[dreg:$0x6] =	wrdreg s17  }
0xbc: {  	[dreg:$0x7] =	wrdreg s18  }
0xbd: {  	[dreg:$0x8] =	wrdreg $0x9  }
0xbe: {  	_ =	task.clear_ibuf [dreg:s12], $0x9FFFF;
	_ =	strace $0x90000046  }
0xbf: {  	s29 =	simm.s32 $0x9;
	_ =	strace $0x80000048  }
0xc0: {  	_ =	swait.ge [sflag:s29], $0x1  }
0xc1: {  	[sflag:s29] =	ssyncadd.s32 $0xFFFFFFFF  }
0xc2: {  	_ =	strace $0x90000048  }
0xc3: {  	_ =	sfence  }
0xc4: {  	s30 =	sld [smem:$0x0];
	_ =	sdelay $0x2  }
0xc5: {  	s31 =	sshll.u32 s1, $0xD;
	s1 =	sshrl.u32 s1, $0x2  }
0xc6: {  	s3 =	sand.u32 $0x4000, s31;
	s1 =	sadd.s32 s1, s30  }
0xc7: {  	s0 =	sor.u32 s3, s0;
	s1 =	sshll.u32 s1, $0x11  }
0xc8: {  	s0 =	sor.u32 s1, s0  }
0xc9: {  	s0 =	sadd.s32 $0x8F2B, s0  }
0xca: {  	[sflag:s0] =	ssyncadd.remote.s32 $0x1  }
0xcb: {  	_ =	sfence.sel $0xFFFF  }
0xcc: {  	[dreg:$0x0] =	wrdreg $0xFFFFFFFF;
	(pc) =	sbr.abs _section_cstart, $3  }
0xcd: {  	[dreg:$0x1] =	wrdreg $0xFFFFFFFF  }
0xce: {  	_ =	task.clear_ibuf [dreg:s12], $0x2FFFF;
	_ =	strace $0x9FFFFFFF  }
0xcf: {  	(tm) =	ssettm $0x7FFFFFFF  }
tec
execute0_lowered:
.L_overlay_start_1:
0x0: {  	(tag) =	ssettag $0x1  }
0x1: {  	s0 =	rddreg [dreg:$0x0]  }
0x2: {  	s2 =	rddreg [dreg:$0x1]  }
0x3: {  	s6 =	rddreg [dreg:$0x2]  }
0x4: {  	s1 =	rddreg [dreg:$0x3]  }
0x5: {  	s7 =	rddreg [dreg:$0x4]  }
0x6: {  	s8 =	rddreg [dreg:$0x5];
	s4 =	srdreg.scid  }
0x7: {  	s3 =	simm.s32 $0x0;
	s10 =	stileid.u32;
	s11 =	simm.s32 $0x200  }
0x8: {  	s12 =	simm.s32 $0x400;
	s13 =	simm.s32 $0x80;
	s14 =	simm.s32 $0x600  }
0x9: {  	s15 =	simm.s32 $0x8600;
	s16 =	simm.s32 $0x10600;
	s17 =	simm.s32 $0x4600  }
0xa: {  	s19 =	simm.s32 $0xC600;
	s21 =	simm.s32 $0x14600;
	s22 =	simm.s32 $0x1  }
0xb: {  	v0 =	vlaneseq.u32;
	s23 =	simm.s32 $0x18A00;
	s24 =	simm.s32 $0x18B80;
	s29 =	simm.s32 $0x2  }
0xc: {  	s18 =	simm.s32 $0x4;
	s20 =	simm.s32 $0x18600;
	s25 =	simm.s32 $0x18800;
	v0 =	vmul.u32 $0x11, v0  }
0xd: {  	s26 =	simm.s32 $0x0;
	s4 =	sand.u32 $0x1, s4;
	[smem:$0x7FF] =	sst s3  }
0xe: {  	s10 =	sshll.u32 s10, $0x7;
	s5 =	ssub.s32 $0x2, s4;
	s4 =	sshll.u32 s4, $0x6;
	v1 =	vadd.s32 $0x1, v0;
	v2 =	vadd.s32 $0x2, v0;
	v3 =	vadd.s32 $0x3, v0  }
0xf: {  	_ =	strace $0x80000047;
	s9 =	sshrl.u32 s5, $0x1;
	s10 =	sor.u32 s4, s10;
	v4 =	vadd.s32 $0x4, v0;
	v5 =	vadd.s32 $0x5, v0;
	v6 =	vadd.s32 $0x6, v0  }
0x10: {  	v7 =	vadd.s32 $0x7, v0;
	v8 =	vadd.s32 $0x8, v0;
	v9 =	vadd.s32 $0x9, v0;
	s9 =	ssub.s32 s5, s9;
	s4 =	sadd.s32 s0, s10;
	s5 =	sadd.s32 s2, s10  }
0x11: {  	v10 =	vadd.s32 $0xA, v0;
	v11 =	vadd.s32 $0xB, v0;
	v12 =	vadd.s32 $0xC, v0;
	s6 =	sadd.s32 s6, s10;
	s7 =	sadd.s32 s7, s10;
	s8 =	sadd.s32 s8, s10  }
0x12: {  	v13 =	vadd.s32 $0xD, v0;
	v14 =	vadd.s32 $0xE, v0;
	v15 =	vadd.s32 $0xF, v0;
	s10 =	simm.s32 $0x5;
	s2 =	simm.s32 $0x3;
	s9 =	smax.u32 s9, $0x1  }
.LBB2_1:
0x13: {  	[tilespmem:s3], [sflag:$0x5] =	stream.linear.gather [hbm4b:s4+s3], $0x200, $0x38;
	[tilespmem:$0x18D00] =	vst v63  }
0x14: {  	_ =	swait.ge [sflag:s10], $0x200  }
0x15: {  	[sflag:s10] =	ssyncset.done $0x0  }
0x16: {  	[sflag:s10] =	ssyncadd.s32 $0xFFFFFE00  }
0x17: {  	[tilespmem:s11], [sflag:$0x5] =	stream.linear.gather [hbm4b:s5+s3], $0x200, $0x38;
	[tilespmem:$0x18D00] =	vst v63  }
0x18: {  	_ =	swait.ge [sflag:s10], $0x200  }
0x19: {  	[sflag:s10] =	ssyncset.done $0x0  }
0x1a: {  	[sflag:s10] =	ssyncadd.s32 $0xFFFFFE00  }
0x1b: {  	[tilespmem:s12], [sflag:$0x5] =	stream.linear.gather [hbm4b:s6+s3], $0x200, $0x38;
	[tilespmem:$0x18D00] =	vst v63  }
0x1c: {  	_ =	swait.ge [sflag:s10], $0x200  }
0x1d: {  	[sflag:s10] =	ssyncset.done $0x0  }
0x1e: {  	[sflag:s10] =	ssyncadd.s32 $0xFFFFFE00  }
0x1f: {  	[tilespmem:s14], [sflag:$0x1] =	stream.indirect.gather [hbm4b:s1+s13], $0x80, s3, s13, $0xb8;
	[tilespmem:$0x18D00] =	vst v63  }
0x20: {  	_ = 	snop  }
0x21: {  	[tilespmem:s15], [sflag:$0x1] =	stream.indirect.gather [hbm4b:s1+s13], $0x80, s11, s13, $0xb8;
	[tilespmem:$0x18D00] =	vst v63  }
0x22: {  	_ = 	snop  }
0x23: {  	[tilespmem:s16], [sflag:$0x1] =	stream.indirect.gather [hbm4b:s1+s13], $0x80, s12, s13, $0xb8;
	[tilespmem:$0x18D00] =	vst v63  }
0x24: {  	_ = 	snop  }
0x25: {  	[tilespmem:s17], [sflag:$0x2] =	stream.indirect.gather [hbm4b:s1+s13], $0x80, s13, s13, $0xb8;
	[tilespmem:$0x18D00] =	vst v63  }
0x26: {  	s0 =	simm.s32 $0x280  }
0x27: {  	[tilespmem:s19], [sflag:$0x2] =	stream.indirect.gather [hbm4b:s1+s13], $0x80, s0, s13, $0xb8;
	[tilespmem:$0x18D00] =	vst v63  }
0x28: {  	s0 =	simm.s32 $0x480  }
0x29: {  	[tilespmem:s21], [sflag:$0x2] =	stream.indirect.gather [hbm4b:s1+s13], $0x80, s0, s13, $0xb8;
	[tilespmem:$0x18D00] =	vst v63  }
0x2a: {  	_ =	swait.ge [sflag:s22], $0x4000  }
0x2b: {  	[sflag:s22] =	ssyncset.done $0x0  }
0x2c: {  	[sflag:s22] =	ssyncadd.s32 $0xFFFFC000  }
0x2d: {  	_ =	swait.ge [sflag:s22], $0x4000  }
0x2e: {  	[sflag:s22] =	ssyncset.done $0x0  }
0x2f: {  	[sflag:s22] =	ssyncadd.s32 $0xFFFFC000  }
0x30: {  	_ =	swait.ge [sflag:s22], $0x4000  }
0x31: {  	s28 =	simm.s32 $0x18600;
	[sflag:s22] =	ssyncset.done $0x0  }
0x32: {  	s30 =	simm.s32 $0x18800;
	s31 =	simm.s32 $0x0;
	[sflag:s22] =	ssyncadd.s32 $0xFFFFC000  }
.LBB2_2:
0x33: {  	s0 =	sshra.s32 s31, $0x2  }
0x34: {  	v16 =	vld [tilespmem:s0+$0x600]  }
0x35: {  	v17 =	vld [tilespmem:s0+$0x8640]  }
0x36: {  	v18 =	vld [tilespmem:s0+$0x10640]  }
0x37: {  	v19 =	vld [tilespmem:s0+$0x610]  }
0x38: {  	v20 =	vld [tilespmem:s0+$0x8650]  }
0x39: {  	v21 =	vld [tilespmem:s0+$0x10650]  }
0x3a: {  	v22 =	vld [tilespmem:s0+$0x620]  }
0x3b: {  	v23 =	vld [tilespmem:s0+$0x8660]  }
0x3c: {  	v24 =	vld [tilespmem:s0+$0x10660]  }
0x3d: {  	v25 =	vld [tilespmem:s0+$0x630]  }
0x3e: {  	v26 =	vld [tilespmem:s0+$0x8670]  }
0x3f: {  	v27 =	vld [tilespmem:s0+$0x10670];
	v17 =	vmul.f32 v17, v16;
	v20 =	vmul.f32 v20, v19  }
0x40: {  	v16 =	vmul.f32 v18, v16;
	v53 =	vmul.f32 v21, v19  }
0x41: {  	v54 =	vmul.f32 v23, v22;
	v17 =	vadd.f32 v20, v17  }
0x42: {  	v55 =	vmul.f32 v24, v22;
	v16 =	vadd.f32 v53, v16  }
0x43: {  	v56 =	vmul.f32 v26, v25;
	v17 =	vadd.f32 v54, v17  }
0x44: {  	v57 =	vmul.f32 v27, v25;
	v16 =	vadd.f32 v55, v16  }
0x45: {  	v17 =	vadd.f32 v56, v17  }
0x46: {  	v16 =	vadd.f32 v57, v16  }
0x47: {  	[tilespmem:v0+s23+$0x0] =	vst.idx.msk $0xffff, v17  }
0x48: {  	[tilespmem:v0+s24+$0x0] =	vst.idx.msk $0xffff, v16  }
0x49: {  	v16 =	vld [tilespmem:s0+$0x680]  }
0x4a: {  	v17 =	vld [tilespmem:s0+$0x86C0]  }
0x4b: {  	v58 =	vld [tilespmem:s0+$0x106C0]  }
0x4c: {  	v59 =	vld [tilespmem:s0+$0x690]  }
0x4d: {  	v60 =	vld [tilespmem:s0+$0x86D0]  }
0x4e: {  	v61 =	vld [tilespmem:s0+$0x106D0]  }
0x4f: {  	v62 =	vld [tilespmem:s0+$0x6A0]  }
0x50: {  	v63 =	vld [tilespmem:s0+$0x86E0]  }
0x51: {  	v30 =	vld [tilespmem:s0+$0x106E0]  }
0x52: {  	v31 =	vld [tilespmem:s0+$0x6B0]  }
0x53: {  	v32 =	vld [tilespmem:s0+$0x86F0]  }
0x54: {  	v33 =	vld [tilespmem:s0+$0x106F0];
	v17 =	vmul.f32 v17, v16;
	v20 =	vmul.f32 v60, v59  }
0x55: {  	v16 =	vmul.f32 v58, v16;
	v34 =	vmul.f32 v61, v59  }
0x56: {  	v35 =	vmul.f32 v63, v62;
	v17 =	vadd.f32 v20, v17  }
0x57: {  	v36 =	vmul.f32 v30, v62;
	v16 =	vadd.f32 v34, v16  }
0x58: {  	v37 =	vmul.f32 v32, v31;
	v17 =	vadd.f32 v35, v17  }
0x59: {  	v38 =	vmul.f32 v33, v31;
	v16 =	vadd.f32 v36, v16  }
0x5a: {  	v17 =	vadd.f32 v37, v17  }
0x5b: {  	v16 =	vadd.f32 v38, v16  }
0x5c: {  	[tilespmem:v1+s23+$0x0] =	vst.idx.msk $0xffff, v17  }
0x5d: {  	[tilespmem:v1+s24+$0x0] =	vst.idx.msk $0xffff, v16  }
0x5e: {  	v16 =	vld [tilespmem:s0+$0x700]  }
0x5f: {  	v17 =	vld [tilespmem:s0+$0x8740]  }
0x60: {  	v39 =	vld [tilespmem:s0+$0x10740]  }
0x61: {  	v40 =	vld [tilespmem:s0+$0x710]  }
0x62: {  	v41 =	vld [tilespmem:s0+$0x8750]  }
0x63: {  	v42 =	vld [tilespmem:s0+$0x10750]  }
0x64: {  	v43 =	vld [tilespmem:s0+$0x720]  }
0x65: {  	v44 =	vld [tilespmem:s0+$0x8760]  }
0x66: {  	v45 =	vld [tilespmem:s0+$0x10760]  }
0x67: {  	v46 =	vld [tilespmem:s0+$0x730]  }
0x68: {  	v47 =	vld [tilespmem:s0+$0x8770]  }
0x69: {  	v48 =	vld [tilespmem:s0+$0x10770];
	v17 =	vmul.f32 v17, v16;
	v20 =	vmul.f32 v41, v40  }
0x6a: {  	v16 =	vmul.f32 v39, v16;
	v49 =	vmul.f32 v42, v40  }
0x6b: {  	v50 =	vmul.f32 v44, v43;
	v17 =	vadd.f32 v20, v17  }
0x6c: {  	v51 =	vmul.f32 v45, v43;
	v16 =	vadd.f32 v49, v16  }
0x6d: {  	v52 =	vmul.f32 v47, v46;
	v17 =	vadd.f32 v50, v17  }
0x6e: {  	v53 =	vmul.f32 v48, v46;
	v16 =	vadd.f32 v51, v16  }
0x6f: {  	v17 =	vadd.f32 v52, v17  }
0x70: {  	v16 =	vadd.f32 v53, v16  }
0x71: {  	[tilespmem:v2+s23+$0x0] =	vst.idx.msk $0xffff, v17  }
0x72: {  	[tilespmem:v2+s24+$0x0] =	vst.idx.msk $0xffff, v16  }
0x73: {  	v16 =	vld [tilespmem:s0+$0x780]  }
0x74: {  	v17 =	vld [tilespmem:s0+$0x87C0]  }
0x75: {  	v54 =	vld [tilespmem:s0+$0x107C0]  }
0x76: {  	v55 =	vld [tilespmem:s0+$0x790]  }
0x77: {  	v56 =	vld [tilespmem:s0+$0x87D0]  }
0x78: {  	v57 =	vld [tilespmem:s0+$0x107D0]  }
0x79: {  	v58 =	vld [tilespmem:s0+$0x7A0]  }
0x7a: {  	v59 =	vld [tilespmem:s0+$0x87E0]  }
0x7b: {  	v60 =	vld [tilespmem:s0+$0x107E0]  }
0x7c: {  	v61 =	vld [tilespmem:s0+$0x7B0]  }
0x7d: {  	v62 =	vld [tilespmem:s0+$0x87F0]  }
0x7e: {  	v63 =	vld [tilespmem:s0+$0x107F0];
	v17 =	vmul.f32 v17, v16;
	v20 =	vmul.f32 v56, v55  }
0x7f: {  	v16 =	vmul.f32 v54, v16;
	v21 =	vmul.f32 v57, v55  }
0x80: {  	v28 =	vmul.f32 v59, v58;
	v17 =	vadd.f32 v20, v17  }
0x81: {  	v29 =	vmul.f32 v60, v58;
	v16 =	vadd.f32 v21, v16  }
0x82: {  	v30 =	vmul.f32 v62, v61;
	v17 =	vadd.f32 v28, v17  }
0x83: {  	v31 =	vmul.f32 v63, v61;
	v16 =	vadd.f32 v29, v16  }
0x84: {  	v17 =	vadd.f32 v30, v17  }
0x85: {  	v16 =	vadd.f32 v31, v16  }
0x86: {  	[tilespmem:v3+s23+$0x0] =	vst.idx.msk $0xffff, v17  }
0x87: {  	[tilespmem:v3+s24+$0x0] =	vst.idx.msk $0xffff, v16  }
0x88: {  	v16 =	vld [tilespmem:s0+$0x800]  }
0x89: {  	v17 =	vld [tilespmem:s0+$0x8840]  }
0x8a: {  	v32 =	vld [tilespmem:s0+$0x10840]  }
0x8b: {  	v33 =	vld [tilespmem:s0+$0x810]  }
0x8c: {  	v34 =	vld [tilespmem:s0+$0x8850]  }
0x8d: {  	v35 =	vld [tilespmem:s0+$0x10850]  }
0x8e: {  	v36 =	vld [tilespmem:s0+$0x820]  }
0x8f: {  	v37 =	vld [tilespmem:s0+$0x8860]  }
0x90: {  	v38 =	vld [tilespmem:s0+$0x10860]  }
0x91: {  	v39 =	vld [tilespmem:s0+$0x830]  }
0x92: {  	v40 =	vld [tilespmem:s0+$0x8870]  }
0x93: {  	v41 =	vld [tilespmem:s0+$0x10870];
	v17 =	vmul.f32 v17, v16;
	v20 =	vmul.f32 v34, v33  }
0x94: {  	v16 =	vmul.f32 v32, v16;
	v42 =	vmul.f32 v35, v33  }
0x95: {  	v43 =	vmul.f32 v37, v36;
	v17 =	vadd.f32 v20, v17  }
0x96: {  	v44 =	vmul.f32 v38, v36;
	v16 =	vadd.f32 v42, v16  }
0x97: {  	v45 =	vmul.f32 v40, v39;
	v17 =	vadd.f32 v43, v17  }
0x98: {  	v46 =	vmul.f32 v41, v39;
	v16 =	vadd.f32 v44, v16  }
0x99: {  	v17 =	vadd.f32 v45, v17  }
0x9a: {  	v16 =	vadd.f32 v46, v16  }
0x9b: {  	[tilespmem:v4+s23+$0x0] =	vst.idx.msk $0xffff, v17  }
0x9c: {  	[tilespmem:v4+s24+$0x0] =	vst.idx.msk $0xffff, v16  }
0x9d: {  	v16 =	vld [tilespmem:s0+$0x880]  }
0x9e: {  	v17 =	vld [tilespmem:s0+$0x88C0]  }
0x9f: {  	v47 =	vld [tilespmem:s0+$0x108C0]  }
0xa0: {  	v48 =	vld [tilespmem:s0+$0x890]  }
0xa1: {  	v49 =	vld [tilespmem:s0+$0x88D0]  }
0xa2: {  	v50 =	vld [tilespmem:s0+$0x108D0]  }
0xa3: {  	v51 =	vld [tilespmem:s0+$0x8A0]  }
0xa4: {  	v52 =	vld [tilespmem:s0+$0x88E0]  }
0xa5: {  	v53 =	vld [tilespmem:s0+$0x108E0]  }
0xa6: {  	v54 =	vld [tilespmem:s0+$0x8B0]  }
0xa7: {  	v55 =	vld [tilespmem:s0+$0x88F0]  }
0xa8: {  	v56 =	vld [tilespmem:s0+$0x108F0];
	v17 =	vmul.f32 v17, v16;
	v20 =	vmul.f32 v49, v48  }
0xa9: {  	v16 =	vmul.f32 v47, v16;
	v57 =	vmul.f32 v50, v48  }
0xaa: {  	v58 =	vmul.f32 v52, v51;
	v17 =	vadd.f32 v20, v17  }
0xab: {  	v59 =	vmul.f32 v53, v51;
	v16 =	vadd.f32 v57, v16  }
0xac: {  	v60 =	vmul.f32 v55, v54;
	v17 =	vadd.f32 v58, v17  }
0xad: {  	v61 =	vmul.f32 v56, v54;
	v16 =	vadd.f32 v59, v16  }
0xae: {  	v17 =	vadd.f32 v60, v17  }
0xaf: {  	v16 =	vadd.f32 v61, v16  }
0xb0: {  	[tilespmem:v5+s23+$0x0] =	vst.idx.msk $0xffff, v17  }
0xb1: {  	[tilespmem:v5+s24+$0x0] =	vst.idx.msk $0xffff, v16  }
0xb2: {  	v16 =	vld [tilespmem:s0+$0x900]  }
0xb3: {  	v17 =	vld [tilespmem:s0+$0x8940]  }
0xb4: {  	v62 =	vld [tilespmem:s0+$0x10940]  }
0xb5: {  	v63 =	vld [tilespmem:s0+$0x910]  }
0xb6: {  	v30 =	vld [tilespmem:s0+$0x8950]  }
0xb7: {  	v31 =	vld [tilespmem:s0+$0x10950]  }
0xb8: {  	v32 =	vld [tilespmem:s0+$0x920]  }
0xb9: {  	v33 =	vld [tilespmem:s0+$0x8960]  }
0xba: {  	v34 =	vld [tilespmem:s0+$0x10960]  }
0xbb: {  	v35 =	vld [tilespmem:s0+$0x930]  }
0xbc: {  	v36 =	vld [tilespmem:s0+$0x8970]  }
0xbd: {  	v37 =	vld [tilespmem:s0+$0x10970];
	v17 =	vmul.f32 v17, v16;
	v20 =	vmul.f32 v30, v63  }
0xbe: {  	v16 =	vmul.f32 v62, v16;
	v38 =	vmul.f32 v31, v63  }
0xbf: {  	v39 =	vmul.f32 v33, v32;
	v17 =	vadd.f32 v20, v17  }
0xc0: {  	v40 =	vmul.f32 v34, v32;
	v16 =	vadd.f32 v38, v16  }
0xc1: {  	v41 =	vmul.f32 v36, v35;
	v17 =	vadd.f32 v39, v17  }
0xc2: {  	v42 =	vmul.f32 v37, v35;
	v16 =	vadd.f32 v40, v16  }
0xc3: {  	v17 =	vadd.f32 v41, v17  }
0xc4: {  	v16 =	vadd.f32 v42, v16  }
0xc5: {  	[tilespmem:v6+s23+$0x0] =	vst.idx.msk $0xffff, v17  }
0xc6: {  	[tilespmem:v6+s24+$0x0] =	vst.idx.msk $0xffff, v16  }
0xc7: {  	v16 =	vld [tilespmem:s0+$0x980]  }
0xc8: {  	v17 =	vld [tilespmem:s0+$0x89C0]  }
0xc9: {  	v43 =	vld [tilespmem:s0+$0x109C0]  }
0xca: {  	v44 =	vld [tilespmem:s0+$0x990]  }
0xcb: {  	v45 =	vld [tilespmem:s0+$0x89D0]  }
0xcc: {  	v46 =	vld [tilespmem:s0+$0x109D0]  }
0xcd: {  	v47 =	vld [tilespmem:s0+$0x9A0]  }
0xce: {  	v48 =	vld [tilespmem:s0+$0x89E0]  }
0xcf: {  	v49 =	vld [tilespmem:s0+$0x109E0]  }
0xd0: {  	v50 =	vld [tilespmem:s0+$0x9B0]  }
0xd1: {  	v51 =	vld [tilespmem:s0+$0x89F0]  }
0xd2: {  	v52 =	vld [tilespmem:s0+$0x109F0];
	v17 =	vmul.f32 v17, v16;
	v20 =	vmul.f32 v45, v44  }
0xd3: {  	v16 =	vmul.f32 v43, v16;
	v53 =	vmul.f32 v46, v44  }
0xd4: {  	v54 =	vmul.f32 v48, v47;
	v17 =	vadd.f32 v20, v17  }
0xd5: {  	v55 =	vmul.f32 v49, v47;
	v16 =	vadd.f32 v53, v16  }
0xd6: {  	v56 =	vmul.f32 v51, v50;
	v17 =	vadd.f32 v54, v17  }
0xd7: {  	v57 =	vmul.f32 v52, v50;
	v16 =	vadd.f32 v55, v16  }
0xd8: {  	v17 =	vadd.f32 v56, v17  }
0xd9: {  	v16 =	vadd.f32 v57, v16  }
0xda: {  	[tilespmem:v7+s23+$0x0] =	vst.idx.msk $0xffff, v17  }
0xdb: {  	[tilespmem:v7+s24+$0x0] =	vst.idx.msk $0xffff, v16  }
0xdc: {  	v16 =	vld [tilespmem:s0+$0xA00]  }
0xdd: {  	v17 =	vld [tilespmem:s0+$0x8A40]  }
0xde: {  	v58 =	vld [tilespmem:s0+$0x10A40]  }
0xdf: {  	v59 =	vld [tilespmem:s0+$0xA10]  }
0xe0: {  	v60 =	vld [tilespmem:s0+$0x8A50]  }
0xe1: {  	v61 =	vld [tilespmem:s0+$0x10A50]  }
0xe2: {  	v62 =	vld [tilespmem:s0+$0xA20]  }
0xe3: {  	v63 =	vld [tilespmem:s0+$0x8A60]  }
0xe4: {  	v30 =	vld [tilespmem:s0+$0x10A60]  }
0xe5: {  	v31 =	vld [tilespmem:s0+$0xA30]  }
0xe6: {  	v32 =	vld [tilespmem:s0+$0x8A70]  }
0xe7: {  	v33 =	vld [tilespmem:s0+$0x10A70];
	v17 =	vmul.f32 v17, v16;
	v20 =	vmul.f32 v60, v59  }
0xe8: {  	v16 =	vmul.f32 v58, v16;
	v34 =	vmul.f32 v61, v59  }
0xe9: {  	v35 =	vmul.f32 v63, v62;
	v17 =	vadd.f32 v20, v17  }
0xea: {  	v36 =	vmul.f32 v30, v62;
	v16 =	vadd.f32 v34, v16  }
0xeb: {  	v37 =	vmul.f32 v32, v31;
	v17 =	vadd.f32 v35, v17  }
0xec: {  	v38 =	vmul.f32 v33, v31;
	v16 =	vadd.f32 v36, v16  }
0xed: {  	v17 =	vadd.f32 v37, v17  }
0xee: {  	v16 =	vadd.f32 v38, v16  }
0xef: {  	[tilespmem:v8+s23+$0x0] =	vst.idx.msk $0xffff, v17  }
0xf0: {  	[tilespmem:v8+s24+$0x0] =	vst.idx.msk $0xffff, v16  }
0xf1: {  	v16 =	vld [tilespmem:s0+$0xA80]  }
0xf2: {  	v17 =	vld [tilespmem:s0+$0x8AC0]  }
0xf3: {  	v39 =	vld [tilespmem:s0+$0x10AC0]  }
0xf4: {  	v40 =	vld [tilespmem:s0+$0xA90]  }
0xf5: {  	v41 =	vld [tilespmem:s0+$0x8AD0]  }
0xf6: {  	v42 =	vld [tilespmem:s0+$0x10AD0]  }
0xf7: {  	v43 =	vld [tilespmem:s0+$0xAA0]  }
0xf8: {  	v44 =	vld [tilespmem:s0+$0x8AE0]  }
0xf9: {  	v45 =	vld [tilespmem:s0+$0x10AE0]  }
0xfa: {  	v46 =	vld [tilespmem:s0+$0xAB0]  }
0xfb: {  	v47 =	vld [tilespmem:s0+$0x8AF0]  }
0xfc: {  	v48 =	vld [tilespmem:s0+$0x10AF0];
	v17 =	vmul.f32 v17, v16;
	v20 =	vmul.f32 v41, v40  }
0xfd: {  	v16 =	vmul.f32 v39, v16;
	v49 =	vmul.f32 v42, v40  }
0xfe: {  	v50 =	vmul.f32 v44, v43;
	v17 =	vadd.f32 v20, v17  }
0xff: {  	v51 =	vmul.f32 v45, v43;
	v16 =	vadd.f32 v49, v16  }
0x100: {  	v52 =	vmul.f32 v47, v46;
	v17 =	vadd.f32 v50, v17  }
0x101: {  	v53 =	vmul.f32 v48, v46;
	v16 =	vadd.f32 v51, v16  }
0x102: {  	v17 =	vadd.f32 v52, v17  }
0x103: {  	v16 =	vadd.f32 v53, v16  }
0x104: {  	[tilespmem:v9+s23+$0x0] =	vst.idx.msk $0xffff, v17  }
0x105: {  	[tilespmem:v9+s24+$0x0] =	vst.idx.msk $0xffff, v16  }
0x106: {  	v16 =	vld [tilespmem:s0+$0xB00]  }
0x107: {  	v17 =	vld [tilespmem:s0+$0x8B40]  }
0x108: {  	v54 =	vld [tilespmem:s0+$0x10B40]  }
0x109: {  	v55 =	vld [tilespmem:s0+$0xB10]  }
0x10a: {  	v56 =	vld [tilespmem:s0+$0x8B50]  }
0x10b: {  	v57 =	vld [tilespmem:s0+$0x10B50]  }
0x10c: {  	v58 =	vld [tilespmem:s0+$0xB20]  }
0x10d: {  	v59 =	vld [tilespmem:s0+$0x8B60]  }
0x10e: {  	v60 =	vld [tilespmem:s0+$0x10B60]  }
0x10f: {  	v61 =	vld [tilespmem:s0+$0xB30]  }
0x110: {  	v62 =	vld [tilespmem:s0+$0x8B70]  }
0x111: {  	v63 =	vld [tilespmem:s0+$0x10B70];
	v17 =	vmul.f32 v17, v16;
	v20 =	vmul.f32 v56, v55  }
0x112: {  	v16 =	vmul.f32 v54, v16;
	v21 =	vmul.f32 v57, v55  }
0x113: {  	v28 =	vmul.f32 v59, v58;
	v17 =	vadd.f32 v20, v17  }
0x114: {  	v29 =	vmul.f32 v60, v58;
	v16 =	vadd.f32 v21, v16  }
0x115: {  	v30 =	vmul.f32 v62, v61;
	v17 =	vadd.f32 v28, v17  }
0x116: {  	v31 =	vmul.f32 v63, v61;
	v16 =	vadd.f32 v29, v16  }
0x117: {  	v17 =	vadd.f32 v30, v17  }
0x118: {  	v16 =	vadd.f32 v31, v16  }
0x119: {  	[tilespmem:v10+s23+$0x0] =	vst.idx.msk $0xffff, v17  }
0x11a: {  	[tilespmem:v10+s24+$0x0] =	vst.idx.msk $0xffff, v16  }
0x11b: {  	v16 =	vld [tilespmem:s0+$0xB80]  }
0x11c: {  	v17 =	vld [tilespmem:s0+$0x8BC0]  }
0x11d: {  	v32 =	vld [tilespmem:s0+$0x10BC0]  }
0x11e: {  	v33 =	vld [tilespmem:s0+$0xB90]  }
0x11f: {  	v34 =	vld [tilespmem:s0+$0x8BD0]  }
0x120: {  	v35 =	vld [tilespmem:s0+$0x10BD0]  }
0x121: {  	v36 =	vld [tilespmem:s0+$0xBA0]  }
0x122: {  	v37 =	vld [tilespmem:s0+$0x8BE0]  }
0x123: {  	v38 =	vld [tilespmem:s0+$0x10BE0]  }
0x124: {  	v39 =	vld [tilespmem:s0+$0xBB0]  }
0x125: {  	v40 =	vld [tilespmem:s0+$0x8BF0]  }
0x126: {  	v41 =	vld [tilespmem:s0+$0x10BF0];
	v17 =	vmul.f32 v17, v16;
	v20 =	vmul.f32 v34, v33  }
0x127: {  	v16 =	vmul.f32 v32, v16;
	v42 =	vmul.f32 v35, v33  }
0x128: {  	v43 =	vmul.f32 v37, v36;
	v17 =	vadd.f32 v20, v17  }
0x129: {  	v44 =	vmul.f32 v38, v36;
	v16 =	vadd.f32 v42, v16  }
0x12a: {  	v45 =	vmul.f32 v40, v39;
	v17 =	vadd.f32 v43, v17  }
0x12b: {  	v46 =	vmul.f32 v41, v39;
	v16 =	vadd.f32 v44, v16  }
0x12c: {  	v17 =	vadd.f32 v45, v17  }
0x12d: {  	v16 =	vadd.f32 v46, v16  }
0x12e: {  	[tilespmem:v11+s23+$0x0] =	vst.idx.msk $0xffff, v17  }
0x12f: {  	[tilespmem:v11+s24+$0x0] =	vst.idx.msk $0xffff, v16  }
0x130: {  	v16 =	vld [tilespmem:s0+$0xC00]  }
0x131: {  	v17 =	vld [tilespmem:s0+$0x8C40]  }
0x132: {  	v47 =	vld [tilespmem:s0+$0x10C40]  }
0x133: {  	v48 =	vld [tilespmem:s0+$0xC10]  }
0x134: {  	v49 =	vld [tilespmem:s0+$0x8C50]  }
0x135: {  	v50 =	vld [tilespmem:s0+$0x10C50]  }
0x136: {  	v51 =	vld [tilespmem:s0+$0xC20]  }
0x137: {  	v52 =	vld [tilespmem:s0+$0x8C60]  }
0x138: {  	v53 =	vld [tilespmem:s0+$0x10C60]  }
0x139: {  	v54 =	vld [tilespmem:s0+$0xC30]  }
0x13a: {  	v55 =	vld [tilespmem:s0+$0x8C70]  }
0x13b: {  	v56 =	vld [tilespmem:s0+$0x10C70];
	v17 =	vmul.f32 v17, v16;
	v20 =	vmul.f32 v49, v48  }
0x13c: {  	v16 =	vmul.f32 v47, v16;
	v57 =	vmul.f32 v50, v48  }
0x13d: {  	v58 =	vmul.f32 v52, v51;
	v17 =	vadd.f32 v20, v17  }
0x13e: {  	v59 =	vmul.f32 v53, v51;
	v16 =	vadd.f32 v57, v16  }
0x13f: {  	v60 =	vmul.f32 v55, v54;
	v17 =	vadd.f32 v58, v17  }
0x140: {  	v61 =	vmul.f32 v56, v54;
	v16 =	vadd.f32 v59, v16  }
0x141: {  	v17 =	vadd.f32 v60, v17  }
0x142: {  	v16 =	vadd.f32 v61, v16  }
0x143: {  	[tilespmem:v12+s23+$0x0] =	vst.idx.msk $0xffff, v17  }
0x144: {  	[tilespmem:v12+s24+$0x0] =	vst.idx.msk $0xffff, v16  }
0x145: {  	v16 =	vld [tilespmem:s0+$0xC80]  }
0x146: {  	v17 =	vld [tilespmem:s0+$0x8CC0]  }
0x147: {  	v62 =	vld [tilespmem:s0+$0x10CC0]  }
0x148: {  	v63 =	vld [tilespmem:s0+$0xC90]  }
0x149: {  	v29 =	vld [tilespmem:s0+$0x8CD0]  }
0x14a: {  	v30 =	vld [tilespmem:s0+$0x10CD0]  }
0x14b: {  	v31 =	vld [tilespmem:s0+$0xCA0]  }
0x14c: {  	v32 =	vld [tilespmem:s0+$0x8CE0]  }
0x14d: {  	v33 =	vld [tilespmem:s0+$0x10CE0]  }
0x14e: {  	v34 =	vld [tilespmem:s0+$0xCB0]  }
0x14f: {  	v35 =	vld [tilespmem:s0+$0x8CF0]  }
0x150: {  	v36 =	vld [tilespmem:s0+$0x10CF0];
	v17 =	vmul.f32 v17, v16;
	v20 =	vmul.f32 v29, v63  }
0x151: {  	v16 =	vmul.f32 v62, v16;
	v37 =	vmul.f32 v30, v63  }
0x152: {  	v38 =	vmul.f32 v32, v31;
	v17 =	vadd.f32 v20, v17  }
0x153: {  	v39 =	vmul.f32 v33, v31;
	v16 =	vadd.f32 v37, v16  }
0x154: {  	v40 =	vmul.f32 v35, v34;
	v17 =	vadd.f32 v38, v17  }
0x155: {  	v41 =	vmul.f32 v36, v34;
	v16 =	vadd.f32 v39, v16  }
0x156: {  	v17 =	vadd.f32 v40, v17  }
0x157: {  	v16 =	vadd.f32 v41, v16  }
0x158: {  	[tilespmem:v13+s23+$0x0] =	vst.idx.msk $0xffff, v17  }
0x159: {  	[tilespmem:v13+s24+$0x0] =	vst.idx.msk $0xffff, v16  }
0x15a: {  	v16 =	vld [tilespmem:s0+$0xD00]  }
0x15b: {  	v17 =	vld [tilespmem:s0+$0x8D40]  }
0x15c: {  	v42 =	vld [tilespmem:s0+$0x10D40]  }
0x15d: {  	v43 =	vld [tilespmem:s0+$0xD10]  }
0x15e: {  	v44 =	vld [tilespmem:s0+$0x8D50]  }
0x15f: {  	v45 =	vld [tilespmem:s0+$0x10D50]  }
0x160: {  	v46 =	vld [tilespmem:s0+$0xD20]  }
0x161: {  	v47 =	vld [tilespmem:s0+$0x8D60]  }
0x162: {  	v48 =	vld [tilespmem:s0+$0x10D60]  }
0x163: {  	v49 =	vld [tilespmem:s0+$0xD30]  }
0x164: {  	v50 =	vld [tilespmem:s0+$0x8D70]  }
0x165: {  	v51 =	vld [tilespmem:s0+$0x10D70];
	v17 =	vmul.f32 v17, v16;
	v20 =	vmul.f32 v44, v43  }
0x166: {  	v16 =	vmul.f32 v42, v16;
	v52 =	vmul.f32 v45, v43  }
0x167: {  	v53 =	vmul.f32 v47, v46;
	v17 =	vadd.f32 v20, v17  }
0x168: {  	v54 =	vmul.f32 v48, v46;
	v16 =	vadd.f32 v52, v16  }
0x169: {  	v55 =	vmul.f32 v50, v49;
	v17 =	vadd.f32 v53, v17  }
0x16a: {  	v56 =	vmul.f32 v51, v49;
	v16 =	vadd.f32 v54, v16  }
0x16b: {  	v17 =	vadd.f32 v55, v17  }
0x16c: {  	v16 =	vadd.f32 v56, v16  }
0x16d: {  	[tilespmem:v14+s23+$0x0] =	vst.idx.msk $0xffff, v17  }
0x16e: {  	[tilespmem:v14+s24+$0x0] =	vst.idx.msk $0xffff, v16  }
0x16f: {  	v16 =	vld [tilespmem:s0+$0xD80]  }
0x170: {  	v17 =	vld [tilespmem:s0+$0x8DC0]  }
0x171: {  	v57 =	vld [tilespmem:s0+$0x10DC0]  }
0x172: {  	v58 =	vld [tilespmem:s0+$0xD90]  }
0x173: {  	v59 =	vld [tilespmem:s0+$0x8DD0]  }
0x174: {  	v60 =	vld [tilespmem:s0+$0x10DD0]  }
0x175: {  	v61 =	vld [tilespmem:s0+$0xDA0]  }
0x176: {  	v62 =	vld [tilespmem:s0+$0x8DE0]  }
0x177: {  	v63 =	vld [tilespmem:s0+$0x10DE0]  }
0x178: {  	v30 =	vld [tilespmem:s0+$0xDB0]  }
0x179: {  	v31 =	vld [tilespmem:s0+$0x8DF0]  }
0x17a: {  	v32 =	vld [tilespmem:s0+$0x10DF0];
	v17 =	vmul.f32 v17, v16;
	v20 =	vmul.f32 v59, v58  }
0x17b: {  	v16 =	vmul.f32 v57, v16;
	v33 =	vmul.f32 v60, v58  }
0x17c: {  	v34 =	vmul.f32 v62, v61;
	v17 =	vadd.f32 v20, v17  }
0x17d: {  	v35 =	vmul.f32 v63, v61;
	v16 =	vadd.f32 v33, v16  }
0x17e: {  	v36 =	vmul.f32 v31, v30;
	v17 =	vadd.f32 v34, v17  }
0x17f: {  	v37 =	vmul.f32 v32, v30;
	v16 =	vadd.f32 v35, v16  }
0x180: {  	v17 =	vadd.f32 v36, v17  }
0x181: {  	v16 =	vadd.f32 v37, v16  }
0x182: {  	[tilespmem:v15+s23+$0x0] =	vst.idx.msk $0xffff, v17  }
0x183: {  	[tilespmem:v15+s24+$0x0] =	vst.idx.msk $0xffff, v16  }
0x184: {  	v16 =	vld [tilespmem:$0x18A00]  }
0x185: {  	v17 =	vld [tilespmem:$0x18A11];
	_ =	sdelay $0x1  }
0x186: {  	v38 =	vld [tilespmem:$0x18A22];
	_ =	sdelay $0x1  }
0x187: {  	v39 =	vld [tilespmem:$0x18A33]  }
0x188: {  	v16 =	vadd.f32 v17, v16  }
0x189: {  	v17 =	vld [tilespmem:$0x18A44]  }
0x18a: {  	v16 =	vadd.f32 v38, v16  }
0x18b: {  	v40 =	vld [tilespmem:$0x18A55]  }
0x18c: {  	v16 =	vadd.f32 v39, v16  }
0x18d: {  	v41 =	vld [tilespmem:$0x18A66]  }
0x18e: {  	v42 =	vld [tilespmem:$0x18B80];
	v16 =	vadd.f32 v17, v16  }
0x18f: {  	v17 =	vld [tilespmem:$0x18A77]  }
0x190: {  	v43 =	vld [tilespmem:$0x18B91];
	v16 =	vadd.f32 v40, v16  }
0x191: {  	v44 =	vld [tilespmem:$0x18A88]  }
0x192: {  	v45 =	vld [tilespmem:$0x18BA2];
	v16 =	vadd.f32 v41, v16  }
0x193: {  	v46 =	vld [tilespmem:$0x18A99]  }
0x194: {  	v16 =	vadd.f32 v17, v16;
	v17 =	vld [tilespmem:$0x18BB3]  }
0x195: {  	v47 =	vld [tilespmem:$0x18AAA];
	v20 =	vadd.f32 v43, v42  }
0x196: {  	v48 =	vld [tilespmem:$0x18BC4];
	v16 =	vadd.f32 v44, v16  }
0x197: {  	v49 =	vld [tilespmem:$0x18ABB];
	v20 =	vadd.f32 v45, v20  }
0x198: {  	v50 =	vld [tilespmem:$0x18BD5];
	v16 =	vadd.f32 v46, v16  }
0x199: {  	v51 =	vld [tilespmem:$0x18ACC];
	v17 =	vadd.f32 v17, v20  }
0x19a: {  	v52 =	vld [tilespmem:$0x18BE6];
	v16 =	vadd.f32 v47, v16  }
0x19b: {  	v53 =	vld [tilespmem:$0x18ADD];
	v17 =	vadd.f32 v48, v17  }
0x19c: {  	v54 =	vld [tilespmem:$0x18BF7];
	v16 =	vadd.f32 v49, v16  }
0x19d: {  	v55 =	vld [tilespmem:$0x18AEE];
	v17 =	vadd.f32 v50, v17  }
0x19e: {  	v56 =	vld [tilespmem:$0x18C08];
	v16 =	vadd.f32 v51, v16  }
0x19f: {  	v57 =	vld [tilespmem:$0x18AFF];
	v17 =	vadd.f32 v52, v17  }
0x1a0: {  	v58 =	vld [tilespmem:$0x18C19];
	v16 =	vadd.f32 v53, v16  }
0x1a1: {  	v17 =	vadd.f32 v54, v17  }
0x1a2: {  	v59 =	vld [tilespmem:$0x18C2A];
	v16 =	vadd.f32 v55, v16  }
0x1a3: {  	v17 =	vadd.f32 v56, v17  }
0x1a4: {  	v60 =	vld [tilespmem:$0x18C3B];
	v16 =	vadd.f32 v57, v16  }
0x1a5: {  	v17 =	vadd.f32 v58, v17  }
0x1a6: {  	v61 =	vld [tilespmem:$0x18C4C];
	v16 =	vsub.f32 $0.0e+00, v16  }
0x1a7: {  	v17 =	vadd.f32 v59, v17  }
0x1a8: {  	v62 =	vld [tilespmem:$0x18C5D];
	v16 =	vmul.f32 $1.442695020e+00, v16  }
0x1a9: {  	v17 =	vadd.f32 v60, v17  }
0x1aa: {  	(erf) = vpow2.f32 v16;
	v16 =	vld [tilespmem:$0x18C6E]  }
0x1ab: {  	v17 =	vadd.f32 v61, v17  }
0x1ac: {  	v63 =	vld [tilespmem:$0x18C7F]  }
0x1ad: {  	v17 =	vadd.f32 v62, v17;
	_ =	sdelay $0x1  }
0x1ae: {  	v16 =	vadd.f32 v16, v17;
	_ =	sdelay $0x1  }
0x1af: {  	v16 =	vadd.f32 v63, v16;
	_ =	sdelay $0x1  }
0x1b0: {  	v17 =	vpop (erf);
	v16 =	vsub.f32 $0.0e+00, v16  }
0x1b1: {  	v17 =	vadd.f32 $1.000000000e+00, v17  }
0x1b2: {  	v16 =	vmul.f32 $1.442695020e+00, v16  }
0x1b3: {  	(erf) = vrcp.f32 v17  }
0x1b4: {  	(erf) = vpow2.f32 v16;
	_ =	sdelay $0x7  }
0x1b5: {  	v16 =	vpop (erf)  }
0x1b6: {  	v17 =	vpop (erf)  }
0x1b7: {  	v17 =	vadd.f32 $1.000000000e+00, v17;
	_ =	sdelay $0x1  }
0x1b8: {  	(erf) = vrcp.f32 v17;
	_ =	sdelay $0x4  }
0x1b9: {  	p0 =	sne.s32 s31, $0xE000  }
.Ltmp0:
0x1ba: {  	_ = 	snop;
	(pc) =	sbr.rel @p0 .LBB2_2-.Ltmp0, $3  }
0x1bb: {  	_ =	sdelay $0x1  }
0x1bc: {  	[tilespmem:s28+$0x0] =	vst v16;
	v16 =	vpop (erf)  }
0x1bd: {  	s31 =	sadd.s32 $0x2000, s31;
	s28 =	sadd.s32 $0x10, s28;
	[tilespmem:s30+$0x0] =	vst v16;
	s30 =	sadd.s32 $0x10, s30  }
0x1be: {  	s0 =	simm.s32 $0x100  }
0x1bf: {  	[tilespmem:s14], [sflag:$0x3] =	stream.indirect.gather [hbm4b:s1+s13], $0x80, s0, s13, $0xb8;
	[tilespmem:$0x18D00] =	vst v63  }
0x1c0: {  	s0 =	simm.s32 $0x300  }
0x1c1: {  	[tilespmem:s15], [sflag:$0x3] =	stream.indirect.gather [hbm4b:s1+s13], $0x80, s0, s13, $0xb8;
	[tilespmem:$0x18D00] =	vst v63  }
0x1c2: {  	s0 =	simm.s32 $0x500  }
0x1c3: {  	[tilespmem:s16], [sflag:$0x3] =	stream.indirect.gather [hbm4b:s1+s13], $0x80, s0, s13, $0xb8;
	[tilespmem:$0x18D00] =	vst v63  }
0x1c4: {  	_ =	swait.ge [sflag:s29], $0x4000  }
0x1c5: {  	[sflag:s29] =	ssyncset.done $0x0  }
0x1c6: {  	[sflag:s29] =	ssyncadd.s32 $0xFFFFC000  }
0x1c7: {  	_ =	swait.ge [sflag:s29], $0x4000  }
0x1c8: {  	[sflag:s29] =	ssyncset.done $0x0  }
0x1c9: {  	[sflag:s29] =	ssyncadd.s32 $0xFFFFC000  }
0x1ca: {  	_ =	swait.ge [sflag:s29], $0x4000  }
0x1cb: {  	s28 =	simm.s32 $0x0;
	[sflag:s29] =	ssyncset.done $0x0  }
0x1cc: {  	s30 =	simm.s32 $0x18680;
	s31 =	simm.s32 $0x18880;
	[sflag:s29] =	ssyncadd.s32 $0xFFFFC000  }
.LBB2_4:
0x1cd: {  	s0 =	sshra.s32 s28, $0x2  }
0x1ce: {  	v16 =	vld [tilespmem:s0+$0x4600]  }
0x1cf: {  	v17 =	vld [tilespmem:s0+$0xC640]  }
0x1d0: {  	v18 =	vld [tilespmem:s0+$0x14640]  }
0x1d1: {  	v19 =	vld [tilespmem:s0+$0x4610]  }
0x1d2: {  	v20 =	vld [tilespmem:s0+$0xC650]  }
0x1d3: {  	v21 =	vld [tilespmem:s0+$0x14650]  }
0x1d4: {  	v22 =	vld [tilespmem:s0+$0x4620]  }
0x1d5: {  	v23 =	vld [tilespmem:s0+$0xC660]  }
0x1d6: {  	v24 =	vld [tilespmem:s0+$0x14660]  }
0x1d7: {  	v25 =	vld [tilespmem:s0+$0x4630]  }
0x1d8: {  	v26 =	vld [tilespmem:s0+$0xC670]  }
0x1d9: {  	v27 =	vld [tilespmem:s0+$0x14670];
	v17 =	vmul.f32 v17, v16;
	v20 =	vmul.f32 v20, v19  }
0x1da: {  	v16 =	vmul.f32 v18, v16;
	v53 =	vmul.f32 v21, v19  }
0x1db: {  	v54 =	vmul.f32 v23, v22;
	v17 =	vadd.f32 v20, v17  }
0x1dc: {  	v55 =	vmul.f32 v24, v22;
	v16 =	vadd.f32 v53, v16  }
0x1dd: {  	v56 =	vmul.f32 v26, v25;
	v17 =	vadd.f32 v54, v17  }
0x1de: {  	v57 =	vmul.f32 v27, v25;
	v16 =	vadd.f32 v55, v16  }
0x1df: {  	v17 =	vadd.f32 v56, v17  }
0x1e0: {  	v16 =	vadd.f32 v57, v16  }
0x1e1: {  	[tilespmem:v0+s23+$0x0] =	vst.idx.msk $0xffff, v17  }
0x1e2: {  	[tilespmem:v0+s24+$0x0] =	vst.idx.msk $0xffff, v16  }
0x1e3: {  	v16 =	vld [tilespmem:s0+$0x4680]  }
0x1e4: {  	v17 =	vld [tilespmem:s0+$0xC6C0]  }
0x1e5: {  	v58 =	vld [tilespmem:s0+$0x146C0]  }
0x1e6: {  	v59 =	vld [tilespmem:s0+$0x4690]  }
0x1e7: {  	v60 =	vld [tilespmem:s0+$0xC6D0]  }
0x1e8: {  	v61 =	vld [tilespmem:s0+$0x146D0]  }
0x1e9: {  	v62 =	vld [tilespmem:s0+$0x46A0]  }
0x1ea: {  	v63 =	vld [tilespmem:s0+$0xC6E0]  }
0x1eb: {  	v30 =	vld [tilespmem:s0+$0x146E0]  }
0x1ec: {  	v31 =	vld [tilespmem:s0+$0x46B0]  }
0x1ed: {  	v32 =	vld [tilespmem:s0+$0xC6F0]  }
0x1ee: {  	v33 =	vld [tilespmem:s0+$0x146F0];
	v17 =	vmul.f32 v17, v16;
	v20 =	vmul.f32 v60, v59  }
0x1ef: {  	v16 =	vmul.f32 v58, v16;
	v34 =	vmul.f32 v61, v59  }
0x1f0: {  	v35 =	vmul.f32 v63, v62;
	v17 =	vadd.f32 v20, v17  }
0x1f1: {  	v36 =	vmul.f32 v30, v62;
	v16 =	vadd.f32 v34, v16  }
0x1f2: {  	v37 =	vmul.f32 v32, v31;
	v17 =	vadd.f32 v35, v17  }
0x1f3: {  	v38 =	vmul.f32 v33, v31;
	v16 =	vadd.f32 v36, v16  }
0x1f4: {  	v17 =	vadd.f32 v37, v17  }
0x1f5: {  	v16 =	vadd.f32 v38, v16  }
0x1f6: {  	[tilespmem:v1+s23+$0x0] =	vst.idx.msk $0xffff, v17  }
0x1f7: {  	[tilespmem:v1+s24+$0x0] =	vst.idx.msk $0xffff, v16  }
0x1f8: {  	v16 =	vld [tilespmem:s0+$0x4700]  }
0x1f9: {  	v17 =	vld [tilespmem:s0+$0xC740]  }
0x1fa: {  	v39 =	vld [tilespmem:s0+$0x14740]  }
0x1fb: {  	v40 =	vld [tilespmem:s0+$0x4710]  }
0x1fc: {  	v41 =	vld [tilespmem:s0+$0xC750]  }
0x1fd: {  	v42 =	vld [tilespmem:s0+$0x14750]  }
0x1fe: {  	v43 =	vld [tilespmem:s0+$0x4720]  }
0x1ff: {  	v44 =	vld [tilespmem:s0+$0xC760]  }
0x200: {  	v45 =	vld [tilespmem:s0+$0x14760]  }
0x201: {  	v46 =	vld [tilespmem:s0+$0x4730]  }
0x202: {  	v47 =	vld [tilespmem:s0+$0xC770]  }
0x203: {  	v48 =	vld [tilespmem:s0+$0x14770];
	v17 =	vmul.f32 v17, v16;
	v20 =	vmul.f32 v41, v40  }
0x204: {  	v16 =	vmul.f32 v39, v16;
	v49 =	vmul.f32 v42, v40  }
0x205: {  	v50 =	vmul.f32 v44, v43;
	v17 =	vadd.f32 v20, v17  }
0x206: {  	v51 =	vmul.f32 v45, v43;
	v16 =	vadd.f32 v49, v16  }
0x207: {  	v52 =	vmul.f32 v47, v46;
	v17 =	vadd.f32 v50, v17  }
0x208: {  	v53 =	vmul.f32 v48, v46;
	v16 =	vadd.f32 v51, v16  }
0x209: {  	v17 =	vadd.f32 v52, v17  }
0x20a: {  	v16 =	vadd.f32 v53, v16  }
0x20b: {  	[tilespmem:v2+s23+$0x0] =	vst.idx.msk $0xffff, v17  }
0x20c: {  	[tilespmem:v2+s24+$0x0] =	vst.idx.msk $0xffff, v16  }
0x20d: {  	v16 =	vld [tilespmem:s0+$0x4780]  }
0x20e: {  	v17 =	vld [tilespmem:s0+$0xC7C0]  }
0x20f: {  	v54 =	vld [tilespmem:s0+$0x147C0]  }
0x210: {  	v55 =	vld [tilespmem:s0+$0x4790]  }
0x211: {  	v56 =	vld [tilespmem:s0+$0xC7D0]  }
0x212: {  	v57 =	vld [tilespmem:s0+$0x147D0]  }
0x213: {  	v58 =	vld [tilespmem:s0+$0x47A0]  }
0x214: {  	v59 =	vld [tilespmem:s0+$0xC7E0]  }
0x215: {  	v60 =	vld [tilespmem:s0+$0x147E0]  }
0x216: {  	v61 =	vld [tilespmem:s0+$0x47B0]  }
0x217: {  	v62 =	vld [tilespmem:s0+$0xC7F0]  }
0x218: {  	v63 =	vld [tilespmem:s0+$0x147F0];
	v17 =	vmul.f32 v17, v16;
	v20 =	vmul.f32 v56, v55  }
0x219: {  	v16 =	vmul.f32 v54, v16;
	v21 =	vmul.f32 v57, v55  }
0x21a: {  	v28 =	vmul.f32 v59, v58;
	v17 =	vadd.f32 v20, v17  }
0x21b: {  	v29 =	vmul.f32 v60, v58;
	v16 =	vadd.f32 v21, v16  }
0x21c: {  	v30 =	vmul.f32 v62, v61;
	v17 =	vadd.f32 v28, v17  }
0x21d: {  	v31 =	vmul.f32 v63, v61;
	v16 =	vadd.f32 v29, v16  }
0x21e: {  	v17 =	vadd.f32 v30, v17  }
0x21f: {  	v16 =	vadd.f32 v31, v16  }
0x220: {  	[tilespmem:v3+s23+$0x0] =	vst.idx.msk $0xffff, v17  }
0x221: {  	[tilespmem:v3+s24+$0x0] =	vst.idx.msk $0xffff, v16  }
0x222: {  	v16 =	vld [tilespmem:s0+$0x4800]  }
0x223: {  	v17 =	vld [tilespmem:s0+$0xC840]  }
0x224: {  	v32 =	vld [tilespmem:s0+$0x14840]  }
0x225: {  	v33 =	vld [tilespmem:s0+$0x4810]  }
0x226: {  	v34 =	vld [tilespmem:s0+$0xC850]  }
0x227: {  	v35 =	vld [tilespmem:s0+$0x14850]  }
0x228: {  	v36 =	vld [tilespmem:s0+$0x4820]  }
0x229: {  	v37 =	vld [tilespmem:s0+$0xC860]  }
0x22a: {  	v38 =	vld [tilespmem:s0+$0x14860]  }
0x22b: {  	v39 =	vld [tilespmem:s0+$0x4830]  }
0x22c: {  	v40 =	vld [tilespmem:s0+$0xC870]  }
0x22d: {  	v41 =	vld [tilespmem:s0+$0x14870];
	v17 =	vmul.f32 v17, v16;
	v20 =	vmul.f32 v34, v33  }
0x22e: {  	v16 =	vmul.f32 v32, v16;
	v42 =	vmul.f32 v35, v33  }
0x22f: {  	v43 =	vmul.f32 v37, v36;
	v17 =	vadd.f32 v20, v17  }
0x230: {  	v44 =	vmul.f32 v38, v36;
	v16 =	vadd.f32 v42, v16  }
0x231: {  	v45 =	vmul.f32 v40, v39;
	v17 =	vadd.f32 v43, v17  }
0x232: {  	v46 =	vmul.f32 v41, v39;
	v16 =	vadd.f32 v44, v16  }
0x233: {  	v17 =	vadd.f32 v45, v17  }
0x234: {  	v16 =	vadd.f32 v46, v16  }
0x235: {  	[tilespmem:v4+s23+$0x0] =	vst.idx.msk $0xffff, v17  }
0x236: {  	[tilespmem:v4+s24+$0x0] =	vst.idx.msk $0xffff, v16  }
0x237: {  	v16 =	vld [tilespmem:s0+$0x4880]  }
0x238: {  	v17 =	vld [tilespmem:s0+$0xC8C0]  }
0x239: {  	v47 =	vld [tilespmem:s0+$0x148C0]  }
0x23a: {  	v48 =	vld [tilespmem:s0+$0x4890]  }
0x23b: {  	v49 =	vld [tilespmem:s0+$0xC8D0]  }
0x23c: {  	v50 =	vld [tilespmem:s0+$0x148D0]  }
0x23d: {  	v51 =	vld [tilespmem:s0+$0x48A0]  }
0x23e: {  	v52 =	vld [tilespmem:s0+$0xC8E0]  }
0x23f: {  	v53 =	vld [tilespmem:s0+$0x148E0]  }
0x240: {  	v54 =	vld [tilespmem:s0+$0x48B0]  }
0x241: {  	v55 =	vld [tilespmem:s0+$0xC8F0]  }
0x242: {  	v56 =	vld [tilespmem:s0+$0x148F0];
	v17 =	vmul.f32 v17, v16;
	v20 =	vmul.f32 v49, v48  }
0x243: {  	v16 =	vmul.f32 v47, v16;
	v57 =	vmul.f32 v50, v48  }
0x244: {  	v58 =	vmul.f32 v52, v51;
	v17 =	vadd.f32 v20, v17  }
0x245: {  	v59 =	vmul.f32 v53, v51;
	v16 =	vadd.f32 v57, v16  }
0x246: {  	v60 =	vmul.f32 v55, v54;
	v17 =	vadd.f32 v58, v17  }
0x247: {  	v61 =	vmul.f32 v56, v54;
	v16 =	vadd.f32 v59, v16  }
0x248: {  	v17 =	vadd.f32 v60, v17  }
0x249: {  	v16 =	vadd.f32 v61, v16  }
0x24a: {  	[tilespmem:v5+s23+$0x0] =	vst.idx.msk $0xffff, v17  }
0x24b: {  	[tilespmem:v5+s24+$0x0] =	vst.idx.msk $0xffff, v16  }
0x24c: {  	v16 =	vld [tilespmem:s0+$0x4900]  }
0x24d: {  	v17 =	vld [tilespmem:s0+$0xC940]  }
0x24e: {  	v62 =	vld [tilespmem:s0+$0x14940]  }
0x24f: {  	v63 =	vld [tilespmem:s0+$0x4910]  }
0x250: {  	v30 =	vld [tilespmem:s0+$0xC950]  }
0x251: {  	v31 =	vld [tilespmem:s0+$0x14950]  }
0x252: {  	v32 =	vld [tilespmem:s0+$0x4920]  }
0x253: {  	v33 =	vld [tilespmem:s0+$0xC960]  }
0x254: {  	v34 =	vld [tilespmem:s0+$0x14960]  }
0x255: {  	v35 =	vld [tilespmem:s0+$0x4930]  }
0x256: {  	v36 =	vld [tilespmem:s0+$0xC970]  }
0x257: {  	v37 =	vld [tilespmem:s0+$0x14970];
	v17 =	vmul.f32 v17, v16;
	v20 =	vmul.f32 v30, v63  }
0x258: {  	v16 =	vmul.f32 v62, v16;
	v38 =	vmul.f32 v31, v63  }
0x259: {  	v39 =	vmul.f32 v33, v32;
	v17 =	vadd.f32 v20, v17  }
0x25a: {  	v40 =	vmul.f32 v34, v32;
	v16 =	vadd.f32 v38, v16  }
0x25b: {  	v41 =	vmul.f32 v36, v35;
	v17 =	vadd.f32 v39, v17  }
0x25c: {  	v42 =	vmul.f32 v37, v35;
	v16 =	vadd.f32 v40, v16  }
0x25d: {  	v17 =	vadd.f32 v41, v17  }
0x25e: {  	v16 =	vadd.f32 v42, v16  }
0x25f: {  	[tilespmem:v6+s23+$0x0] =	vst.idx.msk $0xffff, v17  }
0x260: {  	[tilespmem:v6+s24+$0x0] =	vst.idx.msk $0xffff, v16  }
0x261: {  	v16 =	vld [tilespmem:s0+$0x4980]  }
0x262: {  	v17 =	vld [tilespmem:s0+$0xC9C0]  }
0x263: {  	v43 =	vld [tilespmem:s0+$0x149C0]  }
0x264: {  	v44 =	vld [tilespmem:s0+$0x4990]  }
0x265: {  	v45 =	vld [tilespmem:s0+$0xC9D0]  }
0x266: {  	v46 =	vld [tilespmem:s0+$0x149D0]  }
0x267: {  	v47 =	vld [tilespmem:s0+$0x49A0]  }
0x268: {  	v48 =	vld [tilespmem:s0+$0xC9E0]  }
0x269: {  	v49 =	vld [tilespmem:s0+$0x149E0]  }
0x26a: {  	v50 =	vld [tilespmem:s0+$0x49B0]  }
0x26b: {  	v51 =	vld [tilespmem:s0+$0xC9F0]  }
0x26c: {  	v52 =	vld [tilespmem:s0+$0x149F0];
	v17 =	vmul.f32 v17, v16;
	v20 =	vmul.f32 v45, v44  }
0x26d: {  	v16 =	vmul.f32 v43, v16;
	v53 =	vmul.f32 v46, v44  }
0x26e: {  	v54 =	vmul.f32 v48, v47;
	v17 =	vadd.f32 v20, v17  }
0x26f: {  	v55 =	vmul.f32 v49, v47;
	v16 =	vadd.f32 v53, v16  }
0x270: {  	v56 =	vmul.f32 v51, v50;
	v17 =	vadd.f32 v54, v17  }
0x271: {  	v57 =	vmul.f32 v52, v50;
	v16 =	vadd.f32 v55, v16  }
0x272: {  	v17 =	vadd.f32 v56, v17  }
0x273: {  	v16 =	vadd.f32 v57, v16  }
0x274: {  	[tilespmem:v7+s23+$0x0] =	vst.idx.msk $0xffff, v17  }
0x275: {  	[tilespmem:v7+s24+$0x0] =	vst.idx.msk $0xffff, v16  }
0x276: {  	v16 =	vld [tilespmem:s0+$0x4A00]  }
0x277: {  	v17 =	vld [tilespmem:s0+$0xCA40]  }
0x278: {  	v58 =	vld [tilespmem:s0+$0x14A40]  }
0x279: {  	v59 =	vld [tilespmem:s0+$0x4A10]  }
0x27a: {  	v60 =	vld [tilespmem:s0+$0xCA50]  }
0x27b: {  	v61 =	vld [tilespmem:s0+$0x14A50]  }
0x27c: {  	v62 =	vld [tilespmem:s0+$0x4A20]  }
0x27d: {  	v63 =	vld [tilespmem:s0+$0xCA60]  }
0x27e: {  	v30 =	vld [tilespmem:s0+$0x14A60]  }
0x27f: {  	v31 =	vld [tilespmem:s0+$0x4A30]  }
0x280: {  	v32 =	vld [tilespmem:s0+$0xCA70]  }
0x281: {  	v33 =	vld [tilespmem:s0+$0x14A70];
	v17 =	vmul.f32 v17, v16;
	v20 =	vmul.f32 v60, v59  }
0x282: {  	v16 =	vmul.f32 v58, v16;
	v34 =	vmul.f32 v61, v59  }
0x283: {  	v35 =	vmul.f32 v63, v62;
	v17 =	vadd.f32 v20, v17  }
0x284: {  	v36 =	vmul.f32 v30, v62;
	v16 =	vadd.f32 v34, v16  }
0x285: {  	v37 =	vmul.f32 v32, v31;
	v17 =	vadd.f32 v35, v17  }
0x286: {  	v38 =	vmul.f32 v33, v31;
	v16 =	vadd.f32 v36, v16  }
0x287: {  	v17 =	vadd.f32 v37, v17  }
0x288: {  	v16 =	vadd.f32 v38, v16  }
0x289: {  	[tilespmem:v8+s23+$0x0] =	vst.idx.msk $0xffff, v17  }
0x28a: {  	[tilespmem:v8+s24+$0x0] =	vst.idx.msk $0xffff, v16  }
0x28b: {  	v16 =	vld [tilespmem:s0+$0x4A80]  }
0x28c: {  	v17 =	vld [tilespmem:s0+$0xCAC0]  }
0x28d: {  	v39 =	vld [tilespmem:s0+$0x14AC0]  }
0x28e: {  	v40 =	vld [tilespmem:s0+$0x4A90]  }
0x28f: {  	v41 =	vld [tilespmem:s0+$0xCAD0]  }
0x290: {  	v42 =	vld [tilespmem:s0+$0x14AD0]  }
0x291: {  	v43 =	vld [tilespmem:s0+$0x4AA0]  }
0x292: {  	v44 =	vld [tilespmem:s0+$0xCAE0]  }
0x293: {  	v45 =	vld [tilespmem:s0+$0x14AE0]  }
0x294: {  	v46 =	vld [tilespmem:s0+$0x4AB0]  }
0x295: {  	v47 =	vld [tilespmem:s0+$0xCAF0]  }
0x296: {  	v48 =	vld [tilespmem:s0+$0x14AF0];
	v17 =	vmul.f32 v17, v16;
	v20 =	vmul.f32 v41, v40  }
0x297: {  	v16 =	vmul.f32 v39, v16;
	v49 =	vmul.f32 v42, v40  }
0x298: {  	v50 =	vmul.f32 v44, v43;
	v17 =	vadd.f32 v20, v17  }
0x299: {  	v51 =	vmul.f32 v45, v43;
	v16 =	vadd.f32 v49, v16  }
0x29a: {  	v52 =	vmul.f32 v47, v46;
	v17 =	vadd.f32 v50, v17  }
0x29b: {  	v53 =	vmul.f32 v48, v46;
	v16 =	vadd.f32 v51, v16  }
0x29c: {  	v17 =	vadd.f32 v52, v17  }
0x29d: {  	v16 =	vadd.f32 v53, v16  }
0x29e: {  	[tilespmem:v9+s23+$0x0] =	vst.idx.msk $0xffff, v17  }
0x29f: {  	[tilespmem:v9+s24+$0x0] =	vst.idx.msk $0xffff, v16  }
0x2a0: {  	v16 =	vld [tilespmem:s0+$0x4B00]  }
0x2a1: {  	v17 =	vld [tilespmem:s0+$0xCB40]  }
0x2a2: {  	v54 =	vld [tilespmem:s0+$0x14B40]  }
0x2a3: {  	v55 =	vld [tilespmem:s0+$0x4B10]  }
0x2a4: {  	v56 =	vld [tilespmem:s0+$0xCB50]  }
0x2a5: {  	v57 =	vld [tilespmem:s0+$0x14B50]  }
0x2a6: {  	v58 =	vld [tilespmem:s0+$0x4B20]  }
0x2a7: {  	v59 =	vld [tilespmem:s0+$0xCB60]  }
0x2a8: {  	v60 =	vld [tilespmem:s0+$0x14B60]  }
0x2a9: {  	v61 =	vld [tilespmem:s0+$0x4B30]  }
0x2aa: {  	v62 =	vld [tilespmem:s0+$0xCB70]  }
0x2ab: {  	v63 =	vld [tilespmem:s0+$0x14B70];
	v17 =	vmul.f32 v17, v16;
	v20 =	vmul.f32 v56, v55  }
0x2ac: {  	v16 =	vmul.f32 v54, v16;
	v21 =	vmul.f32 v57, v55  }
0x2ad: {  	v28 =	vmul.f32 v59, v58;
	v17 =	vadd.f32 v20, v17  }
0x2ae: {  	v29 =	vmul.f32 v60, v58;
	v16 =	vadd.f32 v21, v16  }
0x2af: {  	v30 =	vmul.f32 v62, v61;
	v17 =	vadd.f32 v28, v17  }
0x2b0: {  	v31 =	vmul.f32 v63, v61;
	v16 =	vadd.f32 v29, v16  }
0x2b1: {  	v17 =	vadd.f32 v30, v17  }
0x2b2: {  	v16 =	vadd.f32 v31, v16  }
0x2b3: {  	[tilespmem:v10+s23+$0x0] =	vst.idx.msk $0xffff, v17  }
0x2b4: {  	[tilespmem:v10+s24+$0x0] =	vst.idx.msk $0xffff, v16  }
0x2b5: {  	v16 =	vld [tilespmem:s0+$0x4B80]  }
0x2b6: {  	v17 =	vld [tilespmem:s0+$0xCBC0]  }
0x2b7: {  	v32 =	vld [tilespmem:s0+$0x14BC0]  }
0x2b8: {  	v33 =	vld [tilespmem:s0+$0x4B90]  }
0x2b9: {  	v34 =	vld [tilespmem:s0+$0xCBD0]  }
0x2ba: {  	v35 =	vld [tilespmem:s0+$0x14BD0]  }
0x2bb: {  	v36 =	vld [tilespmem:s0+$0x4BA0]  }
0x2bc: {  	v37 =	vld [tilespmem:s0+$0xCBE0]  }
0x2bd: {  	v38 =	vld [tilespmem:s0+$0x14BE0]  }
0x2be: {  	v39 =	vld [tilespmem:s0+$0x4BB0]  }
0x2bf: {  	v40 =	vld [tilespmem:s0+$0xCBF0]  }
0x2c0: {  	v41 =	vld [tilespmem:s0+$0x14BF0];
	v17 =	vmul.f32 v17, v16;
	v20 =	vmul.f32 v34, v33  }
0x2c1: {  	v16 =	vmul.f32 v32, v16;
	v42 =	vmul.f32 v35, v33  }
0x2c2: {  	v43 =	vmul.f32 v37, v36;
	v17 =	vadd.f32 v20, v17  }
0x2c3: {  	v44 =	vmul.f32 v38, v36;
	v16 =	vadd.f32 v42, v16  }
0x2c4: {  	v45 =	vmul.f32 v40, v39;
	v17 =	vadd.f32 v43, v17  }
0x2c5: {  	v46 =	vmul.f32 v41, v39;
	v16 =	vadd.f32 v44, v16  }
0x2c6: {  	v17 =	vadd.f32 v45, v17  }
0x2c7: {  	v16 =	vadd.f32 v46, v16  }
0x2c8: {  	[tilespmem:v11+s23+$0x0] =	vst.idx.msk $0xffff, v17  }
0x2c9: {  	[tilespmem:v11+s24+$0x0] =	vst.idx.msk $0xffff, v16  }
0x2ca: {  	v16 =	vld [tilespmem:s0+$0x4C00]  }
0x2cb: {  	v17 =	vld [tilespmem:s0+$0xCC40]  }
0x2cc: {  	v47 =	vld [tilespmem:s0+$0x14C40]  }
0x2cd: {  	v48 =	vld [tilespmem:s0+$0x4C10]  }
0x2ce: {  	v49 =	vld [tilespmem:s0+$0xCC50]  }
0x2cf: {  	v50 =	vld [tilespmem:s0+$0x14C50]  }
0x2d0: {  	v51 =	vld [tilespmem:s0+$0x4C20]  }
0x2d1: {  	v52 =	vld [tilespmem:s0+$0xCC60]  }
0x2d2: {  	v53 =	vld [tilespmem:s0+$0x14C60]  }
0x2d3: {  	v54 =	vld [tilespmem:s0+$0x4C30]  }
0x2d4: {  	v55 =	vld [tilespmem:s0+$0xCC70]  }
0x2d5: {  	v56 =	vld [tilespmem:s0+$0x14C70];
	v17 =	vmul.f32 v17, v16;
	v20 =	vmul.f32 v49, v48  }
0x2d6: {  	v16 =	vmul.f32 v47, v16;
	v57 =	vmul.f32 v50, v48  }
0x2d7: {  	v58 =	vmul.f32 v52, v51;
	v17 =	vadd.f32 v20, v17  }
0x2d8: {  	v59 =	vmul.f32 v53, v51;
	v16 =	vadd.f32 v57, v16  }
0x2d9: {  	v60 =	vmul.f32 v55, v54;
	v17 =	vadd.f32 v58, v17  }
0x2da: {  	v61 =	vmul.f32 v56, v54;
	v16 =	vadd.f32 v59, v16  }
0x2db: {  	v17 =	vadd.f32 v60, v17  }
0x2dc: {  	v16 =	vadd.f32 v61, v16  }
0x2dd: {  	[tilespmem:v12+s23+$0x0] =	vst.idx.msk $0xffff, v17  }
0x2de: {  	[tilespmem:v12+s24+$0x0] =	vst.idx.msk $0xffff, v16  }
0x2df: {  	v16 =	vld [tilespmem:s0+$0x4C80]  }
0x2e0: {  	v17 =	vld [tilespmem:s0+$0xCCC0]  }
0x2e1: {  	v62 =	vld [tilespmem:s0+$0x14CC0]  }
0x2e2: {  	v63 =	vld [tilespmem:s0+$0x4C90]  }
0x2e3: {  	v29 =	vld [tilespmem:s0+$0xCCD0]  }
0x2e4: {  	v30 =	vld [tilespmem:s0+$0x14CD0]  }
0x2e5: {  	v31 =	vld [tilespmem:s0+$0x4CA0]  }
0x2e6: {  	v32 =	vld [tilespmem:s0+$0xCCE0]  }
0x2e7: {  	v33 =	vld [tilespmem:s0+$0x14CE0]  }
0x2e8: {  	v34 =	vld [tilespmem:s0+$0x4CB0]  }
0x2e9: {  	v35 =	vld [tilespmem:s0+$0xCCF0]  }
0x2ea: {  	v36 =	vld [tilespmem:s0+$0x14CF0];
	v17 =	vmul.f32 v17, v16;
	v20 =	vmul.f32 v29, v63  }
0x2eb: {  	v16 =	vmul.f32 v62, v16;
	v37 =	vmul.f32 v30, v63  }
0x2ec: {  	v38 =	vmul.f32 v32, v31;
	v17 =	vadd.f32 v20, v17  }
0x2ed: {  	v39 =	vmul.f32 v33, v31;
	v16 =	vadd.f32 v37, v16  }
0x2ee: {  	v40 =	vmul.f32 v35, v34;
	v17 =	vadd.f32 v38, v17  }
0x2ef: {  	v41 =	vmul.f32 v36, v34;
	v16 =	vadd.f32 v39, v16  }
0x2f0: {  	v17 =	vadd.f32 v40, v17  }
0x2f1: {  	v16 =	vadd.f32 v41, v16  }
0x2f2: {  	[tilespmem:v13+s23+$0x0] =	vst.idx.msk $0xffff, v17  }
0x2f3: {  	[tilespmem:v13+s24+$0x0] =	vst.idx.msk $0xffff, v16  }
0x2f4: {  	v16 =	vld [tilespmem:s0+$0x4D00]  }
0x2f5: {  	v17 =	vld [tilespmem:s0+$0xCD40]  }
0x2f6: {  	v42 =	vld [tilespmem:s0+$0x14D40]  }
0x2f7: {  	v43 =	vld [tilespmem:s0+$0x4D10]  }
0x2f8: {  	v44 =	vld [tilespmem:s0+$0xCD50]  }
0x2f9: {  	v45 =	vld [tilespmem:s0+$0x14D50]  }
0x2fa: {  	v46 =	vld [tilespmem:s0+$0x4D20]  }
0x2fb: {  	v47 =	vld [tilespmem:s0+$0xCD60]  }
0x2fc: {  	v48 =	vld [tilespmem:s0+$0x14D60]  }
0x2fd: {  	v49 =	vld [tilespmem:s0+$0x4D30]  }
0x2fe: {  	v50 =	vld [tilespmem:s0+$0xCD70]  }
0x2ff: {  	v51 =	vld [tilespmem:s0+$0x14D70];
	v17 =	vmul.f32 v17, v16;
	v20 =	vmul.f32 v44, v43  }
0x300: {  	v16 =	vmul.f32 v42, v16;
	v52 =	vmul.f32 v45, v43  }
0x301: {  	v53 =	vmul.f32 v47, v46;
	v17 =	vadd.f32 v20, v17  }
0x302: {  	v54 =	vmul.f32 v48, v46;
	v16 =	vadd.f32 v52, v16  }
0x303: {  	v55 =	vmul.f32 v50, v49;
	v17 =	vadd.f32 v53, v17  }
0x304: {  	v56 =	vmul.f32 v51, v49;
	v16 =	vadd.f32 v54, v16  }
0x305: {  	v17 =	vadd.f32 v55, v17  }
0x306: {  	v16 =	vadd.f32 v56, v16  }
0x307: {  	[tilespmem:v14+s23+$0x0] =	vst.idx.msk $0xffff, v17  }
0x308: {  	[tilespmem:v14+s24+$0x0] =	vst.idx.msk $0xffff, v16  }
0x309: {  	v16 =	vld [tilespmem:s0+$0x4D80]  }
0x30a: {  	v17 =	vld [tilespmem:s0+$0xCDC0]  }
0x30b: {  	v57 =	vld [tilespmem:s0+$0x14DC0]  }
0x30c: {  	v58 =	vld [tilespmem:s0+$0x4D90]  }
0x30d: {  	v59 =	vld [tilespmem:s0+$0xCDD0]  }
0x30e: {  	v60 =	vld [tilespmem:s0+$0x14DD0]  }
0x30f: {  	v61 =	vld [tilespmem:s0+$0x4DA0]  }
0x310: {  	v62 =	vld [tilespmem:s0+$0xCDE0]  }
0x311: {  	v63 =	vld [tilespmem:s0+$0x14DE0]  }
0x312: {  	v30 =	vld [tilespmem:s0+$0x4DB0]  }
0x313: {  	v31 =	vld [tilespmem:s0+$0xCDF0]  }
0x314: {  	v32 =	vld [tilespmem:s0+$0x14DF0];
	v17 =	vmul.f32 v17, v16;
	v20 =	vmul.f32 v59, v58  }
0x315: {  	v16 =	vmul.f32 v57, v16;
	v33 =	vmul.f32 v60, v58  }
0x316: {  	v34 =	vmul.f32 v62, v61;
	v17 =	vadd.f32 v20, v17  }
0x317: {  	v35 =	vmul.f32 v63, v61;
	v16 =	vadd.f32 v33, v16  }
0x318: {  	v36 =	vmul.f32 v31, v30;
	v17 =	vadd.f32 v34, v17  }
0x319: {  	v37 =	vmul.f32 v32, v30;
	v16 =	vadd.f32 v35, v16  }
0x31a: {  	v17 =	vadd.f32 v36, v17  }
0x31b: {  	v16 =	vadd.f32 v37, v16  }
0x31c: {  	[tilespmem:v15+s23+$0x0] =	vst.idx.msk $0xffff, v17  }
0x31d: {  	[tilespmem:v15+s24+$0x0] =	vst.idx.msk $0xffff, v16  }
0x31e: {  	v16 =	vld [tilespmem:$0x18A00]  }
0x31f: {  	v17 =	vld [tilespmem:$0x18A11];
	_ =	sdelay $0x1  }
0x320: {  	v38 =	vld [tilespmem:$0x18A22];
	_ =	sdelay $0x1  }
0x321: {  	v39 =	vld [tilespmem:$0x18A33]  }
0x322: {  	v16 =	vadd.f32 v17, v16  }
0x323: {  	v17 =	vld [tilespmem:$0x18A44]  }
0x324: {  	v16 =	vadd.f32 v38, v16  }
0x325: {  	v40 =	vld [tilespmem:$0x18A55]  }
0x326: {  	v16 =	vadd.f32 v39, v16  }
0x327: {  	v41 =	vld [tilespmem:$0x18A66]  }
0x328: {  	v42 =	vld [tilespmem:$0x18B80];
	v16 =	vadd.f32 v17, v16  }
0x329: {  	v17 =	vld [tilespmem:$0x18A77]  }
0x32a: {  	v43 =	vld [tilespmem:$0x18B91];
	v16 =	vadd.f32 v40, v16  }
0x32b: {  	v44 =	vld [tilespmem:$0x18A88]  }
0x32c: {  	v45 =	vld [tilespmem:$0x18BA2];
	v16 =	vadd.f32 v41, v16  }
0x32d: {  	v46 =	vld [tilespmem:$0x18A99]  }
0x32e: {  	v16 =	vadd.f32 v17, v16;
	v17 =	vld [tilespmem:$0x18BB3]  }
0x32f: {  	v47 =	vld [tilespmem:$0x18AAA];
	v20 =	vadd.f32 v43, v42  }
0x330: {  	v48 =	vld [tilespmem:$0x18BC4];
	v16 =	vadd.f32 v44, v16  }
0x331: {  	v49 =	vld [tilespmem:$0x18ABB];
	v20 =	vadd.f32 v45, v20  }
0x332: {  	v50 =	vld [tilespmem:$0x18BD5];
	v16 =	vadd.f32 v46, v16  }
0x333: {  	v51 =	vld [tilespmem:$0x18ACC];
	v17 =	vadd.f32 v17, v20  }
0x334: {  	v52 =	vld [tilespmem:$0x18BE6];
	v16 =	vadd.f32 v47, v16  }
0x335: {  	v53 =	vld [tilespmem:$0x18ADD];
	v17 =	vadd.f32 v48, v17  }
0x336: {  	v54 =	vld [tilespmem:$0x18BF7];
	v16 =	vadd.f32 v49, v16  }
0x337: {  	v55 =	vld [tilespmem:$0x18AEE];
	v17 =	vadd.f32 v50, v17  }
0x338: {  	v56 =	vld [tilespmem:$0x18C08];
	v16 =	vadd.f32 v51, v16  }
0x339: {  	v57 =	vld [tilespmem:$0x18AFF];
	v17 =	vadd.f32 v52, v17  }
0x33a: {  	v58 =	vld [tilespmem:$0x18C19];
	v16 =	vadd.f32 v53, v16  }
0x33b: {  	v17 =	vadd.f32 v54, v17  }
0x33c: {  	v59 =	vld [tilespmem:$0x18C2A];
	v16 =	vadd.f32 v55, v16  }
0x33d: {  	v17 =	vadd.f32 v56, v17  }
0x33e: {  	v60 =	vld [tilespmem:$0x18C3B];
	v16 =	vadd.f32 v57, v16  }
0x33f: {  	v17 =	vadd.f32 v58, v17  }
0x340: {  	v61 =	vld [tilespmem:$0x18C4C];
	v16 =	vsub.f32 $0.0e+00, v16  }
0x341: {  	v17 =	vadd.f32 v59, v17  }
0x342: {  	v62 =	vld [tilespmem:$0x18C5D];
	v16 =	vmul.f32 $1.442695020e+00, v16  }
0x343: {  	v17 =	vadd.f32 v60, v17  }
0x344: {  	(erf) = vpow2.f32 v16;
	v16 =	vld [tilespmem:$0x18C6E]  }
0x345: {  	v17 =	vadd.f32 v61, v17  }
0x346: {  	v63 =	vld [tilespmem:$0x18C7F]  }
0x347: {  	v17 =	vadd.f32 v62, v17;
	_ =	sdelay $0x1  }
0x348: {  	v16 =	vadd.f32 v16, v17;
	_ =	sdelay $0x1  }
0x349: {  	v16 =	vadd.f32 v63, v16;
	_ =	sdelay $0x1  }
0x34a: {  	v17 =	vpop (erf);
	v16 =	vsub.f32 $0.0e+00, v16  }
0x34b: {  	v17 =	vadd.f32 $1.000000000e+00, v17  }
0x34c: {  	v16 =	vmul.f32 $1.442695020e+00, v16  }
0x34d: {  	(erf) = vrcp.f32 v17  }
0x34e: {  	(erf) = vpow2.f32 v16;
	_ =	sdelay $0x7  }
0x34f: {  	v16 =	vpop (erf)  }
0x350: {  	v17 =	vpop (erf)  }
0x351: {  	v17 =	vadd.f32 $1.000000000e+00, v17;
	_ =	sdelay $0x1  }
0x352: {  	(erf) = vrcp.f32 v17;
	_ =	sdelay $0x4  }
0x353: {  	p0 =	sne.s32 s28, $0xE000  }
.Ltmp1:
0x354: {  	_ = 	snop;
	(pc) =	sbr.rel @p0 .LBB2_4-.Ltmp1, $3  }
0x355: {  	_ =	sdelay $0x1  }
0x356: {  	[tilespmem:s30+$0x0] =	vst v16;
	v16 =	vpop (erf)  }
0x357: {  	s28 =	sadd.s32 $0x2000, s28;
	s30 =	sadd.s32 $0x10, s30;
	[tilespmem:s31+$0x0] =	vst v16;
	s31 =	sadd.s32 $0x10, s31  }
0x358: {  	s0 =	simm.s32 $0x180  }
0x359: {  	[tilespmem:s17], [sflag:$0x4] =	stream.indirect.gather [hbm4b:s1+s13], $0x80, s0, s13, $0xb8;
	[tilespmem:$0x18D00] =	vst v63  }
0x35a: {  	s0 =	simm.s32 $0x380  }
0x35b: {  	[tilespmem:s19], [sflag:$0x4] =	stream.indirect.gather [hbm4b:s1+s13], $0x80, s0, s13, $0xb8;
	[tilespmem:$0x18D00] =	vst v63  }
0x35c: {  	s0 =	simm.s32 $0x580  }
0x35d: {  	[tilespmem:s21], [sflag:$0x4] =	stream.indirect.gather [hbm4b:s1+s13], $0x80, s0, s13, $0xb8;
	[tilespmem:$0x18D00] =	vst v63  }
0x35e: {  	_ =	swait.ge [sflag:s2], $0x4000  }
0x35f: {  	[sflag:s2] =	ssyncset.done $0x0  }
0x360: {  	[sflag:s2] =	ssyncadd.s32 $0xFFFFC000  }
0x361: {  	_ =	swait.ge [sflag:s2], $0x4000  }
0x362: {  	[sflag:s2] =	ssyncset.done $0x0  }
0x363: {  	[sflag:s2] =	ssyncadd.s32 $0xFFFFC000  }
0x364: {  	_ =	swait.ge [sflag:s2], $0x4000  }
0x365: {  	s28 =	simm.s32 $0x0;
	[sflag:s2] =	ssyncset.done $0x0  }
0x366: {  	s30 =	simm.s32 $0x18700;
	s31 =	simm.s32 $0x18900;
	[sflag:s2] =	ssyncadd.s32 $0xFFFFC000  }
.LBB2_6:
0x367: {  	s0 =	sshra.s32 s28, $0x2  }
0x368: {  	v16 =	vld [tilespmem:s0+$0x600]  }
0x369: {  	v17 =	vld [tilespmem:s0+$0x8640]  }
0x36a: {  	v18 =	vld [tilespmem:s0+$0x10640]  }
0x36b: {  	v19 =	vld [tilespmem:s0+$0x610]  }
0x36c: {  	v20 =	vld [tilespmem:s0+$0x8650]  }
0x36d: {  	v21 =	vld [tilespmem:s0+$0x10650]  }
0x36e: {  	v22 =	vld [tilespmem:s0+$0x620]  }
0x36f: {  	v23 =	vld [tilespmem:s0+$0x8660]  }
0x370: {  	v24 =	vld [tilespmem:s0+$0x10660]  }
0x371: {  	v25 =	vld [tilespmem:s0+$0x630]  }
0x372: {  	v26 =	vld [tilespmem:s0+$0x8670]  }
0x373: {  	v27 =	vld [tilespmem:s0+$0x10670];
	v17 =	vmul.f32 v17, v16;
	v20 =	vmul.f32 v20, v19  }
0x374: {  	v16 =	vmul.f32 v18, v16;
	v53 =	vmul.f32 v21, v19  }
0x375: {  	v54 =	vmul.f32 v23, v22;
	v17 =	vadd.f32 v20, v17  }
0x376: {  	v55 =	vmul.f32 v24, v22;
	v16 =	vadd.f32 v53, v16  }
0x377: {  	v56 =	vmul.f32 v26, v25;
	v17 =	vadd.f32 v54, v17  }
0x378: {  	v57 =	vmul.f32 v27, v25;
	v16 =	vadd.f32 v55, v16  }
0x379: {  	v17 =	vadd.f32 v56, v17  }
0x37a: {  	v16 =	vadd.f32 v57, v16  }
0x37b: {  	[tilespmem:v0+s23+$0x0] =	vst.idx.msk $0xffff, v17  }
0x37c: {  	[tilespmem:v0+s24+$0x0] =	vst.idx.msk $0xffff, v16  }
0x37d: {  	v16 =	vld [tilespmem:s0+$0x680]  }
0x37e: {  	v17 =	vld [tilespmem:s0+$0x86C0]  }
0x37f: {  	v58 =	vld [tilespmem:s0+$0x106C0]  }
0x380: {  	v59 =	vld [tilespmem:s0+$0x690]  }
0x381: {  	v60 =	vld [tilespmem:s0+$0x86D0]  }
0x382: {  	v61 =	vld [tilespmem:s0+$0x106D0]  }
0x383: {  	v62 =	vld [tilespmem:s0+$0x6A0]  }
0x384: {  	v63 =	vld [tilespmem:s0+$0x86E0]  }
0x385: {  	v30 =	vld [tilespmem:s0+$0x106E0]  }
0x386: {  	v31 =	vld [tilespmem:s0+$0x6B0]  }
0x387: {  	v32 =	vld [tilespmem:s0+$0x86F0]  }
0x388: {  	v33 =	vld [tilespmem:s0+$0x106F0];
	v17 =	vmul.f32 v17, v16;
	v20 =	vmul.f32 v60, v59  }
0x389: {  	v16 =	vmul.f32 v58, v16;
	v34 =	vmul.f32 v61, v59  }
0x38a: {  	v35 =	vmul.f32 v63, v62;
	v17 =	vadd.f32 v20, v17  }
0x38b: {  	v36 =	vmul.f32 v30, v62;
	v16 =	vadd.f32 v34, v16  }
0x38c: {  	v37 =	vmul.f32 v32, v31;
	v17 =	vadd.f32 v35, v17  }
0x38d: {  	v38 =	vmul.f32 v33, v31;
	v16 =	vadd.f32 v36, v16  }
0x38e: {  	v17 =	vadd.f32 v37, v17  }
0x38f: {  	v16 =	vadd.f32 v38, v16  }
0x390: {  	[tilespmem:v1+s23+$0x0] =	vst.idx.msk $0xffff, v17  }
0x391: {  	[tilespmem:v1+s24+$0x0] =	vst.idx.msk $0xffff, v16  }
0x392: {  	v16 =	vld [tilespmem:s0+$0x700]  }
0x393: {  	v17 =	vld [tilespmem:s0+$0x8740]  }
0x394: {  	v39 =	vld [tilespmem:s0+$0x10740]  }
0x395: {  	v40 =	vld [tilespmem:s0+$0x710]  }
0x396: {  	v41 =	vld [tilespmem:s0+$0x8750]  }
0x397: {  	v42 =	vld [tilespmem:s0+$0x10750]  }
0x398: {  	v43 =	vld [tilespmem:s0+$0x720]  }
0x399: {  	v44 =	vld [tilespmem:s0+$0x8760]  }
0x39a: {  	v45 =	vld [tilespmem:s0+$0x10760]  }
0x39b: {  	v46 =	vld [tilespmem:s0+$0x730]  }
0x39c: {  	v47 =	vld [tilespmem:s0+$0x8770]  }
0x39d: {  	v48 =	vld [tilespmem:s0+$0x10770];
	v17 =	vmul.f32 v17, v16;
	v20 =	vmul.f32 v41, v40  }
0x39e: {  	v16 =	vmul.f32 v39, v16;
	v49 =	vmul.f32 v42, v40  }
0x39f: {  	v50 =	vmul.f32 v44, v43;
	v17 =	vadd.f32 v20, v17  }
0x3a0: {  	v51 =	vmul.f32 v45, v43;
	v16 =	vadd.f32 v49, v16  }
0x3a1: {  	v52 =	vmul.f32 v47, v46;
	v17 =	vadd.f32 v50, v17  }
0x3a2: {  	v53 =	vmul.f32 v48, v46;
	v16 =	vadd.f32 v51, v16  }
0x3a3: {  	v17 =	vadd.f32 v52, v17  }
0x3a4: {  	v16 =	vadd.f32 v53, v16  }
0x3a5: {  	[tilespmem:v2+s23+$0x0] =	vst.idx.msk $0xffff, v17  }
0x3a6: {  	[tilespmem:v2+s24+$0x0] =	vst.idx.msk $0xffff, v16  }
0x3a7: {  	v16 =	vld [tilespmem:s0+$0x780]  }
0x3a8: {  	v17 =	vld [tilespmem:s0+$0x87C0]  }
0x3a9: {  	v54 =	vld [tilespmem:s0+$0x107C0]  }
0x3aa: {  	v55 =	vld [tilespmem:s0+$0x790]  }
0x3ab: {  	v56 =	vld [tilespmem:s0+$0x87D0]  }
0x3ac: {  	v57 =	vld [tilespmem:s0+$0x107D0]  }
0x3ad: {  	v58 =	vld [tilespmem:s0+$0x7A0]  }
0x3ae: {  	v59 =	vld [tilespmem:s0+$0x87E0]  }
0x3af: {  	v60 =	vld [tilespmem:s0+$0x107E0]  }
0x3b0: {  	v61 =	vld [tilespmem:s0+$0x7B0]  }
0x3b1: {  	v62 =	vld [tilespmem:s0+$0x87F0]  }
0x3b2: {  	v63 =	vld [tilespmem:s0+$0x107F0];
	v17 =	vmul.f32 v17, v16;
	v20 =	vmul.f32 v56, v55  }
0x3b3: {  	v16 =	vmul.f32 v54, v16;
	v21 =	vmul.f32 v57, v55  }
0x3b4: {  	v28 =	vmul.f32 v59, v58;
	v17 =	vadd.f32 v20, v17  }
0x3b5: {  	v29 =	vmul.f32 v60, v58;
	v16 =	vadd.f32 v21, v16  }
0x3b6: {  	v30 =	vmul.f32 v62, v61;
	v17 =	vadd.f32 v28, v17  }
0x3b7: {  	v31 =	vmul.f32 v63, v61;
	v16 =	vadd.f32 v29, v16  }
0x3b8: {  	v17 =	vadd.f32 v30, v17  }
0x3b9: {  	v16 =	vadd.f32 v31, v16  }
0x3ba: {  	[tilespmem:v3+s23+$0x0] =	vst.idx.msk $0xffff, v17  }
0x3bb: {  	[tilespmem:v3+s24+$0x0] =	vst.idx.msk $0xffff, v16  }
0x3bc: {  	v16 =	vld [tilespmem:s0+$0x800]  }
0x3bd: {  	v17 =	vld [tilespmem:s0+$0x8840]  }
0x3be: {  	v32 =	vld [tilespmem:s0+$0x10840]  }
0x3bf: {  	v33 =	vld [tilespmem:s0+$0x810]  }
0x3c0: {  	v34 =	vld [tilespmem:s0+$0x8850]  }
0x3c1: {  	v35 =	vld [tilespmem:s0+$0x10850]  }
0x3c2: {  	v36 =	vld [tilespmem:s0+$0x820]  }
0x3c3: {  	v37 =	vld [tilespmem:s0+$0x8860]  }
0x3c4: {  	v38 =	vld [tilespmem:s0+$0x10860]  }
0x3c5: {  	v39 =	vld [tilespmem:s0+$0x830]  }
0x3c6: {  	v40 =	vld [tilespmem:s0+$0x8870]  }
0x3c7: {  	v41 =	vld [tilespmem:s0+$0x10870];
	v17 =	vmul.f32 v17, v16;
	v20 =	vmul.f32 v34, v33  }
0x3c8: {  	v16 =	vmul.f32 v32, v16;
	v42 =	vmul.f32 v35, v33  }
0x3c9: {  	v43 =	vmul.f32 v37, v36;
	v17 =	vadd.f32 v20, v17  }
0x3ca: {  	v44 =	vmul.f32 v38, v36;
	v16 =	vadd.f32 v42, v16  }
0x3cb: {  	v45 =	vmul.f32 v40, v39;
	v17 =	vadd.f32 v43, v17  }
0x3cc: {  	v46 =	vmul.f32 v41, v39;
	v16 =	vadd.f32 v44, v16  }
0x3cd: {  	v17 =	vadd.f32 v45, v17  }
0x3ce: {  	v16 =	vadd.f32 v46, v16  }
0x3cf: {  	[tilespmem:v4+s23+$0x0] =	vst.idx.msk $0xffff, v17  }
0x3d0: {  	[tilespmem:v4+s24+$0x0] =	vst.idx.msk $0xffff, v16  }
0x3d1: {  	v16 =	vld [tilespmem:s0+$0x880]  }
0x3d2: {  	v17 =	vld [tilespmem:s0+$0x88C0]  }
0x3d3: {  	v47 =	vld [tilespmem:s0+$0x108C0]  }
0x3d4: {  	v48 =	vld [tilespmem:s0+$0x890]  }
0x3d5: {  	v49 =	vld [tilespmem:s0+$0x88D0]  }
0x3d6: {  	v50 =	vld [tilespmem:s0+$0x108D0]  }
0x3d7: {  	v51 =	vld [tilespmem:s0+$0x8A0]  }
0x3d8: {  	v52 =	vld [tilespmem:s0+$0x88E0]  }
0x3d9: {  	v53 =	vld [tilespmem:s0+$0x108E0]  }
0x3da: {  	v54 =	vld [tilespmem:s0+$0x8B0]  }
0x3db: {  	v55 =	vld [tilespmem:s0+$0x88F0]  }
0x3dc: {  	v56 =	vld [tilespmem:s0+$0x108F0];
	v17 =	vmul.f32 v17, v16;
	v20 =	vmul.f32 v49, v48  }
0x3dd: {  	v16 =	vmul.f32 v47, v16;
	v57 =	vmul.f32 v50, v48  }
0x3de: {  	v58 =	vmul.f32 v52, v51;
	v17 =	vadd.f32 v20, v17  }
0x3df: {  	v59 =	vmul.f32 v53, v51;
	v16 =	vadd.f32 v57, v16  }
0x3e0: {  	v60 =	vmul.f32 v55, v54;
	v17 =	vadd.f32 v58, v17  }
0x3e1: {  	v61 =	vmul.f32 v56, v54;
	v16 =	vadd.f32 v59, v16  }
0x3e2: {  	v17 =	vadd.f32 v60, v17  }
0x3e3: {  	v16 =	vadd.f32 v61, v16  }
0x3e4: {  	[tilespmem:v5+s23+$0x0] =	vst.idx.msk $0xffff, v17  }
0x3e5: {  	[tilespmem:v5+s24+$0x0] =	vst.idx.msk $0xffff, v16  }
0x3e6: {  	v16 =	vld [tilespmem:s0+$0x900]  }
0x3e7: {  	v17 =	vld [tilespmem:s0+$0x8940]  }
0x3e8: {  	v62 =	vld [tilespmem:s0+$0x10940]  }
0x3e9: {  	v63 =	vld [tilespmem:s0+$0x910]  }
0x3ea: {  	v30 =	vld [tilespmem:s0+$0x8950]  }
0x3eb: {  	v31 =	vld [tilespmem:s0+$0x10950]  }
0x3ec: {  	v32 =	vld [tilespmem:s0+$0x920]  }
0x3ed: {  	v33 =	vld [tilespmem:s0+$0x8960]  }
0x3ee: {  	v34 =	vld [tilespmem:s0+$0x10960]  }
0x3ef: {  	v35 =	vld [tilespmem:s0+$0x930]  }
0x3f0: {  	v36 =	vld [tilespmem:s0+$0x8970]  }
0x3f1: {  	v37 =	vld [tilespmem:s0+$0x10970];
	v17 =	vmul.f32 v17, v16;
	v20 =	vmul.f32 v30, v63  }
0x3f2: {  	v16 =	vmul.f32 v62, v16;
	v38 =	vmul.f32 v31, v63  }
0x3f3: {  	v39 =	vmul.f32 v33, v32;
	v17 =	vadd.f32 v20, v17  }
0x3f4: {  	v40 =	vmul.f32 v34, v32;
	v16 =	vadd.f32 v38, v16  }
0x3f5: {  	v41 =	vmul.f32 v36, v35;
	v17 =	vadd.f32 v39, v17  }
0x3f6: {  	v42 =	vmul.f32 v37, v35;
	v16 =	vadd.f32 v40, v16  }
0x3f7: {  	v17 =	vadd.f32 v41, v17  }
0x3f8: {  	v16 =	vadd.f32 v42, v16  }
0x3f9: {  	[tilespmem:v6+s23+$0x0] =	vst.idx.msk $0xffff, v17  }
0x3fa: {  	[tilespmem:v6+s24+$0x0] =	vst.idx.msk $0xffff, v16  }
0x3fb: {  	v16 =	vld [tilespmem:s0+$0x980]  }
0x3fc: {  	v17 =	vld [tilespmem:s0+$0x89C0]  }
0x3fd: {  	v43 =	vld [tilespmem:s0+$0x109C0]  }
0x3fe: {  	v44 =	vld [tilespmem:s0+$0x990]  }
0x3ff: {  	v45 =	vld [tilespmem:s0+$0x89D0]  }
0x400: {  	v46 =	vld [tilespmem:s0+$0x109D0]  }
0x401: {  	v47 =	vld [tilespmem:s0+$0x9A0]  }
0x402: {  	v48 =	vld [tilespmem:s0+$0x89E0]  }
0x403: {  	v49 =	vld [tilespmem:s0+$0x109E0]  }
0x404: {  	v50 =	vld [tilespmem:s0+$0x9B0]  }
0x405: {  	v51 =	vld [tilespmem:s0+$0x89F0]  }
0x406: {  	v52 =	vld [tilespmem:s0+$0x109F0];
	v17 =	vmul.f32 v17, v16;
	v20 =	vmul.f32 v45, v44  }
0x407: {  	v16 =	vmul.f32 v43, v16;
	v53 =	vmul.f32 v46, v44  }
0x408: {  	v54 =	vmul.f32 v48, v47;
	v17 =	vadd.f32 v20, v17  }
0x409: {  	v55 =	vmul.f32 v49, v47;
	v16 =	vadd.f32 v53, v16  }
0x40a: {  	v56 =	vmul.f32 v51, v50;
	v17 =	vadd.f32 v54, v17  }
0x40b: {  	v57 =	vmul.f32 v52, v50;
	v16 =	vadd.f32 v55, v16  }
0x40c: {  	v17 =	vadd.f32 v56, v17  }
0x40d: {  	v16 =	vadd.f32 v57, v16  }
0x40e: {  	[tilespmem:v7+s23+$0x0] =	vst.idx.msk $0xffff, v17  }
0x40f: {  	[tilespmem:v7+s24+$0x0] =	vst.idx.msk $0xffff, v16  }
0x410: {  	v16 =	vld [tilespmem:s0+$0xA00]  }
0x411: {  	v17 =	vld [tilespmem:s0+$0x8A40]  }
0x412: {  	v58 =	vld [tilespmem:s0+$0x10A40]  }
0x413: {  	v59 =	vld [tilespmem:s0+$0xA10]  }
0x414: {  	v60 =	vld [tilespmem:s0+$0x8A50]  }
0x415: {  	v61 =	vld [tilespmem:s0+$0x10A50]  }
0x416: {  	v62 =	vld [tilespmem:s0+$0xA20]  }
0x417: {  	v63 =	vld [tilespmem:s0+$0x8A60]  }
0x418: {  	v30 =	vld [tilespmem:s0+$0x10A60]  }
0x419: {  	v31 =	vld [tilespmem:s0+$0xA30]  }
0x41a: {  	v32 =	vld [tilespmem:s0+$0x8A70]  }
0x41b: {  	v33 =	vld [tilespmem:s0+$0x10A70];
	v17 =	vmul.f32 v17, v16;
	v20 =	vmul.f32 v60, v59  }
0x41c: {  	v16 =	vmul.f32 v58, v16;
	v34 =	vmul.f32 v61, v59  }
0x41d: {  	v35 =	vmul.f32 v63, v62;
	v17 =	vadd.f32 v20, v17  }
0x41e: {  	v36 =	vmul.f32 v30, v62;
	v16 =	vadd.f32 v34, v16  }
0x41f: {  	v37 =	vmul.f32 v32, v31;
	v17 =	vadd.f32 v35, v17  }
0x420: {  	v38 =	vmul.f32 v33, v31;
	v16 =	vadd.f32 v36, v16  }
0x421: {  	v17 =	vadd.f32 v37, v17  }
0x422: {  	v16 =	vadd.f32 v38, v16  }
0x423: {  	[tilespmem:v8+s23+$0x0] =	vst.idx.msk $0xffff, v17  }
0x424: {  	[tilespmem:v8+s24+$0x0] =	vst.idx.msk $0xffff, v16  }
0x425: {  	v16 =	vld [tilespmem:s0+$0xA80]  }
0x426: {  	v17 =	vld [tilespmem:s0+$0x8AC0]  }
0x427: {  	v39 =	vld [tilespmem:s0+$0x10AC0]  }
0x428: {  	v40 =	vld [tilespmem:s0+$0xA90]  }
0x429: {  	v41 =	vld [tilespmem:s0+$0x8AD0]  }
0x42a: {  	v42 =	vld [tilespmem:s0+$0x10AD0]  }
0x42b: {  	v43 =	vld [tilespmem:s0+$0xAA0]  }
0x42c: {  	v44 =	vld [tilespmem:s0+$0x8AE0]  }
0x42d: {  	v45 =	vld [tilespmem:s0+$0x10AE0]  }
0x42e: {  	v46 =	vld [tilespmem:s0+$0xAB0]  }
0x42f: {  	v47 =	vld [tilespmem:s0+$0x8AF0]  }
0x430: {  	v48 =	vld [tilespmem:s0+$0x10AF0];
	v17 =	vmul.f32 v17, v16;
	v20 =	vmul.f32 v41, v40  }
0x431: {  	v16 =	vmul.f32 v39, v16;
	v49 =	vmul.f32 v42, v40  }
0x432: {  	v50 =	vmul.f32 v44, v43;
	v17 =	vadd.f32 v20, v17  }
0x433: {  	v51 =	vmul.f32 v45, v43;
	v16 =	vadd.f32 v49, v16  }
0x434: {  	v52 =	vmul.f32 v47, v46;
	v17 =	vadd.f32 v50, v17  }
0x435: {  	v53 =	vmul.f32 v48, v46;
	v16 =	vadd.f32 v51, v16  }
0x436: {  	v17 =	vadd.f32 v52, v17  }
0x437: {  	v16 =	vadd.f32 v53, v16  }
0x438: {  	[tilespmem:v9+s23+$0x0] =	vst.idx.msk $0xffff, v17  }
0x439: {  	[tilespmem:v9+s24+$0x0] =	vst.idx.msk $0xffff, v16  }
0x43a: {  	v16 =	vld [tilespmem:s0+$0xB00]  }
0x43b: {  	v17 =	vld [tilespmem:s0+$0x8B40]  }
0x43c: {  	v54 =	vld [tilespmem:s0+$0x10B40]  }
0x43d: {  	v55 =	vld [tilespmem:s0+$0xB10]  }
0x43e: {  	v56 =	vld [tilespmem:s0+$0x8B50]  }
0x43f: {  	v57 =	vld [tilespmem:s0+$0x10B50]  }
0x440: {  	v58 =	vld [tilespmem:s0+$0xB20]  }
0x441: {  	v59 =	vld [tilespmem:s0+$0x8B60]  }
0x442: {  	v60 =	vld [tilespmem:s0+$0x10B60]  }
0x443: {  	v61 =	vld [tilespmem:s0+$0xB30]  }
0x444: {  	v62 =	vld [tilespmem:s0+$0x8B70]  }
0x445: {  	v63 =	vld [tilespmem:s0+$0x10B70];
	v17 =	vmul.f32 v17, v16;
	v20 =	vmul.f32 v56, v55  }
0x446: {  	v16 =	vmul.f32 v54, v16;
	v21 =	vmul.f32 v57, v55  }
0x447: {  	v28 =	vmul.f32 v59, v58;
	v17 =	vadd.f32 v20, v17  }
0x448: {  	v29 =	vmul.f32 v60, v58;
	v16 =	vadd.f32 v21, v16  }
0x449: {  	v30 =	vmul.f32 v62, v61;
	v17 =	vadd.f32 v28, v17  }
0x44a: {  	v31 =	vmul.f32 v63, v61;
	v16 =	vadd.f32 v29, v16  }
0x44b: {  	v17 =	vadd.f32 v30, v17  }
0x44c: {  	v16 =	vadd.f32 v31, v16  }
0x44d: {  	[tilespmem:v10+s23+$0x0] =	vst.idx.msk $0xffff, v17  }
0x44e: {  	[tilespmem:v10+s24+$0x0] =	vst.idx.msk $0xffff, v16  }
0x44f: {  	v16 =	vld [tilespmem:s0+$0xB80]  }
0x450: {  	v17 =	vld [tilespmem:s0+$0x8BC0]  }
0x451: {  	v32 =	vld [tilespmem:s0+$0x10BC0]  }
0x452: {  	v33 =	vld [tilespmem:s0+$0xB90]  }
0x453: {  	v34 =	vld [tilespmem:s0+$0x8BD0]  }
0x454: {  	v35 =	vld [tilespmem:s0+$0x10BD0]  }
0x455: {  	v36 =	vld [tilespmem:s0+$0xBA0]  }
0x456: {  	v37 =	vld [tilespmem:s0+$0x8BE0]  }
0x457: {  	v38 =	vld [tilespmem:s0+$0x10BE0]  }
0x458: {  	v39 =	vld [tilespmem:s0+$0xBB0]  }
0x459: {  	v40 =	vld [tilespmem:s0+$0x8BF0]  }
0x45a: {  	v41 =	vld [tilespmem:s0+$0x10BF0];
	v17 =	vmul.f32 v17, v16;
	v20 =	vmul.f32 v34, v33  }
0x45b: {  	v16 =	vmul.f32 v32, v16;
	v42 =	vmul.f32 v35, v33  }
0x45c: {  	v43 =	vmul.f32 v37, v36;
	v17 =	vadd.f32 v20, v17  }
0x45d: {  	v44 =	vmul.f32 v38, v36;
	v16 =	vadd.f32 v42, v16  }
0x45e: {  	v45 =	vmul.f32 v40, v39;
	v17 =	vadd.f32 v43, v17  }
0x45f: {  	v46 =	vmul.f32 v41, v39;
	v16 =	vadd.f32 v44, v16  }
0x460: {  	v17 =	vadd.f32 v45, v17  }
0x461: {  	v16 =	vadd.f32 v46, v16  }
0x462: {  	[tilespmem:v11+s23+$0x0] =	vst.idx.msk $0xffff, v17  }
0x463: {  	[tilespmem:v11+s24+$0x0] =	vst.idx.msk $0xffff, v16  }
0x464: {  	v16 =	vld [tilespmem:s0+$0xC00]  }
0x465: {  	v17 =	vld [tilespmem:s0+$0x8C40]  }
0x466: {  	v47 =	vld [tilespmem:s0+$0x10C40]  }
0x467: {  	v48 =	vld [tilespmem:s0+$0xC10]  }
0x468: {  	v49 =	vld [tilespmem:s0+$0x8C50]  }
0x469: {  	v50 =	vld [tilespmem:s0+$0x10C50]  }
0x46a: {  	v51 =	vld [tilespmem:s0+$0xC20]  }
0x46b: {  	v52 =	vld [tilespmem:s0+$0x8C60]  }
0x46c: {  	v53 =	vld [tilespmem:s0+$0x10C60]  }
0x46d: {  	v54 =	vld [tilespmem:s0+$0xC30]  }
0x46e: {  	v55 =	vld [tilespmem:s0+$0x8C70]  }
0x46f: {  	v56 =	vld [tilespmem:s0+$0x10C70];
	v17 =	vmul.f32 v17, v16;
	v20 =	vmul.f32 v49, v48  }
0x470: {  	v16 =	vmul.f32 v47, v16;
	v57 =	vmul.f32 v50, v48  }
0x471: {  	v58 =	vmul.f32 v52, v51;
	v17 =	vadd.f32 v20, v17  }
0x472: {  	v59 =	vmul.f32 v53, v51;
	v16 =	vadd.f32 v57, v16  }
0x473: {  	v60 =	vmul.f32 v55, v54;
	v17 =	vadd.f32 v58, v17  }
0x474: {  	v61 =	vmul.f32 v56, v54;
	v16 =	vadd.f32 v59, v16  }
0x475: {  	v17 =	vadd.f32 v60, v17  }
0x476: {  	v16 =	vadd.f32 v61, v16  }
0x477: {  	[tilespmem:v12+s23+$0x0] =	vst.idx.msk $0xffff, v17  }
0x478: {  	[tilespmem:v12+s24+$0x0] =	vst.idx.msk $0xffff, v16  }
0x479: {  	v16 =	vld [tilespmem:s0+$0xC80]  }
0x47a: {  	v17 =	vld [tilespmem:s0+$0x8CC0]  }
0x47b: {  	v62 =	vld [tilespmem:s0+$0x10CC0]  }
0x47c: {  	v63 =	vld [tilespmem:s0+$0xC90]  }
0x47d: {  	v29 =	vld [tilespmem:s0+$0x8CD0]  }
0x47e: {  	v30 =	vld [tilespmem:s0+$0x10CD0]  }
0x47f: {  	v31 =	vld [tilespmem:s0+$0xCA0]  }
0x480: {  	v32 =	vld [tilespmem:s0+$0x8CE0]  }
0x481: {  	v33 =	vld [tilespmem:s0+$0x10CE0]  }
0x482: {  	v34 =	vld [tilespmem:s0+$0xCB0]  }
0x483: {  	v35 =	vld [tilespmem:s0+$0x8CF0]  }
0x484: {  	v36 =	vld [tilespmem:s0+$0x10CF0];
	v17 =	vmul.f32 v17, v16;
	v20 =	vmul.f32 v29, v63  }
0x485: {  	v16 =	vmul.f32 v62, v16;
	v37 =	vmul.f32 v30, v63  }
0x486: {  	v38 =	vmul.f32 v32, v31;
	v17 =	vadd.f32 v20, v17  }
0x487: {  	v39 =	vmul.f32 v33, v31;
	v16 =	vadd.f32 v37, v16  }
0x488: {  	v40 =	vmul.f32 v35, v34;
	v17 =	vadd.f32 v38, v17  }
0x489: {  	v41 =	vmul.f32 v36, v34;
	v16 =	vadd.f32 v39, v16  }
0x48a: {  	v17 =	vadd.f32 v40, v17  }
0x48b: {  	v16 =	vadd.f32 v41, v16  }
0x48c: {  	[tilespmem:v13+s23+$0x0] =	vst.idx.msk $0xffff, v17  }
0x48d: {  	[tilespmem:v13+s24+$0x0] =	vst.idx.msk $0xffff, v16  }
0x48e: {  	v16 =	vld [tilespmem:s0+$0xD00]  }
0x48f: {  	v17 =	vld [tilespmem:s0+$0x8D40]  }
0x490: {  	v42 =	vld [tilespmem:s0+$0x10D40]  }
0x491: {  	v43 =	vld [tilespmem:s0+$0xD10]  }
0x492: {  	v44 =	vld [tilespmem:s0+$0x8D50]  }
0x493: {  	v45 =	vld [tilespmem:s0+$0x10D50]  }
0x494: {  	v46 =	vld [tilespmem:s0+$0xD20]  }
0x495: {  	v47 =	vld [tilespmem:s0+$0x8D60]  }
0x496: {  	v48 =	vld [tilespmem:s0+$0x10D60]  }
0x497: {  	v49 =	vld [tilespmem:s0+$0xD30]  }
0x498: {  	v50 =	vld [tilespmem:s0+$0x8D70]  }
0x499: {  	v51 =	vld [tilespmem:s0+$0x10D70];
	v17 =	vmul.f32 v17, v16;
	v20 =	vmul.f32 v44, v43  }
0x49a: {  	v16 =	vmul.f32 v42, v16;
	v52 =	vmul.f32 v45, v43  }
0x49b: {  	v53 =	vmul.f32 v47, v46;
	v17 =	vadd.f32 v20, v17  }
0x49c: {  	v54 =	vmul.f32 v48, v46;
	v16 =	vadd.f32 v52, v16  }
0x49d: {  	v55 =	vmul.f32 v50, v49;
	v17 =	vadd.f32 v53, v17  }
0x49e: {  	v56 =	vmul.f32 v51, v49;
	v16 =	vadd.f32 v54, v16  }
0x49f: {  	v17 =	vadd.f32 v55, v17  }
0x4a0: {  	v16 =	vadd.f32 v56, v16  }
0x4a1: {  	[tilespmem:v14+s23+$0x0] =	vst.idx.msk $0xffff, v17  }
0x4a2: {  	[tilespmem:v14+s24+$0x0] =	vst.idx.msk $0xffff, v16  }
0x4a3: {  	v16 =	vld [tilespmem:s0+$0xD80]  }
0x4a4: {  	v17 =	vld [tilespmem:s0+$0x8DC0]  }
0x4a5: {  	v57 =	vld [tilespmem:s0+$0x10DC0]  }
0x4a6: {  	v58 =	vld [tilespmem:s0+$0xD90]  }
0x4a7: {  	v59 =	vld [tilespmem:s0+$0x8DD0]  }
0x4a8: {  	v60 =	vld [tilespmem:s0+$0x10DD0]  }
0x4a9: {  	v61 =	vld [tilespmem:s0+$0xDA0]  }
0x4aa: {  	v62 =	vld [tilespmem:s0+$0x8DE0]  }
0x4ab: {  	v63 =	vld [tilespmem:s0+$0x10DE0]  }
0x4ac: {  	v30 =	vld [tilespmem:s0+$0xDB0]  }
0x4ad: {  	v31 =	vld [tilespmem:s0+$0x8DF0]  }
0x4ae: {  	v32 =	vld [tilespmem:s0+$0x10DF0];
	v17 =	vmul.f32 v17, v16;
	v20 =	vmul.f32 v59, v58  }
0x4af: {  	v16 =	vmul.f32 v57, v16;
	v33 =	vmul.f32 v60, v58  }
0x4b0: {  	v34 =	vmul.f32 v62, v61;
	v17 =	vadd.f32 v20, v17  }
0x4b1: {  	v35 =	vmul.f32 v63, v61;
	v16 =	vadd.f32 v33, v16  }
0x4b2: {  	v36 =	vmul.f32 v31, v30;
	v17 =	vadd.f32 v34, v17  }
0x4b3: {  	v37 =	vmul.f32 v32, v30;
	v16 =	vadd.f32 v35, v16  }
0x4b4: {  	v17 =	vadd.f32 v36, v17  }
0x4b5: {  	v16 =	vadd.f32 v37, v16  }
0x4b6: {  	[tilespmem:v15+s23+$0x0] =	vst.idx.msk $0xffff, v17  }
0x4b7: {  	[tilespmem:v15+s24+$0x0] =	vst.idx.msk $0xffff, v16  }
0x4b8: {  	v16 =	vld [tilespmem:$0x18A00]  }
0x4b9: {  	v17 =	vld [tilespmem:$0x18A11];
	_ =	sdelay $0x1  }
0x4ba: {  	v38 =	vld [tilespmem:$0x18A22];
	_ =	sdelay $0x1  }
0x4bb: {  	v39 =	vld [tilespmem:$0x18A33]  }
0x4bc: {  	v16 =	vadd.f32 v17, v16  }
0x4bd: {  	v17 =	vld [tilespmem:$0x18A44]  }
0x4be: {  	v16 =	vadd.f32 v38, v16  }
0x4bf: {  	v40 =	vld [tilespmem:$0x18A55]  }
0x4c0: {  	v16 =	vadd.f32 v39, v16  }
0x4c1: {  	v41 =	vld [tilespmem:$0x18A66]  }
0x4c2: {  	v42 =	vld [tilespmem:$0x18B80];
	v16 =	vadd.f32 v17, v16  }
0x4c3: {  	v17 =	vld [tilespmem:$0x18A77]  }
0x4c4: {  	v43 =	vld [tilespmem:$0x18B91];
	v16 =	vadd.f32 v40, v16  }
0x4c5: {  	v44 =	vld [tilespmem:$0x18A88]  }
0x4c6: {  	v45 =	vld [tilespmem:$0x18BA2];
	v16 =	vadd.f32 v41, v16  }
0x4c7: {  	v46 =	vld [tilespmem:$0x18A99]  }
0x4c8: {  	v16 =	vadd.f32 v17, v16;
	v17 =	vld [tilespmem:$0x18BB3]  }
0x4c9: {  	v47 =	vld [tilespmem:$0x18AAA];
	v20 =	vadd.f32 v43, v42  }
0x4ca: {  	v48 =	vld [tilespmem:$0x18BC4];
	v16 =	vadd.f32 v44, v16  }
0x4cb: {  	v49 =	vld [tilespmem:$0x18ABB];
	v20 =	vadd.f32 v45, v20  }
0x4cc: {  	v50 =	vld [tilespmem:$0x18BD5];
	v16 =	vadd.f32 v46, v16  }
0x4cd: {  	v51 =	vld [tilespmem:$0x18ACC];
	v17 =	vadd.f32 v17, v20  }
0x4ce: {  	v52 =	vld [tilespmem:$0x18BE6];
	v16 =	vadd.f32 v47, v16  }
0x4cf: {  	v53 =	vld [tilespmem:$0x18ADD];
	v17 =	vadd.f32 v48, v17  }
0x4d0: {  	v54 =	vld [tilespmem:$0x18BF7];
	v16 =	vadd.f32 v49, v16  }
0x4d1: {  	v55 =	vld [tilespmem:$0x18AEE];
	v17 =	vadd.f32 v50, v17  }
0x4d2: {  	v56 =	vld [tilespmem:$0x18C08];
	v16 =	vadd.f32 v51, v16  }
0x4d3: {  	v57 =	vld [tilespmem:$0x18AFF];
	v17 =	vadd.f32 v52, v17  }
0x4d4: {  	v58 =	vld [tilespmem:$0x18C19];
	v16 =	vadd.f32 v53, v16  }
0x4d5: {  	v17 =	vadd.f32 v54, v17  }
0x4d6: {  	v59 =	vld [tilespmem:$0x18C2A];
	v16 =	vadd.f32 v55, v16  }
0x4d7: {  	v17 =	vadd.f32 v56, v17  }
0x4d8: {  	v60 =	vld [tilespmem:$0x18C3B];
	v16 =	vadd.f32 v57, v16  }
0x4d9: {  	v17 =	vadd.f32 v58, v17  }
0x4da: {  	v61 =	vld [tilespmem:$0x18C4C];
	v16 =	vsub.f32 $0.0e+00, v16  }
0x4db: {  	v17 =	vadd.f32 v59, v17  }
0x4dc: {  	v62 =	vld [tilespmem:$0x18C5D];
	v16 =	vmul.f32 $1.442695020e+00, v16  }
0x4dd: {  	v17 =	vadd.f32 v60, v17  }
0x4de: {  	(erf) = vpow2.f32 v16;
	v16 =	vld [tilespmem:$0x18C6E]  }
0x4df: {  	v17 =	vadd.f32 v61, v17  }
0x4e0: {  	v63 =	vld [tilespmem:$0x18C7F]  }
0x4e1: {  	v17 =	vadd.f32 v62, v17;
	_ =	sdelay $0x1  }
0x4e2: {  	v16 =	vadd.f32 v16, v17;
	_ =	sdelay $0x1  }
0x4e3: {  	v16 =	vadd.f32 v63, v16;
	_ =	sdelay $0x1  }
0x4e4: {  	v17 =	vpop (erf);
	v16 =	vsub.f32 $0.0e+00, v16  }
0x4e5: {  	v17 =	vadd.f32 $1.000000000e+00, v17  }
0x4e6: {  	v16 =	vmul.f32 $1.442695020e+00, v16  }
0x4e7: {  	(erf) = vrcp.f32 v17  }
0x4e8: {  	(erf) = vpow2.f32 v16;
	_ =	sdelay $0x7  }
0x4e9: {  	v16 =	vpop (erf)  }
0x4ea: {  	v17 =	vpop (erf)  }
0x4eb: {  	v17 =	vadd.f32 $1.000000000e+00, v17;
	_ =	sdelay $0x1  }
0x4ec: {  	(erf) = vrcp.f32 v17;
	_ =	sdelay $0x4  }
0x4ed: {  	p0 =	sne.s32 s28, $0xE000  }
.Ltmp2:
0x4ee: {  	_ = 	snop;
	(pc) =	sbr.rel @p0 .LBB2_6-.Ltmp2, $3  }
0x4ef: {  	_ =	sdelay $0x1  }
0x4f0: {  	[tilespmem:s30+$0x0] =	vst v16;
	v16 =	vpop (erf)  }
0x4f1: {  	s28 =	sadd.s32 $0x2000, s28;
	s30 =	sadd.s32 $0x10, s30;
	[tilespmem:s31+$0x0] =	vst v16;
	s31 =	sadd.s32 $0x10, s31  }
0x4f2: {  	_ =	swait.ge [sflag:s18], $0x4000  }
0x4f3: {  	[sflag:s18] =	ssyncset.done $0x0  }
0x4f4: {  	[sflag:s18] =	ssyncadd.s32 $0xFFFFC000  }
0x4f5: {  	_ =	swait.ge [sflag:s18], $0x4000  }
0x4f6: {  	[sflag:s18] =	ssyncset.done $0x0  }
0x4f7: {  	[sflag:s18] =	ssyncadd.s32 $0xFFFFC000  }
0x4f8: {  	_ =	swait.ge [sflag:s18], $0x4000  }
0x4f9: {  	s28 =	simm.s32 $0x0;
	[sflag:s18] =	ssyncset.done $0x0  }
0x4fa: {  	s30 =	simm.s32 $0x18780;
	s31 =	simm.s32 $0x18980;
	[sflag:s18] =	ssyncadd.s32 $0xFFFFC000  }
.LBB2_8:
0x4fb: {  	s0 =	sshra.s32 s28, $0x2  }
0x4fc: {  	v16 =	vld [tilespmem:s0+$0x4600]  }
0x4fd: {  	v17 =	vld [tilespmem:s0+$0xC640]  }
0x4fe: {  	v18 =	vld [tilespmem:s0+$0x14640]  }
0x4ff: {  	v19 =	vld [tilespmem:s0+$0x4610]  }
0x500: {  	v20 =	vld [tilespmem:s0+$0xC650]  }
0x501: {  	v21 =	vld [tilespmem:s0+$0x14650]  }
0x502: {  	v22 =	vld [tilespmem:s0+$0x4620]  }
0x503: {  	v23 =	vld [tilespmem:s0+$0xC660]  }
0x504: {  	v24 =	vld [tilespmem:s0+$0x14660]  }
0x505: {  	v25 =	vld [tilespmem:s0+$0x4630]  }
0x506: {  	v26 =	vld [tilespmem:s0+$0xC670]  }
0x507: {  	v27 =	vld [tilespmem:s0+$0x14670];
	v17 =	vmul.f32 v17, v16;
	v20 =	vmul.f32 v20, v19  }
0x508: {  	v16 =	vmul.f32 v18, v16;
	v53 =	vmul.f32 v21, v19  }
0x509: {  	v54 =	vmul.f32 v23, v22;
	v17 =	vadd.f32 v20, v17  }
0x50a: {  	v55 =	vmul.f32 v24, v22;
	v16 =	vadd.f32 v53, v16  }
0x50b: {  	v56 =	vmul.f32 v26, v25;
	v17 =	vadd.f32 v54, v17  }
0x50c: {  	v57 =	vmul.f32 v27, v25;
	v16 =	vadd.f32 v55, v16  }
0x50d: {  	v17 =	vadd.f32 v56, v17  }
0x50e: {  	v16 =	vadd.f32 v57, v16  }
0x50f: {  	[tilespmem:v0+s23+$0x0] =	vst.idx.msk $0xffff, v17  }
0x510: {  	[tilespmem:v0+s24+$0x0] =	vst.idx.msk $0xffff, v16  }
0x511: {  	v16 =	vld [tilespmem:s0+$0x4680]  }
0x512: {  	v17 =	vld [tilespmem:s0+$0xC6C0]  }
0x513: {  	v58 =	vld [tilespmem:s0+$0x146C0]  }
0x514: {  	v59 =	vld [tilespmem:s0+$0x4690]  }
0x515: {  	v60 =	vld [tilespmem:s0+$0xC6D0]  }
0x516: {  	v61 =	vld [tilespmem:s0+$0x146D0]  }
0x517: {  	v62 =	vld [tilespmem:s0+$0x46A0]  }
0x518: {  	v63 =	vld [tilespmem:s0+$0xC6E0]  }
0x519: {  	v30 =	vld [tilespmem:s0+$0x146E0]  }
0x51a: {  	v31 =	vld [tilespmem:s0+$0x46B0]  }
0x51b: {  	v32 =	vld [tilespmem:s0+$0xC6F0]  }
0x51c: {  	v33 =	vld [tilespmem:s0+$0x146F0];
	v17 =	vmul.f32 v17, v16;
	v20 =	vmul.f32 v60, v59  }
0x51d: {  	v16 =	vmul.f32 v58, v16;
	v34 =	vmul.f32 v61, v59  }
0x51e: {  	v35 =	vmul.f32 v63, v62;
	v17 =	vadd.f32 v20, v17  }
0x51f: {  	v36 =	vmul.f32 v30, v62;
	v16 =	vadd.f32 v34, v16  }
0x520: {  	v37 =	vmul.f32 v32, v31;
	v17 =	vadd.f32 v35, v17  }
0x521: {  	v38 =	vmul.f32 v33, v31;
	v16 =	vadd.f32 v36, v16  }
0x522: {  	v17 =	vadd.f32 v37, v17  }
0x523: {  	v16 =	vadd.f32 v38, v16  }
0x524: {  	[tilespmem:v1+s23+$0x0] =	vst.idx.msk $0xffff, v17  }
0x525: {  	[tilespmem:v1+s24+$0x0] =	vst.idx.msk $0xffff, v16  }
0x526: {  	v16 =	vld [tilespmem:s0+$0x4700]  }
0x527: {  	v17 =	vld [tilespmem:s0+$0xC740]  }
0x528: {  	v39 =	vld [tilespmem:s0+$0x14740]  }
0x529: {  	v40 =	vld [tilespmem:s0+$0x4710]  }
0x52a: {  	v41 =	vld [tilespmem:s0+$0xC750]  }
0x52b: {  	v42 =	vld [tilespmem:s0+$0x14750]  }
0x52c: {  	v43 =	vld [tilespmem:s0+$0x4720]  }
0x52d: {  	v44 =	vld [tilespmem:s0+$0xC760]  }
0x52e: {  	v45 =	vld [tilespmem:s0+$0x14760]  }
0x52f: {  	v46 =	vld [tilespmem:s0+$0x4730]  }
0x530: {  	v47 =	vld [tilespmem:s0+$0xC770]  }
0x531: {  	v48 =	vld [tilespmem:s0+$0x14770];
	v17 =	vmul.f32 v17, v16;
	v20 =	vmul.f32 v41, v40  }
0x532: {  	v16 =	vmul.f32 v39, v16;
	v49 =	vmul.f32 v42, v40  }
0x533: {  	v50 =	vmul.f32 v44, v43;
	v17 =	vadd.f32 v20, v17  }
0x534: {  	v51 =	vmul.f32 v45, v43;
	v16 =	vadd.f32 v49, v16  }
0x535: {  	v52 =	vmul.f32 v47, v46;
	v17 =	vadd.f32 v50, v17  }
0x536: {  	v53 =	vmul.f32 v48, v46;
	v16 =	vadd.f32 v51, v16  }
0x537: {  	v17 =	vadd.f32 v52, v17  }
0x538: {  	v16 =	vadd.f32 v53, v16  }
0x539: {  	[tilespmem:v2+s23+$0x0] =	vst.idx.msk $0xffff, v17  }
0x53a: {  	[tilespmem:v2+s24+$0x0] =	vst.idx.msk $0xffff, v16  }
0x53b: {  	v16 =	vld [tilespmem:s0+$0x4780]  }
0x53c: {  	v17 =	vld [tilespmem:s0+$0xC7C0]  }
0x53d: {  	v54 =	vld [tilespmem:s0+$0x147C0]  }
0x53e: {  	v55 =	vld [tilespmem:s0+$0x4790]  }
0x53f: {  	v56 =	vld [tilespmem:s0+$0xC7D0]  }
0x540: {  	v57 =	vld [tilespmem:s0+$0x147D0]  }
0x541: {  	v58 =	vld [tilespmem:s0+$0x47A0]  }
0x542: {  	v59 =	vld [tilespmem:s0+$0xC7E0]  }
0x543: {  	v60 =	vld [tilespmem:s0+$0x147E0]  }
0x544: {  	v61 =	vld [tilespmem:s0+$0x47B0]  }
0x545: {  	v62 =	vld [tilespmem:s0+$0xC7F0]  }
0x546: {  	v63 =	vld [tilespmem:s0+$0x147F0];
	v17 =	vmul.f32 v17, v16;
	v20 =	vmul.f32 v56, v55  }
0x547: {  	v16 =	vmul.f32 v54, v16;
	v21 =	vmul.f32 v57, v55  }
0x548: {  	v28 =	vmul.f32 v59, v58;
	v17 =	vadd.f32 v20, v17  }
0x549: {  	v29 =	vmul.f32 v60, v58;
	v16 =	vadd.f32 v21, v16  }
0x54a: {  	v30 =	vmul.f32 v62, v61;
	v17 =	vadd.f32 v28, v17  }
0x54b: {  	v31 =	vmul.f32 v63, v61;
	v16 =	vadd.f32 v29, v16  }
0x54c: {  	v17 =	vadd.f32 v30, v17  }
0x54d: {  	v16 =	vadd.f32 v31, v16  }
0x54e: {  	[tilespmem:v3+s23+$0x0] =	vst.idx.msk $0xffff, v17  }
0x54f: {  	[tilespmem:v3+s24+$0x0] =	vst.idx.msk $0xffff, v16  }
0x550: {  	v16 =	vld [tilespmem:s0+$0x4800]  }
0x551: {  	v17 =	vld [tilespmem:s0+$0xC840]  }
0x552: {  	v32 =	vld [tilespmem:s0+$0x14840]  }
0x553: {  	v33 =	vld [tilespmem:s0+$0x4810]  }
0x554: {  	v34 =	vld [tilespmem:s0+$0xC850]  }
0x555: {  	v35 =	vld [tilespmem:s0+$0x14850]  }
0x556: {  	v36 =	vld [tilespmem:s0+$0x4820]  }
0x557: {  	v37 =	vld [tilespmem:s0+$0xC860]  }
0x558: {  	v38 =	vld [tilespmem:s0+$0x14860]  }
0x559: {  	v39 =	vld [tilespmem:s0+$0x4830]  }
0x55a: {  	v40 =	vld [tilespmem:s0+$0xC870]  }
0x55b: {  	v41 =	vld [tilespmem:s0+$0x14870];
	v17 =	vmul.f32 v17, v16;
	v20 =	vmul.f32 v34, v33  }
0x55c: {  	v16 =	vmul.f32 v32, v16;
	v42 =	vmul.f32 v35, v33  }
0x55d: {  	v43 =	vmul.f32 v37, v36;
	v17 =	vadd.f32 v20, v17  }
0x55e: {  	v44 =	vmul.f32 v38, v36;
	v16 =	vadd.f32 v42, v16  }
0x55f: {  	v45 =	vmul.f32 v40, v39;
	v17 =	vadd.f32 v43, v17  }
0x560: {  	v46 =	vmul.f32 v41, v39;
	v16 =	vadd.f32 v44, v16  }
0x561: {  	v17 =	vadd.f32 v45, v17  }
0x562: {  	v16 =	vadd.f32 v46, v16  }
0x563: {  	[tilespmem:v4+s23+$0x0] =	vst.idx.msk $0xffff, v17  }
0x564: {  	[tilespmem:v4+s24+$0x0] =	vst.idx.msk $0xffff, v16  }
0x565: {  	v16 =	vld [tilespmem:s0+$0x4880]  }
0x566: {  	v17 =	vld [tilespmem:s0+$0xC8C0]  }
0x567: {  	v47 =	vld [tilespmem:s0+$0x148C0]  }
0x568: {  	v48 =	vld [tilespmem:s0+$0x4890]  }
0x569: {  	v49 =	vld [tilespmem:s0+$0xC8D0]  }
0x56a: {  	v50 =	vld [tilespmem:s0+$0x148D0]  }
0x56b: {  	v51 =	vld [tilespmem:s0+$0x48A0]  }
0x56c: {  	v52 =	vld [tilespmem:s0+$0xC8E0]  }
0x56d: {  	v53 =	vld [tilespmem:s0+$0x148E0]  }
0x56e: {  	v54 =	vld [tilespmem:s0+$0x48B0]  }
0x56f: {  	v55 =	vld [tilespmem:s0+$0xC8F0]  }
0x570: {  	v56 =	vld [tilespmem:s0+$0x148F0];
	v17 =	vmul.f32 v17, v16;
	v20 =	vmul.f32 v49, v48  }
0x571: {  	v16 =	vmul.f32 v47, v16;
	v57 =	vmul.f32 v50, v48  }
0x572: {  	v58 =	vmul.f32 v52, v51;
	v17 =	vadd.f32 v20, v17  }
0x573: {  	v59 =	vmul.f32 v53, v51;
	v16 =	vadd.f32 v57, v16  }
0x574: {  	v60 =	vmul.f32 v55, v54;
	v17 =	vadd.f32 v58, v17  }
0x575: {  	v61 =	vmul.f32 v56, v54;
	v16 =	vadd.f32 v59, v16  }
0x576: {  	v17 =	vadd.f32 v60, v17  }
0x577: {  	v16 =	vadd.f32 v61, v16  }
0x578: {  	[tilespmem:v5+s23+$0x0] =	vst.idx.msk $0xffff, v17  }
0x579: {  	[tilespmem:v5+s24+$0x0] =	vst.idx.msk $0xffff, v16  }
0x57a: {  	v16 =	vld [tilespmem:s0+$0x4900]  }
0x57b: {  	v17 =	vld [tilespmem:s0+$0xC940]  }
0x57c: {  	v62 =	vld [tilespmem:s0+$0x14940]  }
0x57d: {  	v63 =	vld [tilespmem:s0+$0x4910]  }
0x57e: {  	v30 =	vld [tilespmem:s0+$0xC950]  }
0x57f: {  	v31 =	vld [tilespmem:s0+$0x14950]  }
0x580: {  	v32 =	vld [tilespmem:s0+$0x4920]  }
0x581: {  	v33 =	vld [tilespmem:s0+$0xC960]  }
0x582: {  	v34 =	vld [tilespmem:s0+$0x14960]  }
0x583: {  	v35 =	vld [tilespmem:s0+$0x4930]  }
0x584: {  	v36 =	vld [tilespmem:s0+$0xC970]  }
0x585: {  	v37 =	vld [tilespmem:s0+$0x14970];
	v17 =	vmul.f32 v17, v16;
	v20 =	vmul.f32 v30, v63  }
0x586: {  	v16 =	vmul.f32 v62, v16;
	v38 =	vmul.f32 v31, v63  }
0x587: {  	v39 =	vmul.f32 v33, v32;
	v17 =	vadd.f32 v20, v17  }
0x588: {  	v40 =	vmul.f32 v34, v32;
	v16 =	vadd.f32 v38, v16  }
0x589: {  	v41 =	vmul.f32 v36, v35;
	v17 =	vadd.f32 v39, v17  }
0x58a: {  	v42 =	vmul.f32 v37, v35;
	v16 =	vadd.f32 v40, v16  }
0x58b: {  	v17 =	vadd.f32 v41, v17  }
0x58c: {  	v16 =	vadd.f32 v42, v16  }
0x58d: {  	[tilespmem:v6+s23+$0x0] =	vst.idx.msk $0xffff, v17  }
0x58e: {  	[tilespmem:v6+s24+$0x0] =	vst.idx.msk $0xffff, v16  }
0x58f: {  	v16 =	vld [tilespmem:s0+$0x4980]  }
0x590: {  	v17 =	vld [tilespmem:s0+$0xC9C0]  }
0x591: {  	v43 =	vld [tilespmem:s0+$0x149C0]  }
0x592: {  	v44 =	vld [tilespmem:s0+$0x4990]  }
0x593: {  	v45 =	vld [tilespmem:s0+$0xC9D0]  }
0x594: {  	v46 =	vld [tilespmem:s0+$0x149D0]  }
0x595: {  	v47 =	vld [tilespmem:s0+$0x49A0]  }
0x596: {  	v48 =	vld [tilespmem:s0+$0xC9E0]  }
0x597: {  	v49 =	vld [tilespmem:s0+$0x149E0]  }
0x598: {  	v50 =	vld [tilespmem:s0+$0x49B0]  }
0x599: {  	v51 =	vld [tilespmem:s0+$0xC9F0]  }
0x59a: {  	v52 =	vld [tilespmem:s0+$0x149F0];
	v17 =	vmul.f32 v17, v16;
	v20 =	vmul.f32 v45, v44  }
0x59b: {  	v16 =	vmul.f32 v43, v16;
	v53 =	vmul.f32 v46, v44  }
0x59c: {  	v54 =	vmul.f32 v48, v47;
	v17 =	vadd.f32 v20, v17  }
0x59d: {  	v55 =	vmul.f32 v49, v47;
	v16 =	vadd.f32 v53, v16  }
0x59e: {  	v56 =	vmul.f32 v51, v50;
	v17 =	vadd.f32 v54, v17  }
0x59f: {  	v57 =	vmul.f32 v52, v50;
	v16 =	vadd.f32 v55, v16  }
0x5a0: {  	v17 =	vadd.f32 v56, v17  }
0x5a1: {  	v16 =	vadd.f32 v57, v16  }
0x5a2: {  	[tilespmem:v7+s23+$0x0] =	vst.idx.msk $0xffff, v17  }
0x5a3: {  	[tilespmem:v7+s24+$0x0] =	vst.idx.msk $0xffff, v16  }
0x5a4: {  	v16 =	vld [tilespmem:s0+$0x4A00]  }
0x5a5: {  	v17 =	vld [tilespmem:s0+$0xCA40]  }
0x5a6: {  	v58 =	vld [tilespmem:s0+$0x14A40]  }
0x5a7: {  	v59 =	vld [tilespmem:s0+$0x4A10]  }
0x5a8: {  	v60 =	vld [tilespmem:s0+$0xCA50]  }
0x5a9: {  	v61 =	vld [tilespmem:s0+$0x14A50]  }
0x5aa: {  	v62 =	vld [tilespmem:s0+$0x4A20]  }
0x5ab: {  	v63 =	vld [tilespmem:s0+$0xCA60]  }
0x5ac: {  	v30 =	vld [tilespmem:s0+$0x14A60]  }
0x5ad: {  	v31 =	vld [tilespmem:s0+$0x4A30]  }
0x5ae: {  	v32 =	vld [tilespmem:s0+$0xCA70]  }
0x5af: {  	v33 =	vld [tilespmem:s0+$0x14A70];
	v17 =	vmul.f32 v17, v16;
	v20 =	vmul.f32 v60, v59  }
0x5b0: {  	v16 =	vmul.f32 v58, v16;
	v34 =	vmul.f32 v61, v59  }
0x5b1: {  	v35 =	vmul.f32 v63, v62;
	v17 =	vadd.f32 v20, v17  }
0x5b2: {  	v36 =	vmul.f32 v30, v62;
	v16 =	vadd.f32 v34, v16  }
0x5b3: {  	v37 =	vmul.f32 v32, v31;
	v17 =	vadd.f32 v35, v17  }
0x5b4: {  	v38 =	vmul.f32 v33, v31;
	v16 =	vadd.f32 v36, v16  }
0x5b5: {  	v17 =	vadd.f32 v37, v17  }
0x5b6: {  	v16 =	vadd.f32 v38, v16  }
0x5b7: {  	[tilespmem:v8+s23+$0x0] =	vst.idx.msk $0xffff, v17  }
0x5b8: {  	[tilespmem:v8+s24+$0x0] =	vst.idx.msk $0xffff, v16  }
0x5b9: {  	v16 =	vld [tilespmem:s0+$0x4A80]  }
0x5ba: {  	v17 =	vld [tilespmem:s0+$0xCAC0]  }
0x5bb: {  	v39 =	vld [tilespmem:s0+$0x14AC0]  }
0x5bc: {  	v40 =	vld [tilespmem:s0+$0x4A90]  }
0x5bd: {  	v41 =	vld [tilespmem:s0+$0xCAD0]  }
0x5be: {  	v42 =	vld [tilespmem:s0+$0x14AD0]  }
0x5bf: {  	v43 =	vld [tilespmem:s0+$0x4AA0]  }
0x5c0: {  	v44 =	vld [tilespmem:s0+$0xCAE0]  }
0x5c1: {  	v45 =	vld [tilespmem:s0+$0x14AE0]  }
0x5c2: {  	v46 =	vld [tilespmem:s0+$0x4AB0]  }
0x5c3: {  	v47 =	vld [tilespmem:s0+$0xCAF0]  }
0x5c4: {  	v48 =	vld [tilespmem:s0+$0x14AF0];
	v17 =	vmul.f32 v17, v16;
	v20 =	vmul.f32 v41, v40  }
0x5c5: {  	v16 =	vmul.f32 v39, v16;
	v49 =	vmul.f32 v42, v40  }
0x5c6: {  	v50 =	vmul.f32 v44, v43;
	v17 =	vadd.f32 v20, v17  }
0x5c7: {  	v51 =	vmul.f32 v45, v43;
	v16 =	vadd.f32 v49, v16  }
0x5c8: {  	v52 =	vmul.f32 v47, v46;
	v17 =	vadd.f32 v50, v17  }
0x5c9: {  	v53 =	vmul.f32 v48, v46;
	v16 =	vadd.f32 v51, v16  }
0x5ca: {  	v17 =	vadd.f32 v52, v17  }
0x5cb: {  	v16 =	vadd.f32 v53, v16  }
0x5cc: {  	[tilespmem:v9+s23+$0x0] =	vst.idx.msk $0xffff, v17  }
0x5cd: {  	[tilespmem:v9+s24+$0x0] =	vst.idx.msk $0xffff, v16  }
0x5ce: {  	v16 =	vld [tilespmem:s0+$0x4B00]  }
0x5cf: {  	v17 =	vld [tilespmem:s0+$0xCB40]  }
0x5d0: {  	v54 =	vld [tilespmem:s0+$0x14B40]  }
0x5d1: {  	v55 =	vld [tilespmem:s0+$0x4B10]  }
0x5d2: {  	v56 =	vld [tilespmem:s0+$0xCB50]  }
0x5d3: {  	v57 =	vld [tilespmem:s0+$0x14B50]  }
0x5d4: {  	v58 =	vld [tilespmem:s0+$0x4B20]  }
0x5d5: {  	v59 =	vld [tilespmem:s0+$0xCB60]  }
0x5d6: {  	v60 =	vld [tilespmem:s0+$0x14B60]  }
0x5d7: {  	v61 =	vld [tilespmem:s0+$0x4B30]  }
0x5d8: {  	v62 =	vld [tilespmem:s0+$0xCB70]  }
0x5d9: {  	v63 =	vld [tilespmem:s0+$0x14B70];
	v17 =	vmul.f32 v17, v16;
	v20 =	vmul.f32 v56, v55  }
0x5da: {  	v16 =	vmul.f32 v54, v16;
	v21 =	vmul.f32 v57, v55  }
0x5db: {  	v28 =	vmul.f32 v59, v58;
	v17 =	vadd.f32 v20, v17  }
0x5dc: {  	v29 =	vmul.f32 v60, v58;
	v16 =	vadd.f32 v21, v16  }
0x5dd: {  	v30 =	vmul.f32 v62, v61;
	v17 =	vadd.f32 v28, v17  }
0x5de: {  	v31 =	vmul.f32 v63, v61;
	v16 =	vadd.f32 v29, v16  }
0x5df: {  	v17 =	vadd.f32 v30, v17  }
0x5e0: {  	v16 =	vadd.f32 v31, v16  }
0x5e1: {  	[tilespmem:v10+s23+$0x0] =	vst.idx.msk $0xffff, v17  }
0x5e2: {  	[tilespmem:v10+s24+$0x0] =	vst.idx.msk $0xffff, v16  }
0x5e3: {  	v16 =	vld [tilespmem:s0+$0x4B80]  }
0x5e4: {  	v17 =	vld [tilespmem:s0+$0xCBC0]  }
0x5e5: {  	v32 =	vld [tilespmem:s0+$0x14BC0]  }
0x5e6: {  	v33 =	vld [tilespmem:s0+$0x4B90]  }
0x5e7: {  	v34 =	vld [tilespmem:s0+$0xCBD0]  }
0x5e8: {  	v35 =	vld [tilespmem:s0+$0x14BD0]  }
0x5e9: {  	v36 =	vld [tilespmem:s0+$0x4BA0]  }
0x5ea: {  	v37 =	vld [tilespmem:s0+$0xCBE0]  }
0x5eb: {  	v38 =	vld [tilespmem:s0+$0x14BE0]  }
0x5ec: {  	v39 =	vld [tilespmem:s0+$0x4BB0]  }
0x5ed: {  	v40 =	vld [tilespmem:s0+$0xCBF0]  }
0x5ee: {  	v41 =	vld [tilespmem:s0+$0x14BF0];
	v17 =	vmul.f32 v17, v16;
	v20 =	vmul.f32 v34, v33  }
0x5ef: {  	v16 =	vmul.f32 v32, v16;
	v42 =	vmul.f32 v35, v33  }
0x5f0: {  	v43 =	vmul.f32 v37, v36;
	v17 =	vadd.f32 v20, v17  }
0x5f1: {  	v44 =	vmul.f32 v38, v36;
	v16 =	vadd.f32 v42, v16  }
0x5f2: {  	v45 =	vmul.f32 v40, v39;
	v17 =	vadd.f32 v43, v17  }
0x5f3: {  	v46 =	vmul.f32 v41, v39;
	v16 =	vadd.f32 v44, v16  }
0x5f4: {  	v17 =	vadd.f32 v45, v17  }
0x5f5: {  	v16 =	vadd.f32 v46, v16  }
0x5f6: {  	[tilespmem:v11+s23+$0x0] =	vst.idx.msk $0xffff, v17  }
0x5f7: {  	[tilespmem:v11+s24+$0x0] =	vst.idx.msk $0xffff, v16  }
0x5f8: {  	v16 =	vld [tilespmem:s0+$0x4C00]  }
0x5f9: {  	v17 =	vld [tilespmem:s0+$0xCC40]  }
0x5fa: {  	v47 =	vld [tilespmem:s0+$0x14C40]  }
0x5fb: {  	v48 =	vld [tilespmem:s0+$0x4C10]  }
0x5fc: {  	v49 =	vld [tilespmem:s0+$0xCC50]  }
0x5fd: {  	v50 =	vld [tilespmem:s0+$0x14C50]  }
0x5fe: {  	v51 =	vld [tilespmem:s0+$0x4C20]  }
0x5ff: {  	v52 =	vld [tilespmem:s0+$0xCC60]  }
0x600: {  	v53 =	vld [tilespmem:s0+$0x14C60]  }
0x601: {  	v54 =	vld [tilespmem:s0+$0x4C30]  }
0x602: {  	v55 =	vld [tilespmem:s0+$0xCC70]  }
0x603: {  	v56 =	vld [tilespmem:s0+$0x14C70];
	v17 =	vmul.f32 v17, v16;
	v20 =	vmul.f32 v49, v48  }
0x604: {  	v16 =	vmul.f32 v47, v16;
	v57 =	vmul.f32 v50, v48  }
0x605: {  	v58 =	vmul.f32 v52, v51;
	v17 =	vadd.f32 v20, v17  }
0x606: {  	v59 =	vmul.f32 v53, v51;
	v16 =	vadd.f32 v57, v16  }
0x607: {  	v60 =	vmul.f32 v55, v54;
	v17 =	vadd.f32 v58, v17  }
0x608: {  	v61 =	vmul.f32 v56, v54;
	v16 =	vadd.f32 v59, v16  }
0x609: {  	v17 =	vadd.f32 v60, v17  }
0x60a: {  	v16 =	vadd.f32 v61, v16  }
0x60b: {  	[tilespmem:v12+s23+$0x0] =	vst.idx.msk $0xffff, v17  }
0x60c: {  	[tilespmem:v12+s24+$0x0] =	vst.idx.msk $0xffff, v16  }
0x60d: {  	v16 =	vld [tilespmem:s0+$0x4C80]  }
0x60e: {  	v17 =	vld [tilespmem:s0+$0xCCC0]  }
0x60f: {  	v62 =	vld [tilespmem:s0+$0x14CC0]  }
0x610: {  	v63 =	vld [tilespmem:s0+$0x4C90]  }
0x611: {  	v29 =	vld [tilespmem:s0+$0xCCD0]  }
0x612: {  	v30 =	vld [tilespmem:s0+$0x14CD0]  }
0x613: {  	v31 =	vld [tilespmem:s0+$0x4CA0]  }
0x614: {  	v32 =	vld [tilespmem:s0+$0xCCE0]  }
0x615: {  	v33 =	vld [tilespmem:s0+$0x14CE0]  }
0x616: {  	v34 =	vld [tilespmem:s0+$0x4CB0]  }
0x617: {  	v35 =	vld [tilespmem:s0+$0xCCF0]  }
0x618: {  	v36 =	vld [tilespmem:s0+$0x14CF0];
	v17 =	vmul.f32 v17, v16;
	v20 =	vmul.f32 v29, v63  }
0x619: {  	v16 =	vmul.f32 v62, v16;
	v37 =	vmul.f32 v30, v63  }
0x61a: {  	v38 =	vmul.f32 v32, v31;
	v17 =	vadd.f32 v20, v17  }
0x61b: {  	v39 =	vmul.f32 v33, v31;
	v16 =	vadd.f32 v37, v16  }
0x61c: {  	v40 =	vmul.f32 v35, v34;
	v17 =	vadd.f32 v38, v17  }
0x61d: {  	v41 =	vmul.f32 v36, v34;
	v16 =	vadd.f32 v39, v16  }
0x61e: {  	v17 =	vadd.f32 v40, v17  }
0x61f: {  	v16 =	vadd.f32 v41, v16  }
0x620: {  	[tilespmem:v13+s23+$0x0] =	vst.idx.msk $0xffff, v17  }
0x621: {  	[tilespmem:v13+s24+$0x0] =	vst.idx.msk $0xffff, v16  }
0x622: {  	v16 =	vld [tilespmem:s0+$0x4D00]  }
0x623: {  	v17 =	vld [tilespmem:s0+$0xCD40]  }
0x624: {  	v42 =	vld [tilespmem:s0+$0x14D40]  }
0x625: {  	v43 =	vld [tilespmem:s0+$0x4D10]  }
0x626: {  	v44 =	vld [tilespmem:s0+$0xCD50]  }
0x627: {  	v45 =	vld [tilespmem:s0+$0x14D50]  }
0x628: {  	v46 =	vld [tilespmem:s0+$0x4D20]  }
0x629: {  	v47 =	vld [tilespmem:s0+$0xCD60]  }
0x62a: {  	v48 =	vld [tilespmem:s0+$0x14D60]  }
0x62b: {  	v49 =	vld [tilespmem:s0+$0x4D30]  }
0x62c: {  	v50 =	vld [tilespmem:s0+$0xCD70]  }
0x62d: {  	v51 =	vld [tilespmem:s0+$0x14D70];
	v17 =	vmul.f32 v17, v16;
	v20 =	vmul.f32 v44, v43  }
0x62e: {  	v16 =	vmul.f32 v42, v16;
	v52 =	vmul.f32 v45, v43  }
0x62f: {  	v53 =	vmul.f32 v47, v46;
	v17 =	vadd.f32 v20, v17  }
0x630: {  	v54 =	vmul.f32 v48, v46;
	v16 =	vadd.f32 v52, v16  }
0x631: {  	v55 =	vmul.f32 v50, v49;
	v17 =	vadd.f32 v53, v17  }
0x632: {  	v56 =	vmul.f32 v51, v49;
	v16 =	vadd.f32 v54, v16  }
0x633: {  	v17 =	vadd.f32 v55, v17  }
0x634: {  	v16 =	vadd.f32 v56, v16  }
0x635: {  	[tilespmem:v14+s23+$0x0] =	vst.idx.msk $0xffff, v17  }
0x636: {  	[tilespmem:v14+s24+$0x0] =	vst.idx.msk $0xffff, v16  }
0x637: {  	v16 =	vld [tilespmem:s0+$0x4D80]  }
0x638: {  	v17 =	vld [tilespmem:s0+$0xCDC0]  }
0x639: {  	v57 =	vld [tilespmem:s0+$0x14DC0]  }
0x63a: {  	v58 =	vld [tilespmem:s0+$0x4D90]  }
0x63b: {  	v59 =	vld [tilespmem:s0+$0xCDD0]  }
0x63c: {  	v60 =	vld [tilespmem:s0+$0x14DD0]  }
0x63d: {  	v61 =	vld [tilespmem:s0+$0x4DA0]  }
0x63e: {  	v62 =	vld [tilespmem:s0+$0xCDE0]  }
0x63f: {  	v63 =	vld [tilespmem:s0+$0x14DE0]  }
0x640: {  	v30 =	vld [tilespmem:s0+$0x4DB0]  }
0x641: {  	v31 =	vld [tilespmem:s0+$0xCDF0]  }
0x642: {  	v32 =	vld [tilespmem:s0+$0x14DF0];
	v17 =	vmul.f32 v17, v16;
	v20 =	vmul.f32 v59, v58  }
0x643: {  	v16 =	vmul.f32 v57, v16;
	v33 =	vmul.f32 v60, v58  }
0x644: {  	v34 =	vmul.f32 v62, v61;
	v17 =	vadd.f32 v20, v17  }
0x645: {  	v35 =	vmul.f32 v63, v61;
	v16 =	vadd.f32 v33, v16  }
0x646: {  	v36 =	vmul.f32 v31, v30;
	v17 =	vadd.f32 v34, v17  }
0x647: {  	v37 =	vmul.f32 v32, v30;
	v16 =	vadd.f32 v35, v16  }
0x648: {  	v17 =	vadd.f32 v36, v17  }
0x649: {  	v16 =	vadd.f32 v37, v16  }
0x64a: {  	[tilespmem:v15+s23+$0x0] =	vst.idx.msk $0xffff, v17  }
0x64b: {  	[tilespmem:v15+s24+$0x0] =	vst.idx.msk $0xffff, v16  }
0x64c: {  	v16 =	vld [tilespmem:$0x18A00]  }
0x64d: {  	v17 =	vld [tilespmem:$0x18A11];
	_ =	sdelay $0x1  }
0x64e: {  	v38 =	vld [tilespmem:$0x18A22];
	_ =	sdelay $0x1  }
0x64f: {  	v39 =	vld [tilespmem:$0x18A33]  }
0x650: {  	v16 =	vadd.f32 v17, v16  }
0x651: {  	v17 =	vld [tilespmem:$0x18A44]  }
0x652: {  	v16 =	vadd.f32 v38, v16  }
0x653: {  	v40 =	vld [tilespmem:$0x18A55]  }
0x654: {  	v16 =	vadd.f32 v39, v16  }
0x655: {  	v41 =	vld [tilespmem:$0x18A66]  }
0x656: {  	v42 =	vld [tilespmem:$0x18B80];
	v16 =	vadd.f32 v17, v16  }
0x657: {  	v17 =	vld [tilespmem:$0x18A77]  }
0x658: {  	v43 =	vld [tilespmem:$0x18B91];
	v16 =	vadd.f32 v40, v16  }
0x659: {  	v44 =	vld [tilespmem:$0x18A88]  }
0x65a: {  	v45 =	vld [tilespmem:$0x18BA2];
	v16 =	vadd.f32 v41, v16  }
0x65b: {  	v46 =	vld [tilespmem:$0x18A99]  }
0x65c: {  	v16 =	vadd.f32 v17, v16;
	v17 =	vld [tilespmem:$0x18BB3]  }
0x65d: {  	v47 =	vld [tilespmem:$0x18AAA];
	v20 =	vadd.f32 v43, v42  }
0x65e: {  	v48 =	vld [tilespmem:$0x18BC4];
	v16 =	vadd.f32 v44, v16  }
0x65f: {  	v49 =	vld [tilespmem:$0x18ABB];
	v20 =	vadd.f32 v45, v20  }
0x660: {  	v50 =	vld [tilespmem:$0x18BD5];
	v16 =	vadd.f32 v46, v16  }
0x661: {  	v51 =	vld [tilespmem:$0x18ACC];
	v17 =	vadd.f32 v17, v20  }
0x662: {  	v52 =	vld [tilespmem:$0x18BE6];
	v16 =	vadd.f32 v47, v16  }
0x663: {  	v53 =	vld [tilespmem:$0x18ADD];
	v17 =	vadd.f32 v48, v17  }
0x664: {  	v54 =	vld [tilespmem:$0x18BF7];
	v16 =	vadd.f32 v49, v16  }
0x665: {  	v55 =	vld [tilespmem:$0x18AEE];
	v17 =	vadd.f32 v50, v17  }
0x666: {  	v56 =	vld [tilespmem:$0x18C08];
	v16 =	vadd.f32 v51, v16  }
0x667: {  	v57 =	vld [tilespmem:$0x18AFF];
	v17 =	vadd.f32 v52, v17  }
0x668: {  	v58 =	vld [tilespmem:$0x18C19];
	v16 =	vadd.f32 v53, v16  }
0x669: {  	v17 =	vadd.f32 v54, v17  }
0x66a: {  	v59 =	vld [tilespmem:$0x18C2A];
	v16 =	vadd.f32 v55, v16  }
0x66b: {  	v17 =	vadd.f32 v56, v17  }
0x66c: {  	v60 =	vld [tilespmem:$0x18C3B];
	v16 =	vadd.f32 v57, v16  }
0x66d: {  	v17 =	vadd.f32 v58, v17  }
0x66e: {  	v61 =	vld [tilespmem:$0x18C4C];
	v16 =	vsub.f32 $0.0e+00, v16  }
0x66f: {  	v17 =	vadd.f32 v59, v17  }
0x670: {  	v62 =	vld [tilespmem:$0x18C5D];
	v16 =	vmul.f32 $1.442695020e+00, v16  }
0x671: {  	v17 =	vadd.f32 v60, v17  }
0x672: {  	(erf) = vpow2.f32 v16;
	v16 =	vld [tilespmem:$0x18C6E]  }
0x673: {  	v17 =	vadd.f32 v61, v17  }
0x674: {  	v63 =	vld [tilespmem:$0x18C7F]  }
0x675: {  	v17 =	vadd.f32 v62, v17;
	_ =	sdelay $0x1  }
0x676: {  	v16 =	vadd.f32 v16, v17;
	_ =	sdelay $0x1  }
0x677: {  	v16 =	vadd.f32 v63, v16;
	_ =	sdelay $0x1  }
0x678: {  	v17 =	vpop (erf);
	v16 =	vsub.f32 $0.0e+00, v16  }
0x679: {  	v17 =	vadd.f32 $1.000000000e+00, v17  }
0x67a: {  	v16 =	vmul.f32 $1.442695020e+00, v16  }
0x67b: {  	(erf) = vrcp.f32 v17  }
0x67c: {  	(erf) = vpow2.f32 v16;
	_ =	sdelay $0x7  }
0x67d: {  	v16 =	vpop (erf)  }
0x67e: {  	v17 =	vpop (erf)  }
0x67f: {  	v17 =	vadd.f32 $1.000000000e+00, v17;
	_ =	sdelay $0x1  }
0x680: {  	(erf) = vrcp.f32 v17;
	_ =	sdelay $0x4  }
0x681: {  	p0 =	sne.s32 s28, $0xE000  }
.Ltmp3:
0x682: {  	_ = 	snop;
	(pc) =	sbr.rel @p0 .LBB2_8-.Ltmp3, $3  }
0x683: {  	_ =	sdelay $0x1  }
0x684: {  	[tilespmem:s30+$0x0] =	vst v16;
	v16 =	vpop (erf)  }
0x685: {  	s28 =	sadd.s32 $0x2000, s28;
	s30 =	sadd.s32 $0x10, s30;
	[tilespmem:s31+$0x0] =	vst v16;
	s31 =	sadd.s32 $0x10, s31  }
0x686: {  	[hbm4b:s7+s3] =	stream.linear.scatter [tilespmem:s20], [sflag:$0x5], $0x200, $0x38;
	[tilespmem:$0x18D00] =	vst v63  }
0x687: {  	s26 =	sadd.s32 $0x1, s26;
	_ =	swait.ge [sflag:s10], $0x200  }
0x688: {  	p0 =	sne.s32 s26, s9;
	[sflag:s10] =	ssyncset.done $0x0  }
.Ltmp4:
0x689: {  	[sflag:s10] =	ssyncadd.s32 $0xFFFFFE00;
	(pc) =	sbr.rel @p0 .LBB2_1-.Ltmp4, $4  }
0x68a: {  	[hbm4b:s8+s3] =	stream.linear.scatter [tilespmem:s25], [sflag:$0x5], $0x200, $0x38;
	[tilespmem:$0x18D00] =	vst v63  }
0x68b: {  	_ =	swait.ge [sflag:s10], $0x200  }
0x68c: {  	[sflag:s10] =	ssyncset.done $0x0  }
0x68d: {  	[sflag:s10] =	ssyncadd.s32 $0xFFFFFE00  }
0x68e: {  	_ =	sfence.sel $0x180000  }
0x68f: {  	[bflag:$0x0] =	sbarrier.arrive $0xFFFF  }
0x690: {  	_ =	strace $0x90000047  }
0x691: {  	s0 =	stileid.u32;
	[bflag:$0x2] =	sbarrier.arrive $0xFFFF  }
0x692: {  	p0 =	sne.s32 s0, $0x0;
	s0 =	rddreg [dreg:$0x6]  }
0x693: {  	s0 =	sadd.s32 @!p0 $0x100000, s0  }
0x694: {  	[sflag:s0] =	ssyncadd.tile.s32 @!p0 $0x1;
	_ =	shalt  }
.Lfunc_end2:
_tile_overlayer_lowered:
.L_overlay_start_2:
0x695: {  	(tag) =	ssettag $0x2  }
0x696: {  	s0 =	rddreg [dreg:$0x0];
	s2 =	stileid.u32  }
0x697: {  	s1 =	rddreg [dreg:$0x1];
	p0 =	sne.s32 s2, $0x0  }
0x698: {  	s3 =	rddreg [dreg:$0x2];
	[bflag:$0x3] =	sbarrier.arrive $0xFFFF;
	s2 =	simm.s32 @!p0 $0x1C05  }
0x699: {  	[timem:s3], [sflag:s2] =	dma.local @!p0 [hbm:s0], s1  }
0x69a: {  	s0 =	simm.s32 @!p0 $0x5  }
0x69b: {  	_ =	swait.ge @!p0 [sflag:s0], s1  }
0x69c: {  	s1 =	ssub.s32 @!p0 $0x0, s1;
	[sflag:s0] =	ssyncset.done @!p0 $0x0  }
0x69d: {  	[sflag:s0] =	ssyncadd.s32 @!p0 s1  }
0x69e: {  	[bflag:$0x3] =	sbarrier.arrive $0xFFFF  }
0x69f: {  	_ =	shalt  }

</sc_bundles>
